<compile_context>
chip_gen: v7x
topology: tpu7x:2x2x1
jax: 0.10.2.dev20260603
libtpu: 0.0.44.dev20260713+nightly
codegen_flags: <defaults>
</compile_context>

<pallas_src>
import functools

import jax
import jax.numpy as jnp
from jax import lax
from jax.experimental import pallas as pl
from jax.experimental.pallas import tpu as pltpu
from jax.experimental.pallas import tpu_sc as plsc

_CH = 256


def _gather_kernel(E, V, D, num_cores, num_subcores):
    NW = num_cores * num_subcores
    b_per_w = E // NW
    n_chunks = b_per_w // _CH
    n_pairs = n_chunks // 2
    mesh = plsc.VectorSubcoreMesh(core_axis_name="c", subcore_axis_name="s")

    @functools.partial(
        pl.kernel,
        mesh=mesh,
        compiler_params=pltpu.CompilerParams(needs_layout_passes=False, disable_bounds_checks=True),
        out_type=jax.ShapeDtypeStruct((D, E), jnp.float32),
        scratch_types=[
            pltpu.VMEM((_CH,), jnp.int32),
            pltpu.VMEM((_CH,), jnp.int32),
            pltpu.VMEM((_CH,), jnp.int32),
            pltpu.VMEM((_CH,), jnp.int32),
            pltpu.VMEM((_CH, 2 * D), jnp.float32),
            pltpu.VMEM((_CH, 2 * D), jnp.float32),
            pltpu.VMEM((D, _CH), jnp.float32),
            pltpu.VMEM((D, _CH), jnp.float32),
        ]
        + [pltpu.SemaphoreType.DMA] * 4,
    )
    def k(idx_hbm, tpair_hbm, out_hbm,
          idx0, idx1, pidx0, pidx1, rows0, rows1, tbuf0, tbuf1, *sems):
        idx_v = (idx0, idx1)
        pidx_v = (pidx0, pidx1)
        rows_v = (rows0, rows1)
        tbuf_v = (tbuf0, tbuf1)
        gsems = sems[:2]
        osems = sems[2:]
        wid = lax.axis_index("s") * num_cores + lax.axis_index("c")
        base = wid * b_per_w

        def gather_start(c, b):
            pltpu.sync_copy(idx_hbm.at[pl.ds(base + c * _CH, _CH)], idx_v[b])
            for cg in range(_CH // 16):
                iv = idx_v[b][pl.ds(16 * cg, 16)]
                pidx_v[b][pl.ds(16 * cg, 16)] = iv >> 1
            pltpu.make_async_copy(
                tpair_hbm.at[pidx_v[b]], rows_v[b], gsems[b]
            ).start()

        def gather_wait(c, b):
            pltpu.make_async_copy(
                tpair_hbm.at[pidx_v[b]], rows_v[b], gsems[b]
            ).wait()

        def write_start(c, b):
            pltpu.make_async_copy(
                tbuf_v[b], out_hbm.at[:, pl.ds(base + c * _CH, _CH)], osems[b]
            ).start()

        def write_wait(c, b):
            pltpu.make_async_copy(
                tbuf_v[b], out_hbm.at[:, pl.ds(base + c * _CH, _CH)], osems[b]
            ).wait()

        def transpose(b):
            lanes = lax.iota(jnp.int32, 16)
            wraps = [(lanes + d) & 15 for d in range(16)]

            @plsc.parallel_loop(0, (_CH // 16) * (D // 16), unroll=2)
            def tbody(i):
                cg = i // (D // 16)
                fg = i % (D // 16)
                c16 = 16 * cg
                row = lanes + c16
                colbase = (idx_v[b][pl.ds(c16, 16)] & 1) << 6
                for d in range(16):
                    wf = wraps[d] + 16 * fg
                    v = plsc.load_gather(rows_v[b], [row, colbase + wf])
                    plsc.store_scatter(tbuf_v[b], [wf, row], v)

        def step(c, b, wait_prior, start_next):
            if wait_prior:
                write_wait(c - 2, b)
            if start_next:
                gather_start(c + 1, 1 - b)
            gather_wait(c, b)
            transpose(b)
            write_start(c, b)

        gather_start(0, 0)
        step(0, 0, wait_prior=False, start_next=True)
        step(1, 1, wait_prior=False, start_next=True)

        def body(g, carry):
            c0 = 2 * g
            step(c0, 0, wait_prior=True, start_next=True)
            step(c0 + 1, 1, wait_prior=True, start_next=True)
            return carry

        lax.fori_loop(1, n_pairs - 1, body, 0)

        c0 = n_chunks - 2
        step(c0, 0, wait_prior=True, start_next=True)
        step(c0 + 1, 1, wait_prior=True, start_next=False)
        write_wait(n_chunks - 2, 0)
        write_wait(n_chunks - 1, 1)

    return k


def kernel(rel_ids, emb_weight):
    E = rel_ids.shape[0]
    V, D = emb_weight.shape
    flat_ids = rel_ids.reshape(-1).astype(jnp.int32)
    tpair = emb_weight.reshape(V // 2, 2 * D)
    info = plsc.get_sparse_core_info()
    k = _gather_kernel(E, V, D, info.num_cores, info.num_subcores)
    out_t = k(flat_ids, tpair)
    return out_t.T

# --- scband reference (transcript-rebuilt; emitter-appended) ---
"""Pipeline reference for scband-relation-embedding-11175504904447 (READ-ONLY COPY).

The authoritative reference and input builder live on the scoring server;
editing this copy changes nothing except your own understanding.
"""

import jax, jax.numpy as jnp
import numpy as np

NUM_RELATIONS = 100000
EMB_DIM = 64
E = 3276800


def setup_inputs(seed: int = 0) -> dict:
    key = jax.random.key(seed)
    k_idx, k_emb = jax.random.split(key)
    rel_ids = jax.random.randint(k_idx, (E,), 0, NUM_RELATIONS, dtype=jnp.int64 if jax.config.jax_enable_x64 else jnp.int32)
    # Embedding table initialized ~ N(0, 0.5) per the torch module
    emb_weight = jax.random.normal(k_emb, (NUM_RELATIONS, EMB_DIM), dtype=jnp.float32) * 0.5
    return {"rel_ids": rel_ids, "emb_weight": emb_weight}


def reference(rel_ids, emb_weight):
    # rel_ids = rel_ids.view(-1).long(); return self.emb(rel_ids)
    flat_ids = rel_ids.reshape(-1)
    return jnp.take(emb_weight, flat_ids, axis=0)

if __name__ == "__main__":
    import jax
    _d = setup_inputs()
    print(jax.jit(kernel)(*tuple(_d.values())))

</pallas_src>

<mosaic_0001>
#map = affine_map<(d0, d1) -> (0)>
#map1 = affine_map<(d0, d1) -> (0, 0)>
module attributes {stable_mosaic.version = 14 : i64} {
  func.func @k(%arg0: i32, %arg1: i32, %arg2: memref<3276800xi32, #tpu.memory_space<hbm>>, %arg3: memref<50000x128xf32, #tpu.memory_space<hbm>>, %arg4: memref<64x3276800xf32, #tpu.memory_space<hbm>>, %arg5: memref<256xi32, #tpu.memory_space<vmem>>, %arg6: memref<256xi32, #tpu.memory_space<vmem>>, %arg7: memref<256xi32, #tpu.memory_space<vmem>>, %arg8: memref<256xi32, #tpu.memory_space<vmem>>, %arg9: memref<256x128xf32, #tpu.memory_space<vmem>>, %arg10: memref<256x128xf32, #tpu.memory_space<vmem>>, %arg11: memref<64x256xf32, #tpu.memory_space<vmem>>, %arg12: memref<64x256xf32, #tpu.memory_space<vmem>>, %arg13: memref<!tpu.dma_semaphore, #tpu.memory_space<semaphore_mem>>, %arg14: memref<!tpu.dma_semaphore, #tpu.memory_space<semaphore_mem>>, %arg15: memref<!tpu.dma_semaphore, #tpu.memory_space<semaphore_mem>>, %arg16: memref<!tpu.dma_semaphore, #tpu.memory_space<semaphore_mem>>) attributes {dimension_semantics = [#tpu.dimension_semantics<core_parallel>, #tpu.dimension_semantics<subcore_parallel>], iteration_bounds = array<i64: 2, 16>, scalar_prefetch = 0 : i64, scratch_operands = 12 : i64, tpu.core_type = #tpu.core_type<sc_vector_subcore>, window_params = [{transform_indices = #map}, {transform_indices = #map1}, {transform_indices = #map1}]} {
    %mul3A = arith.constant 2 : i32
    %mul3A_0 = arith.muli %arg1, %mul3A : i32
    %add3A = arith.addi %mul3A_0, %arg0 : i32
    %mul3A_1 = arith.constant 102400 : i32
    %mul3A_2 = arith.muli %add3A, %mul3A_1 : i32
    %add3A_3 = arith.constant 0 : i32
    %add3A_4 = arith.addi %mul3A_2, %add3A_3 : i32
    "tpu.region"() ({
      %run_scoped3A = tpu.sem_alloc : memref<!tpu.dma_semaphore, #tpu.memory_space<semaphore_mem>>
      %dma_start3A_928 = tpu.memref_slice %arg2[%add3A_4] : memref<3276800xi32, #tpu.memory_space<hbm>> -> memref<256xi32, #tpu.memory_space<hbm>>
      %dma_start3A_929 = tpu.memref_slice %arg2[%add3A_4] : memref<3276800xi32, #tpu.memory_space<hbm>> -> memref<256xi32, #tpu.memory_space<hbm>>
      tpu.enqueue_dma source(%dma_start3A_929 : memref<256xi32, #tpu.memory_space<hbm>>) target(%arg5 : memref<256xi32, #tpu.memory_space<vmem>>) target_semaphore(%run_scoped3A : memref<!tpu.dma_semaphore, #tpu.memory_space<semaphore_mem>>)
      %dma_wait3A_930 = tpu.memref_slice %arg2[%add3A_4] : memref<3276800xi32, #tpu.memory_space<hbm>> -> memref<256xi32, #tpu.memory_space<hbm>>
      %dma_wait3A_931 = tpu.memref_slice %arg2[%add3A_4] : memref<3276800xi32, #tpu.memory_space<hbm>> -> memref<256xi32, #tpu.memory_space<hbm>>
      tpu.wait_dma2 semaphore(%run_scoped3A : memref<!tpu.dma_semaphore, #tpu.memory_space<semaphore_mem>>) src(%dma_wait3A_931 : memref<256xi32, #tpu.memory_space<hbm>>) dst(%arg5 : memref<256xi32, #tpu.memory_space<vmem>>)
      tpu.yield
    }) : () -> ()
    %get3A = arith.constant 0 : index
    %get3A_5 = tpu.vector_load %arg5[%get3A] {strides = array<i32>} : memref<256xi32, #tpu.memory_space<vmem>>, vector<16xi32>,
    %shift_right_arithmetic3A = arith.constant 1 : i32
    %shift_right_arithmetic3A_6 = vector.broadcast %shift_right_arithmetic3A : i32 to vector<16xi32>
    %shift_right_arithmetic3A_7 = arith.shrsi %get3A_5, %shift_right_arithmetic3A_6 : vector<16xi32>
    %swap3A = arith.constant 0 : index
    %swap3A_8 = tpu.vector_load %arg7[%swap3A] {strides = array<i32>} : memref<256xi32, #tpu.memory_space<vmem>>, vector<16xi32>,
    tpu.vector_store %arg7[%swap3A], %shift_right_arithmetic3A_7 {strides = array<i32>} : memref<256xi32, #tpu.memory_space<vmem>>, vector<16xi32>,
    %get3A_9 = arith.constant 16 : index
    %get3A_10 = tpu.vector_load %arg5[%get3A_9] {strides = array<i32>} : memref<256xi32, #tpu.memory_space<vmem>>, vector<16xi32>,
    %shift_right_arithmetic3A_11 = arith.constant 1 : i32
    %shift_right_arithmetic3A_12 = vector.broadcast %shift_right_arithmetic3A_11 : i32 to vector<16xi32>
    %shift_right_arithmetic3A_13 = arith.shrsi %get3A_10, %shift_right_arithmetic3A_12 : vector<16xi32>
    %swap3A_14 = arith.constant 16 : index
    %swap3A_15 = tpu.vector_load %arg7[%swap3A_14] {strides = array<i32>} : memref<256xi32, #tpu.memory_space<vmem>>, vector<16xi32>,
    tpu.vector_store %arg7[%swap3A_14], %shift_right_arithmetic3A_13 {strides = array<i32>} : memref<256xi32, #tpu.memory_space<vmem>>, vector<16xi32>,
    %get3A_16 = arith.constant 32 : index
    %get3A_17 = tpu.vector_load %arg5[%get3A_16] {strides = array<i32>} : memref<256xi32, #tpu.memory_space<vmem>>, vector<16xi32>,
    %shift_right_arithmetic3A_18 = arith.constant 1 : i32
    %shift_right_arithmetic3A_19 = vector.broadcast %shift_right_arithmetic3A_18 : i32 to vector<16xi32>
    %shift_right_arithmetic3A_20 = arith.shrsi %get3A_17, %shift_right_arithmetic3A_19 : vector<16xi32>
    %swap3A_21 = arith.constant 32 : index
    %swap3A_22 = tpu.vector_load %arg7[%swap3A_21] {strides = array<i32>} : memref<256xi32, #tpu.memory_space<vmem>>, vector<16xi32>,
    tpu.vector_store %arg7[%swap3A_21], %shift_right_arithmetic3A_20 {strides = array<i32>} : memref<256xi32, #tpu.memory_space<vmem>>, vector<16xi32>,
    %get3A_23 = arith.constant 48 : index
    %get3A_24 = tpu.vector_load %arg5[%get3A_23] {strides = array<i32>} : memref<256xi32, #tpu.memory_space<vmem>>, vector<16xi32>,
    %shift_right_arithmetic3A_25 = arith.constant 1 : i32
    %shift_right_arithmetic3A_26 = vector.broadcast %shift_right_arithmetic3A_25 : i32 to vector<16xi32>
    %shift_right_arithmetic3A_27 = arith.shrsi %get3A_24, %shift_right_arithmetic3A_26 : vector<16xi32>
    %swap3A_28 = arith.constant 48 : index
    %swap3A_29 = tpu.vector_load %arg7[%swap3A_28] {strides = array<i32>} : memref<256xi32, #tpu.memory_space<vmem>>, vector<16xi32>,
    tpu.vector_store %arg7[%swap3A_28], %shift_right_arithmetic3A_27 {strides = array<i32>} : memref<256xi32, #tpu.memory_space<vmem>>, vector<16xi32>,
    %get3A_30 = arith.constant 64 : index
    %get3A_31 = tpu.vector_load %arg5[%get3A_30] {strides = array<i32>} : memref<256xi32, #tpu.memory_space<vmem>>, vector<16xi32>,
    %shift_right_arithmetic3A_32 = arith.constant 1 : i32
    %shift_right_arithmetic3A_33 = vector.broadcast %shift_right_arithmetic3A_32 : i32 to vector<16xi32>
    %shift_right_arithmetic3A_34 = arith.shrsi %get3A_31, %shift_right_arithmetic3A_33 : vector<16xi32>
    %swap3A_35 = arith.constant 64 : index
    %swap3A_36 = tpu.vector_load %arg7[%swap3A_35] {strides = array<i32>} : memref<256xi32, #tpu.memory_space<vmem>>, vector<16xi32>,
    tpu.vector_store %arg7[%swap3A_35], %shift_right_arithmetic3A_34 {strides = array<i32>} : memref<256xi32, #tpu.memory_space<vmem>>, vector<16xi32>,
    %get3A_37 = arith.constant 80 : index
    %get3A_38 = tpu.vector_load %arg5[%get3A_37] {strides = array<i32>} : memref<256xi32, #tpu.memory_space<vmem>>, vector<16xi32>,
    %shift_right_arithmetic3A_39 = arith.constant 1 : i32
    %shift_right_arithmetic3A_40 = vector.broadcast %shift_right_arithmetic3A_39 : i32 to vector<16xi32>
    %shift_right_arithmetic3A_41 = arith.shrsi %get3A_38, %shift_right_arithmetic3A_40 : vector<16xi32>
    %swap3A_42 = arith.constant 80 : index
    %swap3A_43 = tpu.vector_load %arg7[%swap3A_42] {strides = array<i32>} : memref<256xi32, #tpu.memory_space<vmem>>, vector<16xi32>,
    tpu.vector_store %arg7[%swap3A_42], %shift_right_arithmetic3A_41 {strides = array<i32>} : memref<256xi32, #tpu.memory_space<vmem>>, vector<16xi32>,
    %get3A_44 = arith.constant 96 : index
    %get3A_45 = tpu.vector_load %arg5[%get3A_44] {strides = array<i32>} : memref<256xi32, #tpu.memory_space<vmem>>, vector<16xi32>,
    %shift_right_arithmetic3A_46 = arith.constant 1 : i32
    %shift_right_arithmetic3A_47 = vector.broadcast %shift_right_arithmetic3A_46 : i32 to vector<16xi32>
    %shift_right_arithmetic3A_48 = arith.shrsi %get3A_45, %shift_right_arithmetic3A_47 : vector<16xi32>
    %swap3A_49 = arith.constant 96 : index
    %swap3A_50 = tpu.vector_load %arg7[%swap3A_49] {strides = array<i32>} : memref<256xi32, #tpu.memory_space<vmem>>, vector<16xi32>,
    tpu.vector_store %arg7[%swap3A_49], %shift_right_arithmetic3A_48 {strides = array<i32>} : memref<256xi32, #tpu.memory_space<vmem>>, vector<16xi32>,
    %get3A_51 = arith.constant 112 : index
    %get3A_52 = tpu.vector_load %arg5[%get3A_51] {strides = array<i32>} : memref<256xi32, #tpu.memory_space<vmem>>, vector<16xi32>,
    %shift_right_arithmetic3A_53 = arith.constant 1 : i32
    %shift_right_arithmetic3A_54 = vector.broadcast %shift_right_arithmetic3A_53 : i32 to vector<16xi32>
    %shift_right_arithmetic3A_55 = arith.shrsi %get3A_52, %shift_right_arithmetic3A_54 : vector<16xi32>
    %swap3A_56 = arith.constant 112 : index
    %swap3A_57 = tpu.vector_load %arg7[%swap3A_56] {strides = array<i32>} : memref<256xi32, #tpu.memory_space<vmem>>, vector<16xi32>,
    tpu.vector_store %arg7[%swap3A_56], %shift_right_arithmetic3A_55 {strides = array<i32>} : memref<256xi32, #tpu.memory_space<vmem>>, vector<16xi32>,
    %get3A_58 = arith.constant 128 : index
    %get3A_59 = tpu.vector_load %arg5[%get3A_58] {strides = array<i32>} : memref<256xi32, #tpu.memory_space<vmem>>, vector<16xi32>,
    %shift_right_arithmetic3A_60 = arith.constant 1 : i32
    %shift_right_arithmetic3A_61 = vector.broadcast %shift_right_arithmetic3A_60 : i32 to vector<16xi32>
    %shift_right_arithmetic3A_62 = arith.shrsi %get3A_59, %shift_right_arithmetic3A_61 : vector<16xi32>
    %swap3A_63 = arith.constant 128 : index
    %swap3A_64 = tpu.vector_load %arg7[%swap3A_63] {strides = array<i32>} : memref<256xi32, #tpu.memory_space<vmem>>, vector<16xi32>,
    tpu.vector_store %arg7[%swap3A_63], %shift_right_arithmetic3A_62 {strides = array<i32>} : memref<256xi32, #tpu.memory_space<vmem>>, vector<16xi32>,
    %get3A_65 = arith.constant 144 : index
    %get3A_66 = tpu.vector_load %arg5[%get3A_65] {strides = array<i32>} : memref<256xi32, #tpu.memory_space<vmem>>, vector<16xi32>,
    %shift_right_arithmetic3A_67 = arith.constant 1 : i32
    %shift_right_arithmetic3A_68 = vector.broadcast %shift_right_arithmetic3A_67 : i32 to vector<16xi32>
    %shift_right_arithmetic3A_69 = arith.shrsi %get3A_66, %shift_right_arithmetic3A_68 : vector<16xi32>
    %swap3A_70 = arith.constant 144 : index
    %swap3A_71 = tpu.vector_load %arg7[%swap3A_70] {strides = array<i32>} : memref<256xi32, #tpu.memory_space<vmem>>, vector<16xi32>,
    tpu.vector_store %arg7[%swap3A_70], %shift_right_arithmetic3A_69 {strides = array<i32>} : memref<256xi32, #tpu.memory_space<vmem>>, vector<16xi32>,
    %get3A_72 = arith.constant 160 : index
    %get3A_73 = tpu.vector_load %arg5[%get3A_72] {strides = array<i32>} : memref<256xi32, #tpu.memory_space<vmem>>, vector<16xi32>,
    %shift_right_arithmetic3A_74 = arith.constant 1 : i32
    %shift_right_arithmetic3A_75 = vector.broadcast %shift_right_arithmetic3A_74 : i32 to vector<16xi32>
    %shift_right_arithmetic3A_76 = arith.shrsi %get3A_73, %shift_right_arithmetic3A_75 : vector<16xi32>
    %swap3A_77 = arith.constant 160 : index
    %swap3A_78 = tpu.vector_load %arg7[%swap3A_77] {strides = array<i32>} : memref<256xi32, #tpu.memory_space<vmem>>, vector<16xi32>,
    tpu.vector_store %arg7[%swap3A_77], %shift_right_arithmetic3A_76 {strides = array<i32>} : memref<256xi32, #tpu.memory_space<vmem>>, vector<16xi32>,
    %get3A_79 = arith.constant 176 : index
    %get3A_80 = tpu.vector_load %arg5[%get3A_79] {strides = array<i32>} : memref<256xi32, #tpu.memory_space<vmem>>, vector<16xi32>,
    %shift_right_arithmetic3A_81 = arith.constant 1 : i32
    %shift_right_arithmetic3A_82 = vector.broadcast %shift_right_arithmetic3A_81 : i32 to vector<16xi32>
    %shift_right_arithmetic3A_83 = arith.shrsi %get3A_80, %shift_right_arithmetic3A_82 : vector<16xi32>
    %swap3A_84 = arith.constant 176 : index
    %swap3A_85 = tpu.vector_load %arg7[%swap3A_84] {strides = array<i32>} : memref<256xi32, #tpu.memory_space<vmem>>, vector<16xi32>,
    tpu.vector_store %arg7[%swap3A_84], %shift_right_arithmetic3A_83 {strides = array<i32>} : memref<256xi32, #tpu.memory_space<vmem>>, vector<16xi32>,
    %get3A_86 = arith.constant 192 : index
    %get3A_87 = tpu.vector_load %arg5[%get3A_86] {strides = array<i32>} : memref<256xi32, #tpu.memory_space<vmem>>, vector<16xi32>,
    %shift_right_arithmetic3A_88 = arith.constant 1 : i32
    %shift_right_arithmetic3A_89 = vector.broadcast %shift_right_arithmetic3A_88 : i32 to vector<16xi32>
    %shift_right_arithmetic3A_90 = arith.shrsi %get3A_87, %shift_right_arithmetic3A_89 : vector<16xi32>
    %swap3A_91 = arith.constant 192 : index
    %swap3A_92 = tpu.vector_load %arg7[%swap3A_91] {strides = array<i32>} : memref<256xi32, #tpu.memory_space<vmem>>, vector<16xi32>,
    tpu.vector_store %arg7[%swap3A_91], %shift_right_arithmetic3A_90 {strides = array<i32>} : memref<256xi32, #tpu.memory_space<vmem>>, vector<16xi32>,
    %get3A_93 = arith.constant 208 : index
    %get3A_94 = tpu.vector_load %arg5[%get3A_93] {strides = array<i32>} : memref<256xi32, #tpu.memory_space<vmem>>, vector<16xi32>,
    %shift_right_arithmetic3A_95 = arith.constant 1 : i32
    %shift_right_arithmetic3A_96 = vector.broadcast %shift_right_arithmetic3A_95 : i32 to vector<16xi32>
    %shift_right_arithmetic3A_97 = arith.shrsi %get3A_94, %shift_right_arithmetic3A_96 : vector<16xi32>
    %swap3A_98 = arith.constant 208 : index
    %swap3A_99 = tpu.vector_load %arg7[%swap3A_98] {strides = array<i32>} : memref<256xi32, #tpu.memory_space<vmem>>, vector<16xi32>,
    tpu.vector_store %arg7[%swap3A_98], %shift_right_arithmetic3A_97 {strides = array<i32>} : memref<256xi32, #tpu.memory_space<vmem>>, vector<16xi32>,
    %get3A_100 = arith.constant 224 : index
    %get3A_101 = tpu.vector_load %arg5[%get3A_100] {strides = array<i32>} : memref<256xi32, #tpu.memory_space<vmem>>, vector<16xi32>,
    %shift_right_arithmetic3A_102 = arith.constant 1 : i32
    %shift_right_arithmetic3A_103 = vector.broadcast %shift_right_arithmetic3A_102 : i32 to vector<16xi32>
    %shift_right_arithmetic3A_104 = arith.shrsi %get3A_101, %shift_right_arithmetic3A_103 : vector<16xi32>
    %swap3A_105 = arith.constant 224 : index
    %swap3A_106 = tpu.vector_load %arg7[%swap3A_105] {strides = array<i32>} : memref<256xi32, #tpu.memory_space<vmem>>, vector<16xi32>,
    tpu.vector_store %arg7[%swap3A_105], %shift_right_arithmetic3A_104 {strides = array<i32>} : memref<256xi32, #tpu.memory_space<vmem>>, vector<16xi32>,
    %get3A_107 = arith.constant 240 : index
    %get3A_108 = tpu.vector_load %arg5[%get3A_107] {strides = array<i32>} : memref<256xi32, #tpu.memory_space<vmem>>, vector<16xi32>,
    %shift_right_arithmetic3A_109 = arith.constant 1 : i32
    %shift_right_arithmetic3A_110 = vector.broadcast %shift_right_arithmetic3A_109 : i32 to vector<16xi32>
    %shift_right_arithmetic3A_111 = arith.shrsi %get3A_108, %shift_right_arithmetic3A_110 : vector<16xi32>
    %swap3A_112 = arith.constant 240 : index
    %swap3A_113 = tpu.vector_load %arg7[%swap3A_112] {strides = array<i32>} : memref<256xi32, #tpu.memory_space<vmem>>, vector<16xi32>,
    tpu.vector_store %arg7[%swap3A_112], %shift_right_arithmetic3A_111 {strides = array<i32>} : memref<256xi32, #tpu.memory_space<vmem>>, vector<16xi32>,
    %dma_start3A = arith.constant 0 : i32
    %dma_start3A_114 = arith.constant 0 : i32
    %dma_start3A_115 = tpu.memref_slice %arg3[%dma_start3A, %dma_start3A_114] : memref<50000x128xf32, #tpu.memory_space<hbm>> -> memref<50000x128xf32, #tpu.memory_space<hbm>>
    tpu.enqueue_indirect_dma source(%dma_start3A_115 : memref<50000x128xf32, #tpu.memory_space<hbm>>) target(%arg9 : memref<256x128xf32, #tpu.memory_space<vmem>>) offsets(%arg7 : memref<256xi32, #tpu.memory_space<vmem>>) semaphore(%arg13 : memref<!tpu.dma_semaphore, #tpu.memory_space<semaphore_mem>>)
    %add3A_116 = arith.constant 256 : i32
    %add3A_117 = arith.addi %mul3A_2, %add3A_116 : i32
    "tpu.region"() ({
      %run_scoped3A = tpu.sem_alloc : memref<!tpu.dma_semaphore, #tpu.memory_space<semaphore_mem>>
      %dma_start3A_928 = tpu.memref_slice %arg2[%add3A_117] : memref<3276800xi32, #tpu.memory_space<hbm>> -> memref<256xi32, #tpu.memory_space<hbm>>
      %dma_start3A_929 = tpu.memref_slice %arg2[%add3A_117] : memref<3276800xi32, #tpu.memory_space<hbm>> -> memref<256xi32, #tpu.memory_space<hbm>>
      tpu.enqueue_dma source(%dma_start3A_929 : memref<256xi32, #tpu.memory_space<hbm>>) target(%arg6 : memref<256xi32, #tpu.memory_space<vmem>>) target_semaphore(%run_scoped3A : memref<!tpu.dma_semaphore, #tpu.memory_space<semaphore_mem>>)
      %dma_wait3A_930 = tpu.memref_slice %arg2[%add3A_117] : memref<3276800xi32, #tpu.memory_space<hbm>> -> memref<256xi32, #tpu.memory_space<hbm>>
      %dma_wait3A_931 = tpu.memref_slice %arg2[%add3A_117] : memref<3276800xi32, #tpu.memory_space<hbm>> -> memref<256xi32, #tpu.memory_space<hbm>>
      tpu.wait_dma2 semaphore(%run_scoped3A : memref<!tpu.dma_semaphore, #tpu.memory_space<semaphore_mem>>) src(%dma_wait3A_931 : memref<256xi32, #tpu.memory_space<hbm>>) dst(%arg6 : memref<256xi32, #tpu.memory_space<vmem>>)
      tpu.yield
    }) : () -> ()
    %get3A_118 = arith.constant 0 : index
    %get3A_119 = tpu.vector_load %arg6[%get3A_118] {strides = array<i32>} : memref<256xi32, #tpu.memory_space<vmem>>, vector<16xi32>,
    %shift_right_arithmetic3A_120 = arith.constant 1 : i32
    %shift_right_arithmetic3A_121 = vector.broadcast %shift_right_arithmetic3A_120 : i32 to vector<16xi32>
    %shift_right_arithmetic3A_122 = arith.shrsi %get3A_119, %shift_right_arithmetic3A_121 : vector<16xi32>
    %swap3A_123 = arith.constant 0 : index
    %swap3A_124 = tpu.vector_load %arg8[%swap3A_123] {strides = array<i32>} : memref<256xi32, #tpu.memory_space<vmem>>, vector<16xi32>,
    tpu.vector_store %arg8[%swap3A_123], %shift_right_arithmetic3A_122 {strides = array<i32>} : memref<256xi32, #tpu.memory_space<vmem>>, vector<16xi32>,
    %get3A_125 = arith.constant 16 : index
    %get3A_126 = tpu.vector_load %arg6[%get3A_125] {strides = array<i32>} : memref<256xi32, #tpu.memory_space<vmem>>, vector<16xi32>,
    %shift_right_arithmetic3A_127 = arith.constant 1 : i32
    %shift_right_arithmetic3A_128 = vector.broadcast %shift_right_arithmetic3A_127 : i32 to vector<16xi32>
    %shift_right_arithmetic3A_129 = arith.shrsi %get3A_126, %shift_right_arithmetic3A_128 : vector<16xi32>
    %swap3A_130 = arith.constant 16 : index
    %swap3A_131 = tpu.vector_load %arg8[%swap3A_130] {strides = array<i32>} : memref<256xi32, #tpu.memory_space<vmem>>, vector<16xi32>,
    tpu.vector_store %arg8[%swap3A_130], %shift_right_arithmetic3A_129 {strides = array<i32>} : memref<256xi32, #tpu.memory_space<vmem>>, vector<16xi32>,
    %get3A_132 = arith.constant 32 : index
    %get3A_133 = tpu.vector_load %arg6[%get3A_132] {strides = array<i32>} : memref<256xi32, #tpu.memory_space<vmem>>, vector<16xi32>,
    %shift_right_arithmetic3A_134 = arith.constant 1 : i32
    %shift_right_arithmetic3A_135 = vector.broadcast %shift_right_arithmetic3A_134 : i32 to vector<16xi32>
    %shift_right_arithmetic3A_136 = arith.shrsi %get3A_133, %shift_right_arithmetic3A_135 : vector<16xi32>
    %swap3A_137 = arith.constant 32 : index
    %swap3A_138 = tpu.vector_load %arg8[%swap3A_137] {strides = array<i32>} : memref<256xi32, #tpu.memory_space<vmem>>, vector<16xi32>,
    tpu.vector_store %arg8[%swap3A_137], %shift_right_arithmetic3A_136 {strides = array<i32>} : memref<256xi32, #tpu.memory_space<vmem>>, vector<16xi32>,
    %get3A_139 = arith.constant 48 : index
    %get3A_140 = tpu.vector_load %arg6[%get3A_139] {strides = array<i32>} : memref<256xi32, #tpu.memory_space<vmem>>, vector<16xi32>,
    %shift_right_arithmetic3A_141 = arith.constant 1 : i32
    %shift_right_arithmetic3A_142 = vector.broadcast %shift_right_arithmetic3A_141 : i32 to vector<16xi32>
    %shift_right_arithmetic3A_143 = arith.shrsi %get3A_140, %shift_right_arithmetic3A_142 : vector<16xi32>
    %swap3A_144 = arith.constant 48 : index
    %swap3A_145 = tpu.vector_load %arg8[%swap3A_144] {strides = array<i32>} : memref<256xi32, #tpu.memory_space<vmem>>, vector<16xi32>,
    tpu.vector_store %arg8[%swap3A_144], %shift_right_arithmetic3A_143 {strides = array<i32>} : memref<256xi32, #tpu.memory_space<vmem>>, vector<16xi32>,
    %get3A_146 = arith.constant 64 : index
    %get3A_147 = tpu.vector_load %arg6[%get3A_146] {strides = array<i32>} : memref<256xi32, #tpu.memory_space<vmem>>, vector<16xi32>,
    %shift_right_arithmetic3A_148 = arith.constant 1 : i32
    %shift_right_arithmetic3A_149 = vector.broadcast %shift_right_arithmetic3A_148 : i32 to vector<16xi32>
    %shift_right_arithmetic3A_150 = arith.shrsi %get3A_147, %shift_right_arithmetic3A_149 : vector<16xi32>
    %swap3A_151 = arith.constant 64 : index
    %swap3A_152 = tpu.vector_load %arg8[%swap3A_151] {strides = array<i32>} : memref<256xi32, #tpu.memory_space<vmem>>, vector<16xi32>,
    tpu.vector_store %arg8[%swap3A_151], %shift_right_arithmetic3A_150 {strides = array<i32>} : memref<256xi32, #tpu.memory_space<vmem>>, vector<16xi32>,
    %get3A_153 = arith.constant 80 : index
    %get3A_154 = tpu.vector_load %arg6[%get3A_153] {strides = array<i32>} : memref<256xi32, #tpu.memory_space<vmem>>, vector<16xi32>,
    %shift_right_arithmetic3A_155 = arith.constant 1 : i32
    %shift_right_arithmetic3A_156 = vector.broadcast %shift_right_arithmetic3A_155 : i32 to vector<16xi32>
    %shift_right_arithmetic3A_157 = arith.shrsi %get3A_154, %shift_right_arithmetic3A_156 : vector<16xi32>
    %swap3A_158 = arith.constant 80 : index
    %swap3A_159 = tpu.vector_load %arg8[%swap3A_158] {strides = array<i32>} : memref<256xi32, #tpu.memory_space<vmem>>, vector<16xi32>,
    tpu.vector_store %arg8[%swap3A_158], %shift_right_arithmetic3A_157 {strides = array<i32>} : memref<256xi32, #tpu.memory_space<vmem>>, vector<16xi32>,
    %get3A_160 = arith.constant 96 : index
    %get3A_161 = tpu.vector_load %arg6[%get3A_160] {strides = array<i32>} : memref<256xi32, #tpu.memory_space<vmem>>, vector<16xi32>,
    %shift_right_arithmetic3A_162 = arith.constant 1 : i32
    %shift_right_arithmetic3A_163 = vector.broadcast %shift_right_arithmetic3A_162 : i32 to vector<16xi32>
    %shift_right_arithmetic3A_164 = arith.shrsi %get3A_161, %shift_right_arithmetic3A_163 : vector<16xi32>
    %swap3A_165 = arith.constant 96 : index
    %swap3A_166 = tpu.vector_load %arg8[%swap3A_165] {strides = array<i32>} : memref<256xi32, #tpu.memory_space<vmem>>, vector<16xi32>,
    tpu.vector_store %arg8[%swap3A_165], %shift_right_arithmetic3A_164 {strides = array<i32>} : memref<256xi32, #tpu.memory_space<vmem>>, vector<16xi32>,
    %get3A_167 = arith.constant 112 : index
    %get3A_168 = tpu.vector_load %arg6[%get3A_167] {strides = array<i32>} : memref<256xi32, #tpu.memory_space<vmem>>, vector<16xi32>,
    %shift_right_arithmetic3A_169 = arith.constant 1 : i32
    %shift_right_arithmetic3A_170 = vector.broadcast %shift_right_arithmetic3A_169 : i32 to vector<16xi32>
    %shift_right_arithmetic3A_171 = arith.shrsi %get3A_168, %shift_right_arithmetic3A_170 : vector<16xi32>
    %swap3A_172 = arith.constant 112 : index
    %swap3A_173 = tpu.vector_load %arg8[%swap3A_172] {strides = array<i32>} : memref<256xi32, #tpu.memory_space<vmem>>, vector<16xi32>,
    tpu.vector_store %arg8[%swap3A_172], %shift_right_arithmetic3A_171 {strides = array<i32>} : memref<256xi32, #tpu.memory_space<vmem>>, vector<16xi32>,
    %get3A_174 = arith.constant 128 : index
    %get3A_175 = tpu.vector_load %arg6[%get3A_174] {strides = array<i32>} : memref<256xi32, #tpu.memory_space<vmem>>, vector<16xi32>,
    %shift_right_arithmetic3A_176 = arith.constant 1 : i32
    %shift_right_arithmetic3A_177 = vector.broadcast %shift_right_arithmetic3A_176 : i32 to vector<16xi32>
    %shift_right_arithmetic3A_178 = arith.shrsi %get3A_175, %shift_right_arithmetic3A_177 : vector<16xi32>
    %swap3A_179 = arith.constant 128 : index
    %swap3A_180 = tpu.vector_load %arg8[%swap3A_179] {strides = array<i32>} : memref<256xi32, #tpu.memory_space<vmem>>, vector<16xi32>,
    tpu.vector_store %arg8[%swap3A_179], %shift_right_arithmetic3A_178 {strides = array<i32>} : memref<256xi32, #tpu.memory_space<vmem>>, vector<16xi32>,
    %get3A_181 = arith.constant 144 : index
    %get3A_182 = tpu.vector_load %arg6[%get3A_181] {strides = array<i32>} : memref<256xi32, #tpu.memory_space<vmem>>, vector<16xi32>,
    %shift_right_arithmetic3A_183 = arith.constant 1 : i32
    %shift_right_arithmetic3A_184 = vector.broadcast %shift_right_arithmetic3A_183 : i32 to vector<16xi32>
    %shift_right_arithmetic3A_185 = arith.shrsi %get3A_182, %shift_right_arithmetic3A_184 : vector<16xi32>
    %swap3A_186 = arith.constant 144 : index
    %swap3A_187 = tpu.vector_load %arg8[%swap3A_186] {strides = array<i32>} : memref<256xi32, #tpu.memory_space<vmem>>, vector<16xi32>,
    tpu.vector_store %arg8[%swap3A_186], %shift_right_arithmetic3A_185 {strides = array<i32>} : memref<256xi32, #tpu.memory_space<vmem>>, vector<16xi32>,
    %get3A_188 = arith.constant 160 : index
    %get3A_189 = tpu.vector_load %arg6[%get3A_188] {strides = array<i32>} : memref<256xi32, #tpu.memory_space<vmem>>, vector<16xi32>,
    %shift_right_arithmetic3A_190 = arith.constant 1 : i32
    %shift_right_arithmetic3A_191 = vector.broadcast %shift_right_arithmetic3A_190 : i32 to vector<16xi32>
    %shift_right_arithmetic3A_192 = arith.shrsi %get3A_189, %shift_right_arithmetic3A_191 : vector<16xi32>
    %swap3A_193 = arith.constant 160 : index
    %swap3A_194 = tpu.vector_load %arg8[%swap3A_193] {strides = array<i32>} : memref<256xi32, #tpu.memory_space<vmem>>, vector<16xi32>,
    tpu.vector_store %arg8[%swap3A_193], %shift_right_arithmetic3A_192 {strides = array<i32>} : memref<256xi32, #tpu.memory_space<vmem>>, vector<16xi32>,
    %get3A_195 = arith.constant 176 : index
    %get3A_196 = tpu.vector_load %arg6[%get3A_195] {strides = array<i32>} : memref<256xi32, #tpu.memory_space<vmem>>, vector<16xi32>,
    %shift_right_arithmetic3A_197 = arith.constant 1 : i32
    %shift_right_arithmetic3A_198 = vector.broadcast %shift_right_arithmetic3A_197 : i32 to vector<16xi32>
    %shift_right_arithmetic3A_199 = arith.shrsi %get3A_196, %shift_right_arithmetic3A_198 : vector<16xi32>
    %swap3A_200 = arith.constant 176 : index
    %swap3A_201 = tpu.vector_load %arg8[%swap3A_200] {strides = array<i32>} : memref<256xi32, #tpu.memory_space<vmem>>, vector<16xi32>,
    tpu.vector_store %arg8[%swap3A_200], %shift_right_arithmetic3A_199 {strides = array<i32>} : memref<256xi32, #tpu.memory_space<vmem>>, vector<16xi32>,
    %get3A_202 = arith.constant 192 : index
    %get3A_203 = tpu.vector_load %arg6[%get3A_202] {strides = array<i32>} : memref<256xi32, #tpu.memory_space<vmem>>, vector<16xi32>,
    %shift_right_arithmetic3A_204 = arith.constant 1 : i32
    %shift_right_arithmetic3A_205 = vector.broadcast %shift_right_arithmetic3A_204 : i32 to vector<16xi32>
    %shift_right_arithmetic3A_206 = arith.shrsi %get3A_203, %shift_right_arithmetic3A_205 : vector<16xi32>
    %swap3A_207 = arith.constant 192 : index
    %swap3A_208 = tpu.vector_load %arg8[%swap3A_207] {strides = array<i32>} : memref<256xi32, #tpu.memory_space<vmem>>, vector<16xi32>,
    tpu.vector_store %arg8[%swap3A_207], %shift_right_arithmetic3A_206 {strides = array<i32>} : memref<256xi32, #tpu.memory_space<vmem>>, vector<16xi32>,
    %get3A_209 = arith.constant 208 : index
    %get3A_210 = tpu.vector_load %arg6[%get3A_209] {strides = array<i32>} : memref<256xi32, #tpu.memory_space<vmem>>, vector<16xi32>,
    %shift_right_arithmetic3A_211 = arith.constant 1 : i32
    %shift_right_arithmetic3A_212 = vector.broadcast %shift_right_arithmetic3A_211 : i32 to vector<16xi32>
    %shift_right_arithmetic3A_213 = arith.shrsi %get3A_210, %shift_right_arithmetic3A_212 : vector<16xi32>
    %swap3A_214 = arith.constant 208 : index
    %swap3A_215 = tpu.vector_load %arg8[%swap3A_214] {strides = array<i32>} : memref<256xi32, #tpu.memory_space<vmem>>, vector<16xi32>,
    tpu.vector_store %arg8[%swap3A_214], %shift_right_arithmetic3A_213 {strides = array<i32>} : memref<256xi32, #tpu.memory_space<vmem>>, vector<16xi32>,
    %get3A_216 = arith.constant 224 : index
    %get3A_217 = tpu.vector_load %arg6[%get3A_216] {strides = array<i32>} : memref<256xi32, #tpu.memory_space<vmem>>, vector<16xi32>,
    %shift_right_arithmetic3A_218 = arith.constant 1 : i32
    %shift_right_arithmetic3A_219 = vector.broadcast %shift_right_arithmetic3A_218 : i32 to vector<16xi32>
    %shift_right_arithmetic3A_220 = arith.shrsi %get3A_217, %shift_right_arithmetic3A_219 : vector<16xi32>
    %swap3A_221 = arith.constant 224 : index
    %swap3A_222 = tpu.vector_load %arg8[%swap3A_221] {strides = array<i32>} : memref<256xi32, #tpu.memory_space<vmem>>, vector<16xi32>,
    tpu.vector_store %arg8[%swap3A_221], %shift_right_arithmetic3A_220 {strides = array<i32>} : memref<256xi32, #tpu.memory_space<vmem>>, vector<16xi32>,
    %get3A_223 = arith.constant 240 : index
    %get3A_224 = tpu.vector_load %arg6[%get3A_223] {strides = array<i32>} : memref<256xi32, #tpu.memory_space<vmem>>, vector<16xi32>,
    %shift_right_arithmetic3A_225 = arith.constant 1 : i32
    %shift_right_arithmetic3A_226 = vector.broadcast %shift_right_arithmetic3A_225 : i32 to vector<16xi32>
    %shift_right_arithmetic3A_227 = arith.shrsi %get3A_224, %shift_right_arithmetic3A_226 : vector<16xi32>
    %swap3A_228 = arith.constant 240 : index
    %swap3A_229 = tpu.vector_load %arg8[%swap3A_228] {strides = array<i32>} : memref<256xi32, #tpu.memory_space<vmem>>, vector<16xi32>,
    tpu.vector_store %arg8[%swap3A_228], %shift_right_arithmetic3A_227 {strides = array<i32>} : memref<256xi32, #tpu.memory_space<vmem>>, vector<16xi32>,
    %dma_start3A_230 = arith.constant 0 : i32
    %dma_start3A_231 = arith.constant 0 : i32
    %dma_start3A_232 = tpu.memref_slice %arg3[%dma_start3A_230, %dma_start3A_231] : memref<50000x128xf32, #tpu.memory_space<hbm>> -> memref<50000x128xf32, #tpu.memory_space<hbm>>
    tpu.enqueue_indirect_dma source(%dma_start3A_232 : memref<50000x128xf32, #tpu.memory_space<hbm>>) target(%arg10 : memref<256x128xf32, #tpu.memory_space<vmem>>) offsets(%arg8 : memref<256xi32, #tpu.memory_space<vmem>>) semaphore(%arg14 : memref<!tpu.dma_semaphore, #tpu.memory_space<semaphore_mem>>)
    %dma_wait3A = arith.constant 0 : i32
    %dma_wait3A_233 = arith.constant 0 : i32
    %dma_wait3A_234 = tpu.memref_slice %arg3[%dma_wait3A, %dma_wait3A_233] : memref<50000x128xf32, #tpu.memory_space<hbm>> -> memref<50000x128xf32, #tpu.memory_space<hbm>>
    tpu.wait_indirect_dma semaphore(%arg13 : memref<!tpu.dma_semaphore, #tpu.memory_space<semaphore_mem>>) src(%dma_wait3A_234 : memref<50000x128xf32, #tpu.memory_space<hbm>>) dst(%arg9 : memref<256x128xf32, #tpu.memory_space<vmem>>)
    %iota3A = tpu.iota {dimensions = array<i32: 0>} : vector<16xi32>
    %add3A_235 = arith.constant 0 : i32
    %add3A_236 = vector.broadcast %add3A_235 : i32 to vector<16xi32>
    %add3A_237 = arith.addi %iota3A, %add3A_236 : vector<16xi32>
    %and3A = arith.constant 15 : i32
    %and3A_238 = vector.broadcast %and3A : i32 to vector<16xi32>
    %and3A_239 = arith.andi %add3A_237, %and3A_238 : vector<16xi32>
    %add3A_240 = arith.constant 1 : i32
    %add3A_241 = vector.broadcast %add3A_240 : i32 to vector<16xi32>
    %add3A_242 = arith.addi %iota3A, %add3A_241 : vector<16xi32>
    %and3A_243 = arith.constant 15 : i32
    %and3A_244 = vector.broadcast %and3A_243 : i32 to vector<16xi32>
    %and3A_245 = arith.andi %add3A_242, %and3A_244 : vector<16xi32>
    %add3A_246 = arith.constant 2 : i32
    %add3A_247 = vector.broadcast %add3A_246 : i32 to vector<16xi32>
    %add3A_248 = arith.addi %iota3A, %add3A_247 : vector<16xi32>
    %and3A_249 = arith.constant 15 : i32
    %and3A_250 = vector.broadcast %and3A_249 : i32 to vector<16xi32>
    %and3A_251 = arith.andi %add3A_248, %and3A_250 : vector<16xi32>
    %add3A_252 = arith.constant 3 : i32
    %add3A_253 = vector.broadcast %add3A_252 : i32 to vector<16xi32>
    %add3A_254 = arith.addi %iota3A, %add3A_253 : vector<16xi32>
    %and3A_255 = arith.constant 15 : i32
    %and3A_256 = vector.broadcast %and3A_255 : i32 to vector<16xi32>
    %and3A_257 = arith.andi %add3A_254, %and3A_256 : vector<16xi32>
    %add3A_258 = arith.constant 4 : i32
    %add3A_259 = vector.broadcast %add3A_258 : i32 to vector<16xi32>
    %add3A_260 = arith.addi %iota3A, %add3A_259 : vector<16xi32>
    %and3A_261 = arith.constant 15 : i32
    %and3A_262 = vector.broadcast %and3A_261 : i32 to vector<16xi32>
    %and3A_263 = arith.andi %add3A_260, %and3A_262 : vector<16xi32>
    %add3A_264 = arith.constant 5 : i32
    %add3A_265 = vector.broadcast %add3A_264 : i32 to vector<16xi32>
    %add3A_266 = arith.addi %iota3A, %add3A_265 : vector<16xi32>
    %and3A_267 = arith.constant 15 : i32
    %and3A_268 = vector.broadcast %and3A_267 : i32 to vector<16xi32>
    %and3A_269 = arith.andi %add3A_266, %and3A_268 : vector<16xi32>
    %add3A_270 = arith.constant 6 : i32
    %add3A_271 = vector.broadcast %add3A_270 : i32 to vector<16xi32>
    %add3A_272 = arith.addi %iota3A, %add3A_271 : vector<16xi32>
    %and3A_273 = arith.constant 15 : i32
    %and3A_274 = vector.broadcast %and3A_273 : i32 to vector<16xi32>
    %and3A_275 = arith.andi %add3A_272, %and3A_274 : vector<16xi32>
    %add3A_276 = arith.constant 7 : i32
    %add3A_277 = vector.broadcast %add3A_276 : i32 to vector<16xi32>
    %add3A_278 = arith.addi %iota3A, %add3A_277 : vector<16xi32>
    %and3A_279 = arith.constant 15 : i32
    %and3A_280 = vector.broadcast %and3A_279 : i32 to vector<16xi32>
    %and3A_281 = arith.andi %add3A_278, %and3A_280 : vector<16xi32>
    %add3A_282 = arith.constant 8 : i32
    %add3A_283 = vector.broadcast %add3A_282 : i32 to vector<16xi32>
    %add3A_284 = arith.addi %iota3A, %add3A_283 : vector<16xi32>
    %and3A_285 = arith.constant 15 : i32
    %and3A_286 = vector.broadcast %and3A_285 : i32 to vector<16xi32>
    %and3A_287 = arith.andi %add3A_284, %and3A_286 : vector<16xi32>
    %add3A_288 = arith.constant 9 : i32
    %add3A_289 = vector.broadcast %add3A_288 : i32 to vector<16xi32>
    %add3A_290 = arith.addi %iota3A, %add3A_289 : vector<16xi32>
    %and3A_291 = arith.constant 15 : i32
    %and3A_292 = vector.broadcast %and3A_291 : i32 to vector<16xi32>
    %and3A_293 = arith.andi %add3A_290, %and3A_292 : vector<16xi32>
    %add3A_294 = arith.constant 10 : i32
    %add3A_295 = vector.broadcast %add3A_294 : i32 to vector<16xi32>
    %add3A_296 = arith.addi %iota3A, %add3A_295 : vector<16xi32>
    %and3A_297 = arith.constant 15 : i32
    %and3A_298 = vector.broadcast %and3A_297 : i32 to vector<16xi32>
    %and3A_299 = arith.andi %add3A_296, %and3A_298 : vector<16xi32>
    %add3A_300 = arith.constant 11 : i32
    %add3A_301 = vector.broadcast %add3A_300 : i32 to vector<16xi32>
    %add3A_302 = arith.addi %iota3A, %add3A_301 : vector<16xi32>
    %and3A_303 = arith.constant 15 : i32
    %and3A_304 = vector.broadcast %and3A_303 : i32 to vector<16xi32>
    %and3A_305 = arith.andi %add3A_302, %and3A_304 : vector<16xi32>
    %add3A_306 = arith.constant 12 : i32
    %add3A_307 = vector.broadcast %add3A_306 : i32 to vector<16xi32>
    %add3A_308 = arith.addi %iota3A, %add3A_307 : vector<16xi32>
    %and3A_309 = arith.constant 15 : i32
    %and3A_310 = vector.broadcast %and3A_309 : i32 to vector<16xi32>
    %and3A_311 = arith.andi %add3A_308, %and3A_310 : vector<16xi32>
    %add3A_312 = arith.constant 13 : i32
    %add3A_313 = vector.broadcast %add3A_312 : i32 to vector<16xi32>
    %add3A_314 = arith.addi %iota3A, %add3A_313 : vector<16xi32>
    %and3A_315 = arith.constant 15 : i32
    %and3A_316 = vector.broadcast %and3A_315 : i32 to vector<16xi32>
    %and3A_317 = arith.andi %add3A_314, %and3A_316 : vector<16xi32>
    %add3A_318 = arith.constant 14 : i32
    %add3A_319 = vector.broadcast %add3A_318 : i32 to vector<16xi32>
    %add3A_320 = arith.addi %iota3A, %add3A_319 : vector<16xi32>
    %and3A_321 = arith.constant 15 : i32
    %and3A_322 = vector.broadcast %and3A_321 : i32 to vector<16xi32>
    %and3A_323 = arith.andi %add3A_320, %and3A_322 : vector<16xi32>
    %add3A_324 = arith.constant 15 : i32
    %add3A_325 = vector.broadcast %add3A_324 : i32 to vector<16xi32>
    %add3A_326 = arith.addi %iota3A, %add3A_325 : vector<16xi32>
    %and3A_327 = arith.constant 15 : i32
    %and3A_328 = vector.broadcast %and3A_327 : i32 to vector<16xi32>
    %and3A_329 = arith.andi %add3A_326, %and3A_328 : vector<16xi32>
    %parallel_loop3A = arith.constant 0 : i32
    %parallel_loop3A_330 = arith.constant 64 : i32
    %parallel_loop3A_331 = arith.constant 1 : i32
    scf.for %parallel_loop3A_928 = %parallel_loop3A to %parallel_loop3A_330 step %parallel_loop3A_331  : i32 {
      %parallel_loop3A_929 = arith.constant 4 : i32
      %parallel_loop3A_930 = arith.divsi %parallel_loop3A_928, %parallel_loop3A_929 : i32
      %parallel_loop3A_931 = arith.constant 0 : i32
      %parallel_loop3A_932 = arith.cmpi sgt, %parallel_loop3A_928, %parallel_loop3A_931 : i32
      %parallel_loop3A_933 = arith.extui %parallel_loop3A_932 : i1 to i32
      %parallel_loop3A_934 = arith.constant 0 : i32
      %parallel_loop3A_935 = arith.cmpi slt, %parallel_loop3A_928, %parallel_loop3A_934 : i32
      %parallel_loop3A_936 = arith.extui %parallel_loop3A_935 : i1 to i32
      %parallel_loop3A_937 = arith.subi %parallel_loop3A_933, %parallel_loop3A_936 : i32
      %parallel_loop3A_938 = arith.constant 0 : i32
      %parallel_loop3A_939 = arith.cmpi sgt, %parallel_loop3A_929, %parallel_loop3A_938 : i32
      %parallel_loop3A_940 = arith.extui %parallel_loop3A_939 : i1 to i32
      %parallel_loop3A_941 = arith.constant 0 : i32
      %parallel_loop3A_942 = arith.cmpi slt, %parallel_loop3A_929, %parallel_loop3A_941 : i32
      %parallel_loop3A_943 = arith.extui %parallel_loop3A_942 : i1 to i32
      %parallel_loop3A_944 = arith.subi %parallel_loop3A_940, %parallel_loop3A_943 : i32
      %parallel_loop3A_945 = arith.cmpi ne, %parallel_loop3A_937, %parallel_loop3A_944 : i32
      %parallel_loop3A_946 = arith.remsi %parallel_loop3A_928, %parallel_loop3A_929 : i32
      %parallel_loop3A_947 = arith.constant 0 : i32
      %parallel_loop3A_948 = arith.cmpi ne, %parallel_loop3A_946, %parallel_loop3A_947 : i32
      %parallel_loop3A_949 = arith.andi %parallel_loop3A_945, %parallel_loop3A_948 : i1
      %parallel_loop3A_950 = arith.constant 1 : i32
      %parallel_loop3A_951 = arith.subi %parallel_loop3A_930, %parallel_loop3A_950 : i32
      %parallel_loop3A_952 = arith.select %parallel_loop3A_949, %parallel_loop3A_951, %parallel_loop3A_930 : i32
      %parallel_loop3A_953 = arith.constant 4 : i32
      %parallel_loop3A_954 = arith.constant 0 : i32
      %parallel_loop3A_955 = arith.cmpi eq, %parallel_loop3A_953, %parallel_loop3A_954 : i32
      %parallel_loop3A_956 = arith.constant 1 : i32
      %parallel_loop3A_957 = arith.select %parallel_loop3A_955, %parallel_loop3A_956, %parallel_loop3A_953 : i32
      %parallel_loop3A_958 = arith.remsi %parallel_loop3A_928, %parallel_loop3A_957 : i32
      %parallel_loop3A_959 = arith.constant 0 : i32
      %parallel_loop3A_960 = arith.cmpi ne, %parallel_loop3A_958, %parallel_loop3A_959 : i32
      %parallel_loop3A_961 = arith.constant 0 : i32
      %parallel_loop3A_962 = arith.cmpi slt, %parallel_loop3A_958, %parallel_loop3A_961 : i32
      %parallel_loop3A_963 = arith.constant 0 : i32
      %parallel_loop3A_964 = arith.cmpi slt, %parallel_loop3A_957, %parallel_loop3A_963 : i32
      %parallel_loop3A_965 = arith.xori %parallel_loop3A_962, %parallel_loop3A_964 : i1
      %parallel_loop3A_966 = arith.andi %parallel_loop3A_965, %parallel_loop3A_960 : i1
      %parallel_loop3A_967 = arith.addi %parallel_loop3A_958, %parallel_loop3A_957 : i32
      %parallel_loop3A_968 = arith.select %parallel_loop3A_966, %parallel_loop3A_967, %parallel_loop3A_958 : i32
      %parallel_loop3A_969 = arith.constant 16 : i32
      %parallel_loop3A_970 = arith.muli %parallel_loop3A_969, %parallel_loop3A_952 : i32
      %parallel_loop3A_971 = vector.broadcast %parallel_loop3A_970 : i32 to vector<16xi32>
      %parallel_loop3A_972 = arith.addi %iota3A, %parallel_loop3A_971 : vector<16xi32>
      %parallel_loop3A_973 = arith.index_cast %parallel_loop3A_970 : i32 to index
      %parallel_loop3A_974 = tpu.vector_load %arg5[%parallel_loop3A_973] {strides = array<i32>} : memref<256xi32, #tpu.memory_space<vmem>>, vector<16xi32>,
      %parallel_loop3A_975 = arith.constant 1 : i32
      %parallel_loop3A_976 = vector.broadcast %parallel_loop3A_975 : i32 to vector<16xi32>
      %parallel_loop3A_977 = arith.andi %parallel_loop3A_974, %parallel_loop3A_976 : vector<16xi32>
      %parallel_loop3A_978 = arith.constant 6 : i32
      %parallel_loop3A_979 = vector.broadcast %parallel_loop3A_978 : i32 to vector<16xi32>
      %parallel_loop3A_980 = arith.shli %parallel_loop3A_977, %parallel_loop3A_979 : vector<16xi32>
      %parallel_loop3A_981 = arith.constant 16 : i32
      %parallel_loop3A_982 = arith.muli %parallel_loop3A_981, %parallel_loop3A_968 : i32
      %parallel_loop3A_983 = vector.broadcast %parallel_loop3A_982 : i32 to vector<16xi32>
      %parallel_loop3A_984 = arith.addi %and3A_239, %parallel_loop3A_983 : vector<16xi32>
      %parallel_loop3A_985 = arith.addi %parallel_loop3A_980, %parallel_loop3A_984 : vector<16xi32>
      %parallel_loop3A_986 = tpu.vector_load_idx %arg9[%parallel_loop3A_972, %parallel_loop3A_985] : memref<256x128xf32, #tpu.memory_space<vmem>>[vector<16xi32>, vector<16xi32>], vector<16xf32>,
      tpu.vector_store_idx %arg11[%parallel_loop3A_984, %parallel_loop3A_972], %parallel_loop3A_986 : memref<64x256xf32, #tpu.memory_space<vmem>>[vector<16xi32>, vector<16xi32>], vector<16xf32>,
      %parallel_loop3A_987 = arith.constant 16 : i32
      %parallel_loop3A_988 = arith.muli %parallel_loop3A_987, %parallel_loop3A_968 : i32
      %parallel_loop3A_989 = vector.broadcast %parallel_loop3A_988 : i32 to vector<16xi32>
      %parallel_loop3A_990 = arith.addi %and3A_245, %parallel_loop3A_989 : vector<16xi32>
      %parallel_loop3A_991 = arith.addi %parallel_loop3A_980, %parallel_loop3A_990 : vector<16xi32>
      %parallel_loop3A_992 = tpu.vector_load_idx %arg9[%parallel_loop3A_972, %parallel_loop3A_991] : memref<256x128xf32, #tpu.memory_space<vmem>>[vector<16xi32>, vector<16xi32>], vector<16xf32>,
      tpu.vector_store_idx %arg11[%parallel_loop3A_990, %parallel_loop3A_972], %parallel_loop3A_992 : memref<64x256xf32, #tpu.memory_space<vmem>>[vector<16xi32>, vector<16xi32>], vector<16xf32>,
      %parallel_loop3A_993 = arith.constant 16 : i32
      %parallel_loop3A_994 = arith.muli %parallel_loop3A_993, %parallel_loop3A_968 : i32
      %parallel_loop3A_995 = vector.broadcast %parallel_loop3A_994 : i32 to vector<16xi32>
      %parallel_loop3A_996 = arith.addi %and3A_251, %parallel_loop3A_995 : vector<16xi32>
      %parallel_loop3A_997 = arith.addi %parallel_loop3A_980, %parallel_loop3A_996 : vector<16xi32>
      %parallel_loop3A_998 = tpu.vector_load_idx %arg9[%parallel_loop3A_972, %parallel_loop3A_997] : memref<256x128xf32, #tpu.memory_space<vmem>>[vector<16xi32>, vector<16xi32>], vector<16xf32>,
      tpu.vector_store_idx %arg11[%parallel_loop3A_996, %parallel_loop3A_972], %parallel_loop3A_998 : memref<64x256xf32, #tpu.memory_space<vmem>>[vector<16xi32>, vector<16xi32>], vector<16xf32>,
      %parallel_loop3A_999 = arith.constant 16 : i32
      %parallel_loop3A_1000 = arith.muli %parallel_loop3A_999, %parallel_loop3A_968 : i32
      %parallel_loop3A_1001 = vector.broadcast %parallel_loop3A_1000 : i32 to vector<16xi32>
      %parallel_loop3A_1002 = arith.addi %and3A_257, %parallel_loop3A_1001 : vector<16xi32>
      %parallel_loop3A_1003 = arith.addi %parallel_loop3A_980, %parallel_loop3A_1002 : vector<16xi32>
      %parallel_loop3A_1004 = tpu.vector_load_idx %arg9[%parallel_loop3A_972, %parallel_loop3A_1003] : memref<256x128xf32, #tpu.memory_space<vmem>>[vector<16xi32>, vector<16xi32>], vector<16xf32>,
      tpu.vector_store_idx %arg11[%parallel_loop3A_1002, %parallel_loop3A_972], %parallel_loop3A_1004 : memref<64x256xf32, #tpu.memory_space<vmem>>[vector<16xi32>, vector<16xi32>], vector<16xf32>,
      %parallel_loop3A_1005 = arith.constant 16 : i32
      %parallel_loop3A_1006 = arith.muli %parallel_loop3A_1005, %parallel_loop3A_968 : i32
      %parallel_loop3A_1007 = vector.broadcast %parallel_loop3A_1006 : i32 to vector<16xi32>
      %parallel_loop3A_1008 = arith.addi %and3A_263, %parallel_loop3A_1007 : vector<16xi32>
      %parallel_loop3A_1009 = arith.addi %parallel_loop3A_980, %parallel_loop3A_1008 : vector<16xi32>
      %parallel_loop3A_1010 = tpu.vector_load_idx %arg9[%parallel_loop3A_972, %parallel_loop3A_1009] : memref<256x128xf32, #tpu.memory_space<vmem>>[vector<16xi32>, vector<16xi32>], vector<16xf32>,
      tpu.vector_store_idx %arg11[%parallel_loop3A_1008, %parallel_loop3A_972], %parallel_loop3A_1010 : memref<64x256xf32, #tpu.memory_space<vmem>>[vector<16xi32>, vector<16xi32>], vector<16xf32>,
      %parallel_loop3A_1011 = arith.constant 16 : i32
      %parallel_loop3A_1012 = arith.muli %parallel_loop3A_1011, %parallel_loop3A_968 : i32
      %parallel_loop3A_1013 = vector.broadcast %parallel_loop3A_1012 : i32 to vector<16xi32>
      %parallel_loop3A_1014 = arith.addi %and3A_269, %parallel_loop3A_1013 : vector<16xi32>
      %parallel_loop3A_1015 = arith.addi %parallel_loop3A_980, %parallel_loop3A_1014 : vector<16xi32>
      %parallel_loop3A_1016 = tpu.vector_load_idx %arg9[%parallel_loop3A_972, %parallel_loop3A_1015] : memref<256x128xf32, #tpu.memory_space<vmem>>[vector<16xi32>, vector<16xi32>], vector<16xf32>,
      tpu.vector_store_idx %arg11[%parallel_loop3A_1014, %parallel_loop3A_972], %parallel_loop3A_1016 : memref<64x256xf32, #tpu.memory_space<vmem>>[vector<16xi32>, vector<16xi32>], vector<16xf32>,
      %parallel_loop3A_1017 = arith.constant 16 : i32
      %parallel_loop3A_1018 = arith.muli %parallel_loop3A_1017, %parallel_loop3A_968 : i32
      %parallel_loop3A_1019 = vector.broadcast %parallel_loop3A_1018 : i32 to vector<16xi32>
      %parallel_loop3A_1020 = arith.addi %and3A_275, %parallel_loop3A_1019 : vector<16xi32>
      %parallel_loop3A_1021 = arith.addi %parallel_loop3A_980, %parallel_loop3A_1020 : vector<16xi32>
      %parallel_loop3A_1022 = tpu.vector_load_idx %arg9[%parallel_loop3A_972, %parallel_loop3A_1021] : memref<256x128xf32, #tpu.memory_space<vmem>>[vector<16xi32>, vector<16xi32>], vector<16xf32>,
      tpu.vector_store_idx %arg11[%parallel_loop3A_1020, %parallel_loop3A_972], %parallel_loop3A_1022 : memref<64x256xf32, #tpu.memory_space<vmem>>[vector<16xi32>, vector<16xi32>], vector<16xf32>,
      %parallel_loop3A_1023 = arith.constant 16 : i32
      %parallel_loop3A_1024 = arith.muli %parallel_loop3A_1023, %parallel_loop3A_968 : i32
      %parallel_loop3A_1025 = vector.broadcast %parallel_loop3A_1024 : i32 to vector<16xi32>
      %parallel_loop3A_1026 = arith.addi %and3A_281, %parallel_loop3A_1025 : vector<16xi32>
      %parallel_loop3A_1027 = arith.addi %parallel_loop3A_980, %parallel_loop3A_1026 : vector<16xi32>
      %parallel_loop3A_1028 = tpu.vector_load_idx %arg9[%parallel_loop3A_972, %parallel_loop3A_1027] : memref<256x128xf32, #tpu.memory_space<vmem>>[vector<16xi32>, vector<16xi32>], vector<16xf32>,
      tpu.vector_store_idx %arg11[%parallel_loop3A_1026, %parallel_loop3A_972], %parallel_loop3A_1028 : memref<64x256xf32, #tpu.memory_space<vmem>>[vector<16xi32>, vector<16xi32>], vector<16xf32>,
      %parallel_loop3A_1029 = arith.constant 16 : i32
      %parallel_loop3A_1030 = arith.muli %parallel_loop3A_1029, %parallel_loop3A_968 : i32
      %parallel_loop3A_1031 = vector.broadcast %parallel_loop3A_1030 : i32 to vector<16xi32>
      %parallel_loop3A_1032 = arith.addi %and3A_287, %parallel_loop3A_1031 : vector<16xi32>
      %parallel_loop3A_1033 = arith.addi %parallel_loop3A_980, %parallel_loop3A_1032 : vector<16xi32>
      %parallel_loop3A_1034 = tpu.vector_load_idx %arg9[%parallel_loop3A_972, %parallel_loop3A_1033] : memref<256x128xf32, #tpu.memory_space<vmem>>[vector<16xi32>, vector<16xi32>], vector<16xf32>,
      tpu.vector_store_idx %arg11[%parallel_loop3A_1032, %parallel_loop3A_972], %parallel_loop3A_1034 : memref<64x256xf32, #tpu.memory_space<vmem>>[vector<16xi32>, vector<16xi32>], vector<16xf32>,
      %parallel_loop3A_1035 = arith.constant 16 : i32
      %parallel_loop3A_1036 = arith.muli %parallel_loop3A_1035, %parallel_loop3A_968 : i32
      %parallel_loop3A_1037 = vector.broadcast %parallel_loop3A_1036 : i32 to vector<16xi32>
      %parallel_loop3A_1038 = arith.addi %and3A_293, %parallel_loop3A_1037 : vector<16xi32>
      %parallel_loop3A_1039 = arith.addi %parallel_loop3A_980, %parallel_loop3A_1038 : vector<16xi32>
      %parallel_loop3A_1040 = tpu.vector_load_idx %arg9[%parallel_loop3A_972, %parallel_loop3A_1039] : memref<256x128xf32, #tpu.memory_space<vmem>>[vector<16xi32>, vector<16xi32>], vector<16xf32>,
      tpu.vector_store_idx %arg11[%parallel_loop3A_1038, %parallel_loop3A_972], %parallel_loop3A_1040 : memref<64x256xf32, #tpu.memory_space<vmem>>[vector<16xi32>, vector<16xi32>], vector<16xf32>,
      %parallel_loop3A_1041 = arith.constant 16 : i32
      %parallel_loop3A_1042 = arith.muli %parallel_loop3A_1041, %parallel_loop3A_968 : i32
      %parallel_loop3A_1043 = vector.broadcast %parallel_loop3A_1042 : i32 to vector<16xi32>
      %parallel_loop3A_1044 = arith.addi %and3A_299, %parallel_loop3A_1043 : vector<16xi32>
      %parallel_loop3A_1045 = arith.addi %parallel_loop3A_980, %parallel_loop3A_1044 : vector<16xi32>
      %parallel_loop3A_1046 = tpu.vector_load_idx %arg9[%parallel_loop3A_972, %parallel_loop3A_1045] : memref<256x128xf32, #tpu.memory_space<vmem>>[vector<16xi32>, vector<16xi32>], vector<16xf32>,
      tpu.vector_store_idx %arg11[%parallel_loop3A_1044, %parallel_loop3A_972], %parallel_loop3A_1046 : memref<64x256xf32, #tpu.memory_space<vmem>>[vector<16xi32>, vector<16xi32>], vector<16xf32>,
      %parallel_loop3A_1047 = arith.constant 16 : i32
      %parallel_loop3A_1048 = arith.muli %parallel_loop3A_1047, %parallel_loop3A_968 : i32
      %parallel_loop3A_1049 = vector.broadcast %parallel_loop3A_1048 : i32 to vector<16xi32>
      %parallel_loop3A_1050 = arith.addi %and3A_305, %parallel_loop3A_1049 : vector<16xi32>
      %parallel_loop3A_1051 = arith.addi %parallel_loop3A_980, %parallel_loop3A_1050 : vector<16xi32>
      %parallel_loop3A_1052 = tpu.vector_load_idx %arg9[%parallel_loop3A_972, %parallel_loop3A_1051] : memref<256x128xf32, #tpu.memory_space<vmem>>[vector<16xi32>, vector<16xi32>], vector<16xf32>,
      tpu.vector_store_idx %arg11[%parallel_loop3A_1050, %parallel_loop3A_972], %parallel_loop3A_1052 : memref<64x256xf32, #tpu.memory_space<vmem>>[vector<16xi32>, vector<16xi32>], vector<16xf32>,
      %parallel_loop3A_1053 = arith.constant 16 : i32
      %parallel_loop3A_1054 = arith.muli %parallel_loop3A_1053, %parallel_loop3A_968 : i32
      %parallel_loop3A_1055 = vector.broadcast %parallel_loop3A_1054 : i32 to vector<16xi32>
      %parallel_loop3A_1056 = arith.addi %and3A_311, %parallel_loop3A_1055 : vector<16xi32>
      %parallel_loop3A_1057 = arith.addi %parallel_loop3A_980, %parallel_loop3A_1056 : vector<16xi32>
      %parallel_loop3A_1058 = tpu.vector_load_idx %arg9[%parallel_loop3A_972, %parallel_loop3A_1057] : memref<256x128xf32, #tpu.memory_space<vmem>>[vector<16xi32>, vector<16xi32>], vector<16xf32>,
      tpu.vector_store_idx %arg11[%parallel_loop3A_1056, %parallel_loop3A_972], %parallel_loop3A_1058 : memref<64x256xf32, #tpu.memory_space<vmem>>[vector<16xi32>, vector<16xi32>], vector<16xf32>,
      %parallel_loop3A_1059 = arith.constant 16 : i32
      %parallel_loop3A_1060 = arith.muli %parallel_loop3A_1059, %parallel_loop3A_968 : i32
      %parallel_loop3A_1061 = vector.broadcast %parallel_loop3A_1060 : i32 to vector<16xi32>
      %parallel_loop3A_1062 = arith.addi %and3A_317, %parallel_loop3A_1061 : vector<16xi32>
      %parallel_loop3A_1063 = arith.addi %parallel_loop3A_980, %parallel_loop3A_1062 : vector<16xi32>
      %parallel_loop3A_1064 = tpu.vector_load_idx %arg9[%parallel_loop3A_972, %parallel_loop3A_1063] : memref<256x128xf32, #tpu.memory_space<vmem>>[vector<16xi32>, vector<16xi32>], vector<16xf32>,
      tpu.vector_store_idx %arg11[%parallel_loop3A_1062, %parallel_loop3A_972], %parallel_loop3A_1064 : memref<64x256xf32, #tpu.memory_space<vmem>>[vector<16xi32>, vector<16xi32>], vector<16xf32>,
      %parallel_loop3A_1065 = arith.constant 16 : i32
      %parallel_loop3A_1066 = arith.muli %parallel_loop3A_1065, %parallel_loop3A_968 : i32
      %parallel_loop3A_1067 = vector.broadcast %parallel_loop3A_1066 : i32 to vector<16xi32>
      %parallel_loop3A_1068 = arith.addi %and3A_323, %parallel_loop3A_1067 : vector<16xi32>
      %parallel_loop3A_1069 = arith.addi %parallel_loop3A_980, %parallel_loop3A_1068 : vector<16xi32>
      %parallel_loop3A_1070 = tpu.vector_load_idx %arg9[%parallel_loop3A_972, %parallel_loop3A_1069] : memref<256x128xf32, #tpu.memory_space<vmem>>[vector<16xi32>, vector<16xi32>], vector<16xf32>,
      tpu.vector_store_idx %arg11[%parallel_loop3A_1068, %parallel_loop3A_972], %parallel_loop3A_1070 : memref<64x256xf32, #tpu.memory_space<vmem>>[vector<16xi32>, vector<16xi32>], vector<16xf32>,
      %parallel_loop3A_1071 = arith.constant 16 : i32
      %parallel_loop3A_1072 = arith.muli %parallel_loop3A_1071, %parallel_loop3A_968 : i32
      %parallel_loop3A_1073 = vector.broadcast %parallel_loop3A_1072 : i32 to vector<16xi32>
      %parallel_loop3A_1074 = arith.addi %and3A_329, %parallel_loop3A_1073 : vector<16xi32>
      %parallel_loop3A_1075 = arith.addi %parallel_loop3A_980, %parallel_loop3A_1074 : vector<16xi32>
      %parallel_loop3A_1076 = tpu.vector_load_idx %arg9[%parallel_loop3A_972, %parallel_loop3A_1075] : memref<256x128xf32, #tpu.memory_space<vmem>>[vector<16xi32>, vector<16xi32>], vector<16xf32>,
      tpu.vector_store_idx %arg11[%parallel_loop3A_1074, %parallel_loop3A_972], %parallel_loop3A_1076 : memref<64x256xf32, #tpu.memory_space<vmem>>[vector<16xi32>, vector<16xi32>], vector<16xf32>,
    } {sc.loop_unroll_factor = 2 : i64, sc.parallel_access}
    %add3A_332 = arith.constant 0 : i32
    %add3A_333 = arith.addi %mul3A_2, %add3A_332 : i32
    %dma_start3A_334 = arith.constant 0 : i32
    %dma_start3A_335 = tpu.memref_slice %arg4[%dma_start3A_334, %add3A_333] : memref<64x3276800xf32, #tpu.memory_space<hbm>> -> memref<64x256xf32, #tpu.memory_space<hbm>>
    %dma_start3A_336 = arith.constant 0 : i32
    %dma_start3A_337 = tpu.memref_slice %arg4[%dma_start3A_336, %add3A_333] : memref<64x3276800xf32, #tpu.memory_space<hbm>> -> memref<64x256xf32, #tpu.memory_space<hbm>>
    tpu.enqueue_dma source(%arg11 : memref<64x256xf32, #tpu.memory_space<vmem>>) target(%dma_start3A_337 : memref<64x256xf32, #tpu.memory_space<hbm>>) target_semaphore(%arg15 : memref<!tpu.dma_semaphore, #tpu.memory_space<semaphore_mem>>)
    %add3A_338 = arith.constant 512 : i32
    %add3A_339 = arith.addi %mul3A_2, %add3A_338 : i32
    "tpu.region"() ({
      %run_scoped3A = tpu.sem_alloc : memref<!tpu.dma_semaphore, #tpu.memory_space<semaphore_mem>>
      %dma_start3A_928 = tpu.memref_slice %arg2[%add3A_339] : memref<3276800xi32, #tpu.memory_space<hbm>> -> memref<256xi32, #tpu.memory_space<hbm>>
      %dma_start3A_929 = tpu.memref_slice %arg2[%add3A_339] : memref<3276800xi32, #tpu.memory_space<hbm>> -> memref<256xi32, #tpu.memory_space<hbm>>
      tpu.enqueue_dma source(%dma_start3A_929 : memref<256xi32, #tpu.memory_space<hbm>>) target(%arg5 : memref<256xi32, #tpu.memory_space<vmem>>) target_semaphore(%run_scoped3A : memref<!tpu.dma_semaphore, #tpu.memory_space<semaphore_mem>>)
      %dma_wait3A_930 = tpu.memref_slice %arg2[%add3A_339] : memref<3276800xi32, #tpu.memory_space<hbm>> -> memref<256xi32, #tpu.memory_space<hbm>>
      %dma_wait3A_931 = tpu.memref_slice %arg2[%add3A_339] : memref<3276800xi32, #tpu.memory_space<hbm>> -> memref<256xi32, #tpu.memory_space<hbm>>
      tpu.wait_dma2 semaphore(%run_scoped3A : memref<!tpu.dma_semaphore, #tpu.memory_space<semaphore_mem>>) src(%dma_wait3A_931 : memref<256xi32, #tpu.memory_space<hbm>>) dst(%arg5 : memref<256xi32, #tpu.memory_space<vmem>>)
      tpu.yield
    }) : () -> ()
    %get3A_340 = arith.constant 0 : index
    %get3A_341 = tpu.vector_load %arg5[%get3A_340] {strides = array<i32>} : memref<256xi32, #tpu.memory_space<vmem>>, vector<16xi32>,
    %shift_right_arithmetic3A_342 = arith.constant 1 : i32
    %shift_right_arithmetic3A_343 = vector.broadcast %shift_right_arithmetic3A_342 : i32 to vector<16xi32>
    %shift_right_arithmetic3A_344 = arith.shrsi %get3A_341, %shift_right_arithmetic3A_343 : vector<16xi32>
    %swap3A_345 = arith.constant 0 : index
    %swap3A_346 = tpu.vector_load %arg7[%swap3A_345] {strides = array<i32>} : memref<256xi32, #tpu.memory_space<vmem>>, vector<16xi32>,
    tpu.vector_store %arg7[%swap3A_345], %shift_right_arithmetic3A_344 {strides = array<i32>} : memref<256xi32, #tpu.memory_space<vmem>>, vector<16xi32>,
    %get3A_347 = arith.constant 16 : index
    %get3A_348 = tpu.vector_load %arg5[%get3A_347] {strides = array<i32>} : memref<256xi32, #tpu.memory_space<vmem>>, vector<16xi32>,
    %shift_right_arithmetic3A_349 = arith.constant 1 : i32
    %shift_right_arithmetic3A_350 = vector.broadcast %shift_right_arithmetic3A_349 : i32 to vector<16xi32>
    %shift_right_arithmetic3A_351 = arith.shrsi %get3A_348, %shift_right_arithmetic3A_350 : vector<16xi32>
    %swap3A_352 = arith.constant 16 : index
    %swap3A_353 = tpu.vector_load %arg7[%swap3A_352] {strides = array<i32>} : memref<256xi32, #tpu.memory_space<vmem>>, vector<16xi32>,
    tpu.vector_store %arg7[%swap3A_352], %shift_right_arithmetic3A_351 {strides = array<i32>} : memref<256xi32, #tpu.memory_space<vmem>>, vector<16xi32>,
    %get3A_354 = arith.constant 32 : index
    %get3A_355 = tpu.vector_load %arg5[%get3A_354] {strides = array<i32>} : memref<256xi32, #tpu.memory_space<vmem>>, vector<16xi32>,
    %shift_right_arithmetic3A_356 = arith.constant 1 : i32
    %shift_right_arithmetic3A_357 = vector.broadcast %shift_right_arithmetic3A_356 : i32 to vector<16xi32>
    %shift_right_arithmetic3A_358 = arith.shrsi %get3A_355, %shift_right_arithmetic3A_357 : vector<16xi32>
    %swap3A_359 = arith.constant 32 : index
    %swap3A_360 = tpu.vector_load %arg7[%swap3A_359] {strides = array<i32>} : memref<256xi32, #tpu.memory_space<vmem>>, vector<16xi32>,
    tpu.vector_store %arg7[%swap3A_359], %shift_right_arithmetic3A_358 {strides = array<i32>} : memref<256xi32, #tpu.memory_space<vmem>>, vector<16xi32>,
    %get3A_361 = arith.constant 48 : index
    %get3A_362 = tpu.vector_load %arg5[%get3A_361] {strides = array<i32>} : memref<256xi32, #tpu.memory_space<vmem>>, vector<16xi32>,
    %shift_right_arithmetic3A_363 = arith.constant 1 : i32
    %shift_right_arithmetic3A_364 = vector.broadcast %shift_right_arithmetic3A_363 : i32 to vector<16xi32>
    %shift_right_arithmetic3A_365 = arith.shrsi %get3A_362, %shift_right_arithmetic3A_364 : vector<16xi32>
    %swap3A_366 = arith.constant 48 : index
    %swap3A_367 = tpu.vector_load %arg7[%swap3A_366] {strides = array<i32>} : memref<256xi32, #tpu.memory_space<vmem>>, vector<16xi32>,
    tpu.vector_store %arg7[%swap3A_366], %shift_right_arithmetic3A_365 {strides = array<i32>} : memref<256xi32, #tpu.memory_space<vmem>>, vector<16xi32>,
    %get3A_368 = arith.constant 64 : index
    %get3A_369 = tpu.vector_load %arg5[%get3A_368] {strides = array<i32>} : memref<256xi32, #tpu.memory_space<vmem>>, vector<16xi32>,
    %shift_right_arithmetic3A_370 = arith.constant 1 : i32
    %shift_right_arithmetic3A_371 = vector.broadcast %shift_right_arithmetic3A_370 : i32 to vector<16xi32>
    %shift_right_arithmetic3A_372 = arith.shrsi %get3A_369, %shift_right_arithmetic3A_371 : vector<16xi32>
    %swap3A_373 = arith.constant 64 : index
    %swap3A_374 = tpu.vector_load %arg7[%swap3A_373] {strides = array<i32>} : memref<256xi32, #tpu.memory_space<vmem>>, vector<16xi32>,
    tpu.vector_store %arg7[%swap3A_373], %shift_right_arithmetic3A_372 {strides = array<i32>} : memref<256xi32, #tpu.memory_space<vmem>>, vector<16xi32>,
    %get3A_375 = arith.constant 80 : index
    %get3A_376 = tpu.vector_load %arg5[%get3A_375] {strides = array<i32>} : memref<256xi32, #tpu.memory_space<vmem>>, vector<16xi32>,
    %shift_right_arithmetic3A_377 = arith.constant 1 : i32
    %shift_right_arithmetic3A_378 = vector.broadcast %shift_right_arithmetic3A_377 : i32 to vector<16xi32>
    %shift_right_arithmetic3A_379 = arith.shrsi %get3A_376, %shift_right_arithmetic3A_378 : vector<16xi32>
    %swap3A_380 = arith.constant 80 : index
    %swap3A_381 = tpu.vector_load %arg7[%swap3A_380] {strides = array<i32>} : memref<256xi32, #tpu.memory_space<vmem>>, vector<16xi32>,
    tpu.vector_store %arg7[%swap3A_380], %shift_right_arithmetic3A_379 {strides = array<i32>} : memref<256xi32, #tpu.memory_space<vmem>>, vector<16xi32>,
    %get3A_382 = arith.constant 96 : index
    %get3A_383 = tpu.vector_load %arg5[%get3A_382] {strides = array<i32>} : memref<256xi32, #tpu.memory_space<vmem>>, vector<16xi32>,
    %shift_right_arithmetic3A_384 = arith.constant 1 : i32
    %shift_right_arithmetic3A_385 = vector.broadcast %shift_right_arithmetic3A_384 : i32 to vector<16xi32>
    %shift_right_arithmetic3A_386 = arith.shrsi %get3A_383, %shift_right_arithmetic3A_385 : vector<16xi32>
    %swap3A_387 = arith.constant 96 : index
    %swap3A_388 = tpu.vector_load %arg7[%swap3A_387] {strides = array<i32>} : memref<256xi32, #tpu.memory_space<vmem>>, vector<16xi32>,
    tpu.vector_store %arg7[%swap3A_387], %shift_right_arithmetic3A_386 {strides = array<i32>} : memref<256xi32, #tpu.memory_space<vmem>>, vector<16xi32>,
    %get3A_389 = arith.constant 112 : index
    %get3A_390 = tpu.vector_load %arg5[%get3A_389] {strides = array<i32>} : memref<256xi32, #tpu.memory_space<vmem>>, vector<16xi32>,
    %shift_right_arithmetic3A_391 = arith.constant 1 : i32
    %shift_right_arithmetic3A_392 = vector.broadcast %shift_right_arithmetic3A_391 : i32 to vector<16xi32>
    %shift_right_arithmetic3A_393 = arith.shrsi %get3A_390, %shift_right_arithmetic3A_392 : vector<16xi32>
    %swap3A_394 = arith.constant 112 : index
    %swap3A_395 = tpu.vector_load %arg7[%swap3A_394] {strides = array<i32>} : memref<256xi32, #tpu.memory_space<vmem>>, vector<16xi32>,
    tpu.vector_store %arg7[%swap3A_394], %shift_right_arithmetic3A_393 {strides = array<i32>} : memref<256xi32, #tpu.memory_space<vmem>>, vector<16xi32>,
    %get3A_396 = arith.constant 128 : index
    %get3A_397 = tpu.vector_load %arg5[%get3A_396] {strides = array<i32>} : memref<256xi32, #tpu.memory_space<vmem>>, vector<16xi32>,
    %shift_right_arithmetic3A_398 = arith.constant 1 : i32
    %shift_right_arithmetic3A_399 = vector.broadcast %shift_right_arithmetic3A_398 : i32 to vector<16xi32>
    %shift_right_arithmetic3A_400 = arith.shrsi %get3A_397, %shift_right_arithmetic3A_399 : vector<16xi32>
    %swap3A_401 = arith.constant 128 : index
    %swap3A_402 = tpu.vector_load %arg7[%swap3A_401] {strides = array<i32>} : memref<256xi32, #tpu.memory_space<vmem>>, vector<16xi32>,
    tpu.vector_store %arg7[%swap3A_401], %shift_right_arithmetic3A_400 {strides = array<i32>} : memref<256xi32, #tpu.memory_space<vmem>>, vector<16xi32>,
    %get3A_403 = arith.constant 144 : index
    %get3A_404 = tpu.vector_load %arg5[%get3A_403] {strides = array<i32>} : memref<256xi32, #tpu.memory_space<vmem>>, vector<16xi32>,
    %shift_right_arithmetic3A_405 = arith.constant 1 : i32
    %shift_right_arithmetic3A_406 = vector.broadcast %shift_right_arithmetic3A_405 : i32 to vector<16xi32>
    %shift_right_arithmetic3A_407 = arith.shrsi %get3A_404, %shift_right_arithmetic3A_406 : vector<16xi32>
    %swap3A_408 = arith.constant 144 : index
    %swap3A_409 = tpu.vector_load %arg7[%swap3A_408] {strides = array<i32>} : memref<256xi32, #tpu.memory_space<vmem>>, vector<16xi32>,
    tpu.vector_store %arg7[%swap3A_408], %shift_right_arithmetic3A_407 {strides = array<i32>} : memref<256xi32, #tpu.memory_space<vmem>>, vector<16xi32>,
    %get3A_410 = arith.constant 160 : index
    %get3A_411 = tpu.vector_load %arg5[%get3A_410] {strides = array<i32>} : memref<256xi32, #tpu.memory_space<vmem>>, vector<16xi32>,
    %shift_right_arithmetic3A_412 = arith.constant 1 : i32
    %shift_right_arithmetic3A_413 = vector.broadcast %shift_right_arithmetic3A_412 : i32 to vector<16xi32>
    %shift_right_arithmetic3A_414 = arith.shrsi %get3A_411, %shift_right_arithmetic3A_413 : vector<16xi32>
    %swap3A_415 = arith.constant 160 : index
    %swap3A_416 = tpu.vector_load %arg7[%swap3A_415] {strides = array<i32>} : memref<256xi32, #tpu.memory_space<vmem>>, vector<16xi32>,
    tpu.vector_store %arg7[%swap3A_415], %shift_right_arithmetic3A_414 {strides = array<i32>} : memref<256xi32, #tpu.memory_space<vmem>>, vector<16xi32>,
    %get3A_417 = arith.constant 176 : index
    %get3A_418 = tpu.vector_load %arg5[%get3A_417] {strides = array<i32>} : memref<256xi32, #tpu.memory_space<vmem>>, vector<16xi32>,
    %shift_right_arithmetic3A_419 = arith.constant 1 : i32
    %shift_right_arithmetic3A_420 = vector.broadcast %shift_right_arithmetic3A_419 : i32 to vector<16xi32>
    %shift_right_arithmetic3A_421 = arith.shrsi %get3A_418, %shift_right_arithmetic3A_420 : vector<16xi32>
    %swap3A_422 = arith.constant 176 : index
    %swap3A_423 = tpu.vector_load %arg7[%swap3A_422] {strides = array<i32>} : memref<256xi32, #tpu.memory_space<vmem>>, vector<16xi32>,
    tpu.vector_store %arg7[%swap3A_422], %shift_right_arithmetic3A_421 {strides = array<i32>} : memref<256xi32, #tpu.memory_space<vmem>>, vector<16xi32>,
    %get3A_424 = arith.constant 192 : index
    %get3A_425 = tpu.vector_load %arg5[%get3A_424] {strides = array<i32>} : memref<256xi32, #tpu.memory_space<vmem>>, vector<16xi32>,
    %shift_right_arithmetic3A_426 = arith.constant 1 : i32
    %shift_right_arithmetic3A_427 = vector.broadcast %shift_right_arithmetic3A_426 : i32 to vector<16xi32>
    %shift_right_arithmetic3A_428 = arith.shrsi %get3A_425, %shift_right_arithmetic3A_427 : vector<16xi32>
    %swap3A_429 = arith.constant 192 : index
    %swap3A_430 = tpu.vector_load %arg7[%swap3A_429] {strides = array<i32>} : memref<256xi32, #tpu.memory_space<vmem>>, vector<16xi32>,
    tpu.vector_store %arg7[%swap3A_429], %shift_right_arithmetic3A_428 {strides = array<i32>} : memref<256xi32, #tpu.memory_space<vmem>>, vector<16xi32>,
    %get3A_431 = arith.constant 208 : index
    %get3A_432 = tpu.vector_load %arg5[%get3A_431] {strides = array<i32>} : memref<256xi32, #tpu.memory_space<vmem>>, vector<16xi32>,
    %shift_right_arithmetic3A_433 = arith.constant 1 : i32
    %shift_right_arithmetic3A_434 = vector.broadcast %shift_right_arithmetic3A_433 : i32 to vector<16xi32>
    %shift_right_arithmetic3A_435 = arith.shrsi %get3A_432, %shift_right_arithmetic3A_434 : vector<16xi32>
    %swap3A_436 = arith.constant 208 : index
    %swap3A_437 = tpu.vector_load %arg7[%swap3A_436] {strides = array<i32>} : memref<256xi32, #tpu.memory_space<vmem>>, vector<16xi32>,
    tpu.vector_store %arg7[%swap3A_436], %shift_right_arithmetic3A_435 {strides = array<i32>} : memref<256xi32, #tpu.memory_space<vmem>>, vector<16xi32>,
    %get3A_438 = arith.constant 224 : index
    %get3A_439 = tpu.vector_load %arg5[%get3A_438] {strides = array<i32>} : memref<256xi32, #tpu.memory_space<vmem>>, vector<16xi32>,
    %shift_right_arithmetic3A_440 = arith.constant 1 : i32
    %shift_right_arithmetic3A_441 = vector.broadcast %shift_right_arithmetic3A_440 : i32 to vector<16xi32>
    %shift_right_arithmetic3A_442 = arith.shrsi %get3A_439, %shift_right_arithmetic3A_441 : vector<16xi32>
    %swap3A_443 = arith.constant 224 : index
    %swap3A_444 = tpu.vector_load %arg7[%swap3A_443] {strides = array<i32>} : memref<256xi32, #tpu.memory_space<vmem>>, vector<16xi32>,
    tpu.vector_store %arg7[%swap3A_443], %shift_right_arithmetic3A_442 {strides = array<i32>} : memref<256xi32, #tpu.memory_space<vmem>>, vector<16xi32>,
    %get3A_445 = arith.constant 240 : index
    %get3A_446 = tpu.vector_load %arg5[%get3A_445] {strides = array<i32>} : memref<256xi32, #tpu.memory_space<vmem>>, vector<16xi32>,
    %shift_right_arithmetic3A_447 = arith.constant 1 : i32
    %shift_right_arithmetic3A_448 = vector.broadcast %shift_right_arithmetic3A_447 : i32 to vector<16xi32>
    %shift_right_arithmetic3A_449 = arith.shrsi %get3A_446, %shift_right_arithmetic3A_448 : vector<16xi32>
    %swap3A_450 = arith.constant 240 : index
    %swap3A_451 = tpu.vector_load %arg7[%swap3A_450] {strides = array<i32>} : memref<256xi32, #tpu.memory_space<vmem>>, vector<16xi32>,
    tpu.vector_store %arg7[%swap3A_450], %shift_right_arithmetic3A_449 {strides = array<i32>} : memref<256xi32, #tpu.memory_space<vmem>>, vector<16xi32>,
    %dma_start3A_452 = arith.constant 0 : i32
    %dma_start3A_453 = arith.constant 0 : i32
    %dma_start3A_454 = tpu.memref_slice %arg3[%dma_start3A_452, %dma_start3A_453] : memref<50000x128xf32, #tpu.memory_space<hbm>> -> memref<50000x128xf32, #tpu.memory_space<hbm>>
    tpu.enqueue_indirect_dma source(%dma_start3A_454 : memref<50000x128xf32, #tpu.memory_space<hbm>>) target(%arg9 : memref<256x128xf32, #tpu.memory_space<vmem>>) offsets(%arg7 : memref<256xi32, #tpu.memory_space<vmem>>) semaphore(%arg13 : memref<!tpu.dma_semaphore, #tpu.memory_space<semaphore_mem>>)
    %dma_wait3A_455 = arith.constant 0 : i32
    %dma_wait3A_456 = arith.constant 0 : i32
    %dma_wait3A_457 = tpu.memref_slice %arg3[%dma_wait3A_455, %dma_wait3A_456] : memref<50000x128xf32, #tpu.memory_space<hbm>> -> memref<50000x128xf32, #tpu.memory_space<hbm>>
    tpu.wait_indirect_dma semaphore(%arg14 : memref<!tpu.dma_semaphore, #tpu.memory_space<semaphore_mem>>) src(%dma_wait3A_457 : memref<50000x128xf32, #tpu.memory_space<hbm>>) dst(%arg10 : memref<256x128xf32, #tpu.memory_space<vmem>>)
    %iota3A_458 = tpu.iota {dimensions = array<i32: 0>} : vector<16xi32>
    %add3A_459 = arith.constant 0 : i32
    %add3A_460 = vector.broadcast %add3A_459 : i32 to vector<16xi32>
    %add3A_461 = arith.addi %iota3A_458, %add3A_460 : vector<16xi32>
    %and3A_462 = arith.constant 15 : i32
    %and3A_463 = vector.broadcast %and3A_462 : i32 to vector<16xi32>
    %and3A_464 = arith.andi %add3A_461, %and3A_463 : vector<16xi32>
    %add3A_465 = arith.constant 1 : i32
    %add3A_466 = vector.broadcast %add3A_465 : i32 to vector<16xi32>
    %add3A_467 = arith.addi %iota3A_458, %add3A_466 : vector<16xi32>
    %and3A_468 = arith.constant 15 : i32
    %and3A_469 = vector.broadcast %and3A_468 : i32 to vector<16xi32>
    %and3A_470 = arith.andi %add3A_467, %and3A_469 : vector<16xi32>
    %add3A_471 = arith.constant 2 : i32
    %add3A_472 = vector.broadcast %add3A_471 : i32 to vector<16xi32>
    %add3A_473 = arith.addi %iota3A_458, %add3A_472 : vector<16xi32>
    %and3A_474 = arith.constant 15 : i32
    %and3A_475 = vector.broadcast %and3A_474 : i32 to vector<16xi32>
    %and3A_476 = arith.andi %add3A_473, %and3A_475 : vector<16xi32>
    %add3A_477 = arith.constant 3 : i32
    %add3A_478 = vector.broadcast %add3A_477 : i32 to vector<16xi32>
    %add3A_479 = arith.addi %iota3A_458, %add3A_478 : vector<16xi32>
    %and3A_480 = arith.constant 15 : i32
    %and3A_481 = vector.broadcast %and3A_480 : i32 to vector<16xi32>
    %and3A_482 = arith.andi %add3A_479, %and3A_481 : vector<16xi32>
    %add3A_483 = arith.constant 4 : i32
    %add3A_484 = vector.broadcast %add3A_483 : i32 to vector<16xi32>
    %add3A_485 = arith.addi %iota3A_458, %add3A_484 : vector<16xi32>
    %and3A_486 = arith.constant 15 : i32
    %and3A_487 = vector.broadcast %and3A_486 : i32 to vector<16xi32>
    %and3A_488 = arith.andi %add3A_485, %and3A_487 : vector<16xi32>
    %add3A_489 = arith.constant 5 : i32
    %add3A_490 = vector.broadcast %add3A_489 : i32 to vector<16xi32>
    %add3A_491 = arith.addi %iota3A_458, %add3A_490 : vector<16xi32>
    %and3A_492 = arith.constant 15 : i32
    %and3A_493 = vector.broadcast %and3A_492 : i32 to vector<16xi32>
    %and3A_494 = arith.andi %add3A_491, %and3A_493 : vector<16xi32>
    %add3A_495 = arith.constant 6 : i32
    %add3A_496 = vector.broadcast %add3A_495 : i32 to vector<16xi32>
    %add3A_497 = arith.addi %iota3A_458, %add3A_496 : vector<16xi32>
    %and3A_498 = arith.constant 15 : i32
    %and3A_499 = vector.broadcast %and3A_498 : i32 to vector<16xi32>
    %and3A_500 = arith.andi %add3A_497, %and3A_499 : vector<16xi32>
    %add3A_501 = arith.constant 7 : i32
    %add3A_502 = vector.broadcast %add3A_501 : i32 to vector<16xi32>
    %add3A_503 = arith.addi %iota3A_458, %add3A_502 : vector<16xi32>
    %and3A_504 = arith.constant 15 : i32
    %and3A_505 = vector.broadcast %and3A_504 : i32 to vector<16xi32>
    %and3A_506 = arith.andi %add3A_503, %and3A_505 : vector<16xi32>
    %add3A_507 = arith.constant 8 : i32
    %add3A_508 = vector.broadcast %add3A_507 : i32 to vector<16xi32>
    %add3A_509 = arith.addi %iota3A_458, %add3A_508 : vector<16xi32>
    %and3A_510 = arith.constant 15 : i32
    %and3A_511 = vector.broadcast %and3A_510 : i32 to vector<16xi32>
    %and3A_512 = arith.andi %add3A_509, %and3A_511 : vector<16xi32>
    %add3A_513 = arith.constant 9 : i32
    %add3A_514 = vector.broadcast %add3A_513 : i32 to vector<16xi32>
    %add3A_515 = arith.addi %iota3A_458, %add3A_514 : vector<16xi32>
    %and3A_516 = arith.constant 15 : i32
    %and3A_517 = vector.broadcast %and3A_516 : i32 to vector<16xi32>
    %and3A_518 = arith.andi %add3A_515, %and3A_517 : vector<16xi32>
    %add3A_519 = arith.constant 10 : i32
    %add3A_520 = vector.broadcast %add3A_519 : i32 to vector<16xi32>
    %add3A_521 = arith.addi %iota3A_458, %add3A_520 : vector<16xi32>
    %and3A_522 = arith.constant 15 : i32
    %and3A_523 = vector.broadcast %and3A_522 : i32 to vector<16xi32>
    %and3A_524 = arith.andi %add3A_521, %and3A_523 : vector<16xi32>
    %add3A_525 = arith.constant 11 : i32
    %add3A_526 = vector.broadcast %add3A_525 : i32 to vector<16xi32>
    %add3A_527 = arith.addi %iota3A_458, %add3A_526 : vector<16xi32>
    %and3A_528 = arith.constant 15 : i32
    %and3A_529 = vector.broadcast %and3A_528 : i32 to vector<16xi32>
    %and3A_530 = arith.andi %add3A_527, %and3A_529 : vector<16xi32>
    %add3A_531 = arith.constant 12 : i32
    %add3A_532 = vector.broadcast %add3A_531 : i32 to vector<16xi32>
    %add3A_533 = arith.addi %iota3A_458, %add3A_532 : vector<16xi32>
    %and3A_534 = arith.constant 15 : i32
    %and3A_535 = vector.broadcast %and3A_534 : i32 to vector<16xi32>
    %and3A_536 = arith.andi %add3A_533, %and3A_535 : vector<16xi32>
    %add3A_537 = arith.constant 13 : i32
    %add3A_538 = vector.broadcast %add3A_537 : i32 to vector<16xi32>
    %add3A_539 = arith.addi %iota3A_458, %add3A_538 : vector<16xi32>
    %and3A_540 = arith.constant 15 : i32
    %and3A_541 = vector.broadcast %and3A_540 : i32 to vector<16xi32>
    %and3A_542 = arith.andi %add3A_539, %and3A_541 : vector<16xi32>
    %add3A_543 = arith.constant 14 : i32
    %add3A_544 = vector.broadcast %add3A_543 : i32 to vector<16xi32>
    %add3A_545 = arith.addi %iota3A_458, %add3A_544 : vector<16xi32>
    %and3A_546 = arith.constant 15 : i32
    %and3A_547 = vector.broadcast %and3A_546 : i32 to vector<16xi32>
    %and3A_548 = arith.andi %add3A_545, %and3A_547 : vector<16xi32>
    %add3A_549 = arith.constant 15 : i32
    %add3A_550 = vector.broadcast %add3A_549 : i32 to vector<16xi32>
    %add3A_551 = arith.addi %iota3A_458, %add3A_550 : vector<16xi32>
    %and3A_552 = arith.constant 15 : i32
    %and3A_553 = vector.broadcast %and3A_552 : i32 to vector<16xi32>
    %and3A_554 = arith.andi %add3A_551, %and3A_553 : vector<16xi32>
    %parallel_loop3A_555 = arith.constant 0 : i32
    %parallel_loop3A_556 = arith.constant 64 : i32
    %parallel_loop3A_557 = arith.constant 1 : i32
    scf.for %parallel_loop3A_928 = %parallel_loop3A_555 to %parallel_loop3A_556 step %parallel_loop3A_557  : i32 {
      %parallel_loop3A_929 = arith.constant 4 : i32
      %parallel_loop3A_930 = arith.divsi %parallel_loop3A_928, %parallel_loop3A_929 : i32
      %parallel_loop3A_931 = arith.constant 0 : i32
      %parallel_loop3A_932 = arith.cmpi sgt, %parallel_loop3A_928, %parallel_loop3A_931 : i32
      %parallel_loop3A_933 = arith.extui %parallel_loop3A_932 : i1 to i32
      %parallel_loop3A_934 = arith.constant 0 : i32
      %parallel_loop3A_935 = arith.cmpi slt, %parallel_loop3A_928, %parallel_loop3A_934 : i32
      %parallel_loop3A_936 = arith.extui %parallel_loop3A_935 : i1 to i32
      %parallel_loop3A_937 = arith.subi %parallel_loop3A_933, %parallel_loop3A_936 : i32
      %parallel_loop3A_938 = arith.constant 0 : i32
      %parallel_loop3A_939 = arith.cmpi sgt, %parallel_loop3A_929, %parallel_loop3A_938 : i32
      %parallel_loop3A_940 = arith.extui %parallel_loop3A_939 : i1 to i32
      %parallel_loop3A_941 = arith.constant 0 : i32
      %parallel_loop3A_942 = arith.cmpi slt, %parallel_loop3A_929, %parallel_loop3A_941 : i32
      %parallel_loop3A_943 = arith.extui %parallel_loop3A_942 : i1 to i32
      %parallel_loop3A_944 = arith.subi %parallel_loop3A_940, %parallel_loop3A_943 : i32
      %parallel_loop3A_945 = arith.cmpi ne, %parallel_loop3A_937, %parallel_loop3A_944 : i32
      %parallel_loop3A_946 = arith.remsi %parallel_loop3A_928, %parallel_loop3A_929 : i32
      %parallel_loop3A_947 = arith.constant 0 : i32
      %parallel_loop3A_948 = arith.cmpi ne, %parallel_loop3A_946, %parallel_loop3A_947 : i32
      %parallel_loop3A_949 = arith.andi %parallel_loop3A_945, %parallel_loop3A_948 : i1
      %parallel_loop3A_950 = arith.constant 1 : i32
      %parallel_loop3A_951 = arith.subi %parallel_loop3A_930, %parallel_loop3A_950 : i32
      %parallel_loop3A_952 = arith.select %parallel_loop3A_949, %parallel_loop3A_951, %parallel_loop3A_930 : i32
      %parallel_loop3A_953 = arith.constant 4 : i32
      %parallel_loop3A_954 = arith.constant 0 : i32
      %parallel_loop3A_955 = arith.cmpi eq, %parallel_loop3A_953, %parallel_loop3A_954 : i32
      %parallel_loop3A_956 = arith.constant 1 : i32
      %parallel_loop3A_957 = arith.select %parallel_loop3A_955, %parallel_loop3A_956, %parallel_loop3A_953 : i32
      %parallel_loop3A_958 = arith.remsi %parallel_loop3A_928, %parallel_loop3A_957 : i32
      %parallel_loop3A_959 = arith.constant 0 : i32
      %parallel_loop3A_960 = arith.cmpi ne, %parallel_loop3A_958, %parallel_loop3A_959 : i32
      %parallel_loop3A_961 = arith.constant 0 : i32
      %parallel_loop3A_962 = arith.cmpi slt, %parallel_loop3A_958, %parallel_loop3A_961 : i32
      %parallel_loop3A_963 = arith.constant 0 : i32
      %parallel_loop3A_964 = arith.cmpi slt, %parallel_loop3A_957, %parallel_loop3A_963 : i32
      %parallel_loop3A_965 = arith.xori %parallel_loop3A_962, %parallel_loop3A_964 : i1
      %parallel_loop3A_966 = arith.andi %parallel_loop3A_965, %parallel_loop3A_960 : i1
      %parallel_loop3A_967 = arith.addi %parallel_loop3A_958, %parallel_loop3A_957 : i32
      %parallel_loop3A_968 = arith.select %parallel_loop3A_966, %parallel_loop3A_967, %parallel_loop3A_958 : i32
      %parallel_loop3A_969 = arith.constant 16 : i32
      %parallel_loop3A_970 = arith.muli %parallel_loop3A_969, %parallel_loop3A_952 : i32
      %parallel_loop3A_971 = vector.broadcast %parallel_loop3A_970 : i32 to vector<16xi32>
      %parallel_loop3A_972 = arith.addi %iota3A_458, %parallel_loop3A_971 : vector<16xi32>
      %parallel_loop3A_973 = arith.index_cast %parallel_loop3A_970 : i32 to index
      %parallel_loop3A_974 = tpu.vector_load %arg6[%parallel_loop3A_973] {strides = array<i32>} : memref<256xi32, #tpu.memory_space<vmem>>, vector<16xi32>,
      %parallel_loop3A_975 = arith.constant 1 : i32
      %parallel_loop3A_976 = vector.broadcast %parallel_loop3A_975 : i32 to vector<16xi32>
      %parallel_loop3A_977 = arith.andi %parallel_loop3A_974, %parallel_loop3A_976 : vector<16xi32>
      %parallel_loop3A_978 = arith.constant 6 : i32
      %parallel_loop3A_979 = vector.broadcast %parallel_loop3A_978 : i32 to vector<16xi32>
      %parallel_loop3A_980 = arith.shli %parallel_loop3A_977, %parallel_loop3A_979 : vector<16xi32>
      %parallel_loop3A_981 = arith.constant 16 : i32
      %parallel_loop3A_982 = arith.muli %parallel_loop3A_981, %parallel_loop3A_968 : i32
      %parallel_loop3A_983 = vector.broadcast %parallel_loop3A_982 : i32 to vector<16xi32>
      %parallel_loop3A_984 = arith.addi %and3A_464, %parallel_loop3A_983 : vector<16xi32>
      %parallel_loop3A_985 = arith.addi %parallel_loop3A_980, %parallel_loop3A_984 : vector<16xi32>
      %parallel_loop3A_986 = tpu.vector_load_idx %arg10[%parallel_loop3A_972, %parallel_loop3A_985] : memref<256x128xf32, #tpu.memory_space<vmem>>[vector<16xi32>, vector<16xi32>], vector<16xf32>,
      tpu.vector_store_idx %arg12[%parallel_loop3A_984, %parallel_loop3A_972], %parallel_loop3A_986 : memref<64x256xf32, #tpu.memory_space<vmem>>[vector<16xi32>, vector<16xi32>], vector<16xf32>,
      %parallel_loop3A_987 = arith.constant 16 : i32
      %parallel_loop3A_988 = arith.muli %parallel_loop3A_987, %parallel_loop3A_968 : i32
      %parallel_loop3A_989 = vector.broadcast %parallel_loop3A_988 : i32 to vector<16xi32>
      %parallel_loop3A_990 = arith.addi %and3A_470, %parallel_loop3A_989 : vector<16xi32>
      %parallel_loop3A_991 = arith.addi %parallel_loop3A_980, %parallel_loop3A_990 : vector<16xi32>
      %parallel_loop3A_992 = tpu.vector_load_idx %arg10[%parallel_loop3A_972, %parallel_loop3A_991] : memref<256x128xf32, #tpu.memory_space<vmem>>[vector<16xi32>, vector<16xi32>], vector<16xf32>,
      tpu.vector_store_idx %arg12[%parallel_loop3A_990, %parallel_loop3A_972], %parallel_loop3A_992 : memref<64x256xf32, #tpu.memory_space<vmem>>[vector<16xi32>, vector<16xi32>], vector<16xf32>,
      %parallel_loop3A_993 = arith.constant 16 : i32
      %parallel_loop3A_994 = arith.muli %parallel_loop3A_993, %parallel_loop3A_968 : i32
      %parallel_loop3A_995 = vector.broadcast %parallel_loop3A_994 : i32 to vector<16xi32>
      %parallel_loop3A_996 = arith.addi %and3A_476, %parallel_loop3A_995 : vector<16xi32>
      %parallel_loop3A_997 = arith.addi %parallel_loop3A_980, %parallel_loop3A_996 : vector<16xi32>
      %parallel_loop3A_998 = tpu.vector_load_idx %arg10[%parallel_loop3A_972, %parallel_loop3A_997] : memref<256x128xf32, #tpu.memory_space<vmem>>[vector<16xi32>, vector<16xi32>], vector<16xf32>,
      tpu.vector_store_idx %arg12[%parallel_loop3A_996, %parallel_loop3A_972], %parallel_loop3A_998 : memref<64x256xf32, #tpu.memory_space<vmem>>[vector<16xi32>, vector<16xi32>], vector<16xf32>,
      %parallel_loop3A_999 = arith.constant 16 : i32
      %parallel_loop3A_1000 = arith.muli %parallel_loop3A_999, %parallel_loop3A_968 : i32
      %parallel_loop3A_1001 = vector.broadcast %parallel_loop3A_1000 : i32 to vector<16xi32>
      %parallel_loop3A_1002 = arith.addi %and3A_482, %parallel_loop3A_1001 : vector<16xi32>
      %parallel_loop3A_1003 = arith.addi %parallel_loop3A_980, %parallel_loop3A_1002 : vector<16xi32>
      %parallel_loop3A_1004 = tpu.vector_load_idx %arg10[%parallel_loop3A_972, %parallel_loop3A_1003] : memref<256x128xf32, #tpu.memory_space<vmem>>[vector<16xi32>, vector<16xi32>], vector<16xf32>,
      tpu.vector_store_idx %arg12[%parallel_loop3A_1002, %parallel_loop3A_972], %parallel_loop3A_1004 : memref<64x256xf32, #tpu.memory_space<vmem>>[vector<16xi32>, vector<16xi32>], vector<16xf32>,
      %parallel_loop3A_1005 = arith.constant 16 : i32
      %parallel_loop3A_1006 = arith.muli %parallel_loop3A_1005, %parallel_loop3A_968 : i32
      %parallel_loop3A_1007 = vector.broadcast %parallel_loop3A_1006 : i32 to vector<16xi32>
      %parallel_loop3A_1008 = arith.addi %and3A_488, %parallel_loop3A_1007 : vector<16xi32>
      %parallel_loop3A_1009 = arith.addi %parallel_loop3A_980, %parallel_loop3A_1008 : vector<16xi32>
      %parallel_loop3A_1010 = tpu.vector_load_idx %arg10[%parallel_loop3A_972, %parallel_loop3A_1009] : memref<256x128xf32, #tpu.memory_space<vmem>>[vector<16xi32>, vector<16xi32>], vector<16xf32>,
      tpu.vector_store_idx %arg12[%parallel_loop3A_1008, %parallel_loop3A_972], %parallel_loop3A_1010 : memref<64x256xf32, #tpu.memory_space<vmem>>[vector<16xi32>, vector<16xi32>], vector<16xf32>,
      %parallel_loop3A_1011 = arith.constant 16 : i32
      %parallel_loop3A_1012 = arith.muli %parallel_loop3A_1011, %parallel_loop3A_968 : i32
      %parallel_loop3A_1013 = vector.broadcast %parallel_loop3A_1012 : i32 to vector<16xi32>
      %parallel_loop3A_1014 = arith.addi %and3A_494, %parallel_loop3A_1013 : vector<16xi32>
      %parallel_loop3A_1015 = arith.addi %parallel_loop3A_980, %parallel_loop3A_1014 : vector<16xi32>
      %parallel_loop3A_1016 = tpu.vector_load_idx %arg10[%parallel_loop3A_972, %parallel_loop3A_1015] : memref<256x128xf32, #tpu.memory_space<vmem>>[vector<16xi32>, vector<16xi32>], vector<16xf32>,
      tpu.vector_store_idx %arg12[%parallel_loop3A_1014, %parallel_loop3A_972], %parallel_loop3A_1016 : memref<64x256xf32, #tpu.memory_space<vmem>>[vector<16xi32>, vector<16xi32>], vector<16xf32>,
      %parallel_loop3A_1017 = arith.constant 16 : i32
      %parallel_loop3A_1018 = arith.muli %parallel_loop3A_1017, %parallel_loop3A_968 : i32
      %parallel_loop3A_1019 = vector.broadcast %parallel_loop3A_1018 : i32 to vector<16xi32>
      %parallel_loop3A_1020 = arith.addi %and3A_500, %parallel_loop3A_1019 : vector<16xi32>
      %parallel_loop3A_1021 = arith.addi %parallel_loop3A_980, %parallel_loop3A_1020 : vector<16xi32>
      %parallel_loop3A_1022 = tpu.vector_load_idx %arg10[%parallel_loop3A_972, %parallel_loop3A_1021] : memref<256x128xf32, #tpu.memory_space<vmem>>[vector<16xi32>, vector<16xi32>], vector<16xf32>,
      tpu.vector_store_idx %arg12[%parallel_loop3A_1020, %parallel_loop3A_972], %parallel_loop3A_1022 : memref<64x256xf32, #tpu.memory_space<vmem>>[vector<16xi32>, vector<16xi32>], vector<16xf32>,
      %parallel_loop3A_1023 = arith.constant 16 : i32
      %parallel_loop3A_1024 = arith.muli %parallel_loop3A_1023, %parallel_loop3A_968 : i32
      %parallel_loop3A_1025 = vector.broadcast %parallel_loop3A_1024 : i32 to vector<16xi32>
      %parallel_loop3A_1026 = arith.addi %and3A_506, %parallel_loop3A_1025 : vector<16xi32>
      %parallel_loop3A_1027 = arith.addi %parallel_loop3A_980, %parallel_loop3A_1026 : vector<16xi32>
      %parallel_loop3A_1028 = tpu.vector_load_idx %arg10[%parallel_loop3A_972, %parallel_loop3A_1027] : memref<256x128xf32, #tpu.memory_space<vmem>>[vector<16xi32>, vector<16xi32>], vector<16xf32>,
      tpu.vector_store_idx %arg12[%parallel_loop3A_1026, %parallel_loop3A_972], %parallel_loop3A_1028 : memref<64x256xf32, #tpu.memory_space<vmem>>[vector<16xi32>, vector<16xi32>], vector<16xf32>,
      %parallel_loop3A_1029 = arith.constant 16 : i32
      %parallel_loop3A_1030 = arith.muli %parallel_loop3A_1029, %parallel_loop3A_968 : i32
      %parallel_loop3A_1031 = vector.broadcast %parallel_loop3A_1030 : i32 to vector<16xi32>
      %parallel_loop3A_1032 = arith.addi %and3A_512, %parallel_loop3A_1031 : vector<16xi32>
      %parallel_loop3A_1033 = arith.addi %parallel_loop3A_980, %parallel_loop3A_1032 : vector<16xi32>
      %parallel_loop3A_1034 = tpu.vector_load_idx %arg10[%parallel_loop3A_972, %parallel_loop3A_1033] : memref<256x128xf32, #tpu.memory_space<vmem>>[vector<16xi32>, vector<16xi32>], vector<16xf32>,
      tpu.vector_store_idx %arg12[%parallel_loop3A_1032, %parallel_loop3A_972], %parallel_loop3A_1034 : memref<64x256xf32, #tpu.memory_space<vmem>>[vector<16xi32>, vector<16xi32>], vector<16xf32>,
      %parallel_loop3A_1035 = arith.constant 16 : i32
      %parallel_loop3A_1036 = arith.muli %parallel_loop3A_1035, %parallel_loop3A_968 : i32
      %parallel_loop3A_1037 = vector.broadcast %parallel_loop3A_1036 : i32 to vector<16xi32>
      %parallel_loop3A_1038 = arith.addi %and3A_518, %parallel_loop3A_1037 : vector<16xi32>
      %parallel_loop3A_1039 = arith.addi %parallel_loop3A_980, %parallel_loop3A_1038 : vector<16xi32>
      %parallel_loop3A_1040 = tpu.vector_load_idx %arg10[%parallel_loop3A_972, %parallel_loop3A_1039] : memref<256x128xf32, #tpu.memory_space<vmem>>[vector<16xi32>, vector<16xi32>], vector<16xf32>,
      tpu.vector_store_idx %arg12[%parallel_loop3A_1038, %parallel_loop3A_972], %parallel_loop3A_1040 : memref<64x256xf32, #tpu.memory_space<vmem>>[vector<16xi32>, vector<16xi32>], vector<16xf32>,
      %parallel_loop3A_1041 = arith.constant 16 : i32
      %parallel_loop3A_1042 = arith.muli %parallel_loop3A_1041, %parallel_loop3A_968 : i32
      %parallel_loop3A_1043 = vector.broadcast %parallel_loop3A_1042 : i32 to vector<16xi32>
      %parallel_loop3A_1044 = arith.addi %and3A_524, %parallel_loop3A_1043 : vector<16xi32>
      %parallel_loop3A_1045 = arith.addi %parallel_loop3A_980, %parallel_loop3A_1044 : vector<16xi32>
      %parallel_loop3A_1046 = tpu.vector_load_idx %arg10[%parallel_loop3A_972, %parallel_loop3A_1045] : memref<256x128xf32, #tpu.memory_space<vmem>>[vector<16xi32>, vector<16xi32>], vector<16xf32>,
      tpu.vector_store_idx %arg12[%parallel_loop3A_1044, %parallel_loop3A_972], %parallel_loop3A_1046 : memref<64x256xf32, #tpu.memory_space<vmem>>[vector<16xi32>, vector<16xi32>], vector<16xf32>,
      %parallel_loop3A_1047 = arith.constant 16 : i32
      %parallel_loop3A_1048 = arith.muli %parallel_loop3A_1047, %parallel_loop3A_968 : i32
      %parallel_loop3A_1049 = vector.broadcast %parallel_loop3A_1048 : i32 to vector<16xi32>
      %parallel_loop3A_1050 = arith.addi %and3A_530, %parallel_loop3A_1049 : vector<16xi32>
      %parallel_loop3A_1051 = arith.addi %parallel_loop3A_980, %parallel_loop3A_1050 : vector<16xi32>
      %parallel_loop3A_1052 = tpu.vector_load_idx %arg10[%parallel_loop3A_972, %parallel_loop3A_1051] : memref<256x128xf32, #tpu.memory_space<vmem>>[vector<16xi32>, vector<16xi32>], vector<16xf32>,
      tpu.vector_store_idx %arg12[%parallel_loop3A_1050, %parallel_loop3A_972], %parallel_loop3A_1052 : memref<64x256xf32, #tpu.memory_space<vmem>>[vector<16xi32>, vector<16xi32>], vector<16xf32>,
      %parallel_loop3A_1053 = arith.constant 16 : i32
      %parallel_loop3A_1054 = arith.muli %parallel_loop3A_1053, %parallel_loop3A_968 : i32
      %parallel_loop3A_1055 = vector.broadcast %parallel_loop3A_1054 : i32 to vector<16xi32>
      %parallel_loop3A_1056 = arith.addi %and3A_536, %parallel_loop3A_1055 : vector<16xi32>
      %parallel_loop3A_1057 = arith.addi %parallel_loop3A_980, %parallel_loop3A_1056 : vector<16xi32>
      %parallel_loop3A_1058 = tpu.vector_load_idx %arg10[%parallel_loop3A_972, %parallel_loop3A_1057] : memref<256x128xf32, #tpu.memory_space<vmem>>[vector<16xi32>, vector<16xi32>], vector<16xf32>,
      tpu.vector_store_idx %arg12[%parallel_loop3A_1056, %parallel_loop3A_972], %parallel_loop3A_1058 : memref<64x256xf32, #tpu.memory_space<vmem>>[vector<16xi32>, vector<16xi32>], vector<16xf32>,
      %parallel_loop3A_1059 = arith.constant 16 : i32
      %parallel_loop3A_1060 = arith.muli %parallel_loop3A_1059, %parallel_loop3A_968 : i32
      %parallel_loop3A_1061 = vector.broadcast %parallel_loop3A_1060 : i32 to vector<16xi32>
      %parallel_loop3A_1062 = arith.addi %and3A_542, %parallel_loop3A_1061 : vector<16xi32>
      %parallel_loop3A_1063 = arith.addi %parallel_loop3A_980, %parallel_loop3A_1062 : vector<16xi32>
      %parallel_loop3A_1064 = tpu.vector_load_idx %arg10[%parallel_loop3A_972, %parallel_loop3A_1063] : memref<256x128xf32, #tpu.memory_space<vmem>>[vector<16xi32>, vector<16xi32>], vector<16xf32>,
      tpu.vector_store_idx %arg12[%parallel_loop3A_1062, %parallel_loop3A_972], %parallel_loop3A_1064 : memref<64x256xf32, #tpu.memory_space<vmem>>[vector<16xi32>, vector<16xi32>], vector<16xf32>,
      %parallel_loop3A_1065 = arith.constant 16 : i32
      %parallel_loop3A_1066 = arith.muli %parallel_loop3A_1065, %parallel_loop3A_968 : i32
      %parallel_loop3A_1067 = vector.broadcast %parallel_loop3A_1066 : i32 to vector<16xi32>
      %parallel_loop3A_1068 = arith.addi %and3A_548, %parallel_loop3A_1067 : vector<16xi32>
      %parallel_loop3A_1069 = arith.addi %parallel_loop3A_980, %parallel_loop3A_1068 : vector<16xi32>
      %parallel_loop3A_1070 = tpu.vector_load_idx %arg10[%parallel_loop3A_972, %parallel_loop3A_1069] : memref<256x128xf32, #tpu.memory_space<vmem>>[vector<16xi32>, vector<16xi32>], vector<16xf32>,
      tpu.vector_store_idx %arg12[%parallel_loop3A_1068, %parallel_loop3A_972], %parallel_loop3A_1070 : memref<64x256xf32, #tpu.memory_space<vmem>>[vector<16xi32>, vector<16xi32>], vector<16xf32>,
      %parallel_loop3A_1071 = arith.constant 16 : i32
      %parallel_loop3A_1072 = arith.muli %parallel_loop3A_1071, %parallel_loop3A_968 : i32
      %parallel_loop3A_1073 = vector.broadcast %parallel_loop3A_1072 : i32 to vector<16xi32>
      %parallel_loop3A_1074 = arith.addi %and3A_554, %parallel_loop3A_1073 : vector<16xi32>
      %parallel_loop3A_1075 = arith.addi %parallel_loop3A_980, %parallel_loop3A_1074 : vector<16xi32>
      %parallel_loop3A_1076 = tpu.vector_load_idx %arg10[%parallel_loop3A_972, %parallel_loop3A_1075] : memref<256x128xf32, #tpu.memory_space<vmem>>[vector<16xi32>, vector<16xi32>], vector<16xf32>,
      tpu.vector_store_idx %arg12[%parallel_loop3A_1074, %parallel_loop3A_972], %parallel_loop3A_1076 : memref<64x256xf32, #tpu.memory_space<vmem>>[vector<16xi32>, vector<16xi32>], vector<16xf32>,
    } {sc.loop_unroll_factor = 2 : i64, sc.parallel_access}
    %add3A_558 = arith.constant 256 : i32
    %add3A_559 = arith.addi %mul3A_2, %add3A_558 : i32
    %dma_start3A_560 = arith.constant 0 : i32
    %dma_start3A_561 = tpu.memref_slice %arg4[%dma_start3A_560, %add3A_559] : memref<64x3276800xf32, #tpu.memory_space<hbm>> -> memref<64x256xf32, #tpu.memory_space<hbm>>
    %dma_start3A_562 = arith.constant 0 : i32
    %dma_start3A_563 = tpu.memref_slice %arg4[%dma_start3A_562, %add3A_559] : memref<64x3276800xf32, #tpu.memory_space<hbm>> -> memref<64x256xf32, #tpu.memory_space<hbm>>
    tpu.enqueue_dma source(%arg12 : memref<64x256xf32, #tpu.memory_space<vmem>>) target(%dma_start3A_563 : memref<64x256xf32, #tpu.memory_space<hbm>>) target_semaphore(%arg16 : memref<!tpu.dma_semaphore, #tpu.memory_space<semaphore_mem>>)
    %scan3A = arith.constant 0 : i32
    %scan3A_564 = arith.constant 1 : i32
    %scan3A_565 = arith.constant 198 : i32
    %scan3A_566 = arith.addi %scan3A_564, %scan3A_565 : i32
    %scan3A_567 = arith.constant 1 : i32
    scf.for %scan3A_928 = %scan3A_564 to %scan3A_566 step %scan3A_567  : i32 {
      %mul3A_929 = arith.constant 2 : i32
      %mul3A_930 = arith.muli %mul3A_929, %scan3A_928 : i32
      %sub3A = arith.constant 2 : i32
      %sub3A_931 = arith.subi %mul3A_930, %sub3A : i32
      %mul3A_932 = arith.constant 256 : i32
      %mul3A_933 = arith.muli %sub3A_931, %mul3A_932 : i32
      %add3A_934 = arith.addi %mul3A_2, %mul3A_933 : i32
      %dma_wait3A_935 = arith.constant 0 : i32
      %dma_wait3A_936 = tpu.memref_slice %arg4[%dma_wait3A_935, %add3A_934] : memref<64x3276800xf32, #tpu.memory_space<hbm>> -> memref<64x256xf32, #tpu.memory_space<hbm>>
      %dma_wait3A_937 = arith.constant 0 : i32
      %dma_wait3A_938 = tpu.memref_slice %arg4[%dma_wait3A_937, %add3A_934] : memref<64x3276800xf32, #tpu.memory_space<hbm>> -> memref<64x256xf32, #tpu.memory_space<hbm>>
      tpu.wait_dma2 semaphore(%arg15 : memref<!tpu.dma_semaphore, #tpu.memory_space<semaphore_mem>>) src(%arg11 : memref<64x256xf32, #tpu.memory_space<vmem>>) dst(%dma_wait3A_938 : memref<64x256xf32, #tpu.memory_space<hbm>>)
      %add3A_939 = arith.constant 1 : i32
      %add3A_940 = arith.addi %mul3A_930, %add3A_939 : i32
      %mul3A_941 = arith.constant 256 : i32
      %mul3A_942 = arith.muli %add3A_940, %mul3A_941 : i32
      %add3A_943 = arith.addi %mul3A_2, %mul3A_942 : i32
      "tpu.region"() ({
        %run_scoped3A = tpu.sem_alloc : memref<!tpu.dma_semaphore, #tpu.memory_space<semaphore_mem>>
        %dma_start3A_1410 = tpu.memref_slice %arg2[%add3A_943] : memref<3276800xi32, #tpu.memory_space<hbm>> -> memref<256xi32, #tpu.memory_space<hbm>>
        %dma_start3A_1411 = tpu.memref_slice %arg2[%add3A_943] : memref<3276800xi32, #tpu.memory_space<hbm>> -> memref<256xi32, #tpu.memory_space<hbm>>
        tpu.enqueue_dma source(%dma_start3A_1411 : memref<256xi32, #tpu.memory_space<hbm>>) target(%arg6 : memref<256xi32, #tpu.memory_space<vmem>>) target_semaphore(%run_scoped3A : memref<!tpu.dma_semaphore, #tpu.memory_space<semaphore_mem>>)
        %dma_wait3A_1412 = tpu.memref_slice %arg2[%add3A_943] : memref<3276800xi32, #tpu.memory_space<hbm>> -> memref<256xi32, #tpu.memory_space<hbm>>
        %dma_wait3A_1413 = tpu.memref_slice %arg2[%add3A_943] : memref<3276800xi32, #tpu.memory_space<hbm>> -> memref<256xi32, #tpu.memory_space<hbm>>
        tpu.wait_dma2 semaphore(%run_scoped3A : memref<!tpu.dma_semaphore, #tpu.memory_space<semaphore_mem>>) src(%dma_wait3A_1413 : memref<256xi32, #tpu.memory_space<hbm>>) dst(%arg6 : memref<256xi32, #tpu.memory_space<vmem>>)
        tpu.yield
      }) : () -> ()
      %get3A_944 = arith.constant 0 : index
      %get3A_945 = tpu.vector_load %arg6[%get3A_944] {strides = array<i32>} : memref<256xi32, #tpu.memory_space<vmem>>, vector<16xi32>,
      %shift_right_arithmetic3A_946 = arith.constant 1 : i32
      %shift_right_arithmetic3A_947 = vector.broadcast %shift_right_arithmetic3A_946 : i32 to vector<16xi32>
      %shift_right_arithmetic3A_948 = arith.shrsi %get3A_945, %shift_right_arithmetic3A_947 : vector<16xi32>
      %swap3A_949 = arith.constant 0 : index
      %swap3A_950 = tpu.vector_load %arg8[%swap3A_949] {strides = array<i32>} : memref<256xi32, #tpu.memory_space<vmem>>, vector<16xi32>,
      tpu.vector_store %arg8[%swap3A_949], %shift_right_arithmetic3A_948 {strides = array<i32>} : memref<256xi32, #tpu.memory_space<vmem>>, vector<16xi32>,
      %get3A_951 = arith.constant 16 : index
      %get3A_952 = tpu.vector_load %arg6[%get3A_951] {strides = array<i32>} : memref<256xi32, #tpu.memory_space<vmem>>, vector<16xi32>,
      %shift_right_arithmetic3A_953 = arith.constant 1 : i32
      %shift_right_arithmetic3A_954 = vector.broadcast %shift_right_arithmetic3A_953 : i32 to vector<16xi32>
      %shift_right_arithmetic3A_955 = arith.shrsi %get3A_952, %shift_right_arithmetic3A_954 : vector<16xi32>
      %swap3A_956 = arith.constant 16 : index
      %swap3A_957 = tpu.vector_load %arg8[%swap3A_956] {strides = array<i32>} : memref<256xi32, #tpu.memory_space<vmem>>, vector<16xi32>,
      tpu.vector_store %arg8[%swap3A_956], %shift_right_arithmetic3A_955 {strides = array<i32>} : memref<256xi32, #tpu.memory_space<vmem>>, vector<16xi32>,
      %get3A_958 = arith.constant 32 : index
      %get3A_959 = tpu.vector_load %arg6[%get3A_958] {strides = array<i32>} : memref<256xi32, #tpu.memory_space<vmem>>, vector<16xi32>,
      %shift_right_arithmetic3A_960 = arith.constant 1 : i32
      %shift_right_arithmetic3A_961 = vector.broadcast %shift_right_arithmetic3A_960 : i32 to vector<16xi32>
      %shift_right_arithmetic3A_962 = arith.shrsi %get3A_959, %shift_right_arithmetic3A_961 : vector<16xi32>
      %swap3A_963 = arith.constant 32 : index
      %swap3A_964 = tpu.vector_load %arg8[%swap3A_963] {strides = array<i32>} : memref<256xi32, #tpu.memory_space<vmem>>, vector<16xi32>,
      tpu.vector_store %arg8[%swap3A_963], %shift_right_arithmetic3A_962 {strides = array<i32>} : memref<256xi32, #tpu.memory_space<vmem>>, vector<16xi32>,
      %get3A_965 = arith.constant 48 : index
      %get3A_966 = tpu.vector_load %arg6[%get3A_965] {strides = array<i32>} : memref<256xi32, #tpu.memory_space<vmem>>, vector<16xi32>,
      %shift_right_arithmetic3A_967 = arith.constant 1 : i32
      %shift_right_arithmetic3A_968 = vector.broadcast %shift_right_arithmetic3A_967 : i32 to vector<16xi32>
      %shift_right_arithmetic3A_969 = arith.shrsi %get3A_966, %shift_right_arithmetic3A_968 : vector<16xi32>
      %swap3A_970 = arith.constant 48 : index
      %swap3A_971 = tpu.vector_load %arg8[%swap3A_970] {strides = array<i32>} : memref<256xi32, #tpu.memory_space<vmem>>, vector<16xi32>,
      tpu.vector_store %arg8[%swap3A_970], %shift_right_arithmetic3A_969 {strides = array<i32>} : memref<256xi32, #tpu.memory_space<vmem>>, vector<16xi32>,
      %get3A_972 = arith.constant 64 : index
      %get3A_973 = tpu.vector_load %arg6[%get3A_972] {strides = array<i32>} : memref<256xi32, #tpu.memory_space<vmem>>, vector<16xi32>,
      %shift_right_arithmetic3A_974 = arith.constant 1 : i32
      %shift_right_arithmetic3A_975 = vector.broadcast %shift_right_arithmetic3A_974 : i32 to vector<16xi32>
      %shift_right_arithmetic3A_976 = arith.shrsi %get3A_973, %shift_right_arithmetic3A_975 : vector<16xi32>
      %swap3A_977 = arith.constant 64 : index
      %swap3A_978 = tpu.vector_load %arg8[%swap3A_977] {strides = array<i32>} : memref<256xi32, #tpu.memory_space<vmem>>, vector<16xi32>,
      tpu.vector_store %arg8[%swap3A_977], %shift_right_arithmetic3A_976 {strides = array<i32>} : memref<256xi32, #tpu.memory_space<vmem>>, vector<16xi32>,
      %get3A_979 = arith.constant 80 : index
      %get3A_980 = tpu.vector_load %arg6[%get3A_979] {strides = array<i32>} : memref<256xi32, #tpu.memory_space<vmem>>, vector<16xi32>,
      %shift_right_arithmetic3A_981 = arith.constant 1 : i32
      %shift_right_arithmetic3A_982 = vector.broadcast %shift_right_arithmetic3A_981 : i32 to vector<16xi32>
      %shift_right_arithmetic3A_983 = arith.shrsi %get3A_980, %shift_right_arithmetic3A_982 : vector<16xi32>
      %swap3A_984 = arith.constant 80 : index
      %swap3A_985 = tpu.vector_load %arg8[%swap3A_984] {strides = array<i32>} : memref<256xi32, #tpu.memory_space<vmem>>, vector<16xi32>,
      tpu.vector_store %arg8[%swap3A_984], %shift_right_arithmetic3A_983 {strides = array<i32>} : memref<256xi32, #tpu.memory_space<vmem>>, vector<16xi32>,
      %get3A_986 = arith.constant 96 : index
      %get3A_987 = tpu.vector_load %arg6[%get3A_986] {strides = array<i32>} : memref<256xi32, #tpu.memory_space<vmem>>, vector<16xi32>,
      %shift_right_arithmetic3A_988 = arith.constant 1 : i32
      %shift_right_arithmetic3A_989 = vector.broadcast %shift_right_arithmetic3A_988 : i32 to vector<16xi32>
      %shift_right_arithmetic3A_990 = arith.shrsi %get3A_987, %shift_right_arithmetic3A_989 : vector<16xi32>
      %swap3A_991 = arith.constant 96 : index
      %swap3A_992 = tpu.vector_load %arg8[%swap3A_991] {strides = array<i32>} : memref<256xi32, #tpu.memory_space<vmem>>, vector<16xi32>,
      tpu.vector_store %arg8[%swap3A_991], %shift_right_arithmetic3A_990 {strides = array<i32>} : memref<256xi32, #tpu.memory_space<vmem>>, vector<16xi32>,
      %get3A_993 = arith.constant 112 : index
      %get3A_994 = tpu.vector_load %arg6[%get3A_993] {strides = array<i32>} : memref<256xi32, #tpu.memory_space<vmem>>, vector<16xi32>,
      %shift_right_arithmetic3A_995 = arith.constant 1 : i32
      %shift_right_arithmetic3A_996 = vector.broadcast %shift_right_arithmetic3A_995 : i32 to vector<16xi32>
      %shift_right_arithmetic3A_997 = arith.shrsi %get3A_994, %shift_right_arithmetic3A_996 : vector<16xi32>
      %swap3A_998 = arith.constant 112 : index
      %swap3A_999 = tpu.vector_load %arg8[%swap3A_998] {strides = array<i32>} : memref<256xi32, #tpu.memory_space<vmem>>, vector<16xi32>,
      tpu.vector_store %arg8[%swap3A_998], %shift_right_arithmetic3A_997 {strides = array<i32>} : memref<256xi32, #tpu.memory_space<vmem>>, vector<16xi32>,
      %get3A_1000 = arith.constant 128 : index
      %get3A_1001 = tpu.vector_load %arg6[%get3A_1000] {strides = array<i32>} : memref<256xi32, #tpu.memory_space<vmem>>, vector<16xi32>,
      %shift_right_arithmetic3A_1002 = arith.constant 1 : i32
      %shift_right_arithmetic3A_1003 = vector.broadcast %shift_right_arithmetic3A_1002 : i32 to vector<16xi32>
      %shift_right_arithmetic3A_1004 = arith.shrsi %get3A_1001, %shift_right_arithmetic3A_1003 : vector<16xi32>
      %swap3A_1005 = arith.constant 128 : index
      %swap3A_1006 = tpu.vector_load %arg8[%swap3A_1005] {strides = array<i32>} : memref<256xi32, #tpu.memory_space<vmem>>, vector<16xi32>,
      tpu.vector_store %arg8[%swap3A_1005], %shift_right_arithmetic3A_1004 {strides = array<i32>} : memref<256xi32, #tpu.memory_space<vmem>>, vector<16xi32>,
      %get3A_1007 = arith.constant 144 : index
      %get3A_1008 = tpu.vector_load %arg6[%get3A_1007] {strides = array<i32>} : memref<256xi32, #tpu.memory_space<vmem>>, vector<16xi32>,
      %shift_right_arithmetic3A_1009 = arith.constant 1 : i32
      %shift_right_arithmetic3A_1010 = vector.broadcast %shift_right_arithmetic3A_1009 : i32 to vector<16xi32>
      %shift_right_arithmetic3A_1011 = arith.shrsi %get3A_1008, %shift_right_arithmetic3A_1010 : vector<16xi32>
      %swap3A_1012 = arith.constant 144 : index
      %swap3A_1013 = tpu.vector_load %arg8[%swap3A_1012] {strides = array<i32>} : memref<256xi32, #tpu.memory_space<vmem>>, vector<16xi32>,
      tpu.vector_store %arg8[%swap3A_1012], %shift_right_arithmetic3A_1011 {strides = array<i32>} : memref<256xi32, #tpu.memory_space<vmem>>, vector<16xi32>,
      %get3A_1014 = arith.constant 160 : index
      %get3A_1015 = tpu.vector_load %arg6[%get3A_1014] {strides = array<i32>} : memref<256xi32, #tpu.memory_space<vmem>>, vector<16xi32>,
      %shift_right_arithmetic3A_1016 = arith.constant 1 : i32
      %shift_right_arithmetic3A_1017 = vector.broadcast %shift_right_arithmetic3A_1016 : i32 to vector<16xi32>
      %shift_right_arithmetic3A_1018 = arith.shrsi %get3A_1015, %shift_right_arithmetic3A_1017 : vector<16xi32>
      %swap3A_1019 = arith.constant 160 : index
      %swap3A_1020 = tpu.vector_load %arg8[%swap3A_1019] {strides = array<i32>} : memref<256xi32, #tpu.memory_space<vmem>>, vector<16xi32>,
      tpu.vector_store %arg8[%swap3A_1019], %shift_right_arithmetic3A_1018 {strides = array<i32>} : memref<256xi32, #tpu.memory_space<vmem>>, vector<16xi32>,
      %get3A_1021 = arith.constant 176 : index
      %get3A_1022 = tpu.vector_load %arg6[%get3A_1021] {strides = array<i32>} : memref<256xi32, #tpu.memory_space<vmem>>, vector<16xi32>,
      %shift_right_arithmetic3A_1023 = arith.constant 1 : i32
      %shift_right_arithmetic3A_1024 = vector.broadcast %shift_right_arithmetic3A_1023 : i32 to vector<16xi32>
      %shift_right_arithmetic3A_1025 = arith.shrsi %get3A_1022, %shift_right_arithmetic3A_1024 : vector<16xi32>
      %swap3A_1026 = arith.constant 176 : index
      %swap3A_1027 = tpu.vector_load %arg8[%swap3A_1026] {strides = array<i32>} : memref<256xi32, #tpu.memory_space<vmem>>, vector<16xi32>,
      tpu.vector_store %arg8[%swap3A_1026], %shift_right_arithmetic3A_1025 {strides = array<i32>} : memref<256xi32, #tpu.memory_space<vmem>>, vector<16xi32>,
      %get3A_1028 = arith.constant 192 : index
      %get3A_1029 = tpu.vector_load %arg6[%get3A_1028] {strides = array<i32>} : memref<256xi32, #tpu.memory_space<vmem>>, vector<16xi32>,
      %shift_right_arithmetic3A_1030 = arith.constant 1 : i32
      %shift_right_arithmetic3A_1031 = vector.broadcast %shift_right_arithmetic3A_1030 : i32 to vector<16xi32>
      %shift_right_arithmetic3A_1032 = arith.shrsi %get3A_1029, %shift_right_arithmetic3A_1031 : vector<16xi32>
      %swap3A_1033 = arith.constant 192 : index
      %swap3A_1034 = tpu.vector_load %arg8[%swap3A_1033] {strides = array<i32>} : memref<256xi32, #tpu.memory_space<vmem>>, vector<16xi32>,
      tpu.vector_store %arg8[%swap3A_1033], %shift_right_arithmetic3A_1032 {strides = array<i32>} : memref<256xi32, #tpu.memory_space<vmem>>, vector<16xi32>,
      %get3A_1035 = arith.constant 208 : index
      %get3A_1036 = tpu.vector_load %arg6[%get3A_1035] {strides = array<i32>} : memref<256xi32, #tpu.memory_space<vmem>>, vector<16xi32>,
      %shift_right_arithmetic3A_1037 = arith.constant 1 : i32
      %shift_right_arithmetic3A_1038 = vector.broadcast %shift_right_arithmetic3A_1037 : i32 to vector<16xi32>
      %shift_right_arithmetic3A_1039 = arith.shrsi %get3A_1036, %shift_right_arithmetic3A_1038 : vector<16xi32>
      %swap3A_1040 = arith.constant 208 : index
      %swap3A_1041 = tpu.vector_load %arg8[%swap3A_1040] {strides = array<i32>} : memref<256xi32, #tpu.memory_space<vmem>>, vector<16xi32>,
      tpu.vector_store %arg8[%swap3A_1040], %shift_right_arithmetic3A_1039 {strides = array<i32>} : memref<256xi32, #tpu.memory_space<vmem>>, vector<16xi32>,
      %get3A_1042 = arith.constant 224 : index
      %get3A_1043 = tpu.vector_load %arg6[%get3A_1042] {strides = array<i32>} : memref<256xi32, #tpu.memory_space<vmem>>, vector<16xi32>,
      %shift_right_arithmetic3A_1044 = arith.constant 1 : i32
      %shift_right_arithmetic3A_1045 = vector.broadcast %shift_right_arithmetic3A_1044 : i32 to vector<16xi32>
      %shift_right_arithmetic3A_1046 = arith.shrsi %get3A_1043, %shift_right_arithmetic3A_1045 : vector<16xi32>
      %swap3A_1047 = arith.constant 224 : index
      %swap3A_1048 = tpu.vector_load %arg8[%swap3A_1047] {strides = array<i32>} : memref<256xi32, #tpu.memory_space<vmem>>, vector<16xi32>,
      tpu.vector_store %arg8[%swap3A_1047], %shift_right_arithmetic3A_1046 {strides = array<i32>} : memref<256xi32, #tpu.memory_space<vmem>>, vector<16xi32>,
      %get3A_1049 = arith.constant 240 : index
      %get3A_1050 = tpu.vector_load %arg6[%get3A_1049] {strides = array<i32>} : memref<256xi32, #tpu.memory_space<vmem>>, vector<16xi32>,
      %shift_right_arithmetic3A_1051 = arith.constant 1 : i32
      %shift_right_arithmetic3A_1052 = vector.broadcast %shift_right_arithmetic3A_1051 : i32 to vector<16xi32>
      %shift_right_arithmetic3A_1053 = arith.shrsi %get3A_1050, %shift_right_arithmetic3A_1052 : vector<16xi32>
      %swap3A_1054 = arith.constant 240 : index
      %swap3A_1055 = tpu.vector_load %arg8[%swap3A_1054] {strides = array<i32>} : memref<256xi32, #tpu.memory_space<vmem>>, vector<16xi32>,
      tpu.vector_store %arg8[%swap3A_1054], %shift_right_arithmetic3A_1053 {strides = array<i32>} : memref<256xi32, #tpu.memory_space<vmem>>, vector<16xi32>,
      %dma_start3A_1056 = arith.constant 0 : i32
      %dma_start3A_1057 = arith.constant 0 : i32
      %dma_start3A_1058 = tpu.memref_slice %arg3[%dma_start3A_1056, %dma_start3A_1057] : memref<50000x128xf32, #tpu.memory_space<hbm>> -> memref<50000x128xf32, #tpu.memory_space<hbm>>
      tpu.enqueue_indirect_dma source(%dma_start3A_1058 : memref<50000x128xf32, #tpu.memory_space<hbm>>) target(%arg10 : memref<256x128xf32, #tpu.memory_space<vmem>>) offsets(%arg8 : memref<256xi32, #tpu.memory_space<vmem>>) semaphore(%arg14 : memref<!tpu.dma_semaphore, #tpu.memory_space<semaphore_mem>>)
      %dma_wait3A_1059 = arith.constant 0 : i32
      %dma_wait3A_1060 = arith.constant 0 : i32
      %dma_wait3A_1061 = tpu.memref_slice %arg3[%dma_wait3A_1059, %dma_wait3A_1060] : memref<50000x128xf32, #tpu.memory_space<hbm>> -> memref<50000x128xf32, #tpu.memory_space<hbm>>
      tpu.wait_indirect_dma semaphore(%arg13 : memref<!tpu.dma_semaphore, #tpu.memory_space<semaphore_mem>>) src(%dma_wait3A_1061 : memref<50000x128xf32, #tpu.memory_space<hbm>>) dst(%arg9 : memref<256x128xf32, #tpu.memory_space<vmem>>)
      %iota3A_1062 = tpu.iota {dimensions = array<i32: 0>} : vector<16xi32>
      %add3A_1063 = arith.constant 0 : i32
      %add3A_1064 = vector.broadcast %add3A_1063 : i32 to vector<16xi32>
      %add3A_1065 = arith.addi %iota3A_1062, %add3A_1064 : vector<16xi32>
      %and3A_1066 = arith.constant 15 : i32
      %and3A_1067 = vector.broadcast %and3A_1066 : i32 to vector<16xi32>
      %and3A_1068 = arith.andi %add3A_1065, %and3A_1067 : vector<16xi32>
      %add3A_1069 = arith.constant 1 : i32
      %add3A_1070 = vector.broadcast %add3A_1069 : i32 to vector<16xi32>
      %add3A_1071 = arith.addi %iota3A_1062, %add3A_1070 : vector<16xi32>
      %and3A_1072 = arith.constant 15 : i32
      %and3A_1073 = vector.broadcast %and3A_1072 : i32 to vector<16xi32>
      %and3A_1074 = arith.andi %add3A_1071, %and3A_1073 : vector<16xi32>
      %add3A_1075 = arith.constant 2 : i32
      %add3A_1076 = vector.broadcast %add3A_1075 : i32 to vector<16xi32>
      %add3A_1077 = arith.addi %iota3A_1062, %add3A_1076 : vector<16xi32>
      %and3A_1078 = arith.constant 15 : i32
      %and3A_1079 = vector.broadcast %and3A_1078 : i32 to vector<16xi32>
      %and3A_1080 = arith.andi %add3A_1077, %and3A_1079 : vector<16xi32>
      %add3A_1081 = arith.constant 3 : i32
      %add3A_1082 = vector.broadcast %add3A_1081 : i32 to vector<16xi32>
      %add3A_1083 = arith.addi %iota3A_1062, %add3A_1082 : vector<16xi32>
      %and3A_1084 = arith.constant 15 : i32
      %and3A_1085 = vector.broadcast %and3A_1084 : i32 to vector<16xi32>
      %and3A_1086 = arith.andi %add3A_1083, %and3A_1085 : vector<16xi32>
      %add3A_1087 = arith.constant 4 : i32
      %add3A_1088 = vector.broadcast %add3A_1087 : i32 to vector<16xi32>
      %add3A_1089 = arith.addi %iota3A_1062, %add3A_1088 : vector<16xi32>
      %and3A_1090 = arith.constant 15 : i32
      %and3A_1091 = vector.broadcast %and3A_1090 : i32 to vector<16xi32>
      %and3A_1092 = arith.andi %add3A_1089, %and3A_1091 : vector<16xi32>
      %add3A_1093 = arith.constant 5 : i32
      %add3A_1094 = vector.broadcast %add3A_1093 : i32 to vector<16xi32>
      %add3A_1095 = arith.addi %iota3A_1062, %add3A_1094 : vector<16xi32>
      %and3A_1096 = arith.constant 15 : i32
      %and3A_1097 = vector.broadcast %and3A_1096 : i32 to vector<16xi32>
      %and3A_1098 = arith.andi %add3A_1095, %and3A_1097 : vector<16xi32>
      %add3A_1099 = arith.constant 6 : i32
      %add3A_1100 = vector.broadcast %add3A_1099 : i32 to vector<16xi32>
      %add3A_1101 = arith.addi %iota3A_1062, %add3A_1100 : vector<16xi32>
      %and3A_1102 = arith.constant 15 : i32
      %and3A_1103 = vector.broadcast %and3A_1102 : i32 to vector<16xi32>
      %and3A_1104 = arith.andi %add3A_1101, %and3A_1103 : vector<16xi32>
      %add3A_1105 = arith.constant 7 : i32
      %add3A_1106 = vector.broadcast %add3A_1105 : i32 to vector<16xi32>
      %add3A_1107 = arith.addi %iota3A_1062, %add3A_1106 : vector<16xi32>
      %and3A_1108 = arith.constant 15 : i32
      %and3A_1109 = vector.broadcast %and3A_1108 : i32 to vector<16xi32>
      %and3A_1110 = arith.andi %add3A_1107, %and3A_1109 : vector<16xi32>
      %add3A_1111 = arith.constant 8 : i32
      %add3A_1112 = vector.broadcast %add3A_1111 : i32 to vector<16xi32>
      %add3A_1113 = arith.addi %iota3A_1062, %add3A_1112 : vector<16xi32>
      %and3A_1114 = arith.constant 15 : i32
      %and3A_1115 = vector.broadcast %and3A_1114 : i32 to vector<16xi32>
      %and3A_1116 = arith.andi %add3A_1113, %and3A_1115 : vector<16xi32>
      %add3A_1117 = arith.constant 9 : i32
      %add3A_1118 = vector.broadcast %add3A_1117 : i32 to vector<16xi32>
      %add3A_1119 = arith.addi %iota3A_1062, %add3A_1118 : vector<16xi32>
      %and3A_1120 = arith.constant 15 : i32
      %and3A_1121 = vector.broadcast %and3A_1120 : i32 to vector<16xi32>
      %and3A_1122 = arith.andi %add3A_1119, %and3A_1121 : vector<16xi32>
      %add3A_1123 = arith.constant 10 : i32
      %add3A_1124 = vector.broadcast %add3A_1123 : i32 to vector<16xi32>
      %add3A_1125 = arith.addi %iota3A_1062, %add3A_1124 : vector<16xi32>
      %and3A_1126 = arith.constant 15 : i32
      %and3A_1127 = vector.broadcast %and3A_1126 : i32 to vector<16xi32>
      %and3A_1128 = arith.andi %add3A_1125, %and3A_1127 : vector<16xi32>
      %add3A_1129 = arith.constant 11 : i32
      %add3A_1130 = vector.broadcast %add3A_1129 : i32 to vector<16xi32>
      %add3A_1131 = arith.addi %iota3A_1062, %add3A_1130 : vector<16xi32>
      %and3A_1132 = arith.constant 15 : i32
      %and3A_1133 = vector.broadcast %and3A_1132 : i32 to vector<16xi32>
      %and3A_1134 = arith.andi %add3A_1131, %and3A_1133 : vector<16xi32>
      %add3A_1135 = arith.constant 12 : i32
      %add3A_1136 = vector.broadcast %add3A_1135 : i32 to vector<16xi32>
      %add3A_1137 = arith.addi %iota3A_1062, %add3A_1136 : vector<16xi32>
      %and3A_1138 = arith.constant 15 : i32
      %and3A_1139 = vector.broadcast %and3A_1138 : i32 to vector<16xi32>
      %and3A_1140 = arith.andi %add3A_1137, %and3A_1139 : vector<16xi32>
      %add3A_1141 = arith.constant 13 : i32
      %add3A_1142 = vector.broadcast %add3A_1141 : i32 to vector<16xi32>
      %add3A_1143 = arith.addi %iota3A_1062, %add3A_1142 : vector<16xi32>
      %and3A_1144 = arith.constant 15 : i32
      %and3A_1145 = vector.broadcast %and3A_1144 : i32 to vector<16xi32>
      %and3A_1146 = arith.andi %add3A_1143, %and3A_1145 : vector<16xi32>
      %add3A_1147 = arith.constant 14 : i32
      %add3A_1148 = vector.broadcast %add3A_1147 : i32 to vector<16xi32>
      %add3A_1149 = arith.addi %iota3A_1062, %add3A_1148 : vector<16xi32>
      %and3A_1150 = arith.constant 15 : i32
      %and3A_1151 = vector.broadcast %and3A_1150 : i32 to vector<16xi32>
      %and3A_1152 = arith.andi %add3A_1149, %and3A_1151 : vector<16xi32>
      %add3A_1153 = arith.constant 15 : i32
      %add3A_1154 = vector.broadcast %add3A_1153 : i32 to vector<16xi32>
      %add3A_1155 = arith.addi %iota3A_1062, %add3A_1154 : vector<16xi32>
      %and3A_1156 = arith.constant 15 : i32
      %and3A_1157 = vector.broadcast %and3A_1156 : i32 to vector<16xi32>
      %and3A_1158 = arith.andi %add3A_1155, %and3A_1157 : vector<16xi32>
      %parallel_loop3A_1159 = arith.constant 0 : i32
      %parallel_loop3A_1160 = arith.constant 64 : i32
      %parallel_loop3A_1161 = arith.constant 1 : i32
      scf.for %parallel_loop3A_1410 = %parallel_loop3A_1159 to %parallel_loop3A_1160 step %parallel_loop3A_1161  : i32 {
        %parallel_loop3A_1411 = arith.constant 4 : i32
        %parallel_loop3A_1412 = arith.divsi %parallel_loop3A_1410, %parallel_loop3A_1411 : i32
        %parallel_loop3A_1413 = arith.constant 0 : i32
        %parallel_loop3A_1414 = arith.cmpi sgt, %parallel_loop3A_1410, %parallel_loop3A_1413 : i32
        %parallel_loop3A_1415 = arith.extui %parallel_loop3A_1414 : i1 to i32
        %parallel_loop3A_1416 = arith.constant 0 : i32
        %parallel_loop3A_1417 = arith.cmpi slt, %parallel_loop3A_1410, %parallel_loop3A_1416 : i32
        %parallel_loop3A_1418 = arith.extui %parallel_loop3A_1417 : i1 to i32
        %parallel_loop3A_1419 = arith.subi %parallel_loop3A_1415, %parallel_loop3A_1418 : i32
        %parallel_loop3A_1420 = arith.constant 0 : i32
        %parallel_loop3A_1421 = arith.cmpi sgt, %parallel_loop3A_1411, %parallel_loop3A_1420 : i32
        %parallel_loop3A_1422 = arith.extui %parallel_loop3A_1421 : i1 to i32
        %parallel_loop3A_1423 = arith.constant 0 : i32
        %parallel_loop3A_1424 = arith.cmpi slt, %parallel_loop3A_1411, %parallel_loop3A_1423 : i32
        %parallel_loop3A_1425 = arith.extui %parallel_loop3A_1424 : i1 to i32
        %parallel_loop3A_1426 = arith.subi %parallel_loop3A_1422, %parallel_loop3A_1425 : i32
        %parallel_loop3A_1427 = arith.cmpi ne, %parallel_loop3A_1419, %parallel_loop3A_1426 : i32
        %parallel_loop3A_1428 = arith.remsi %parallel_loop3A_1410, %parallel_loop3A_1411 : i32
        %parallel_loop3A_1429 = arith.constant 0 : i32
        %parallel_loop3A_1430 = arith.cmpi ne, %parallel_loop3A_1428, %parallel_loop3A_1429 : i32
        %parallel_loop3A_1431 = arith.andi %parallel_loop3A_1427, %parallel_loop3A_1430 : i1
        %parallel_loop3A_1432 = arith.constant 1 : i32
        %parallel_loop3A_1433 = arith.subi %parallel_loop3A_1412, %parallel_loop3A_1432 : i32
        %parallel_loop3A_1434 = arith.select %parallel_loop3A_1431, %parallel_loop3A_1433, %parallel_loop3A_1412 : i32
        %parallel_loop3A_1435 = arith.constant 4 : i32
        %parallel_loop3A_1436 = arith.constant 0 : i32
        %parallel_loop3A_1437 = arith.cmpi eq, %parallel_loop3A_1435, %parallel_loop3A_1436 : i32
        %parallel_loop3A_1438 = arith.constant 1 : i32
        %parallel_loop3A_1439 = arith.select %parallel_loop3A_1437, %parallel_loop3A_1438, %parallel_loop3A_1435 : i32
        %parallel_loop3A_1440 = arith.remsi %parallel_loop3A_1410, %parallel_loop3A_1439 : i32
        %parallel_loop3A_1441 = arith.constant 0 : i32
        %parallel_loop3A_1442 = arith.cmpi ne, %parallel_loop3A_1440, %parallel_loop3A_1441 : i32
        %parallel_loop3A_1443 = arith.constant 0 : i32
        %parallel_loop3A_1444 = arith.cmpi slt, %parallel_loop3A_1440, %parallel_loop3A_1443 : i32
        %parallel_loop3A_1445 = arith.constant 0 : i32
        %parallel_loop3A_1446 = arith.cmpi slt, %parallel_loop3A_1439, %parallel_loop3A_1445 : i32
        %parallel_loop3A_1447 = arith.xori %parallel_loop3A_1444, %parallel_loop3A_1446 : i1
        %parallel_loop3A_1448 = arith.andi %parallel_loop3A_1447, %parallel_loop3A_1442 : i1
        %parallel_loop3A_1449 = arith.addi %parallel_loop3A_1440, %parallel_loop3A_1439 : i32
        %parallel_loop3A_1450 = arith.select %parallel_loop3A_1448, %parallel_loop3A_1449, %parallel_loop3A_1440 : i32
        %parallel_loop3A_1451 = arith.constant 16 : i32
        %parallel_loop3A_1452 = arith.muli %parallel_loop3A_1451, %parallel_loop3A_1434 : i32
        %parallel_loop3A_1453 = vector.broadcast %parallel_loop3A_1452 : i32 to vector<16xi32>
        %parallel_loop3A_1454 = arith.addi %iota3A_1062, %parallel_loop3A_1453 : vector<16xi32>
        %parallel_loop3A_1455 = arith.index_cast %parallel_loop3A_1452 : i32 to index
        %parallel_loop3A_1456 = tpu.vector_load %arg5[%parallel_loop3A_1455] {strides = array<i32>} : memref<256xi32, #tpu.memory_space<vmem>>, vector<16xi32>,
        %parallel_loop3A_1457 = arith.constant 1 : i32
        %parallel_loop3A_1458 = vector.broadcast %parallel_loop3A_1457 : i32 to vector<16xi32>
        %parallel_loop3A_1459 = arith.andi %parallel_loop3A_1456, %parallel_loop3A_1458 : vector<16xi32>
        %parallel_loop3A_1460 = arith.constant 6 : i32
        %parallel_loop3A_1461 = vector.broadcast %parallel_loop3A_1460 : i32 to vector<16xi32>
        %parallel_loop3A_1462 = arith.shli %parallel_loop3A_1459, %parallel_loop3A_1461 : vector<16xi32>
        %parallel_loop3A_1463 = arith.constant 16 : i32
        %parallel_loop3A_1464 = arith.muli %parallel_loop3A_1463, %parallel_loop3A_1450 : i32
        %parallel_loop3A_1465 = vector.broadcast %parallel_loop3A_1464 : i32 to vector<16xi32>
        %parallel_loop3A_1466 = arith.addi %and3A_1068, %parallel_loop3A_1465 : vector<16xi32>
        %parallel_loop3A_1467 = arith.addi %parallel_loop3A_1462, %parallel_loop3A_1466 : vector<16xi32>
        %parallel_loop3A_1468 = tpu.vector_load_idx %arg9[%parallel_loop3A_1454, %parallel_loop3A_1467] : memref<256x128xf32, #tpu.memory_space<vmem>>[vector<16xi32>, vector<16xi32>], vector<16xf32>,
        tpu.vector_store_idx %arg11[%parallel_loop3A_1466, %parallel_loop3A_1454], %parallel_loop3A_1468 : memref<64x256xf32, #tpu.memory_space<vmem>>[vector<16xi32>, vector<16xi32>], vector<16xf32>,
        %parallel_loop3A_1469 = arith.constant 16 : i32
        %parallel_loop3A_1470 = arith.muli %parallel_loop3A_1469, %parallel_loop3A_1450 : i32
        %parallel_loop3A_1471 = vector.broadcast %parallel_loop3A_1470 : i32 to vector<16xi32>
        %parallel_loop3A_1472 = arith.addi %and3A_1074, %parallel_loop3A_1471 : vector<16xi32>
        %parallel_loop3A_1473 = arith.addi %parallel_loop3A_1462, %parallel_loop3A_1472 : vector<16xi32>
        %parallel_loop3A_1474 = tpu.vector_load_idx %arg9[%parallel_loop3A_1454, %parallel_loop3A_1473] : memref<256x128xf32, #tpu.memory_space<vmem>>[vector<16xi32>, vector<16xi32>], vector<16xf32>,
        tpu.vector_store_idx %arg11[%parallel_loop3A_1472, %parallel_loop3A_1454], %parallel_loop3A_1474 : memref<64x256xf32, #tpu.memory_space<vmem>>[vector<16xi32>, vector<16xi32>], vector<16xf32>,
        %parallel_loop3A_1475 = arith.constant 16 : i32
        %parallel_loop3A_1476 = arith.muli %parallel_loop3A_1475, %parallel_loop3A_1450 : i32
        %parallel_loop3A_1477 = vector.broadcast %parallel_loop3A_1476 : i32 to vector<16xi32>
        %parallel_loop3A_1478 = arith.addi %and3A_1080, %parallel_loop3A_1477 : vector<16xi32>
        %parallel_loop3A_1479 = arith.addi %parallel_loop3A_1462, %parallel_loop3A_1478 : vector<16xi32>
        %parallel_loop3A_1480 = tpu.vector_load_idx %arg9[%parallel_loop3A_1454, %parallel_loop3A_1479] : memref<256x128xf32, #tpu.memory_space<vmem>>[vector<16xi32>, vector<16xi32>], vector<16xf32>,
        tpu.vector_store_idx %arg11[%parallel_loop3A_1478, %parallel_loop3A_1454], %parallel_loop3A_1480 : memref<64x256xf32, #tpu.memory_space<vmem>>[vector<16xi32>, vector<16xi32>], vector<16xf32>,
        %parallel_loop3A_1481 = arith.constant 16 : i32
        %parallel_loop3A_1482 = arith.muli %parallel_loop3A_1481, %parallel_loop3A_1450 : i32
        %parallel_loop3A_1483 = vector.broadcast %parallel_loop3A_1482 : i32 to vector<16xi32>
        %parallel_loop3A_1484 = arith.addi %and3A_1086, %parallel_loop3A_1483 : vector<16xi32>
        %parallel_loop3A_1485 = arith.addi %parallel_loop3A_1462, %parallel_loop3A_1484 : vector<16xi32>
        %parallel_loop3A_1486 = tpu.vector_load_idx %arg9[%parallel_loop3A_1454, %parallel_loop3A_1485] : memref<256x128xf32, #tpu.memory_space<vmem>>[vector<16xi32>, vector<16xi32>], vector<16xf32>,
        tpu.vector_store_idx %arg11[%parallel_loop3A_1484, %parallel_loop3A_1454], %parallel_loop3A_1486 : memref<64x256xf32, #tpu.memory_space<vmem>>[vector<16xi32>, vector<16xi32>], vector<16xf32>,
        %parallel_loop3A_1487 = arith.constant 16 : i32
        %parallel_loop3A_1488 = arith.muli %parallel_loop3A_1487, %parallel_loop3A_1450 : i32
        %parallel_loop3A_1489 = vector.broadcast %parallel_loop3A_1488 : i32 to vector<16xi32>
        %parallel_loop3A_1490 = arith.addi %and3A_1092, %parallel_loop3A_1489 : vector<16xi32>
        %parallel_loop3A_1491 = arith.addi %parallel_loop3A_1462, %parallel_loop3A_1490 : vector<16xi32>
        %parallel_loop3A_1492 = tpu.vector_load_idx %arg9[%parallel_loop3A_1454, %parallel_loop3A_1491] : memref<256x128xf32, #tpu.memory_space<vmem>>[vector<16xi32>, vector<16xi32>], vector<16xf32>,
        tpu.vector_store_idx %arg11[%parallel_loop3A_1490, %parallel_loop3A_1454], %parallel_loop3A_1492 : memref<64x256xf32, #tpu.memory_space<vmem>>[vector<16xi32>, vector<16xi32>], vector<16xf32>,
        %parallel_loop3A_1493 = arith.constant 16 : i32
        %parallel_loop3A_1494 = arith.muli %parallel_loop3A_1493, %parallel_loop3A_1450 : i32
        %parallel_loop3A_1495 = vector.broadcast %parallel_loop3A_1494 : i32 to vector<16xi32>
        %parallel_loop3A_1496 = arith.addi %and3A_1098, %parallel_loop3A_1495 : vector<16xi32>
        %parallel_loop3A_1497 = arith.addi %parallel_loop3A_1462, %parallel_loop3A_1496 : vector<16xi32>
        %parallel_loop3A_1498 = tpu.vector_load_idx %arg9[%parallel_loop3A_1454, %parallel_loop3A_1497] : memref<256x128xf32, #tpu.memory_space<vmem>>[vector<16xi32>, vector<16xi32>], vector<16xf32>,
        tpu.vector_store_idx %arg11[%parallel_loop3A_1496, %parallel_loop3A_1454], %parallel_loop3A_1498 : memref<64x256xf32, #tpu.memory_space<vmem>>[vector<16xi32>, vector<16xi32>], vector<16xf32>,
        %parallel_loop3A_1499 = arith.constant 16 : i32
        %parallel_loop3A_1500 = arith.muli %parallel_loop3A_1499, %parallel_loop3A_1450 : i32
        %parallel_loop3A_1501 = vector.broadcast %parallel_loop3A_1500 : i32 to vector<16xi32>
        %parallel_loop3A_1502 = arith.addi %and3A_1104, %parallel_loop3A_1501 : vector<16xi32>
        %parallel_loop3A_1503 = arith.addi %parallel_loop3A_1462, %parallel_loop3A_1502 : vector<16xi32>
        %parallel_loop3A_1504 = tpu.vector_load_idx %arg9[%parallel_loop3A_1454, %parallel_loop3A_1503] : memref<256x128xf32, #tpu.memory_space<vmem>>[vector<16xi32>, vector<16xi32>], vector<16xf32>,
        tpu.vector_store_idx %arg11[%parallel_loop3A_1502, %parallel_loop3A_1454], %parallel_loop3A_1504 : memref<64x256xf32, #tpu.memory_space<vmem>>[vector<16xi32>, vector<16xi32>], vector<16xf32>,
        %parallel_loop3A_1505 = arith.constant 16 : i32
        %parallel_loop3A_1506 = arith.muli %parallel_loop3A_1505, %parallel_loop3A_1450 : i32
        %parallel_loop3A_1507 = vector.broadcast %parallel_loop3A_1506 : i32 to vector<16xi32>
        %parallel_loop3A_1508 = arith.addi %and3A_1110, %parallel_loop3A_1507 : vector<16xi32>
        %parallel_loop3A_1509 = arith.addi %parallel_loop3A_1462, %parallel_loop3A_1508 : vector<16xi32>
        %parallel_loop3A_1510 = tpu.vector_load_idx %arg9[%parallel_loop3A_1454, %parallel_loop3A_1509] : memref<256x128xf32, #tpu.memory_space<vmem>>[vector<16xi32>, vector<16xi32>], vector<16xf32>,
        tpu.vector_store_idx %arg11[%parallel_loop3A_1508, %parallel_loop3A_1454], %parallel_loop3A_1510 : memref<64x256xf32, #tpu.memory_space<vmem>>[vector<16xi32>, vector<16xi32>], vector<16xf32>,
        %parallel_loop3A_1511 = arith.constant 16 : i32
        %parallel_loop3A_1512 = arith.muli %parallel_loop3A_1511, %parallel_loop3A_1450 : i32
        %parallel_loop3A_1513 = vector.broadcast %parallel_loop3A_1512 : i32 to vector<16xi32>
        %parallel_loop3A_1514 = arith.addi %and3A_1116, %parallel_loop3A_1513 : vector<16xi32>
        %parallel_loop3A_1515 = arith.addi %parallel_loop3A_1462, %parallel_loop3A_1514 : vector<16xi32>
        %parallel_loop3A_1516 = tpu.vector_load_idx %arg9[%parallel_loop3A_1454, %parallel_loop3A_1515] : memref<256x128xf32, #tpu.memory_space<vmem>>[vector<16xi32>, vector<16xi32>], vector<16xf32>,
        tpu.vector_store_idx %arg11[%parallel_loop3A_1514, %parallel_loop3A_1454], %parallel_loop3A_1516 : memref<64x256xf32, #tpu.memory_space<vmem>>[vector<16xi32>, vector<16xi32>], vector<16xf32>,
        %parallel_loop3A_1517 = arith.constant 16 : i32
        %parallel_loop3A_1518 = arith.muli %parallel_loop3A_1517, %parallel_loop3A_1450 : i32
        %parallel_loop3A_1519 = vector.broadcast %parallel_loop3A_1518 : i32 to vector<16xi32>
        %parallel_loop3A_1520 = arith.addi %and3A_1122, %parallel_loop3A_1519 : vector<16xi32>
        %parallel_loop3A_1521 = arith.addi %parallel_loop3A_1462, %parallel_loop3A_1520 : vector<16xi32>
        %parallel_loop3A_1522 = tpu.vector_load_idx %arg9[%parallel_loop3A_1454, %parallel_loop3A_1521] : memref<256x128xf32, #tpu.memory_space<vmem>>[vector<16xi32>, vector<16xi32>], vector<16xf32>,
        tpu.vector_store_idx %arg11[%parallel_loop3A_1520, %parallel_loop3A_1454], %parallel_loop3A_1522 : memref<64x256xf32, #tpu.memory_space<vmem>>[vector<16xi32>, vector<16xi32>], vector<16xf32>,
        %parallel_loop3A_1523 = arith.constant 16 : i32
        %parallel_loop3A_1524 = arith.muli %parallel_loop3A_1523, %parallel_loop3A_1450 : i32
        %parallel_loop3A_1525 = vector.broadcast %parallel_loop3A_1524 : i32 to vector<16xi32>
        %parallel_loop3A_1526 = arith.addi %and3A_1128, %parallel_loop3A_1525 : vector<16xi32>
        %parallel_loop3A_1527 = arith.addi %parallel_loop3A_1462, %parallel_loop3A_1526 : vector<16xi32>
        %parallel_loop3A_1528 = tpu.vector_load_idx %arg9[%parallel_loop3A_1454, %parallel_loop3A_1527] : memref<256x128xf32, #tpu.memory_space<vmem>>[vector<16xi32>, vector<16xi32>], vector<16xf32>,
        tpu.vector_store_idx %arg11[%parallel_loop3A_1526, %parallel_loop3A_1454], %parallel_loop3A_1528 : memref<64x256xf32, #tpu.memory_space<vmem>>[vector<16xi32>, vector<16xi32>], vector<16xf32>,
        %parallel_loop3A_1529 = arith.constant 16 : i32
        %parallel_loop3A_1530 = arith.muli %parallel_loop3A_1529, %parallel_loop3A_1450 : i32
        %parallel_loop3A_1531 = vector.broadcast %parallel_loop3A_1530 : i32 to vector<16xi32>
        %parallel_loop3A_1532 = arith.addi %and3A_1134, %parallel_loop3A_1531 : vector<16xi32>
        %parallel_loop3A_1533 = arith.addi %parallel_loop3A_1462, %parallel_loop3A_1532 : vector<16xi32>
        %parallel_loop3A_1534 = tpu.vector_load_idx %arg9[%parallel_loop3A_1454, %parallel_loop3A_1533] : memref<256x128xf32, #tpu.memory_space<vmem>>[vector<16xi32>, vector<16xi32>], vector<16xf32>,
        tpu.vector_store_idx %arg11[%parallel_loop3A_1532, %parallel_loop3A_1454], %parallel_loop3A_1534 : memref<64x256xf32, #tpu.memory_space<vmem>>[vector<16xi32>, vector<16xi32>], vector<16xf32>,
        %parallel_loop3A_1535 = arith.constant 16 : i32
        %parallel_loop3A_1536 = arith.muli %parallel_loop3A_1535, %parallel_loop3A_1450 : i32
        %parallel_loop3A_1537 = vector.broadcast %parallel_loop3A_1536 : i32 to vector<16xi32>
        %parallel_loop3A_1538 = arith.addi %and3A_1140, %parallel_loop3A_1537 : vector<16xi32>
        %parallel_loop3A_1539 = arith.addi %parallel_loop3A_1462, %parallel_loop3A_1538 : vector<16xi32>
        %parallel_loop3A_1540 = tpu.vector_load_idx %arg9[%parallel_loop3A_1454, %parallel_loop3A_1539] : memref<256x128xf32, #tpu.memory_space<vmem>>[vector<16xi32>, vector<16xi32>], vector<16xf32>,
        tpu.vector_store_idx %arg11[%parallel_loop3A_1538, %parallel_loop3A_1454], %parallel_loop3A_1540 : memref<64x256xf32, #tpu.memory_space<vmem>>[vector<16xi32>, vector<16xi32>], vector<16xf32>,
        %parallel_loop3A_1541 = arith.constant 16 : i32
        %parallel_loop3A_1542 = arith.muli %parallel_loop3A_1541, %parallel_loop3A_1450 : i32
        %parallel_loop3A_1543 = vector.broadcast %parallel_loop3A_1542 : i32 to vector<16xi32>
        %parallel_loop3A_1544 = arith.addi %and3A_1146, %parallel_loop3A_1543 : vector<16xi32>
        %parallel_loop3A_1545 = arith.addi %parallel_loop3A_1462, %parallel_loop3A_1544 : vector<16xi32>
        %parallel_loop3A_1546 = tpu.vector_load_idx %arg9[%parallel_loop3A_1454, %parallel_loop3A_1545] : memref<256x128xf32, #tpu.memory_space<vmem>>[vector<16xi32>, vector<16xi32>], vector<16xf32>,
        tpu.vector_store_idx %arg11[%parallel_loop3A_1544, %parallel_loop3A_1454], %parallel_loop3A_1546 : memref<64x256xf32, #tpu.memory_space<vmem>>[vector<16xi32>, vector<16xi32>], vector<16xf32>,
        %parallel_loop3A_1547 = arith.constant 16 : i32
        %parallel_loop3A_1548 = arith.muli %parallel_loop3A_1547, %parallel_loop3A_1450 : i32
        %parallel_loop3A_1549 = vector.broadcast %parallel_loop3A_1548 : i32 to vector<16xi32>
        %parallel_loop3A_1550 = arith.addi %and3A_1152, %parallel_loop3A_1549 : vector<16xi32>
        %parallel_loop3A_1551 = arith.addi %parallel_loop3A_1462, %parallel_loop3A_1550 : vector<16xi32>
        %parallel_loop3A_1552 = tpu.vector_load_idx %arg9[%parallel_loop3A_1454, %parallel_loop3A_1551] : memref<256x128xf32, #tpu.memory_space<vmem>>[vector<16xi32>, vector<16xi32>], vector<16xf32>,
        tpu.vector_store_idx %arg11[%parallel_loop3A_1550, %parallel_loop3A_1454], %parallel_loop3A_1552 : memref<64x256xf32, #tpu.memory_space<vmem>>[vector<16xi32>, vector<16xi32>], vector<16xf32>,
        %parallel_loop3A_1553 = arith.constant 16 : i32
        %parallel_loop3A_1554 = arith.muli %parallel_loop3A_1553, %parallel_loop3A_1450 : i32
        %parallel_loop3A_1555 = vector.broadcast %parallel_loop3A_1554 : i32 to vector<16xi32>
        %parallel_loop3A_1556 = arith.addi %and3A_1158, %parallel_loop3A_1555 : vector<16xi32>
        %parallel_loop3A_1557 = arith.addi %parallel_loop3A_1462, %parallel_loop3A_1556 : vector<16xi32>
        %parallel_loop3A_1558 = tpu.vector_load_idx %arg9[%parallel_loop3A_1454, %parallel_loop3A_1557] : memref<256x128xf32, #tpu.memory_space<vmem>>[vector<16xi32>, vector<16xi32>], vector<16xf32>,
        tpu.vector_store_idx %arg11[%parallel_loop3A_1556, %parallel_loop3A_1454], %parallel_loop3A_1558 : memref<64x256xf32, #tpu.memory_space<vmem>>[vector<16xi32>, vector<16xi32>], vector<16xf32>,
      } {sc.loop_unroll_factor = 2 : i64, sc.parallel_access}
      %mul3A_1162 = arith.constant 256 : i32
      %mul3A_1163 = arith.muli %mul3A_930, %mul3A_1162 : i32
      %add3A_1164 = arith.addi %mul3A_2, %mul3A_1163 : i32
      %dma_start3A_1165 = arith.constant 0 : i32
      %dma_start3A_1166 = tpu.memref_slice %arg4[%dma_start3A_1165, %add3A_1164] : memref<64x3276800xf32, #tpu.memory_space<hbm>> -> memref<64x256xf32, #tpu.memory_space<hbm>>
      %dma_start3A_1167 = arith.constant 0 : i32
      %dma_start3A_1168 = tpu.memref_slice %arg4[%dma_start3A_1167, %add3A_1164] : memref<64x3276800xf32, #tpu.memory_space<hbm>> -> memref<64x256xf32, #tpu.memory_space<hbm>>
      tpu.enqueue_dma source(%arg11 : memref<64x256xf32, #tpu.memory_space<vmem>>) target(%dma_start3A_1168 : memref<64x256xf32, #tpu.memory_space<hbm>>) target_semaphore(%arg15 : memref<!tpu.dma_semaphore, #tpu.memory_space<semaphore_mem>>)
      %add3A_1169 = arith.constant 1 : i32
      %add3A_1170 = arith.addi %mul3A_930, %add3A_1169 : i32
      %sub3A_1171 = arith.constant 2 : i32
      %sub3A_1172 = arith.subi %add3A_1170, %sub3A_1171 : i32
      %mul3A_1173 = arith.constant 256 : i32
      %mul3A_1174 = arith.muli %sub3A_1172, %mul3A_1173 : i32
      %add3A_1175 = arith.addi %mul3A_2, %mul3A_1174 : i32
      %dma_wait3A_1176 = arith.constant 0 : i32
      %dma_wait3A_1177 = tpu.memref_slice %arg4[%dma_wait3A_1176, %add3A_1175] : memref<64x3276800xf32, #tpu.memory_space<hbm>> -> memref<64x256xf32, #tpu.memory_space<hbm>>
      %dma_wait3A_1178 = arith.constant 0 : i32
      %dma_wait3A_1179 = tpu.memref_slice %arg4[%dma_wait3A_1178, %add3A_1175] : memref<64x3276800xf32, #tpu.memory_space<hbm>> -> memref<64x256xf32, #tpu.memory_space<hbm>>
      tpu.wait_dma2 semaphore(%arg16 : memref<!tpu.dma_semaphore, #tpu.memory_space<semaphore_mem>>) src(%arg12 : memref<64x256xf32, #tpu.memory_space<vmem>>) dst(%dma_wait3A_1179 : memref<64x256xf32, #tpu.memory_space<hbm>>)
      %add3A_1180 = arith.constant 1 : i32
      %add3A_1181 = arith.addi %add3A_1170, %add3A_1180 : i32
      %mul3A_1182 = arith.constant 256 : i32
      %mul3A_1183 = arith.muli %add3A_1181, %mul3A_1182 : i32
      %add3A_1184 = arith.addi %mul3A_2, %mul3A_1183 : i32
      "tpu.region"() ({
        %run_scoped3A = tpu.sem_alloc : memref<!tpu.dma_semaphore, #tpu.memory_space<semaphore_mem>>
        %dma_start3A_1410 = tpu.memref_slice %arg2[%add3A_1184] : memref<3276800xi32, #tpu.memory_space<hbm>> -> memref<256xi32, #tpu.memory_space<hbm>>
        %dma_start3A_1411 = tpu.memref_slice %arg2[%add3A_1184] : memref<3276800xi32, #tpu.memory_space<hbm>> -> memref<256xi32, #tpu.memory_space<hbm>>
        tpu.enqueue_dma source(%dma_start3A_1411 : memref<256xi32, #tpu.memory_space<hbm>>) target(%arg5 : memref<256xi32, #tpu.memory_space<vmem>>) target_semaphore(%run_scoped3A : memref<!tpu.dma_semaphore, #tpu.memory_space<semaphore_mem>>)
        %dma_wait3A_1412 = tpu.memref_slice %arg2[%add3A_1184] : memref<3276800xi32, #tpu.memory_space<hbm>> -> memref<256xi32, #tpu.memory_space<hbm>>
        %dma_wait3A_1413 = tpu.memref_slice %arg2[%add3A_1184] : memref<3276800xi32, #tpu.memory_space<hbm>> -> memref<256xi32, #tpu.memory_space<hbm>>
        tpu.wait_dma2 semaphore(%run_scoped3A : memref<!tpu.dma_semaphore, #tpu.memory_space<semaphore_mem>>) src(%dma_wait3A_1413 : memref<256xi32, #tpu.memory_space<hbm>>) dst(%arg5 : memref<256xi32, #tpu.memory_space<vmem>>)
        tpu.yield
      }) : () -> ()
      %get3A_1185 = arith.constant 0 : index
      %get3A_1186 = tpu.vector_load %arg5[%get3A_1185] {strides = array<i32>} : memref<256xi32, #tpu.memory_space<vmem>>, vector<16xi32>,
      %shift_right_arithmetic3A_1187 = arith.constant 1 : i32
      %shift_right_arithmetic3A_1188 = vector.broadcast %shift_right_arithmetic3A_1187 : i32 to vector<16xi32>
      %shift_right_arithmetic3A_1189 = arith.shrsi %get3A_1186, %shift_right_arithmetic3A_1188 : vector<16xi32>
      %swap3A_1190 = arith.constant 0 : index
      %swap3A_1191 = tpu.vector_load %arg7[%swap3A_1190] {strides = array<i32>} : memref<256xi32, #tpu.memory_space<vmem>>, vector<16xi32>,
      tpu.vector_store %arg7[%swap3A_1190], %shift_right_arithmetic3A_1189 {strides = array<i32>} : memref<256xi32, #tpu.memory_space<vmem>>, vector<16xi32>,
      %get3A_1192 = arith.constant 16 : index
      %get3A_1193 = tpu.vector_load %arg5[%get3A_1192] {strides = array<i32>} : memref<256xi32, #tpu.memory_space<vmem>>, vector<16xi32>,
      %shift_right_arithmetic3A_1194 = arith.constant 1 : i32
      %shift_right_arithmetic3A_1195 = vector.broadcast %shift_right_arithmetic3A_1194 : i32 to vector<16xi32>
      %shift_right_arithmetic3A_1196 = arith.shrsi %get3A_1193, %shift_right_arithmetic3A_1195 : vector<16xi32>
      %swap3A_1197 = arith.constant 16 : index
      %swap3A_1198 = tpu.vector_load %arg7[%swap3A_1197] {strides = array<i32>} : memref<256xi32, #tpu.memory_space<vmem>>, vector<16xi32>,
      tpu.vector_store %arg7[%swap3A_1197], %shift_right_arithmetic3A_1196 {strides = array<i32>} : memref<256xi32, #tpu.memory_space<vmem>>, vector<16xi32>,
      %get3A_1199 = arith.constant 32 : index
      %get3A_1200 = tpu.vector_load %arg5[%get3A_1199] {strides = array<i32>} : memref<256xi32, #tpu.memory_space<vmem>>, vector<16xi32>,
      %shift_right_arithmetic3A_1201 = arith.constant 1 : i32
      %shift_right_arithmetic3A_1202 = vector.broadcast %shift_right_arithmetic3A_1201 : i32 to vector<16xi32>
      %shift_right_arithmetic3A_1203 = arith.shrsi %get3A_1200, %shift_right_arithmetic3A_1202 : vector<16xi32>
      %swap3A_1204 = arith.constant 32 : index
      %swap3A_1205 = tpu.vector_load %arg7[%swap3A_1204] {strides = array<i32>} : memref<256xi32, #tpu.memory_space<vmem>>, vector<16xi32>,
      tpu.vector_store %arg7[%swap3A_1204], %shift_right_arithmetic3A_1203 {strides = array<i32>} : memref<256xi32, #tpu.memory_space<vmem>>, vector<16xi32>,
      %get3A_1206 = arith.constant 48 : index
      %get3A_1207 = tpu.vector_load %arg5[%get3A_1206] {strides = array<i32>} : memref<256xi32, #tpu.memory_space<vmem>>, vector<16xi32>,
      %shift_right_arithmetic3A_1208 = arith.constant 1 : i32
      %shift_right_arithmetic3A_1209 = vector.broadcast %shift_right_arithmetic3A_1208 : i32 to vector<16xi32>
      %shift_right_arithmetic3A_1210 = arith.shrsi %get3A_1207, %shift_right_arithmetic3A_1209 : vector<16xi32>
      %swap3A_1211 = arith.constant 48 : index
      %swap3A_1212 = tpu.vector_load %arg7[%swap3A_1211] {strides = array<i32>} : memref<256xi32, #tpu.memory_space<vmem>>, vector<16xi32>,
      tpu.vector_store %arg7[%swap3A_1211], %shift_right_arithmetic3A_1210 {strides = array<i32>} : memref<256xi32, #tpu.memory_space<vmem>>, vector<16xi32>,
      %get3A_1213 = arith.constant 64 : index
      %get3A_1214 = tpu.vector_load %arg5[%get3A_1213] {strides = array<i32>} : memref<256xi32, #tpu.memory_space<vmem>>, vector<16xi32>,
      %shift_right_arithmetic3A_1215 = arith.constant 1 : i32
      %shift_right_arithmetic3A_1216 = vector.broadcast %shift_right_arithmetic3A_1215 : i32 to vector<16xi32>
      %shift_right_arithmetic3A_1217 = arith.shrsi %get3A_1214, %shift_right_arithmetic3A_1216 : vector<16xi32>
      %swap3A_1218 = arith.constant 64 : index
      %swap3A_1219 = tpu.vector_load %arg7[%swap3A_1218] {strides = array<i32>} : memref<256xi32, #tpu.memory_space<vmem>>, vector<16xi32>,
      tpu.vector_store %arg7[%swap3A_1218], %shift_right_arithmetic3A_1217 {strides = array<i32>} : memref<256xi32, #tpu.memory_space<vmem>>, vector<16xi32>,
      %get3A_1220 = arith.constant 80 : index
      %get3A_1221 = tpu.vector_load %arg5[%get3A_1220] {strides = array<i32>} : memref<256xi32, #tpu.memory_space<vmem>>, vector<16xi32>,
      %shift_right_arithmetic3A_1222 = arith.constant 1 : i32
      %shift_right_arithmetic3A_1223 = vector.broadcast %shift_right_arithmetic3A_1222 : i32 to vector<16xi32>
      %shift_right_arithmetic3A_1224 = arith.shrsi %get3A_1221, %shift_right_arithmetic3A_1223 : vector<16xi32>
      %swap3A_1225 = arith.constant 80 : index
      %swap3A_1226 = tpu.vector_load %arg7[%swap3A_1225] {strides = array<i32>} : memref<256xi32, #tpu.memory_space<vmem>>, vector<16xi32>,
      tpu.vector_store %arg7[%swap3A_1225], %shift_right_arithmetic3A_1224 {strides = array<i32>} : memref<256xi32, #tpu.memory_space<vmem>>, vector<16xi32>,
      %get3A_1227 = arith.constant 96 : index
      %get3A_1228 = tpu.vector_load %arg5[%get3A_1227] {strides = array<i32>} : memref<256xi32, #tpu.memory_space<vmem>>, vector<16xi32>,
      %shift_right_arithmetic3A_1229 = arith.constant 1 : i32
      %shift_right_arithmetic3A_1230 = vector.broadcast %shift_right_arithmetic3A_1229 : i32 to vector<16xi32>
      %shift_right_arithmetic3A_1231 = arith.shrsi %get3A_1228, %shift_right_arithmetic3A_1230 : vector<16xi32>
      %swap3A_1232 = arith.constant 96 : index
      %swap3A_1233 = tpu.vector_load %arg7[%swap3A_1232] {strides = array<i32>} : memref<256xi32, #tpu.memory_space<vmem>>, vector<16xi32>,
      tpu.vector_store %arg7[%swap3A_1232], %shift_right_arithmetic3A_1231 {strides = array<i32>} : memref<256xi32, #tpu.memory_space<vmem>>, vector<16xi32>,
      %get3A_1234 = arith.constant 112 : index
      %get3A_1235 = tpu.vector_load %arg5[%get3A_1234] {strides = array<i32>} : memref<256xi32, #tpu.memory_space<vmem>>, vector<16xi32>,
      %shift_right_arithmetic3A_1236 = arith.constant 1 : i32
      %shift_right_arithmetic3A_1237 = vector.broadcast %shift_right_arithmetic3A_1236 : i32 to vector<16xi32>
      %shift_right_arithmetic3A_1238 = arith.shrsi %get3A_1235, %shift_right_arithmetic3A_1237 : vector<16xi32>
      %swap3A_1239 = arith.constant 112 : index
      %swap3A_1240 = tpu.vector_load %arg7[%swap3A_1239] {strides = array<i32>} : memref<256xi32, #tpu.memory_space<vmem>>, vector<16xi32>,
      tpu.vector_store %arg7[%swap3A_1239], %shift_right_arithmetic3A_1238 {strides = array<i32>} : memref<256xi32, #tpu.memory_space<vmem>>, vector<16xi32>,
      %get3A_1241 = arith.constant 128 : index
      %get3A_1242 = tpu.vector_load %arg5[%get3A_1241] {strides = array<i32>} : memref<256xi32, #tpu.memory_space<vmem>>, vector<16xi32>,
      %shift_right_arithmetic3A_1243 = arith.constant 1 : i32
      %shift_right_arithmetic3A_1244 = vector.broadcast %shift_right_arithmetic3A_1243 : i32 to vector<16xi32>
      %shift_right_arithmetic3A_1245 = arith.shrsi %get3A_1242, %shift_right_arithmetic3A_1244 : vector<16xi32>
      %swap3A_1246 = arith.constant 128 : index
      %swap3A_1247 = tpu.vector_load %arg7[%swap3A_1246] {strides = array<i32>} : memref<256xi32, #tpu.memory_space<vmem>>, vector<16xi32>,
      tpu.vector_store %arg7[%swap3A_1246], %shift_right_arithmetic3A_1245 {strides = array<i32>} : memref<256xi32, #tpu.memory_space<vmem>>, vector<16xi32>,
      %get3A_1248 = arith.constant 144 : index
      %get3A_1249 = tpu.vector_load %arg5[%get3A_1248] {strides = array<i32>} : memref<256xi32, #tpu.memory_space<vmem>>, vector<16xi32>,
      %shift_right_arithmetic3A_1250 = arith.constant 1 : i32
      %shift_right_arithmetic3A_1251 = vector.broadcast %shift_right_arithmetic3A_1250 : i32 to vector<16xi32>
      %shift_right_arithmetic3A_1252 = arith.shrsi %get3A_1249, %shift_right_arithmetic3A_1251 : vector<16xi32>
      %swap3A_1253 = arith.constant 144 : index
      %swap3A_1254 = tpu.vector_load %arg7[%swap3A_1253] {strides = array<i32>} : memref<256xi32, #tpu.memory_space<vmem>>, vector<16xi32>,
      tpu.vector_store %arg7[%swap3A_1253], %shift_right_arithmetic3A_1252 {strides = array<i32>} : memref<256xi32, #tpu.memory_space<vmem>>, vector<16xi32>,
      %get3A_1255 = arith.constant 160 : index
      %get3A_1256 = tpu.vector_load %arg5[%get3A_1255] {strides = array<i32>} : memref<256xi32, #tpu.memory_space<vmem>>, vector<16xi32>,
      %shift_right_arithmetic3A_1257 = arith.constant 1 : i32
      %shift_right_arithmetic3A_1258 = vector.broadcast %shift_right_arithmetic3A_1257 : i32 to vector<16xi32>
      %shift_right_arithmetic3A_1259 = arith.shrsi %get3A_1256, %shift_right_arithmetic3A_1258 : vector<16xi32>
      %swap3A_1260 = arith.constant 160 : index
      %swap3A_1261 = tpu.vector_load %arg7[%swap3A_1260] {strides = array<i32>} : memref<256xi32, #tpu.memory_space<vmem>>, vector<16xi32>,
      tpu.vector_store %arg7[%swap3A_1260], %shift_right_arithmetic3A_1259 {strides = array<i32>} : memref<256xi32, #tpu.memory_space<vmem>>, vector<16xi32>,
      %get3A_1262 = arith.constant 176 : index
      %get3A_1263 = tpu.vector_load %arg5[%get3A_1262] {strides = array<i32>} : memref<256xi32, #tpu.memory_space<vmem>>, vector<16xi32>,
      %shift_right_arithmetic3A_1264 = arith.constant 1 : i32
      %shift_right_arithmetic3A_1265 = vector.broadcast %shift_right_arithmetic3A_1264 : i32 to vector<16xi32>
      %shift_right_arithmetic3A_1266 = arith.shrsi %get3A_1263, %shift_right_arithmetic3A_1265 : vector<16xi32>
      %swap3A_1267 = arith.constant 176 : index
      %swap3A_1268 = tpu.vector_load %arg7[%swap3A_1267] {strides = array<i32>} : memref<256xi32, #tpu.memory_space<vmem>>, vector<16xi32>,
      tpu.vector_store %arg7[%swap3A_1267], %shift_right_arithmetic3A_1266 {strides = array<i32>} : memref<256xi32, #tpu.memory_space<vmem>>, vector<16xi32>,
      %get3A_1269 = arith.constant 192 : index
      %get3A_1270 = tpu.vector_load %arg5[%get3A_1269] {strides = array<i32>} : memref<256xi32, #tpu.memory_space<vmem>>, vector<16xi32>,
      %shift_right_arithmetic3A_1271 = arith.constant 1 : i32
      %shift_right_arithmetic3A_1272 = vector.broadcast %shift_right_arithmetic3A_1271 : i32 to vector<16xi32>
      %shift_right_arithmetic3A_1273 = arith.shrsi %get3A_1270, %shift_right_arithmetic3A_1272 : vector<16xi32>
      %swap3A_1274 = arith.constant 192 : index
      %swap3A_1275 = tpu.vector_load %arg7[%swap3A_1274] {strides = array<i32>} : memref<256xi32, #tpu.memory_space<vmem>>, vector<16xi32>,
      tpu.vector_store %arg7[%swap3A_1274], %shift_right_arithmetic3A_1273 {strides = array<i32>} : memref<256xi32, #tpu.memory_space<vmem>>, vector<16xi32>,
      %get3A_1276 = arith.constant 208 : index
      %get3A_1277 = tpu.vector_load %arg5[%get3A_1276] {strides = array<i32>} : memref<256xi32, #tpu.memory_space<vmem>>, vector<16xi32>,
      %shift_right_arithmetic3A_1278 = arith.constant 1 : i32
      %shift_right_arithmetic3A_1279 = vector.broadcast %shift_right_arithmetic3A_1278 : i32 to vector<16xi32>
      %shift_right_arithmetic3A_1280 = arith.shrsi %get3A_1277, %shift_right_arithmetic3A_1279 : vector<16xi32>
      %swap3A_1281 = arith.constant 208 : index
      %swap3A_1282 = tpu.vector_load %arg7[%swap3A_1281] {strides = array<i32>} : memref<256xi32, #tpu.memory_space<vmem>>, vector<16xi32>,
      tpu.vector_store %arg7[%swap3A_1281], %shift_right_arithmetic3A_1280 {strides = array<i32>} : memref<256xi32, #tpu.memory_space<vmem>>, vector<16xi32>,
      %get3A_1283 = arith.constant 224 : index
      %get3A_1284 = tpu.vector_load %arg5[%get3A_1283] {strides = array<i32>} : memref<256xi32, #tpu.memory_space<vmem>>, vector<16xi32>,
      %shift_right_arithmetic3A_1285 = arith.constant 1 : i32
      %shift_right_arithmetic3A_1286 = vector.broadcast %shift_right_arithmetic3A_1285 : i32 to vector<16xi32>
      %shift_right_arithmetic3A_1287 = arith.shrsi %get3A_1284, %shift_right_arithmetic3A_1286 : vector<16xi32>
      %swap3A_1288 = arith.constant 224 : index
      %swap3A_1289 = tpu.vector_load %arg7[%swap3A_1288] {strides = array<i32>} : memref<256xi32, #tpu.memory_space<vmem>>, vector<16xi32>,
      tpu.vector_store %arg7[%swap3A_1288], %shift_right_arithmetic3A_1287 {strides = array<i32>} : memref<256xi32, #tpu.memory_space<vmem>>, vector<16xi32>,
      %get3A_1290 = arith.constant 240 : index
      %get3A_1291 = tpu.vector_load %arg5[%get3A_1290] {strides = array<i32>} : memref<256xi32, #tpu.memory_space<vmem>>, vector<16xi32>,
      %shift_right_arithmetic3A_1292 = arith.constant 1 : i32
      %shift_right_arithmetic3A_1293 = vector.broadcast %shift_right_arithmetic3A_1292 : i32 to vector<16xi32>
      %shift_right_arithmetic3A_1294 = arith.shrsi %get3A_1291, %shift_right_arithmetic3A_1293 : vector<16xi32>
      %swap3A_1295 = arith.constant 240 : index
      %swap3A_1296 = tpu.vector_load %arg7[%swap3A_1295] {strides = array<i32>} : memref<256xi32, #tpu.memory_space<vmem>>, vector<16xi32>,
      tpu.vector_store %arg7[%swap3A_1295], %shift_right_arithmetic3A_1294 {strides = array<i32>} : memref<256xi32, #tpu.memory_space<vmem>>, vector<16xi32>,
      %dma_start3A_1297 = arith.constant 0 : i32
      %dma_start3A_1298 = arith.constant 0 : i32
      %dma_start3A_1299 = tpu.memref_slice %arg3[%dma_start3A_1297, %dma_start3A_1298] : memref<50000x128xf32, #tpu.memory_space<hbm>> -> memref<50000x128xf32, #tpu.memory_space<hbm>>
      tpu.enqueue_indirect_dma source(%dma_start3A_1299 : memref<50000x128xf32, #tpu.memory_space<hbm>>) target(%arg9 : memref<256x128xf32, #tpu.memory_space<vmem>>) offsets(%arg7 : memref<256xi32, #tpu.memory_space<vmem>>) semaphore(%arg13 : memref<!tpu.dma_semaphore, #tpu.memory_space<semaphore_mem>>)
      %dma_wait3A_1300 = arith.constant 0 : i32
      %dma_wait3A_1301 = arith.constant 0 : i32
      %dma_wait3A_1302 = tpu.memref_slice %arg3[%dma_wait3A_1300, %dma_wait3A_1301] : memref<50000x128xf32, #tpu.memory_space<hbm>> -> memref<50000x128xf32, #tpu.memory_space<hbm>>
      tpu.wait_indirect_dma semaphore(%arg14 : memref<!tpu.dma_semaphore, #tpu.memory_space<semaphore_mem>>) src(%dma_wait3A_1302 : memref<50000x128xf32, #tpu.memory_space<hbm>>) dst(%arg10 : memref<256x128xf32, #tpu.memory_space<vmem>>)
      %iota3A_1303 = tpu.iota {dimensions = array<i32: 0>} : vector<16xi32>
      %add3A_1304 = arith.constant 0 : i32
      %add3A_1305 = vector.broadcast %add3A_1304 : i32 to vector<16xi32>
      %add3A_1306 = arith.addi %iota3A_1303, %add3A_1305 : vector<16xi32>
      %and3A_1307 = arith.constant 15 : i32
      %and3A_1308 = vector.broadcast %and3A_1307 : i32 to vector<16xi32>
      %and3A_1309 = arith.andi %add3A_1306, %and3A_1308 : vector<16xi32>
      %add3A_1310 = arith.constant 1 : i32
      %add3A_1311 = vector.broadcast %add3A_1310 : i32 to vector<16xi32>
      %add3A_1312 = arith.addi %iota3A_1303, %add3A_1311 : vector<16xi32>
      %and3A_1313 = arith.constant 15 : i32
      %and3A_1314 = vector.broadcast %and3A_1313 : i32 to vector<16xi32>
      %and3A_1315 = arith.andi %add3A_1312, %and3A_1314 : vector<16xi32>
      %add3A_1316 = arith.constant 2 : i32
      %add3A_1317 = vector.broadcast %add3A_1316 : i32 to vector<16xi32>
      %add3A_1318 = arith.addi %iota3A_1303, %add3A_1317 : vector<16xi32>
      %and3A_1319 = arith.constant 15 : i32
      %and3A_1320 = vector.broadcast %and3A_1319 : i32 to vector<16xi32>
      %and3A_1321 = arith.andi %add3A_1318, %and3A_1320 : vector<16xi32>
      %add3A_1322 = arith.constant 3 : i32
      %add3A_1323 = vector.broadcast %add3A_1322 : i32 to vector<16xi32>
      %add3A_1324 = arith.addi %iota3A_1303, %add3A_1323 : vector<16xi32>
      %and3A_1325 = arith.constant 15 : i32
      %and3A_1326 = vector.broadcast %and3A_1325 : i32 to vector<16xi32>
      %and3A_1327 = arith.andi %add3A_1324, %and3A_1326 : vector<16xi32>
      %add3A_1328 = arith.constant 4 : i32
      %add3A_1329 = vector.broadcast %add3A_1328 : i32 to vector<16xi32>
      %add3A_1330 = arith.addi %iota3A_1303, %add3A_1329 : vector<16xi32>
      %and3A_1331 = arith.constant 15 : i32
      %and3A_1332 = vector.broadcast %and3A_1331 : i32 to vector<16xi32>
      %and3A_1333 = arith.andi %add3A_1330, %and3A_1332 : vector<16xi32>
      %add3A_1334 = arith.constant 5 : i32
      %add3A_1335 = vector.broadcast %add3A_1334 : i32 to vector<16xi32>
      %add3A_1336 = arith.addi %iota3A_1303, %add3A_1335 : vector<16xi32>
      %and3A_1337 = arith.constant 15 : i32
      %and3A_1338 = vector.broadcast %and3A_1337 : i32 to vector<16xi32>
      %and3A_1339 = arith.andi %add3A_1336, %and3A_1338 : vector<16xi32>
      %add3A_1340 = arith.constant 6 : i32
      %add3A_1341 = vector.broadcast %add3A_1340 : i32 to vector<16xi32>
      %add3A_1342 = arith.addi %iota3A_1303, %add3A_1341 : vector<16xi32>
      %and3A_1343 = arith.constant 15 : i32
      %and3A_1344 = vector.broadcast %and3A_1343 : i32 to vector<16xi32>
      %and3A_1345 = arith.andi %add3A_1342, %and3A_1344 : vector<16xi32>
      %add3A_1346 = arith.constant 7 : i32
      %add3A_1347 = vector.broadcast %add3A_1346 : i32 to vector<16xi32>
      %add3A_1348 = arith.addi %iota3A_1303, %add3A_1347 : vector<16xi32>
      %and3A_1349 = arith.constant 15 : i32
      %and3A_1350 = vector.broadcast %and3A_1349 : i32 to vector<16xi32>
      %and3A_1351 = arith.andi %add3A_1348, %and3A_1350 : vector<16xi32>
      %add3A_1352 = arith.constant 8 : i32
      %add3A_1353 = vector.broadcast %add3A_1352 : i32 to vector<16xi32>
      %add3A_1354 = arith.addi %iota3A_1303, %add3A_1353 : vector<16xi32>
      %and3A_1355 = arith.constant 15 : i32
      %and3A_1356 = vector.broadcast %and3A_1355 : i32 to vector<16xi32>
      %and3A_1357 = arith.andi %add3A_1354, %and3A_1356 : vector<16xi32>
      %add3A_1358 = arith.constant 9 : i32
      %add3A_1359 = vector.broadcast %add3A_1358 : i32 to vector<16xi32>
      %add3A_1360 = arith.addi %iota3A_1303, %add3A_1359 : vector<16xi32>
      %and3A_1361 = arith.constant 15 : i32
      %and3A_1362 = vector.broadcast %and3A_1361 : i32 to vector<16xi32>
      %and3A_1363 = arith.andi %add3A_1360, %and3A_1362 : vector<16xi32>
      %add3A_1364 = arith.constant 10 : i32
      %add3A_1365 = vector.broadcast %add3A_1364 : i32 to vector<16xi32>
      %add3A_1366 = arith.addi %iota3A_1303, %add3A_1365 : vector<16xi32>
      %and3A_1367 = arith.constant 15 : i32
      %and3A_1368 = vector.broadcast %and3A_1367 : i32 to vector<16xi32>
      %and3A_1369 = arith.andi %add3A_1366, %and3A_1368 : vector<16xi32>
      %add3A_1370 = arith.constant 11 : i32
      %add3A_1371 = vector.broadcast %add3A_1370 : i32 to vector<16xi32>
      %add3A_1372 = arith.addi %iota3A_1303, %add3A_1371 : vector<16xi32>
      %and3A_1373 = arith.constant 15 : i32
      %and3A_1374 = vector.broadcast %and3A_1373 : i32 to vector<16xi32>
      %and3A_1375 = arith.andi %add3A_1372, %and3A_1374 : vector<16xi32>
      %add3A_1376 = arith.constant 12 : i32
      %add3A_1377 = vector.broadcast %add3A_1376 : i32 to vector<16xi32>
      %add3A_1378 = arith.addi %iota3A_1303, %add3A_1377 : vector<16xi32>
      %and3A_1379 = arith.constant 15 : i32
      %and3A_1380 = vector.broadcast %and3A_1379 : i32 to vector<16xi32>
      %and3A_1381 = arith.andi %add3A_1378, %and3A_1380 : vector<16xi32>
      %add3A_1382 = arith.constant 13 : i32
      %add3A_1383 = vector.broadcast %add3A_1382 : i32 to vector<16xi32>
      %add3A_1384 = arith.addi %iota3A_1303, %add3A_1383 : vector<16xi32>
      %and3A_1385 = arith.constant 15 : i32
      %and3A_1386 = vector.broadcast %and3A_1385 : i32 to vector<16xi32>
      %and3A_1387 = arith.andi %add3A_1384, %and3A_1386 : vector<16xi32>
      %add3A_1388 = arith.constant 14 : i32
      %add3A_1389 = vector.broadcast %add3A_1388 : i32 to vector<16xi32>
      %add3A_1390 = arith.addi %iota3A_1303, %add3A_1389 : vector<16xi32>
      %and3A_1391 = arith.constant 15 : i32
      %and3A_1392 = vector.broadcast %and3A_1391 : i32 to vector<16xi32>
      %and3A_1393 = arith.andi %add3A_1390, %and3A_1392 : vector<16xi32>
      %add3A_1394 = arith.constant 15 : i32
      %add3A_1395 = vector.broadcast %add3A_1394 : i32 to vector<16xi32>
      %add3A_1396 = arith.addi %iota3A_1303, %add3A_1395 : vector<16xi32>
      %and3A_1397 = arith.constant 15 : i32
      %and3A_1398 = vector.broadcast %and3A_1397 : i32 to vector<16xi32>
      %and3A_1399 = arith.andi %add3A_1396, %and3A_1398 : vector<16xi32>
      %parallel_loop3A_1400 = arith.constant 0 : i32
      %parallel_loop3A_1401 = arith.constant 64 : i32
      %parallel_loop3A_1402 = arith.constant 1 : i32
      scf.for %parallel_loop3A_1410 = %parallel_loop3A_1400 to %parallel_loop3A_1401 step %parallel_loop3A_1402  : i32 {
        %parallel_loop3A_1411 = arith.constant 4 : i32
        %parallel_loop3A_1412 = arith.divsi %parallel_loop3A_1410, %parallel_loop3A_1411 : i32
        %parallel_loop3A_1413 = arith.constant 0 : i32
        %parallel_loop3A_1414 = arith.cmpi sgt, %parallel_loop3A_1410, %parallel_loop3A_1413 : i32
        %parallel_loop3A_1415 = arith.extui %parallel_loop3A_1414 : i1 to i32
        %parallel_loop3A_1416 = arith.constant 0 : i32
        %parallel_loop3A_1417 = arith.cmpi slt, %parallel_loop3A_1410, %parallel_loop3A_1416 : i32
        %parallel_loop3A_1418 = arith.extui %parallel_loop3A_1417 : i1 to i32
        %parallel_loop3A_1419 = arith.subi %parallel_loop3A_1415, %parallel_loop3A_1418 : i32
        %parallel_loop3A_1420 = arith.constant 0 : i32
        %parallel_loop3A_1421 = arith.cmpi sgt, %parallel_loop3A_1411, %parallel_loop3A_1420 : i32
        %parallel_loop3A_1422 = arith.extui %parallel_loop3A_1421 : i1 to i32
        %parallel_loop3A_1423 = arith.constant 0 : i32
        %parallel_loop3A_1424 = arith.cmpi slt, %parallel_loop3A_1411, %parallel_loop3A_1423 : i32
        %parallel_loop3A_1425 = arith.extui %parallel_loop3A_1424 : i1 to i32
        %parallel_loop3A_1426 = arith.subi %parallel_loop3A_1422, %parallel_loop3A_1425 : i32
        %parallel_loop3A_1427 = arith.cmpi ne, %parallel_loop3A_1419, %parallel_loop3A_1426 : i32
        %parallel_loop3A_1428 = arith.remsi %parallel_loop3A_1410, %parallel_loop3A_1411 : i32
        %parallel_loop3A_1429 = arith.constant 0 : i32
        %parallel_loop3A_1430 = arith.cmpi ne, %parallel_loop3A_1428, %parallel_loop3A_1429 : i32
        %parallel_loop3A_1431 = arith.andi %parallel_loop3A_1427, %parallel_loop3A_1430 : i1
        %parallel_loop3A_1432 = arith.constant 1 : i32
        %parallel_loop3A_1433 = arith.subi %parallel_loop3A_1412, %parallel_loop3A_1432 : i32
        %parallel_loop3A_1434 = arith.select %parallel_loop3A_1431, %parallel_loop3A_1433, %parallel_loop3A_1412 : i32
        %parallel_loop3A_1435 = arith.constant 4 : i32
        %parallel_loop3A_1436 = arith.constant 0 : i32
        %parallel_loop3A_1437 = arith.cmpi eq, %parallel_loop3A_1435, %parallel_loop3A_1436 : i32
        %parallel_loop3A_1438 = arith.constant 1 : i32
        %parallel_loop3A_1439 = arith.select %parallel_loop3A_1437, %parallel_loop3A_1438, %parallel_loop3A_1435 : i32
        %parallel_loop3A_1440 = arith.remsi %parallel_loop3A_1410, %parallel_loop3A_1439 : i32
        %parallel_loop3A_1441 = arith.constant 0 : i32
        %parallel_loop3A_1442 = arith.cmpi ne, %parallel_loop3A_1440, %parallel_loop3A_1441 : i32
        %parallel_loop3A_1443 = arith.constant 0 : i32
        %parallel_loop3A_1444 = arith.cmpi slt, %parallel_loop3A_1440, %parallel_loop3A_1443 : i32
        %parallel_loop3A_1445 = arith.constant 0 : i32
        %parallel_loop3A_1446 = arith.cmpi slt, %parallel_loop3A_1439, %parallel_loop3A_1445 : i32
        %parallel_loop3A_1447 = arith.xori %parallel_loop3A_1444, %parallel_loop3A_1446 : i1
        %parallel_loop3A_1448 = arith.andi %parallel_loop3A_1447, %parallel_loop3A_1442 : i1
        %parallel_loop3A_1449 = arith.addi %parallel_loop3A_1440, %parallel_loop3A_1439 : i32
        %parallel_loop3A_1450 = arith.select %parallel_loop3A_1448, %parallel_loop3A_1449, %parallel_loop3A_1440 : i32
        %parallel_loop3A_1451 = arith.constant 16 : i32
        %parallel_loop3A_1452 = arith.muli %parallel_loop3A_1451, %parallel_loop3A_1434 : i32
        %parallel_loop3A_1453 = vector.broadcast %parallel_loop3A_1452 : i32 to vector<16xi32>
        %parallel_loop3A_1454 = arith.addi %iota3A_1303, %parallel_loop3A_1453 : vector<16xi32>
        %parallel_loop3A_1455 = arith.index_cast %parallel_loop3A_1452 : i32 to index
        %parallel_loop3A_1456 = tpu.vector_load %arg6[%parallel_loop3A_1455] {strides = array<i32>} : memref<256xi32, #tpu.memory_space<vmem>>, vector<16xi32>,
        %parallel_loop3A_1457 = arith.constant 1 : i32
        %parallel_loop3A_1458 = vector.broadcast %parallel_loop3A_1457 : i32 to vector<16xi32>
        %parallel_loop3A_1459 = arith.andi %parallel_loop3A_1456, %parallel_loop3A_1458 : vector<16xi32>
        %parallel_loop3A_1460 = arith.constant 6 : i32
        %parallel_loop3A_1461 = vector.broadcast %parallel_loop3A_1460 : i32 to vector<16xi32>
        %parallel_loop3A_1462 = arith.shli %parallel_loop3A_1459, %parallel_loop3A_1461 : vector<16xi32>
        %parallel_loop3A_1463 = arith.constant 16 : i32
        %parallel_loop3A_1464 = arith.muli %parallel_loop3A_1463, %parallel_loop3A_1450 : i32
        %parallel_loop3A_1465 = vector.broadcast %parallel_loop3A_1464 : i32 to vector<16xi32>
        %parallel_loop3A_1466 = arith.addi %and3A_1309, %parallel_loop3A_1465 : vector<16xi32>
        %parallel_loop3A_1467 = arith.addi %parallel_loop3A_1462, %parallel_loop3A_1466 : vector<16xi32>
        %parallel_loop3A_1468 = tpu.vector_load_idx %arg10[%parallel_loop3A_1454, %parallel_loop3A_1467] : memref<256x128xf32, #tpu.memory_space<vmem>>[vector<16xi32>, vector<16xi32>], vector<16xf32>,
        tpu.vector_store_idx %arg12[%parallel_loop3A_1466, %parallel_loop3A_1454], %parallel_loop3A_1468 : memref<64x256xf32, #tpu.memory_space<vmem>>[vector<16xi32>, vector<16xi32>], vector<16xf32>,
        %parallel_loop3A_1469 = arith.constant 16 : i32
        %parallel_loop3A_1470 = arith.muli %parallel_loop3A_1469, %parallel_loop3A_1450 : i32
        %parallel_loop3A_1471 = vector.broadcast %parallel_loop3A_1470 : i32 to vector<16xi32>
        %parallel_loop3A_1472 = arith.addi %and3A_1315, %parallel_loop3A_1471 : vector<16xi32>
        %parallel_loop3A_1473 = arith.addi %parallel_loop3A_1462, %parallel_loop3A_1472 : vector<16xi32>
        %parallel_loop3A_1474 = tpu.vector_load_idx %arg10[%parallel_loop3A_1454, %parallel_loop3A_1473] : memref<256x128xf32, #tpu.memory_space<vmem>>[vector<16xi32>, vector<16xi32>], vector<16xf32>,
        tpu.vector_store_idx %arg12[%parallel_loop3A_1472, %parallel_loop3A_1454], %parallel_loop3A_1474 : memref<64x256xf32, #tpu.memory_space<vmem>>[vector<16xi32>, vector<16xi32>], vector<16xf32>,
        %parallel_loop3A_1475 = arith.constant 16 : i32
        %parallel_loop3A_1476 = arith.muli %parallel_loop3A_1475, %parallel_loop3A_1450 : i32
        %parallel_loop3A_1477 = vector.broadcast %parallel_loop3A_1476 : i32 to vector<16xi32>
        %parallel_loop3A_1478 = arith.addi %and3A_1321, %parallel_loop3A_1477 : vector<16xi32>
        %parallel_loop3A_1479 = arith.addi %parallel_loop3A_1462, %parallel_loop3A_1478 : vector<16xi32>
        %parallel_loop3A_1480 = tpu.vector_load_idx %arg10[%parallel_loop3A_1454, %parallel_loop3A_1479] : memref<256x128xf32, #tpu.memory_space<vmem>>[vector<16xi32>, vector<16xi32>], vector<16xf32>,
        tpu.vector_store_idx %arg12[%parallel_loop3A_1478, %parallel_loop3A_1454], %parallel_loop3A_1480 : memref<64x256xf32, #tpu.memory_space<vmem>>[vector<16xi32>, vector<16xi32>], vector<16xf32>,
        %parallel_loop3A_1481 = arith.constant 16 : i32
        %parallel_loop3A_1482 = arith.muli %parallel_loop3A_1481, %parallel_loop3A_1450 : i32
        %parallel_loop3A_1483 = vector.broadcast %parallel_loop3A_1482 : i32 to vector<16xi32>
        %parallel_loop3A_1484 = arith.addi %and3A_1327, %parallel_loop3A_1483 : vector<16xi32>
        %parallel_loop3A_1485 = arith.addi %parallel_loop3A_1462, %parallel_loop3A_1484 : vector<16xi32>
        %parallel_loop3A_1486 = tpu.vector_load_idx %arg10[%parallel_loop3A_1454, %parallel_loop3A_1485] : memref<256x128xf32, #tpu.memory_space<vmem>>[vector<16xi32>, vector<16xi32>], vector<16xf32>,
        tpu.vector_store_idx %arg12[%parallel_loop3A_1484, %parallel_loop3A_1454], %parallel_loop3A_1486 : memref<64x256xf32, #tpu.memory_space<vmem>>[vector<16xi32>, vector<16xi32>], vector<16xf32>,
        %parallel_loop3A_1487 = arith.constant 16 : i32
        %parallel_loop3A_1488 = arith.muli %parallel_loop3A_1487, %parallel_loop3A_1450 : i32
        %parallel_loop3A_1489 = vector.broadcast %parallel_loop3A_1488 : i32 to vector<16xi32>
        %parallel_loop3A_1490 = arith.addi %and3A_1333, %parallel_loop3A_1489 : vector<16xi32>
        %parallel_loop3A_1491 = arith.addi %parallel_loop3A_1462, %parallel_loop3A_1490 : vector<16xi32>
        %parallel_loop3A_1492 = tpu.vector_load_idx %arg10[%parallel_loop3A_1454, %parallel_loop3A_1491] : memref<256x128xf32, #tpu.memory_space<vmem>>[vector<16xi32>, vector<16xi32>], vector<16xf32>,
        tpu.vector_store_idx %arg12[%parallel_loop3A_1490, %parallel_loop3A_1454], %parallel_loop3A_1492 : memref<64x256xf32, #tpu.memory_space<vmem>>[vector<16xi32>, vector<16xi32>], vector<16xf32>,
        %parallel_loop3A_1493 = arith.constant 16 : i32
        %parallel_loop3A_1494 = arith.muli %parallel_loop3A_1493, %parallel_loop3A_1450 : i32
        %parallel_loop3A_1495 = vector.broadcast %parallel_loop3A_1494 : i32 to vector<16xi32>
        %parallel_loop3A_1496 = arith.addi %and3A_1339, %parallel_loop3A_1495 : vector<16xi32>
        %parallel_loop3A_1497 = arith.addi %parallel_loop3A_1462, %parallel_loop3A_1496 : vector<16xi32>
        %parallel_loop3A_1498 = tpu.vector_load_idx %arg10[%parallel_loop3A_1454, %parallel_loop3A_1497] : memref<256x128xf32, #tpu.memory_space<vmem>>[vector<16xi32>, vector<16xi32>], vector<16xf32>,
        tpu.vector_store_idx %arg12[%parallel_loop3A_1496, %parallel_loop3A_1454], %parallel_loop3A_1498 : memref<64x256xf32, #tpu.memory_space<vmem>>[vector<16xi32>, vector<16xi32>], vector<16xf32>,
        %parallel_loop3A_1499 = arith.constant 16 : i32
        %parallel_loop3A_1500 = arith.muli %parallel_loop3A_1499, %parallel_loop3A_1450 : i32
        %parallel_loop3A_1501 = vector.broadcast %parallel_loop3A_1500 : i32 to vector<16xi32>
        %parallel_loop3A_1502 = arith.addi %and3A_1345, %parallel_loop3A_1501 : vector<16xi32>
        %parallel_loop3A_1503 = arith.addi %parallel_loop3A_1462, %parallel_loop3A_1502 : vector<16xi32>
        %parallel_loop3A_1504 = tpu.vector_load_idx %arg10[%parallel_loop3A_1454, %parallel_loop3A_1503] : memref<256x128xf32, #tpu.memory_space<vmem>>[vector<16xi32>, vector<16xi32>], vector<16xf32>,
        tpu.vector_store_idx %arg12[%parallel_loop3A_1502, %parallel_loop3A_1454], %parallel_loop3A_1504 : memref<64x256xf32, #tpu.memory_space<vmem>>[vector<16xi32>, vector<16xi32>], vector<16xf32>,
        %parallel_loop3A_1505 = arith.constant 16 : i32
        %parallel_loop3A_1506 = arith.muli %parallel_loop3A_1505, %parallel_loop3A_1450 : i32
        %parallel_loop3A_1507 = vector.broadcast %parallel_loop3A_1506 : i32 to vector<16xi32>
        %parallel_loop3A_1508 = arith.addi %and3A_1351, %parallel_loop3A_1507 : vector<16xi32>
        %parallel_loop3A_1509 = arith.addi %parallel_loop3A_1462, %parallel_loop3A_1508 : vector<16xi32>
        %parallel_loop3A_1510 = tpu.vector_load_idx %arg10[%parallel_loop3A_1454, %parallel_loop3A_1509] : memref<256x128xf32, #tpu.memory_space<vmem>>[vector<16xi32>, vector<16xi32>], vector<16xf32>,
        tpu.vector_store_idx %arg12[%parallel_loop3A_1508, %parallel_loop3A_1454], %parallel_loop3A_1510 : memref<64x256xf32, #tpu.memory_space<vmem>>[vector<16xi32>, vector<16xi32>], vector<16xf32>,
        %parallel_loop3A_1511 = arith.constant 16 : i32
        %parallel_loop3A_1512 = arith.muli %parallel_loop3A_1511, %parallel_loop3A_1450 : i32
        %parallel_loop3A_1513 = vector.broadcast %parallel_loop3A_1512 : i32 to vector<16xi32>
        %parallel_loop3A_1514 = arith.addi %and3A_1357, %parallel_loop3A_1513 : vector<16xi32>
        %parallel_loop3A_1515 = arith.addi %parallel_loop3A_1462, %parallel_loop3A_1514 : vector<16xi32>
        %parallel_loop3A_1516 = tpu.vector_load_idx %arg10[%parallel_loop3A_1454, %parallel_loop3A_1515] : memref<256x128xf32, #tpu.memory_space<vmem>>[vector<16xi32>, vector<16xi32>], vector<16xf32>,
        tpu.vector_store_idx %arg12[%parallel_loop3A_1514, %parallel_loop3A_1454], %parallel_loop3A_1516 : memref<64x256xf32, #tpu.memory_space<vmem>>[vector<16xi32>, vector<16xi32>], vector<16xf32>,
        %parallel_loop3A_1517 = arith.constant 16 : i32
        %parallel_loop3A_1518 = arith.muli %parallel_loop3A_1517, %parallel_loop3A_1450 : i32
        %parallel_loop3A_1519 = vector.broadcast %parallel_loop3A_1518 : i32 to vector<16xi32>
        %parallel_loop3A_1520 = arith.addi %and3A_1363, %parallel_loop3A_1519 : vector<16xi32>
        %parallel_loop3A_1521 = arith.addi %parallel_loop3A_1462, %parallel_loop3A_1520 : vector<16xi32>
        %parallel_loop3A_1522 = tpu.vector_load_idx %arg10[%parallel_loop3A_1454, %parallel_loop3A_1521] : memref<256x128xf32, #tpu.memory_space<vmem>>[vector<16xi32>, vector<16xi32>], vector<16xf32>,
        tpu.vector_store_idx %arg12[%parallel_loop3A_1520, %parallel_loop3A_1454], %parallel_loop3A_1522 : memref<64x256xf32, #tpu.memory_space<vmem>>[vector<16xi32>, vector<16xi32>], vector<16xf32>,
        %parallel_loop3A_1523 = arith.constant 16 : i32
        %parallel_loop3A_1524 = arith.muli %parallel_loop3A_1523, %parallel_loop3A_1450 : i32
        %parallel_loop3A_1525 = vector.broadcast %parallel_loop3A_1524 : i32 to vector<16xi32>
        %parallel_loop3A_1526 = arith.addi %and3A_1369, %parallel_loop3A_1525 : vector<16xi32>
        %parallel_loop3A_1527 = arith.addi %parallel_loop3A_1462, %parallel_loop3A_1526 : vector<16xi32>
        %parallel_loop3A_1528 = tpu.vector_load_idx %arg10[%parallel_loop3A_1454, %parallel_loop3A_1527] : memref<256x128xf32, #tpu.memory_space<vmem>>[vector<16xi32>, vector<16xi32>], vector<16xf32>,
        tpu.vector_store_idx %arg12[%parallel_loop3A_1526, %parallel_loop3A_1454], %parallel_loop3A_1528 : memref<64x256xf32, #tpu.memory_space<vmem>>[vector<16xi32>, vector<16xi32>], vector<16xf32>,
        %parallel_loop3A_1529 = arith.constant 16 : i32
        %parallel_loop3A_1530 = arith.muli %parallel_loop3A_1529, %parallel_loop3A_1450 : i32
        %parallel_loop3A_1531 = vector.broadcast %parallel_loop3A_1530 : i32 to vector<16xi32>
        %parallel_loop3A_1532 = arith.addi %and3A_1375, %parallel_loop3A_1531 : vector<16xi32>
        %parallel_loop3A_1533 = arith.addi %parallel_loop3A_1462, %parallel_loop3A_1532 : vector<16xi32>
        %parallel_loop3A_1534 = tpu.vector_load_idx %arg10[%parallel_loop3A_1454, %parallel_loop3A_1533] : memref<256x128xf32, #tpu.memory_space<vmem>>[vector<16xi32>, vector<16xi32>], vector<16xf32>,
        tpu.vector_store_idx %arg12[%parallel_loop3A_1532, %parallel_loop3A_1454], %parallel_loop3A_1534 : memref<64x256xf32, #tpu.memory_space<vmem>>[vector<16xi32>, vector<16xi32>], vector<16xf32>,
        %parallel_loop3A_1535 = arith.constant 16 : i32
        %parallel_loop3A_1536 = arith.muli %parallel_loop3A_1535, %parallel_loop3A_1450 : i32
        %parallel_loop3A_1537 = vector.broadcast %parallel_loop3A_1536 : i32 to vector<16xi32>
        %parallel_loop3A_1538 = arith.addi %and3A_1381, %parallel_loop3A_1537 : vector<16xi32>
        %parallel_loop3A_1539 = arith.addi %parallel_loop3A_1462, %parallel_loop3A_1538 : vector<16xi32>
        %parallel_loop3A_1540 = tpu.vector_load_idx %arg10[%parallel_loop3A_1454, %parallel_loop3A_1539] : memref<256x128xf32, #tpu.memory_space<vmem>>[vector<16xi32>, vector<16xi32>], vector<16xf32>,
        tpu.vector_store_idx %arg12[%parallel_loop3A_1538, %parallel_loop3A_1454], %parallel_loop3A_1540 : memref<64x256xf32, #tpu.memory_space<vmem>>[vector<16xi32>, vector<16xi32>], vector<16xf32>,
        %parallel_loop3A_1541 = arith.constant 16 : i32
        %parallel_loop3A_1542 = arith.muli %parallel_loop3A_1541, %parallel_loop3A_1450 : i32
        %parallel_loop3A_1543 = vector.broadcast %parallel_loop3A_1542 : i32 to vector<16xi32>
        %parallel_loop3A_1544 = arith.addi %and3A_1387, %parallel_loop3A_1543 : vector<16xi32>
        %parallel_loop3A_1545 = arith.addi %parallel_loop3A_1462, %parallel_loop3A_1544 : vector<16xi32>
        %parallel_loop3A_1546 = tpu.vector_load_idx %arg10[%parallel_loop3A_1454, %parallel_loop3A_1545] : memref<256x128xf32, #tpu.memory_space<vmem>>[vector<16xi32>, vector<16xi32>], vector<16xf32>,
        tpu.vector_store_idx %arg12[%parallel_loop3A_1544, %parallel_loop3A_1454], %parallel_loop3A_1546 : memref<64x256xf32, #tpu.memory_space<vmem>>[vector<16xi32>, vector<16xi32>], vector<16xf32>,
        %parallel_loop3A_1547 = arith.constant 16 : i32
        %parallel_loop3A_1548 = arith.muli %parallel_loop3A_1547, %parallel_loop3A_1450 : i32
        %parallel_loop3A_1549 = vector.broadcast %parallel_loop3A_1548 : i32 to vector<16xi32>
        %parallel_loop3A_1550 = arith.addi %and3A_1393, %parallel_loop3A_1549 : vector<16xi32>
        %parallel_loop3A_1551 = arith.addi %parallel_loop3A_1462, %parallel_loop3A_1550 : vector<16xi32>
        %parallel_loop3A_1552 = tpu.vector_load_idx %arg10[%parallel_loop3A_1454, %parallel_loop3A_1551] : memref<256x128xf32, #tpu.memory_space<vmem>>[vector<16xi32>, vector<16xi32>], vector<16xf32>,
        tpu.vector_store_idx %arg12[%parallel_loop3A_1550, %parallel_loop3A_1454], %parallel_loop3A_1552 : memref<64x256xf32, #tpu.memory_space<vmem>>[vector<16xi32>, vector<16xi32>], vector<16xf32>,
        %parallel_loop3A_1553 = arith.constant 16 : i32
        %parallel_loop3A_1554 = arith.muli %parallel_loop3A_1553, %parallel_loop3A_1450 : i32
        %parallel_loop3A_1555 = vector.broadcast %parallel_loop3A_1554 : i32 to vector<16xi32>
        %parallel_loop3A_1556 = arith.addi %and3A_1399, %parallel_loop3A_1555 : vector<16xi32>
        %parallel_loop3A_1557 = arith.addi %parallel_loop3A_1462, %parallel_loop3A_1556 : vector<16xi32>
        %parallel_loop3A_1558 = tpu.vector_load_idx %arg10[%parallel_loop3A_1454, %parallel_loop3A_1557] : memref<256x128xf32, #tpu.memory_space<vmem>>[vector<16xi32>, vector<16xi32>], vector<16xf32>,
        tpu.vector_store_idx %arg12[%parallel_loop3A_1556, %parallel_loop3A_1454], %parallel_loop3A_1558 : memref<64x256xf32, #tpu.memory_space<vmem>>[vector<16xi32>, vector<16xi32>], vector<16xf32>,
      } {sc.loop_unroll_factor = 2 : i64, sc.parallel_access}
      %mul3A_1403 = arith.constant 256 : i32
      %mul3A_1404 = arith.muli %add3A_1170, %mul3A_1403 : i32
      %add3A_1405 = arith.addi %mul3A_2, %mul3A_1404 : i32
      %dma_start3A_1406 = arith.constant 0 : i32
      %dma_start3A_1407 = tpu.memref_slice %arg4[%dma_start3A_1406, %add3A_1405] : memref<64x3276800xf32, #tpu.memory_space<hbm>> -> memref<64x256xf32, #tpu.memory_space<hbm>>
      %dma_start3A_1408 = arith.constant 0 : i32
      %dma_start3A_1409 = tpu.memref_slice %arg4[%dma_start3A_1408, %add3A_1405] : memref<64x3276800xf32, #tpu.memory_space<hbm>> -> memref<64x256xf32, #tpu.memory_space<hbm>>
      tpu.enqueue_dma source(%arg12 : memref<64x256xf32, #tpu.memory_space<vmem>>) target(%dma_start3A_1409 : memref<64x256xf32, #tpu.memory_space<hbm>>) target_semaphore(%arg16 : memref<!tpu.dma_semaphore, #tpu.memory_space<semaphore_mem>>)
    }
    %scan3A_568 = arith.constant 198 : i32
    %add3A_569 = arith.constant 101376 : i32
    %add3A_570 = arith.addi %mul3A_2, %add3A_569 : i32
    %dma_wait3A_571 = arith.constant 0 : i32
    %dma_wait3A_572 = tpu.memref_slice %arg4[%dma_wait3A_571, %add3A_570] : memref<64x3276800xf32, #tpu.memory_space<hbm>> -> memref<64x256xf32, #tpu.memory_space<hbm>>
    %dma_wait3A_573 = arith.constant 0 : i32
    %dma_wait3A_574 = tpu.memref_slice %arg4[%dma_wait3A_573, %add3A_570] : memref<64x3276800xf32, #tpu.memory_space<hbm>> -> memref<64x256xf32, #tpu.memory_space<hbm>>
    tpu.wait_dma2 semaphore(%arg15 : memref<!tpu.dma_semaphore, #tpu.memory_space<semaphore_mem>>) src(%arg11 : memref<64x256xf32, #tpu.memory_space<vmem>>) dst(%dma_wait3A_574 : memref<64x256xf32, #tpu.memory_space<hbm>>)
    %add3A_575 = arith.constant 102144 : i32
    %add3A_576 = arith.addi %mul3A_2, %add3A_575 : i32
    "tpu.region"() ({
      %run_scoped3A = tpu.sem_alloc : memref<!tpu.dma_semaphore, #tpu.memory_space<semaphore_mem>>
      %dma_start3A_928 = tpu.memref_slice %arg2[%add3A_576] : memref<3276800xi32, #tpu.memory_space<hbm>> -> memref<256xi32, #tpu.memory_space<hbm>>
      %dma_start3A_929 = tpu.memref_slice %arg2[%add3A_576] : memref<3276800xi32, #tpu.memory_space<hbm>> -> memref<256xi32, #tpu.memory_space<hbm>>
      tpu.enqueue_dma source(%dma_start3A_929 : memref<256xi32, #tpu.memory_space<hbm>>) target(%arg6 : memref<256xi32, #tpu.memory_space<vmem>>) target_semaphore(%run_scoped3A : memref<!tpu.dma_semaphore, #tpu.memory_space<semaphore_mem>>)
      %dma_wait3A_930 = tpu.memref_slice %arg2[%add3A_576] : memref<3276800xi32, #tpu.memory_space<hbm>> -> memref<256xi32, #tpu.memory_space<hbm>>
      %dma_wait3A_931 = tpu.memref_slice %arg2[%add3A_576] : memref<3276800xi32, #tpu.memory_space<hbm>> -> memref<256xi32, #tpu.memory_space<hbm>>
      tpu.wait_dma2 semaphore(%run_scoped3A : memref<!tpu.dma_semaphore, #tpu.memory_space<semaphore_mem>>) src(%dma_wait3A_931 : memref<256xi32, #tpu.memory_space<hbm>>) dst(%arg6 : memref<256xi32, #tpu.memory_space<vmem>>)
      tpu.yield
    }) : () -> ()
    %get3A_577 = arith.constant 0 : index
    %get3A_578 = tpu.vector_load %arg6[%get3A_577] {strides = array<i32>} : memref<256xi32, #tpu.memory_space<vmem>>, vector<16xi32>,
    %shift_right_arithmetic3A_579 = arith.constant 1 : i32
    %shift_right_arithmetic3A_580 = vector.broadcast %shift_right_arithmetic3A_579 : i32 to vector<16xi32>
    %shift_right_arithmetic3A_581 = arith.shrsi %get3A_578, %shift_right_arithmetic3A_580 : vector<16xi32>
    %swap3A_582 = arith.constant 0 : index
    %swap3A_583 = tpu.vector_load %arg8[%swap3A_582] {strides = array<i32>} : memref<256xi32, #tpu.memory_space<vmem>>, vector<16xi32>,
    tpu.vector_store %arg8[%swap3A_582], %shift_right_arithmetic3A_581 {strides = array<i32>} : memref<256xi32, #tpu.memory_space<vmem>>, vector<16xi32>,
    %get3A_584 = arith.constant 16 : index
    %get3A_585 = tpu.vector_load %arg6[%get3A_584] {strides = array<i32>} : memref<256xi32, #tpu.memory_space<vmem>>, vector<16xi32>,
    %shift_right_arithmetic3A_586 = arith.constant 1 : i32
    %shift_right_arithmetic3A_587 = vector.broadcast %shift_right_arithmetic3A_586 : i32 to vector<16xi32>
    %shift_right_arithmetic3A_588 = arith.shrsi %get3A_585, %shift_right_arithmetic3A_587 : vector<16xi32>
    %swap3A_589 = arith.constant 16 : index
    %swap3A_590 = tpu.vector_load %arg8[%swap3A_589] {strides = array<i32>} : memref<256xi32, #tpu.memory_space<vmem>>, vector<16xi32>,
    tpu.vector_store %arg8[%swap3A_589], %shift_right_arithmetic3A_588 {strides = array<i32>} : memref<256xi32, #tpu.memory_space<vmem>>, vector<16xi32>,
    %get3A_591 = arith.constant 32 : index
    %get3A_592 = tpu.vector_load %arg6[%get3A_591] {strides = array<i32>} : memref<256xi32, #tpu.memory_space<vmem>>, vector<16xi32>,
    %shift_right_arithmetic3A_593 = arith.constant 1 : i32
    %shift_right_arithmetic3A_594 = vector.broadcast %shift_right_arithmetic3A_593 : i32 to vector<16xi32>
    %shift_right_arithmetic3A_595 = arith.shrsi %get3A_592, %shift_right_arithmetic3A_594 : vector<16xi32>
    %swap3A_596 = arith.constant 32 : index
    %swap3A_597 = tpu.vector_load %arg8[%swap3A_596] {strides = array<i32>} : memref<256xi32, #tpu.memory_space<vmem>>, vector<16xi32>,
    tpu.vector_store %arg8[%swap3A_596], %shift_right_arithmetic3A_595 {strides = array<i32>} : memref<256xi32, #tpu.memory_space<vmem>>, vector<16xi32>,
    %get3A_598 = arith.constant 48 : index
    %get3A_599 = tpu.vector_load %arg6[%get3A_598] {strides = array<i32>} : memref<256xi32, #tpu.memory_space<vmem>>, vector<16xi32>,
    %shift_right_arithmetic3A_600 = arith.constant 1 : i32
    %shift_right_arithmetic3A_601 = vector.broadcast %shift_right_arithmetic3A_600 : i32 to vector<16xi32>
    %shift_right_arithmetic3A_602 = arith.shrsi %get3A_599, %shift_right_arithmetic3A_601 : vector<16xi32>
    %swap3A_603 = arith.constant 48 : index
    %swap3A_604 = tpu.vector_load %arg8[%swap3A_603] {strides = array<i32>} : memref<256xi32, #tpu.memory_space<vmem>>, vector<16xi32>,
    tpu.vector_store %arg8[%swap3A_603], %shift_right_arithmetic3A_602 {strides = array<i32>} : memref<256xi32, #tpu.memory_space<vmem>>, vector<16xi32>,
    %get3A_605 = arith.constant 64 : index
    %get3A_606 = tpu.vector_load %arg6[%get3A_605] {strides = array<i32>} : memref<256xi32, #tpu.memory_space<vmem>>, vector<16xi32>,
    %shift_right_arithmetic3A_607 = arith.constant 1 : i32
    %shift_right_arithmetic3A_608 = vector.broadcast %shift_right_arithmetic3A_607 : i32 to vector<16xi32>
    %shift_right_arithmetic3A_609 = arith.shrsi %get3A_606, %shift_right_arithmetic3A_608 : vector<16xi32>
    %swap3A_610 = arith.constant 64 : index
    %swap3A_611 = tpu.vector_load %arg8[%swap3A_610] {strides = array<i32>} : memref<256xi32, #tpu.memory_space<vmem>>, vector<16xi32>,
    tpu.vector_store %arg8[%swap3A_610], %shift_right_arithmetic3A_609 {strides = array<i32>} : memref<256xi32, #tpu.memory_space<vmem>>, vector<16xi32>,
    %get3A_612 = arith.constant 80 : index
    %get3A_613 = tpu.vector_load %arg6[%get3A_612] {strides = array<i32>} : memref<256xi32, #tpu.memory_space<vmem>>, vector<16xi32>,
    %shift_right_arithmetic3A_614 = arith.constant 1 : i32
    %shift_right_arithmetic3A_615 = vector.broadcast %shift_right_arithmetic3A_614 : i32 to vector<16xi32>
    %shift_right_arithmetic3A_616 = arith.shrsi %get3A_613, %shift_right_arithmetic3A_615 : vector<16xi32>
    %swap3A_617 = arith.constant 80 : index
    %swap3A_618 = tpu.vector_load %arg8[%swap3A_617] {strides = array<i32>} : memref<256xi32, #tpu.memory_space<vmem>>, vector<16xi32>,
    tpu.vector_store %arg8[%swap3A_617], %shift_right_arithmetic3A_616 {strides = array<i32>} : memref<256xi32, #tpu.memory_space<vmem>>, vector<16xi32>,
    %get3A_619 = arith.constant 96 : index
    %get3A_620 = tpu.vector_load %arg6[%get3A_619] {strides = array<i32>} : memref<256xi32, #tpu.memory_space<vmem>>, vector<16xi32>,
    %shift_right_arithmetic3A_621 = arith.constant 1 : i32
    %shift_right_arithmetic3A_622 = vector.broadcast %shift_right_arithmetic3A_621 : i32 to vector<16xi32>
    %shift_right_arithmetic3A_623 = arith.shrsi %get3A_620, %shift_right_arithmetic3A_622 : vector<16xi32>
    %swap3A_624 = arith.constant 96 : index
    %swap3A_625 = tpu.vector_load %arg8[%swap3A_624] {strides = array<i32>} : memref<256xi32, #tpu.memory_space<vmem>>, vector<16xi32>,
    tpu.vector_store %arg8[%swap3A_624], %shift_right_arithmetic3A_623 {strides = array<i32>} : memref<256xi32, #tpu.memory_space<vmem>>, vector<16xi32>,
    %get3A_626 = arith.constant 112 : index
    %get3A_627 = tpu.vector_load %arg6[%get3A_626] {strides = array<i32>} : memref<256xi32, #tpu.memory_space<vmem>>, vector<16xi32>,
    %shift_right_arithmetic3A_628 = arith.constant 1 : i32
    %shift_right_arithmetic3A_629 = vector.broadcast %shift_right_arithmetic3A_628 : i32 to vector<16xi32>
    %shift_right_arithmetic3A_630 = arith.shrsi %get3A_627, %shift_right_arithmetic3A_629 : vector<16xi32>
    %swap3A_631 = arith.constant 112 : index
    %swap3A_632 = tpu.vector_load %arg8[%swap3A_631] {strides = array<i32>} : memref<256xi32, #tpu.memory_space<vmem>>, vector<16xi32>,
    tpu.vector_store %arg8[%swap3A_631], %shift_right_arithmetic3A_630 {strides = array<i32>} : memref<256xi32, #tpu.memory_space<vmem>>, vector<16xi32>,
    %get3A_633 = arith.constant 128 : index
    %get3A_634 = tpu.vector_load %arg6[%get3A_633] {strides = array<i32>} : memref<256xi32, #tpu.memory_space<vmem>>, vector<16xi32>,
    %shift_right_arithmetic3A_635 = arith.constant 1 : i32
    %shift_right_arithmetic3A_636 = vector.broadcast %shift_right_arithmetic3A_635 : i32 to vector<16xi32>
    %shift_right_arithmetic3A_637 = arith.shrsi %get3A_634, %shift_right_arithmetic3A_636 : vector<16xi32>
    %swap3A_638 = arith.constant 128 : index
    %swap3A_639 = tpu.vector_load %arg8[%swap3A_638] {strides = array<i32>} : memref<256xi32, #tpu.memory_space<vmem>>, vector<16xi32>,
    tpu.vector_store %arg8[%swap3A_638], %shift_right_arithmetic3A_637 {strides = array<i32>} : memref<256xi32, #tpu.memory_space<vmem>>, vector<16xi32>,
    %get3A_640 = arith.constant 144 : index
    %get3A_641 = tpu.vector_load %arg6[%get3A_640] {strides = array<i32>} : memref<256xi32, #tpu.memory_space<vmem>>, vector<16xi32>,
    %shift_right_arithmetic3A_642 = arith.constant 1 : i32
    %shift_right_arithmetic3A_643 = vector.broadcast %shift_right_arithmetic3A_642 : i32 to vector<16xi32>
    %shift_right_arithmetic3A_644 = arith.shrsi %get3A_641, %shift_right_arithmetic3A_643 : vector<16xi32>
    %swap3A_645 = arith.constant 144 : index
    %swap3A_646 = tpu.vector_load %arg8[%swap3A_645] {strides = array<i32>} : memref<256xi32, #tpu.memory_space<vmem>>, vector<16xi32>,
    tpu.vector_store %arg8[%swap3A_645], %shift_right_arithmetic3A_644 {strides = array<i32>} : memref<256xi32, #tpu.memory_space<vmem>>, vector<16xi32>,
    %get3A_647 = arith.constant 160 : index
    %get3A_648 = tpu.vector_load %arg6[%get3A_647] {strides = array<i32>} : memref<256xi32, #tpu.memory_space<vmem>>, vector<16xi32>,
    %shift_right_arithmetic3A_649 = arith.constant 1 : i32
    %shift_right_arithmetic3A_650 = vector.broadcast %shift_right_arithmetic3A_649 : i32 to vector<16xi32>
    %shift_right_arithmetic3A_651 = arith.shrsi %get3A_648, %shift_right_arithmetic3A_650 : vector<16xi32>
    %swap3A_652 = arith.constant 160 : index
    %swap3A_653 = tpu.vector_load %arg8[%swap3A_652] {strides = array<i32>} : memref<256xi32, #tpu.memory_space<vmem>>, vector<16xi32>,
    tpu.vector_store %arg8[%swap3A_652], %shift_right_arithmetic3A_651 {strides = array<i32>} : memref<256xi32, #tpu.memory_space<vmem>>, vector<16xi32>,
    %get3A_654 = arith.constant 176 : index
    %get3A_655 = tpu.vector_load %arg6[%get3A_654] {strides = array<i32>} : memref<256xi32, #tpu.memory_space<vmem>>, vector<16xi32>,
    %shift_right_arithmetic3A_656 = arith.constant 1 : i32
    %shift_right_arithmetic3A_657 = vector.broadcast %shift_right_arithmetic3A_656 : i32 to vector<16xi32>
    %shift_right_arithmetic3A_658 = arith.shrsi %get3A_655, %shift_right_arithmetic3A_657 : vector<16xi32>
    %swap3A_659 = arith.constant 176 : index
    %swap3A_660 = tpu.vector_load %arg8[%swap3A_659] {strides = array<i32>} : memref<256xi32, #tpu.memory_space<vmem>>, vector<16xi32>,
    tpu.vector_store %arg8[%swap3A_659], %shift_right_arithmetic3A_658 {strides = array<i32>} : memref<256xi32, #tpu.memory_space<vmem>>, vector<16xi32>,
    %get3A_661 = arith.constant 192 : index
    %get3A_662 = tpu.vector_load %arg6[%get3A_661] {strides = array<i32>} : memref<256xi32, #tpu.memory_space<vmem>>, vector<16xi32>,
    %shift_right_arithmetic3A_663 = arith.constant 1 : i32
    %shift_right_arithmetic3A_664 = vector.broadcast %shift_right_arithmetic3A_663 : i32 to vector<16xi32>
    %shift_right_arithmetic3A_665 = arith.shrsi %get3A_662, %shift_right_arithmetic3A_664 : vector<16xi32>
    %swap3A_666 = arith.constant 192 : index
    %swap3A_667 = tpu.vector_load %arg8[%swap3A_666] {strides = array<i32>} : memref<256xi32, #tpu.memory_space<vmem>>, vector<16xi32>,
    tpu.vector_store %arg8[%swap3A_666], %shift_right_arithmetic3A_665 {strides = array<i32>} : memref<256xi32, #tpu.memory_space<vmem>>, vector<16xi32>,
    %get3A_668 = arith.constant 208 : index
    %get3A_669 = tpu.vector_load %arg6[%get3A_668] {strides = array<i32>} : memref<256xi32, #tpu.memory_space<vmem>>, vector<16xi32>,
    %shift_right_arithmetic3A_670 = arith.constant 1 : i32
    %shift_right_arithmetic3A_671 = vector.broadcast %shift_right_arithmetic3A_670 : i32 to vector<16xi32>
    %shift_right_arithmetic3A_672 = arith.shrsi %get3A_669, %shift_right_arithmetic3A_671 : vector<16xi32>
    %swap3A_673 = arith.constant 208 : index
    %swap3A_674 = tpu.vector_load %arg8[%swap3A_673] {strides = array<i32>} : memref<256xi32, #tpu.memory_space<vmem>>, vector<16xi32>,
    tpu.vector_store %arg8[%swap3A_673], %shift_right_arithmetic3A_672 {strides = array<i32>} : memref<256xi32, #tpu.memory_space<vmem>>, vector<16xi32>,
    %get3A_675 = arith.constant 224 : index
    %get3A_676 = tpu.vector_load %arg6[%get3A_675] {strides = array<i32>} : memref<256xi32, #tpu.memory_space<vmem>>, vector<16xi32>,
    %shift_right_arithmetic3A_677 = arith.constant 1 : i32
    %shift_right_arithmetic3A_678 = vector.broadcast %shift_right_arithmetic3A_677 : i32 to vector<16xi32>
    %shift_right_arithmetic3A_679 = arith.shrsi %get3A_676, %shift_right_arithmetic3A_678 : vector<16xi32>
    %swap3A_680 = arith.constant 224 : index
    %swap3A_681 = tpu.vector_load %arg8[%swap3A_680] {strides = array<i32>} : memref<256xi32, #tpu.memory_space<vmem>>, vector<16xi32>,
    tpu.vector_store %arg8[%swap3A_680], %shift_right_arithmetic3A_679 {strides = array<i32>} : memref<256xi32, #tpu.memory_space<vmem>>, vector<16xi32>,
    %get3A_682 = arith.constant 240 : index
    %get3A_683 = tpu.vector_load %arg6[%get3A_682] {strides = array<i32>} : memref<256xi32, #tpu.memory_space<vmem>>, vector<16xi32>,
    %shift_right_arithmetic3A_684 = arith.constant 1 : i32
    %shift_right_arithmetic3A_685 = vector.broadcast %shift_right_arithmetic3A_684 : i32 to vector<16xi32>
    %shift_right_arithmetic3A_686 = arith.shrsi %get3A_683, %shift_right_arithmetic3A_685 : vector<16xi32>
    %swap3A_687 = arith.constant 240 : index
    %swap3A_688 = tpu.vector_load %arg8[%swap3A_687] {strides = array<i32>} : memref<256xi32, #tpu.memory_space<vmem>>, vector<16xi32>,
    tpu.vector_store %arg8[%swap3A_687], %shift_right_arithmetic3A_686 {strides = array<i32>} : memref<256xi32, #tpu.memory_space<vmem>>, vector<16xi32>,
    %dma_start3A_689 = arith.constant 0 : i32
    %dma_start3A_690 = arith.constant 0 : i32
    %dma_start3A_691 = tpu.memref_slice %arg3[%dma_start3A_689, %dma_start3A_690] : memref<50000x128xf32, #tpu.memory_space<hbm>> -> memref<50000x128xf32, #tpu.memory_space<hbm>>
    tpu.enqueue_indirect_dma source(%dma_start3A_691 : memref<50000x128xf32, #tpu.memory_space<hbm>>) target(%arg10 : memref<256x128xf32, #tpu.memory_space<vmem>>) offsets(%arg8 : memref<256xi32, #tpu.memory_space<vmem>>) semaphore(%arg14 : memref<!tpu.dma_semaphore, #tpu.memory_space<semaphore_mem>>)
    %dma_wait3A_692 = arith.constant 0 : i32
    %dma_wait3A_693 = arith.constant 0 : i32
    %dma_wait3A_694 = tpu.memref_slice %arg3[%dma_wait3A_692, %dma_wait3A_693] : memref<50000x128xf32, #tpu.memory_space<hbm>> -> memref<50000x128xf32, #tpu.memory_space<hbm>>
    tpu.wait_indirect_dma semaphore(%arg13 : memref<!tpu.dma_semaphore, #tpu.memory_space<semaphore_mem>>) src(%dma_wait3A_694 : memref<50000x128xf32, #tpu.memory_space<hbm>>) dst(%arg9 : memref<256x128xf32, #tpu.memory_space<vmem>>)
    %iota3A_695 = tpu.iota {dimensions = array<i32: 0>} : vector<16xi32>
    %add3A_696 = arith.constant 0 : i32
    %add3A_697 = vector.broadcast %add3A_696 : i32 to vector<16xi32>
    %add3A_698 = arith.addi %iota3A_695, %add3A_697 : vector<16xi32>
    %and3A_699 = arith.constant 15 : i32
    %and3A_700 = vector.broadcast %and3A_699 : i32 to vector<16xi32>
    %and3A_701 = arith.andi %add3A_698, %and3A_700 : vector<16xi32>
    %add3A_702 = arith.constant 1 : i32
    %add3A_703 = vector.broadcast %add3A_702 : i32 to vector<16xi32>
    %add3A_704 = arith.addi %iota3A_695, %add3A_703 : vector<16xi32>
    %and3A_705 = arith.constant 15 : i32
    %and3A_706 = vector.broadcast %and3A_705 : i32 to vector<16xi32>
    %and3A_707 = arith.andi %add3A_704, %and3A_706 : vector<16xi32>
    %add3A_708 = arith.constant 2 : i32
    %add3A_709 = vector.broadcast %add3A_708 : i32 to vector<16xi32>
    %add3A_710 = arith.addi %iota3A_695, %add3A_709 : vector<16xi32>
    %and3A_711 = arith.constant 15 : i32
    %and3A_712 = vector.broadcast %and3A_711 : i32 to vector<16xi32>
    %and3A_713 = arith.andi %add3A_710, %and3A_712 : vector<16xi32>
    %add3A_714 = arith.constant 3 : i32
    %add3A_715 = vector.broadcast %add3A_714 : i32 to vector<16xi32>
    %add3A_716 = arith.addi %iota3A_695, %add3A_715 : vector<16xi32>
    %and3A_717 = arith.constant 15 : i32
    %and3A_718 = vector.broadcast %and3A_717 : i32 to vector<16xi32>
    %and3A_719 = arith.andi %add3A_716, %and3A_718 : vector<16xi32>
    %add3A_720 = arith.constant 4 : i32
    %add3A_721 = vector.broadcast %add3A_720 : i32 to vector<16xi32>
    %add3A_722 = arith.addi %iota3A_695, %add3A_721 : vector<16xi32>
    %and3A_723 = arith.constant 15 : i32
    %and3A_724 = vector.broadcast %and3A_723 : i32 to vector<16xi32>
    %and3A_725 = arith.andi %add3A_722, %and3A_724 : vector<16xi32>
    %add3A_726 = arith.constant 5 : i32
    %add3A_727 = vector.broadcast %add3A_726 : i32 to vector<16xi32>
    %add3A_728 = arith.addi %iota3A_695, %add3A_727 : vector<16xi32>
    %and3A_729 = arith.constant 15 : i32
    %and3A_730 = vector.broadcast %and3A_729 : i32 to vector<16xi32>
    %and3A_731 = arith.andi %add3A_728, %and3A_730 : vector<16xi32>
    %add3A_732 = arith.constant 6 : i32
    %add3A_733 = vector.broadcast %add3A_732 : i32 to vector<16xi32>
    %add3A_734 = arith.addi %iota3A_695, %add3A_733 : vector<16xi32>
    %and3A_735 = arith.constant 15 : i32
    %and3A_736 = vector.broadcast %and3A_735 : i32 to vector<16xi32>
    %and3A_737 = arith.andi %add3A_734, %and3A_736 : vector<16xi32>
    %add3A_738 = arith.constant 7 : i32
    %add3A_739 = vector.broadcast %add3A_738 : i32 to vector<16xi32>
    %add3A_740 = arith.addi %iota3A_695, %add3A_739 : vector<16xi32>
    %and3A_741 = arith.constant 15 : i32
    %and3A_742 = vector.broadcast %and3A_741 : i32 to vector<16xi32>
    %and3A_743 = arith.andi %add3A_740, %and3A_742 : vector<16xi32>
    %add3A_744 = arith.constant 8 : i32
    %add3A_745 = vector.broadcast %add3A_744 : i32 to vector<16xi32>
    %add3A_746 = arith.addi %iota3A_695, %add3A_745 : vector<16xi32>
    %and3A_747 = arith.constant 15 : i32
    %and3A_748 = vector.broadcast %and3A_747 : i32 to vector<16xi32>
    %and3A_749 = arith.andi %add3A_746, %and3A_748 : vector<16xi32>
    %add3A_750 = arith.constant 9 : i32
    %add3A_751 = vector.broadcast %add3A_750 : i32 to vector<16xi32>
    %add3A_752 = arith.addi %iota3A_695, %add3A_751 : vector<16xi32>
    %and3A_753 = arith.constant 15 : i32
    %and3A_754 = vector.broadcast %and3A_753 : i32 to vector<16xi32>
    %and3A_755 = arith.andi %add3A_752, %and3A_754 : vector<16xi32>
    %add3A_756 = arith.constant 10 : i32
    %add3A_757 = vector.broadcast %add3A_756 : i32 to vector<16xi32>
    %add3A_758 = arith.addi %iota3A_695, %add3A_757 : vector<16xi32>
    %and3A_759 = arith.constant 15 : i32
    %and3A_760 = vector.broadcast %and3A_759 : i32 to vector<16xi32>
    %and3A_761 = arith.andi %add3A_758, %and3A_760 : vector<16xi32>
    %add3A_762 = arith.constant 11 : i32
    %add3A_763 = vector.broadcast %add3A_762 : i32 to vector<16xi32>
    %add3A_764 = arith.addi %iota3A_695, %add3A_763 : vector<16xi32>
    %and3A_765 = arith.constant 15 : i32
    %and3A_766 = vector.broadcast %and3A_765 : i32 to vector<16xi32>
    %and3A_767 = arith.andi %add3A_764, %and3A_766 : vector<16xi32>
    %add3A_768 = arith.constant 12 : i32
    %add3A_769 = vector.broadcast %add3A_768 : i32 to vector<16xi32>
    %add3A_770 = arith.addi %iota3A_695, %add3A_769 : vector<16xi32>
    %and3A_771 = arith.constant 15 : i32
    %and3A_772 = vector.broadcast %and3A_771 : i32 to vector<16xi32>
    %and3A_773 = arith.andi %add3A_770, %and3A_772 : vector<16xi32>
    %add3A_774 = arith.constant 13 : i32
    %add3A_775 = vector.broadcast %add3A_774 : i32 to vector<16xi32>
    %add3A_776 = arith.addi %iota3A_695, %add3A_775 : vector<16xi32>
    %and3A_777 = arith.constant 15 : i32
    %and3A_778 = vector.broadcast %and3A_777 : i32 to vector<16xi32>
    %and3A_779 = arith.andi %add3A_776, %and3A_778 : vector<16xi32>
    %add3A_780 = arith.constant 14 : i32
    %add3A_781 = vector.broadcast %add3A_780 : i32 to vector<16xi32>
    %add3A_782 = arith.addi %iota3A_695, %add3A_781 : vector<16xi32>
    %and3A_783 = arith.constant 15 : i32
    %and3A_784 = vector.broadcast %and3A_783 : i32 to vector<16xi32>
    %and3A_785 = arith.andi %add3A_782, %and3A_784 : vector<16xi32>
    %add3A_786 = arith.constant 15 : i32
    %add3A_787 = vector.broadcast %add3A_786 : i32 to vector<16xi32>
    %add3A_788 = arith.addi %iota3A_695, %add3A_787 : vector<16xi32>
    %and3A_789 = arith.constant 15 : i32
    %and3A_790 = vector.broadcast %and3A_789 : i32 to vector<16xi32>
    %and3A_791 = arith.andi %add3A_788, %and3A_790 : vector<16xi32>
    %parallel_loop3A_792 = arith.constant 0 : i32
    %parallel_loop3A_793 = arith.constant 64 : i32
    %parallel_loop3A_794 = arith.constant 1 : i32
    scf.for %parallel_loop3A_928 = %parallel_loop3A_792 to %parallel_loop3A_793 step %parallel_loop3A_794  : i32 {
      %parallel_loop3A_929 = arith.constant 4 : i32
      %parallel_loop3A_930 = arith.divsi %parallel_loop3A_928, %parallel_loop3A_929 : i32
      %parallel_loop3A_931 = arith.constant 0 : i32
      %parallel_loop3A_932 = arith.cmpi sgt, %parallel_loop3A_928, %parallel_loop3A_931 : i32
      %parallel_loop3A_933 = arith.extui %parallel_loop3A_932 : i1 to i32
      %parallel_loop3A_934 = arith.constant 0 : i32
      %parallel_loop3A_935 = arith.cmpi slt, %parallel_loop3A_928, %parallel_loop3A_934 : i32
      %parallel_loop3A_936 = arith.extui %parallel_loop3A_935 : i1 to i32
      %parallel_loop3A_937 = arith.subi %parallel_loop3A_933, %parallel_loop3A_936 : i32
      %parallel_loop3A_938 = arith.constant 0 : i32
      %parallel_loop3A_939 = arith.cmpi sgt, %parallel_loop3A_929, %parallel_loop3A_938 : i32
      %parallel_loop3A_940 = arith.extui %parallel_loop3A_939 : i1 to i32
      %parallel_loop3A_941 = arith.constant 0 : i32
      %parallel_loop3A_942 = arith.cmpi slt, %parallel_loop3A_929, %parallel_loop3A_941 : i32
      %parallel_loop3A_943 = arith.extui %parallel_loop3A_942 : i1 to i32
      %parallel_loop3A_944 = arith.subi %parallel_loop3A_940, %parallel_loop3A_943 : i32
      %parallel_loop3A_945 = arith.cmpi ne, %parallel_loop3A_937, %parallel_loop3A_944 : i32
      %parallel_loop3A_946 = arith.remsi %parallel_loop3A_928, %parallel_loop3A_929 : i32
      %parallel_loop3A_947 = arith.constant 0 : i32
      %parallel_loop3A_948 = arith.cmpi ne, %parallel_loop3A_946, %parallel_loop3A_947 : i32
      %parallel_loop3A_949 = arith.andi %parallel_loop3A_945, %parallel_loop3A_948 : i1
      %parallel_loop3A_950 = arith.constant 1 : i32
      %parallel_loop3A_951 = arith.subi %parallel_loop3A_930, %parallel_loop3A_950 : i32
      %parallel_loop3A_952 = arith.select %parallel_loop3A_949, %parallel_loop3A_951, %parallel_loop3A_930 : i32
      %parallel_loop3A_953 = arith.constant 4 : i32
      %parallel_loop3A_954 = arith.constant 0 : i32
      %parallel_loop3A_955 = arith.cmpi eq, %parallel_loop3A_953, %parallel_loop3A_954 : i32
      %parallel_loop3A_956 = arith.constant 1 : i32
      %parallel_loop3A_957 = arith.select %parallel_loop3A_955, %parallel_loop3A_956, %parallel_loop3A_953 : i32
      %parallel_loop3A_958 = arith.remsi %parallel_loop3A_928, %parallel_loop3A_957 : i32
      %parallel_loop3A_959 = arith.constant 0 : i32
      %parallel_loop3A_960 = arith.cmpi ne, %parallel_loop3A_958, %parallel_loop3A_959 : i32
      %parallel_loop3A_961 = arith.constant 0 : i32
      %parallel_loop3A_962 = arith.cmpi slt, %parallel_loop3A_958, %parallel_loop3A_961 : i32
      %parallel_loop3A_963 = arith.constant 0 : i32
      %parallel_loop3A_964 = arith.cmpi slt, %parallel_loop3A_957, %parallel_loop3A_963 : i32
      %parallel_loop3A_965 = arith.xori %parallel_loop3A_962, %parallel_loop3A_964 : i1
      %parallel_loop3A_966 = arith.andi %parallel_loop3A_965, %parallel_loop3A_960 : i1
      %parallel_loop3A_967 = arith.addi %parallel_loop3A_958, %parallel_loop3A_957 : i32
      %parallel_loop3A_968 = arith.select %parallel_loop3A_966, %parallel_loop3A_967, %parallel_loop3A_958 : i32
      %parallel_loop3A_969 = arith.constant 16 : i32
      %parallel_loop3A_970 = arith.muli %parallel_loop3A_969, %parallel_loop3A_952 : i32
      %parallel_loop3A_971 = vector.broadcast %parallel_loop3A_970 : i32 to vector<16xi32>
      %parallel_loop3A_972 = arith.addi %iota3A_695, %parallel_loop3A_971 : vector<16xi32>
      %parallel_loop3A_973 = arith.index_cast %parallel_loop3A_970 : i32 to index
      %parallel_loop3A_974 = tpu.vector_load %arg5[%parallel_loop3A_973] {strides = array<i32>} : memref<256xi32, #tpu.memory_space<vmem>>, vector<16xi32>,
      %parallel_loop3A_975 = arith.constant 1 : i32
      %parallel_loop3A_976 = vector.broadcast %parallel_loop3A_975 : i32 to vector<16xi32>
      %parallel_loop3A_977 = arith.andi %parallel_loop3A_974, %parallel_loop3A_976 : vector<16xi32>
      %parallel_loop3A_978 = arith.constant 6 : i32
      %parallel_loop3A_979 = vector.broadcast %parallel_loop3A_978 : i32 to vector<16xi32>
      %parallel_loop3A_980 = arith.shli %parallel_loop3A_977, %parallel_loop3A_979 : vector<16xi32>
      %parallel_loop3A_981 = arith.constant 16 : i32
      %parallel_loop3A_982 = arith.muli %parallel_loop3A_981, %parallel_loop3A_968 : i32
      %parallel_loop3A_983 = vector.broadcast %parallel_loop3A_982 : i32 to vector<16xi32>
      %parallel_loop3A_984 = arith.addi %and3A_701, %parallel_loop3A_983 : vector<16xi32>
      %parallel_loop3A_985 = arith.addi %parallel_loop3A_980, %parallel_loop3A_984 : vector<16xi32>
      %parallel_loop3A_986 = tpu.vector_load_idx %arg9[%parallel_loop3A_972, %parallel_loop3A_985] : memref<256x128xf32, #tpu.memory_space<vmem>>[vector<16xi32>, vector<16xi32>], vector<16xf32>,
      tpu.vector_store_idx %arg11[%parallel_loop3A_984, %parallel_loop3A_972], %parallel_loop3A_986 : memref<64x256xf32, #tpu.memory_space<vmem>>[vector<16xi32>, vector<16xi32>], vector<16xf32>,
      %parallel_loop3A_987 = arith.constant 16 : i32
      %parallel_loop3A_988 = arith.muli %parallel_loop3A_987, %parallel_loop3A_968 : i32
      %parallel_loop3A_989 = vector.broadcast %parallel_loop3A_988 : i32 to vector<16xi32>
      %parallel_loop3A_990 = arith.addi %and3A_707, %parallel_loop3A_989 : vector<16xi32>
      %parallel_loop3A_991 = arith.addi %parallel_loop3A_980, %parallel_loop3A_990 : vector<16xi32>
      %parallel_loop3A_992 = tpu.vector_load_idx %arg9[%parallel_loop3A_972, %parallel_loop3A_991] : memref<256x128xf32, #tpu.memory_space<vmem>>[vector<16xi32>, vector<16xi32>], vector<16xf32>,
      tpu.vector_store_idx %arg11[%parallel_loop3A_990, %parallel_loop3A_972], %parallel_loop3A_992 : memref<64x256xf32, #tpu.memory_space<vmem>>[vector<16xi32>, vector<16xi32>], vector<16xf32>,
      %parallel_loop3A_993 = arith.constant 16 : i32
      %parallel_loop3A_994 = arith.muli %parallel_loop3A_993, %parallel_loop3A_968 : i32
      %parallel_loop3A_995 = vector.broadcast %parallel_loop3A_994 : i32 to vector<16xi32>
      %parallel_loop3A_996 = arith.addi %and3A_713, %parallel_loop3A_995 : vector<16xi32>
      %parallel_loop3A_997 = arith.addi %parallel_loop3A_980, %parallel_loop3A_996 : vector<16xi32>
      %parallel_loop3A_998 = tpu.vector_load_idx %arg9[%parallel_loop3A_972, %parallel_loop3A_997] : memref<256x128xf32, #tpu.memory_space<vmem>>[vector<16xi32>, vector<16xi32>], vector<16xf32>,
      tpu.vector_store_idx %arg11[%parallel_loop3A_996, %parallel_loop3A_972], %parallel_loop3A_998 : memref<64x256xf32, #tpu.memory_space<vmem>>[vector<16xi32>, vector<16xi32>], vector<16xf32>,
      %parallel_loop3A_999 = arith.constant 16 : i32
      %parallel_loop3A_1000 = arith.muli %parallel_loop3A_999, %parallel_loop3A_968 : i32
      %parallel_loop3A_1001 = vector.broadcast %parallel_loop3A_1000 : i32 to vector<16xi32>
      %parallel_loop3A_1002 = arith.addi %and3A_719, %parallel_loop3A_1001 : vector<16xi32>
      %parallel_loop3A_1003 = arith.addi %parallel_loop3A_980, %parallel_loop3A_1002 : vector<16xi32>
      %parallel_loop3A_1004 = tpu.vector_load_idx %arg9[%parallel_loop3A_972, %parallel_loop3A_1003] : memref<256x128xf32, #tpu.memory_space<vmem>>[vector<16xi32>, vector<16xi32>], vector<16xf32>,
      tpu.vector_store_idx %arg11[%parallel_loop3A_1002, %parallel_loop3A_972], %parallel_loop3A_1004 : memref<64x256xf32, #tpu.memory_space<vmem>>[vector<16xi32>, vector<16xi32>], vector<16xf32>,
      %parallel_loop3A_1005 = arith.constant 16 : i32
      %parallel_loop3A_1006 = arith.muli %parallel_loop3A_1005, %parallel_loop3A_968 : i32
      %parallel_loop3A_1007 = vector.broadcast %parallel_loop3A_1006 : i32 to vector<16xi32>
      %parallel_loop3A_1008 = arith.addi %and3A_725, %parallel_loop3A_1007 : vector<16xi32>
      %parallel_loop3A_1009 = arith.addi %parallel_loop3A_980, %parallel_loop3A_1008 : vector<16xi32>
      %parallel_loop3A_1010 = tpu.vector_load_idx %arg9[%parallel_loop3A_972, %parallel_loop3A_1009] : memref<256x128xf32, #tpu.memory_space<vmem>>[vector<16xi32>, vector<16xi32>], vector<16xf32>,
      tpu.vector_store_idx %arg11[%parallel_loop3A_1008, %parallel_loop3A_972], %parallel_loop3A_1010 : memref<64x256xf32, #tpu.memory_space<vmem>>[vector<16xi32>, vector<16xi32>], vector<16xf32>,
      %parallel_loop3A_1011 = arith.constant 16 : i32
      %parallel_loop3A_1012 = arith.muli %parallel_loop3A_1011, %parallel_loop3A_968 : i32
      %parallel_loop3A_1013 = vector.broadcast %parallel_loop3A_1012 : i32 to vector<16xi32>
      %parallel_loop3A_1014 = arith.addi %and3A_731, %parallel_loop3A_1013 : vector<16xi32>
      %parallel_loop3A_1015 = arith.addi %parallel_loop3A_980, %parallel_loop3A_1014 : vector<16xi32>
      %parallel_loop3A_1016 = tpu.vector_load_idx %arg9[%parallel_loop3A_972, %parallel_loop3A_1015] : memref<256x128xf32, #tpu.memory_space<vmem>>[vector<16xi32>, vector<16xi32>], vector<16xf32>,
      tpu.vector_store_idx %arg11[%parallel_loop3A_1014, %parallel_loop3A_972], %parallel_loop3A_1016 : memref<64x256xf32, #tpu.memory_space<vmem>>[vector<16xi32>, vector<16xi32>], vector<16xf32>,
      %parallel_loop3A_1017 = arith.constant 16 : i32
      %parallel_loop3A_1018 = arith.muli %parallel_loop3A_1017, %parallel_loop3A_968 : i32
      %parallel_loop3A_1019 = vector.broadcast %parallel_loop3A_1018 : i32 to vector<16xi32>
      %parallel_loop3A_1020 = arith.addi %and3A_737, %parallel_loop3A_1019 : vector<16xi32>
      %parallel_loop3A_1021 = arith.addi %parallel_loop3A_980, %parallel_loop3A_1020 : vector<16xi32>
      %parallel_loop3A_1022 = tpu.vector_load_idx %arg9[%parallel_loop3A_972, %parallel_loop3A_1021] : memref<256x128xf32, #tpu.memory_space<vmem>>[vector<16xi32>, vector<16xi32>], vector<16xf32>,
      tpu.vector_store_idx %arg11[%parallel_loop3A_1020, %parallel_loop3A_972], %parallel_loop3A_1022 : memref<64x256xf32, #tpu.memory_space<vmem>>[vector<16xi32>, vector<16xi32>], vector<16xf32>,
      %parallel_loop3A_1023 = arith.constant 16 : i32
      %parallel_loop3A_1024 = arith.muli %parallel_loop3A_1023, %parallel_loop3A_968 : i32
      %parallel_loop3A_1025 = vector.broadcast %parallel_loop3A_1024 : i32 to vector<16xi32>
      %parallel_loop3A_1026 = arith.addi %and3A_743, %parallel_loop3A_1025 : vector<16xi32>
      %parallel_loop3A_1027 = arith.addi %parallel_loop3A_980, %parallel_loop3A_1026 : vector<16xi32>
      %parallel_loop3A_1028 = tpu.vector_load_idx %arg9[%parallel_loop3A_972, %parallel_loop3A_1027] : memref<256x128xf32, #tpu.memory_space<vmem>>[vector<16xi32>, vector<16xi32>], vector<16xf32>,
      tpu.vector_store_idx %arg11[%parallel_loop3A_1026, %parallel_loop3A_972], %parallel_loop3A_1028 : memref<64x256xf32, #tpu.memory_space<vmem>>[vector<16xi32>, vector<16xi32>], vector<16xf32>,
      %parallel_loop3A_1029 = arith.constant 16 : i32
      %parallel_loop3A_1030 = arith.muli %parallel_loop3A_1029, %parallel_loop3A_968 : i32
      %parallel_loop3A_1031 = vector.broadcast %parallel_loop3A_1030 : i32 to vector<16xi32>
      %parallel_loop3A_1032 = arith.addi %and3A_749, %parallel_loop3A_1031 : vector<16xi32>
      %parallel_loop3A_1033 = arith.addi %parallel_loop3A_980, %parallel_loop3A_1032 : vector<16xi32>
      %parallel_loop3A_1034 = tpu.vector_load_idx %arg9[%parallel_loop3A_972, %parallel_loop3A_1033] : memref<256x128xf32, #tpu.memory_space<vmem>>[vector<16xi32>, vector<16xi32>], vector<16xf32>,
      tpu.vector_store_idx %arg11[%parallel_loop3A_1032, %parallel_loop3A_972], %parallel_loop3A_1034 : memref<64x256xf32, #tpu.memory_space<vmem>>[vector<16xi32>, vector<16xi32>], vector<16xf32>,
      %parallel_loop3A_1035 = arith.constant 16 : i32
      %parallel_loop3A_1036 = arith.muli %parallel_loop3A_1035, %parallel_loop3A_968 : i32
      %parallel_loop3A_1037 = vector.broadcast %parallel_loop3A_1036 : i32 to vector<16xi32>
      %parallel_loop3A_1038 = arith.addi %and3A_755, %parallel_loop3A_1037 : vector<16xi32>
      %parallel_loop3A_1039 = arith.addi %parallel_loop3A_980, %parallel_loop3A_1038 : vector<16xi32>
      %parallel_loop3A_1040 = tpu.vector_load_idx %arg9[%parallel_loop3A_972, %parallel_loop3A_1039] : memref<256x128xf32, #tpu.memory_space<vmem>>[vector<16xi32>, vector<16xi32>], vector<16xf32>,
      tpu.vector_store_idx %arg11[%parallel_loop3A_1038, %parallel_loop3A_972], %parallel_loop3A_1040 : memref<64x256xf32, #tpu.memory_space<vmem>>[vector<16xi32>, vector<16xi32>], vector<16xf32>,
      %parallel_loop3A_1041 = arith.constant 16 : i32
      %parallel_loop3A_1042 = arith.muli %parallel_loop3A_1041, %parallel_loop3A_968 : i32
      %parallel_loop3A_1043 = vector.broadcast %parallel_loop3A_1042 : i32 to vector<16xi32>
      %parallel_loop3A_1044 = arith.addi %and3A_761, %parallel_loop3A_1043 : vector<16xi32>
      %parallel_loop3A_1045 = arith.addi %parallel_loop3A_980, %parallel_loop3A_1044 : vector<16xi32>
      %parallel_loop3A_1046 = tpu.vector_load_idx %arg9[%parallel_loop3A_972, %parallel_loop3A_1045] : memref<256x128xf32, #tpu.memory_space<vmem>>[vector<16xi32>, vector<16xi32>], vector<16xf32>,
      tpu.vector_store_idx %arg11[%parallel_loop3A_1044, %parallel_loop3A_972], %parallel_loop3A_1046 : memref<64x256xf32, #tpu.memory_space<vmem>>[vector<16xi32>, vector<16xi32>], vector<16xf32>,
      %parallel_loop3A_1047 = arith.constant 16 : i32
      %parallel_loop3A_1048 = arith.muli %parallel_loop3A_1047, %parallel_loop3A_968 : i32
      %parallel_loop3A_1049 = vector.broadcast %parallel_loop3A_1048 : i32 to vector<16xi32>
      %parallel_loop3A_1050 = arith.addi %and3A_767, %parallel_loop3A_1049 : vector<16xi32>
      %parallel_loop3A_1051 = arith.addi %parallel_loop3A_980, %parallel_loop3A_1050 : vector<16xi32>
      %parallel_loop3A_1052 = tpu.vector_load_idx %arg9[%parallel_loop3A_972, %parallel_loop3A_1051] : memref<256x128xf32, #tpu.memory_space<vmem>>[vector<16xi32>, vector<16xi32>], vector<16xf32>,
      tpu.vector_store_idx %arg11[%parallel_loop3A_1050, %parallel_loop3A_972], %parallel_loop3A_1052 : memref<64x256xf32, #tpu.memory_space<vmem>>[vector<16xi32>, vector<16xi32>], vector<16xf32>,
      %parallel_loop3A_1053 = arith.constant 16 : i32
      %parallel_loop3A_1054 = arith.muli %parallel_loop3A_1053, %parallel_loop3A_968 : i32
      %parallel_loop3A_1055 = vector.broadcast %parallel_loop3A_1054 : i32 to vector<16xi32>
      %parallel_loop3A_1056 = arith.addi %and3A_773, %parallel_loop3A_1055 : vector<16xi32>
      %parallel_loop3A_1057 = arith.addi %parallel_loop3A_980, %parallel_loop3A_1056 : vector<16xi32>
      %parallel_loop3A_1058 = tpu.vector_load_idx %arg9[%parallel_loop3A_972, %parallel_loop3A_1057] : memref<256x128xf32, #tpu.memory_space<vmem>>[vector<16xi32>, vector<16xi32>], vector<16xf32>,
      tpu.vector_store_idx %arg11[%parallel_loop3A_1056, %parallel_loop3A_972], %parallel_loop3A_1058 : memref<64x256xf32, #tpu.memory_space<vmem>>[vector<16xi32>, vector<16xi32>], vector<16xf32>,
      %parallel_loop3A_1059 = arith.constant 16 : i32
      %parallel_loop3A_1060 = arith.muli %parallel_loop3A_1059, %parallel_loop3A_968 : i32
      %parallel_loop3A_1061 = vector.broadcast %parallel_loop3A_1060 : i32 to vector<16xi32>
      %parallel_loop3A_1062 = arith.addi %and3A_779, %parallel_loop3A_1061 : vector<16xi32>
      %parallel_loop3A_1063 = arith.addi %parallel_loop3A_980, %parallel_loop3A_1062 : vector<16xi32>
      %parallel_loop3A_1064 = tpu.vector_load_idx %arg9[%parallel_loop3A_972, %parallel_loop3A_1063] : memref<256x128xf32, #tpu.memory_space<vmem>>[vector<16xi32>, vector<16xi32>], vector<16xf32>,
      tpu.vector_store_idx %arg11[%parallel_loop3A_1062, %parallel_loop3A_972], %parallel_loop3A_1064 : memref<64x256xf32, #tpu.memory_space<vmem>>[vector<16xi32>, vector<16xi32>], vector<16xf32>,
      %parallel_loop3A_1065 = arith.constant 16 : i32
      %parallel_loop3A_1066 = arith.muli %parallel_loop3A_1065, %parallel_loop3A_968 : i32
      %parallel_loop3A_1067 = vector.broadcast %parallel_loop3A_1066 : i32 to vector<16xi32>
      %parallel_loop3A_1068 = arith.addi %and3A_785, %parallel_loop3A_1067 : vector<16xi32>
      %parallel_loop3A_1069 = arith.addi %parallel_loop3A_980, %parallel_loop3A_1068 : vector<16xi32>
      %parallel_loop3A_1070 = tpu.vector_load_idx %arg9[%parallel_loop3A_972, %parallel_loop3A_1069] : memref<256x128xf32, #tpu.memory_space<vmem>>[vector<16xi32>, vector<16xi32>], vector<16xf32>,
      tpu.vector_store_idx %arg11[%parallel_loop3A_1068, %parallel_loop3A_972], %parallel_loop3A_1070 : memref<64x256xf32, #tpu.memory_space<vmem>>[vector<16xi32>, vector<16xi32>], vector<16xf32>,
      %parallel_loop3A_1071 = arith.constant 16 : i32
      %parallel_loop3A_1072 = arith.muli %parallel_loop3A_1071, %parallel_loop3A_968 : i32
      %parallel_loop3A_1073 = vector.broadcast %parallel_loop3A_1072 : i32 to vector<16xi32>
      %parallel_loop3A_1074 = arith.addi %and3A_791, %parallel_loop3A_1073 : vector<16xi32>
      %parallel_loop3A_1075 = arith.addi %parallel_loop3A_980, %parallel_loop3A_1074 : vector<16xi32>
      %parallel_loop3A_1076 = tpu.vector_load_idx %arg9[%parallel_loop3A_972, %parallel_loop3A_1075] : memref<256x128xf32, #tpu.memory_space<vmem>>[vector<16xi32>, vector<16xi32>], vector<16xf32>,
      tpu.vector_store_idx %arg11[%parallel_loop3A_1074, %parallel_loop3A_972], %parallel_loop3A_1076 : memref<64x256xf32, #tpu.memory_space<vmem>>[vector<16xi32>, vector<16xi32>], vector<16xf32>,
    } {sc.loop_unroll_factor = 2 : i64, sc.parallel_access}
    %add3A_795 = arith.constant 101888 : i32
    %add3A_796 = arith.addi %mul3A_2, %add3A_795 : i32
    %dma_start3A_797 = arith.constant 0 : i32
    %dma_start3A_798 = tpu.memref_slice %arg4[%dma_start3A_797, %add3A_796] : memref<64x3276800xf32, #tpu.memory_space<hbm>> -> memref<64x256xf32, #tpu.memory_space<hbm>>
    %dma_start3A_799 = arith.constant 0 : i32
    %dma_start3A_800 = tpu.memref_slice %arg4[%dma_start3A_799, %add3A_796] : memref<64x3276800xf32, #tpu.memory_space<hbm>> -> memref<64x256xf32, #tpu.memory_space<hbm>>
    tpu.enqueue_dma source(%arg11 : memref<64x256xf32, #tpu.memory_space<vmem>>) target(%dma_start3A_800 : memref<64x256xf32, #tpu.memory_space<hbm>>) target_semaphore(%arg15 : memref<!tpu.dma_semaphore, #tpu.memory_space<semaphore_mem>>)
    %add3A_801 = arith.constant 101632 : i32
    %add3A_802 = arith.addi %mul3A_2, %add3A_801 : i32
    %dma_wait3A_803 = arith.constant 0 : i32
    %dma_wait3A_804 = tpu.memref_slice %arg4[%dma_wait3A_803, %add3A_802] : memref<64x3276800xf32, #tpu.memory_space<hbm>> -> memref<64x256xf32, #tpu.memory_space<hbm>>
    %dma_wait3A_805 = arith.constant 0 : i32
    %dma_wait3A_806 = tpu.memref_slice %arg4[%dma_wait3A_805, %add3A_802] : memref<64x3276800xf32, #tpu.memory_space<hbm>> -> memref<64x256xf32, #tpu.memory_space<hbm>>
    tpu.wait_dma2 semaphore(%arg16 : memref<!tpu.dma_semaphore, #tpu.memory_space<semaphore_mem>>) src(%arg12 : memref<64x256xf32, #tpu.memory_space<vmem>>) dst(%dma_wait3A_806 : memref<64x256xf32, #tpu.memory_space<hbm>>)
    %dma_wait3A_807 = arith.constant 0 : i32
    %dma_wait3A_808 = arith.constant 0 : i32
    %dma_wait3A_809 = tpu.memref_slice %arg3[%dma_wait3A_807, %dma_wait3A_808] : memref<50000x128xf32, #tpu.memory_space<hbm>> -> memref<50000x128xf32, #tpu.memory_space<hbm>>
    tpu.wait_indirect_dma semaphore(%arg14 : memref<!tpu.dma_semaphore, #tpu.memory_space<semaphore_mem>>) src(%dma_wait3A_809 : memref<50000x128xf32, #tpu.memory_space<hbm>>) dst(%arg10 : memref<256x128xf32, #tpu.memory_space<vmem>>)
    %iota3A_810 = tpu.iota {dimensions = array<i32: 0>} : vector<16xi32>
    %add3A_811 = arith.constant 0 : i32
    %add3A_812 = vector.broadcast %add3A_811 : i32 to vector<16xi32>
    %add3A_813 = arith.addi %iota3A_810, %add3A_812 : vector<16xi32>
    %and3A_814 = arith.constant 15 : i32
    %and3A_815 = vector.broadcast %and3A_814 : i32 to vector<16xi32>
    %and3A_816 = arith.andi %add3A_813, %and3A_815 : vector<16xi32>
    %add3A_817 = arith.constant 1 : i32
    %add3A_818 = vector.broadcast %add3A_817 : i32 to vector<16xi32>
    %add3A_819 = arith.addi %iota3A_810, %add3A_818 : vector<16xi32>
    %and3A_820 = arith.constant 15 : i32
    %and3A_821 = vector.broadcast %and3A_820 : i32 to vector<16xi32>
    %and3A_822 = arith.andi %add3A_819, %and3A_821 : vector<16xi32>
    %add3A_823 = arith.constant 2 : i32
    %add3A_824 = vector.broadcast %add3A_823 : i32 to vector<16xi32>
    %add3A_825 = arith.addi %iota3A_810, %add3A_824 : vector<16xi32>
    %and3A_826 = arith.constant 15 : i32
    %and3A_827 = vector.broadcast %and3A_826 : i32 to vector<16xi32>
    %and3A_828 = arith.andi %add3A_825, %and3A_827 : vector<16xi32>
    %add3A_829 = arith.constant 3 : i32
    %add3A_830 = vector.broadcast %add3A_829 : i32 to vector<16xi32>
    %add3A_831 = arith.addi %iota3A_810, %add3A_830 : vector<16xi32>
    %and3A_832 = arith.constant 15 : i32
    %and3A_833 = vector.broadcast %and3A_832 : i32 to vector<16xi32>
    %and3A_834 = arith.andi %add3A_831, %and3A_833 : vector<16xi32>
    %add3A_835 = arith.constant 4 : i32
    %add3A_836 = vector.broadcast %add3A_835 : i32 to vector<16xi32>
    %add3A_837 = arith.addi %iota3A_810, %add3A_836 : vector<16xi32>
    %and3A_838 = arith.constant 15 : i32
    %and3A_839 = vector.broadcast %and3A_838 : i32 to vector<16xi32>
    %and3A_840 = arith.andi %add3A_837, %and3A_839 : vector<16xi32>
    %add3A_841 = arith.constant 5 : i32
    %add3A_842 = vector.broadcast %add3A_841 : i32 to vector<16xi32>
    %add3A_843 = arith.addi %iota3A_810, %add3A_842 : vector<16xi32>
    %and3A_844 = arith.constant 15 : i32
    %and3A_845 = vector.broadcast %and3A_844 : i32 to vector<16xi32>
    %and3A_846 = arith.andi %add3A_843, %and3A_845 : vector<16xi32>
    %add3A_847 = arith.constant 6 : i32
    %add3A_848 = vector.broadcast %add3A_847 : i32 to vector<16xi32>
    %add3A_849 = arith.addi %iota3A_810, %add3A_848 : vector<16xi32>
    %and3A_850 = arith.constant 15 : i32
    %and3A_851 = vector.broadcast %and3A_850 : i32 to vector<16xi32>
    %and3A_852 = arith.andi %add3A_849, %and3A_851 : vector<16xi32>
    %add3A_853 = arith.constant 7 : i32
    %add3A_854 = vector.broadcast %add3A_853 : i32 to vector<16xi32>
    %add3A_855 = arith.addi %iota3A_810, %add3A_854 : vector<16xi32>
    %and3A_856 = arith.constant 15 : i32
    %and3A_857 = vector.broadcast %and3A_856 : i32 to vector<16xi32>
    %and3A_858 = arith.andi %add3A_855, %and3A_857 : vector<16xi32>
    %add3A_859 = arith.constant 8 : i32
    %add3A_860 = vector.broadcast %add3A_859 : i32 to vector<16xi32>
    %add3A_861 = arith.addi %iota3A_810, %add3A_860 : vector<16xi32>
    %and3A_862 = arith.constant 15 : i32
    %and3A_863 = vector.broadcast %and3A_862 : i32 to vector<16xi32>
    %and3A_864 = arith.andi %add3A_861, %and3A_863 : vector<16xi32>
    %add3A_865 = arith.constant 9 : i32
    %add3A_866 = vector.broadcast %add3A_865 : i32 to vector<16xi32>
    %add3A_867 = arith.addi %iota3A_810, %add3A_866 : vector<16xi32>
    %and3A_868 = arith.constant 15 : i32
    %and3A_869 = vector.broadcast %and3A_868 : i32 to vector<16xi32>
    %and3A_870 = arith.andi %add3A_867, %and3A_869 : vector<16xi32>
    %add3A_871 = arith.constant 10 : i32
    %add3A_872 = vector.broadcast %add3A_871 : i32 to vector<16xi32>
    %add3A_873 = arith.addi %iota3A_810, %add3A_872 : vector<16xi32>
    %and3A_874 = arith.constant 15 : i32
    %and3A_875 = vector.broadcast %and3A_874 : i32 to vector<16xi32>
    %and3A_876 = arith.andi %add3A_873, %and3A_875 : vector<16xi32>
    %add3A_877 = arith.constant 11 : i32
    %add3A_878 = vector.broadcast %add3A_877 : i32 to vector<16xi32>
    %add3A_879 = arith.addi %iota3A_810, %add3A_878 : vector<16xi32>
    %and3A_880 = arith.constant 15 : i32
    %and3A_881 = vector.broadcast %and3A_880 : i32 to vector<16xi32>
    %and3A_882 = arith.andi %add3A_879, %and3A_881 : vector<16xi32>
    %add3A_883 = arith.constant 12 : i32
    %add3A_884 = vector.broadcast %add3A_883 : i32 to vector<16xi32>
    %add3A_885 = arith.addi %iota3A_810, %add3A_884 : vector<16xi32>
    %and3A_886 = arith.constant 15 : i32
    %and3A_887 = vector.broadcast %and3A_886 : i32 to vector<16xi32>
    %and3A_888 = arith.andi %add3A_885, %and3A_887 : vector<16xi32>
    %add3A_889 = arith.constant 13 : i32
    %add3A_890 = vector.broadcast %add3A_889 : i32 to vector<16xi32>
    %add3A_891 = arith.addi %iota3A_810, %add3A_890 : vector<16xi32>
    %and3A_892 = arith.constant 15 : i32
    %and3A_893 = vector.broadcast %and3A_892 : i32 to vector<16xi32>
    %and3A_894 = arith.andi %add3A_891, %and3A_893 : vector<16xi32>
    %add3A_895 = arith.constant 14 : i32
    %add3A_896 = vector.broadcast %add3A_895 : i32 to vector<16xi32>
    %add3A_897 = arith.addi %iota3A_810, %add3A_896 : vector<16xi32>
    %and3A_898 = arith.constant 15 : i32
    %and3A_899 = vector.broadcast %and3A_898 : i32 to vector<16xi32>
    %and3A_900 = arith.andi %add3A_897, %and3A_899 : vector<16xi32>
    %add3A_901 = arith.constant 15 : i32
    %add3A_902 = vector.broadcast %add3A_901 : i32 to vector<16xi32>
    %add3A_903 = arith.addi %iota3A_810, %add3A_902 : vector<16xi32>
    %and3A_904 = arith.constant 15 : i32
    %and3A_905 = vector.broadcast %and3A_904 : i32 to vector<16xi32>
    %and3A_906 = arith.andi %add3A_903, %and3A_905 : vector<16xi32>
    %parallel_loop3A_907 = arith.constant 0 : i32
    %parallel_loop3A_908 = arith.constant 64 : i32
    %parallel_loop3A_909 = arith.constant 1 : i32
    scf.for %parallel_loop3A_928 = %parallel_loop3A_907 to %parallel_loop3A_908 step %parallel_loop3A_909  : i32 {
      %parallel_loop3A_929 = arith.constant 4 : i32
      %parallel_loop3A_930 = arith.divsi %parallel_loop3A_928, %parallel_loop3A_929 : i32
      %parallel_loop3A_931 = arith.constant 0 : i32
      %parallel_loop3A_932 = arith.cmpi sgt, %parallel_loop3A_928, %parallel_loop3A_931 : i32
      %parallel_loop3A_933 = arith.extui %parallel_loop3A_932 : i1 to i32
      %parallel_loop3A_934 = arith.constant 0 : i32
      %parallel_loop3A_935 = arith.cmpi slt, %parallel_loop3A_928, %parallel_loop3A_934 : i32
      %parallel_loop3A_936 = arith.extui %parallel_loop3A_935 : i1 to i32
      %parallel_loop3A_937 = arith.subi %parallel_loop3A_933, %parallel_loop3A_936 : i32
      %parallel_loop3A_938 = arith.constant 0 : i32
      %parallel_loop3A_939 = arith.cmpi sgt, %parallel_loop3A_929, %parallel_loop3A_938 : i32
      %parallel_loop3A_940 = arith.extui %parallel_loop3A_939 : i1 to i32
      %parallel_loop3A_941 = arith.constant 0 : i32
      %parallel_loop3A_942 = arith.cmpi slt, %parallel_loop3A_929, %parallel_loop3A_941 : i32
      %parallel_loop3A_943 = arith.extui %parallel_loop3A_942 : i1 to i32
      %parallel_loop3A_944 = arith.subi %parallel_loop3A_940, %parallel_loop3A_943 : i32
      %parallel_loop3A_945 = arith.cmpi ne, %parallel_loop3A_937, %parallel_loop3A_944 : i32
      %parallel_loop3A_946 = arith.remsi %parallel_loop3A_928, %parallel_loop3A_929 : i32
      %parallel_loop3A_947 = arith.constant 0 : i32
      %parallel_loop3A_948 = arith.cmpi ne, %parallel_loop3A_946, %parallel_loop3A_947 : i32
      %parallel_loop3A_949 = arith.andi %parallel_loop3A_945, %parallel_loop3A_948 : i1
      %parallel_loop3A_950 = arith.constant 1 : i32
      %parallel_loop3A_951 = arith.subi %parallel_loop3A_930, %parallel_loop3A_950 : i32
      %parallel_loop3A_952 = arith.select %parallel_loop3A_949, %parallel_loop3A_951, %parallel_loop3A_930 : i32
      %parallel_loop3A_953 = arith.constant 4 : i32
      %parallel_loop3A_954 = arith.constant 0 : i32
      %parallel_loop3A_955 = arith.cmpi eq, %parallel_loop3A_953, %parallel_loop3A_954 : i32
      %parallel_loop3A_956 = arith.constant 1 : i32
      %parallel_loop3A_957 = arith.select %parallel_loop3A_955, %parallel_loop3A_956, %parallel_loop3A_953 : i32
      %parallel_loop3A_958 = arith.remsi %parallel_loop3A_928, %parallel_loop3A_957 : i32
      %parallel_loop3A_959 = arith.constant 0 : i32
      %parallel_loop3A_960 = arith.cmpi ne, %parallel_loop3A_958, %parallel_loop3A_959 : i32
      %parallel_loop3A_961 = arith.constant 0 : i32
      %parallel_loop3A_962 = arith.cmpi slt, %parallel_loop3A_958, %parallel_loop3A_961 : i32
      %parallel_loop3A_963 = arith.constant 0 : i32
      %parallel_loop3A_964 = arith.cmpi slt, %parallel_loop3A_957, %parallel_loop3A_963 : i32
      %parallel_loop3A_965 = arith.xori %parallel_loop3A_962, %parallel_loop3A_964 : i1
      %parallel_loop3A_966 = arith.andi %parallel_loop3A_965, %parallel_loop3A_960 : i1
      %parallel_loop3A_967 = arith.addi %parallel_loop3A_958, %parallel_loop3A_957 : i32
      %parallel_loop3A_968 = arith.select %parallel_loop3A_966, %parallel_loop3A_967, %parallel_loop3A_958 : i32
      %parallel_loop3A_969 = arith.constant 16 : i32
      %parallel_loop3A_970 = arith.muli %parallel_loop3A_969, %parallel_loop3A_952 : i32
      %parallel_loop3A_971 = vector.broadcast %parallel_loop3A_970 : i32 to vector<16xi32>
      %parallel_loop3A_972 = arith.addi %iota3A_810, %parallel_loop3A_971 : vector<16xi32>
      %parallel_loop3A_973 = arith.index_cast %parallel_loop3A_970 : i32 to index
      %parallel_loop3A_974 = tpu.vector_load %arg6[%parallel_loop3A_973] {strides = array<i32>} : memref<256xi32, #tpu.memory_space<vmem>>, vector<16xi32>,
      %parallel_loop3A_975 = arith.constant 1 : i32
      %parallel_loop3A_976 = vector.broadcast %parallel_loop3A_975 : i32 to vector<16xi32>
      %parallel_loop3A_977 = arith.andi %parallel_loop3A_974, %parallel_loop3A_976 : vector<16xi32>
      %parallel_loop3A_978 = arith.constant 6 : i32
      %parallel_loop3A_979 = vector.broadcast %parallel_loop3A_978 : i32 to vector<16xi32>
      %parallel_loop3A_980 = arith.shli %parallel_loop3A_977, %parallel_loop3A_979 : vector<16xi32>
      %parallel_loop3A_981 = arith.constant 16 : i32
      %parallel_loop3A_982 = arith.muli %parallel_loop3A_981, %parallel_loop3A_968 : i32
      %parallel_loop3A_983 = vector.broadcast %parallel_loop3A_982 : i32 to vector<16xi32>
      %parallel_loop3A_984 = arith.addi %and3A_816, %parallel_loop3A_983 : vector<16xi32>
      %parallel_loop3A_985 = arith.addi %parallel_loop3A_980, %parallel_loop3A_984 : vector<16xi32>
      %parallel_loop3A_986 = tpu.vector_load_idx %arg10[%parallel_loop3A_972, %parallel_loop3A_985] : memref<256x128xf32, #tpu.memory_space<vmem>>[vector<16xi32>, vector<16xi32>], vector<16xf32>,
      tpu.vector_store_idx %arg12[%parallel_loop3A_984, %parallel_loop3A_972], %parallel_loop3A_986 : memref<64x256xf32, #tpu.memory_space<vmem>>[vector<16xi32>, vector<16xi32>], vector<16xf32>,
      %parallel_loop3A_987 = arith.constant 16 : i32
      %parallel_loop3A_988 = arith.muli %parallel_loop3A_987, %parallel_loop3A_968 : i32
      %parallel_loop3A_989 = vector.broadcast %parallel_loop3A_988 : i32 to vector<16xi32>
      %parallel_loop3A_990 = arith.addi %and3A_822, %parallel_loop3A_989 : vector<16xi32>
      %parallel_loop3A_991 = arith.addi %parallel_loop3A_980, %parallel_loop3A_990 : vector<16xi32>
      %parallel_loop3A_992 = tpu.vector_load_idx %arg10[%parallel_loop3A_972, %parallel_loop3A_991] : memref<256x128xf32, #tpu.memory_space<vmem>>[vector<16xi32>, vector<16xi32>], vector<16xf32>,
      tpu.vector_store_idx %arg12[%parallel_loop3A_990, %parallel_loop3A_972], %parallel_loop3A_992 : memref<64x256xf32, #tpu.memory_space<vmem>>[vector<16xi32>, vector<16xi32>], vector<16xf32>,
      %parallel_loop3A_993 = arith.constant 16 : i32
      %parallel_loop3A_994 = arith.muli %parallel_loop3A_993, %parallel_loop3A_968 : i32
      %parallel_loop3A_995 = vector.broadcast %parallel_loop3A_994 : i32 to vector<16xi32>
      %parallel_loop3A_996 = arith.addi %and3A_828, %parallel_loop3A_995 : vector<16xi32>
      %parallel_loop3A_997 = arith.addi %parallel_loop3A_980, %parallel_loop3A_996 : vector<16xi32>
      %parallel_loop3A_998 = tpu.vector_load_idx %arg10[%parallel_loop3A_972, %parallel_loop3A_997] : memref<256x128xf32, #tpu.memory_space<vmem>>[vector<16xi32>, vector<16xi32>], vector<16xf32>,
      tpu.vector_store_idx %arg12[%parallel_loop3A_996, %parallel_loop3A_972], %parallel_loop3A_998 : memref<64x256xf32, #tpu.memory_space<vmem>>[vector<16xi32>, vector<16xi32>], vector<16xf32>,
      %parallel_loop3A_999 = arith.constant 16 : i32
      %parallel_loop3A_1000 = arith.muli %parallel_loop3A_999, %parallel_loop3A_968 : i32
      %parallel_loop3A_1001 = vector.broadcast %parallel_loop3A_1000 : i32 to vector<16xi32>
      %parallel_loop3A_1002 = arith.addi %and3A_834, %parallel_loop3A_1001 : vector<16xi32>
      %parallel_loop3A_1003 = arith.addi %parallel_loop3A_980, %parallel_loop3A_1002 : vector<16xi32>
      %parallel_loop3A_1004 = tpu.vector_load_idx %arg10[%parallel_loop3A_972, %parallel_loop3A_1003] : memref<256x128xf32, #tpu.memory_space<vmem>>[vector<16xi32>, vector<16xi32>], vector<16xf32>,
      tpu.vector_store_idx %arg12[%parallel_loop3A_1002, %parallel_loop3A_972], %parallel_loop3A_1004 : memref<64x256xf32, #tpu.memory_space<vmem>>[vector<16xi32>, vector<16xi32>], vector<16xf32>,
      %parallel_loop3A_1005 = arith.constant 16 : i32
      %parallel_loop3A_1006 = arith.muli %parallel_loop3A_1005, %parallel_loop3A_968 : i32
      %parallel_loop3A_1007 = vector.broadcast %parallel_loop3A_1006 : i32 to vector<16xi32>
      %parallel_loop3A_1008 = arith.addi %and3A_840, %parallel_loop3A_1007 : vector<16xi32>
      %parallel_loop3A_1009 = arith.addi %parallel_loop3A_980, %parallel_loop3A_1008 : vector<16xi32>
      %parallel_loop3A_1010 = tpu.vector_load_idx %arg10[%parallel_loop3A_972, %parallel_loop3A_1009] : memref<256x128xf32, #tpu.memory_space<vmem>>[vector<16xi32>, vector<16xi32>], vector<16xf32>,
      tpu.vector_store_idx %arg12[%parallel_loop3A_1008, %parallel_loop3A_972], %parallel_loop3A_1010 : memref<64x256xf32, #tpu.memory_space<vmem>>[vector<16xi32>, vector<16xi32>], vector<16xf32>,
      %parallel_loop3A_1011 = arith.constant 16 : i32
      %parallel_loop3A_1012 = arith.muli %parallel_loop3A_1011, %parallel_loop3A_968 : i32
      %parallel_loop3A_1013 = vector.broadcast %parallel_loop3A_1012 : i32 to vector<16xi32>
      %parallel_loop3A_1014 = arith.addi %and3A_846, %parallel_loop3A_1013 : vector<16xi32>
      %parallel_loop3A_1015 = arith.addi %parallel_loop3A_980, %parallel_loop3A_1014 : vector<16xi32>
      %parallel_loop3A_1016 = tpu.vector_load_idx %arg10[%parallel_loop3A_972, %parallel_loop3A_1015] : memref<256x128xf32, #tpu.memory_space<vmem>>[vector<16xi32>, vector<16xi32>], vector<16xf32>,
      tpu.vector_store_idx %arg12[%parallel_loop3A_1014, %parallel_loop3A_972], %parallel_loop3A_1016 : memref<64x256xf32, #tpu.memory_space<vmem>>[vector<16xi32>, vector<16xi32>], vector<16xf32>,
      %parallel_loop3A_1017 = arith.constant 16 : i32
      %parallel_loop3A_1018 = arith.muli %parallel_loop3A_1017, %parallel_loop3A_968 : i32
      %parallel_loop3A_1019 = vector.broadcast %parallel_loop3A_1018 : i32 to vector<16xi32>
      %parallel_loop3A_1020 = arith.addi %and3A_852, %parallel_loop3A_1019 : vector<16xi32>
      %parallel_loop3A_1021 = arith.addi %parallel_loop3A_980, %parallel_loop3A_1020 : vector<16xi32>
      %parallel_loop3A_1022 = tpu.vector_load_idx %arg10[%parallel_loop3A_972, %parallel_loop3A_1021] : memref<256x128xf32, #tpu.memory_space<vmem>>[vector<16xi32>, vector<16xi32>], vector<16xf32>,
      tpu.vector_store_idx %arg12[%parallel_loop3A_1020, %parallel_loop3A_972], %parallel_loop3A_1022 : memref<64x256xf32, #tpu.memory_space<vmem>>[vector<16xi32>, vector<16xi32>], vector<16xf32>,
      %parallel_loop3A_1023 = arith.constant 16 : i32
      %parallel_loop3A_1024 = arith.muli %parallel_loop3A_1023, %parallel_loop3A_968 : i32
      %parallel_loop3A_1025 = vector.broadcast %parallel_loop3A_1024 : i32 to vector<16xi32>
      %parallel_loop3A_1026 = arith.addi %and3A_858, %parallel_loop3A_1025 : vector<16xi32>
      %parallel_loop3A_1027 = arith.addi %parallel_loop3A_980, %parallel_loop3A_1026 : vector<16xi32>
      %parallel_loop3A_1028 = tpu.vector_load_idx %arg10[%parallel_loop3A_972, %parallel_loop3A_1027] : memref<256x128xf32, #tpu.memory_space<vmem>>[vector<16xi32>, vector<16xi32>], vector<16xf32>,
      tpu.vector_store_idx %arg12[%parallel_loop3A_1026, %parallel_loop3A_972], %parallel_loop3A_1028 : memref<64x256xf32, #tpu.memory_space<vmem>>[vector<16xi32>, vector<16xi32>], vector<16xf32>,
      %parallel_loop3A_1029 = arith.constant 16 : i32
      %parallel_loop3A_1030 = arith.muli %parallel_loop3A_1029, %parallel_loop3A_968 : i32
      %parallel_loop3A_1031 = vector.broadcast %parallel_loop3A_1030 : i32 to vector<16xi32>
      %parallel_loop3A_1032 = arith.addi %and3A_864, %parallel_loop3A_1031 : vector<16xi32>
      %parallel_loop3A_1033 = arith.addi %parallel_loop3A_980, %parallel_loop3A_1032 : vector<16xi32>
      %parallel_loop3A_1034 = tpu.vector_load_idx %arg10[%parallel_loop3A_972, %parallel_loop3A_1033] : memref<256x128xf32, #tpu.memory_space<vmem>>[vector<16xi32>, vector<16xi32>], vector<16xf32>,
      tpu.vector_store_idx %arg12[%parallel_loop3A_1032, %parallel_loop3A_972], %parallel_loop3A_1034 : memref<64x256xf32, #tpu.memory_space<vmem>>[vector<16xi32>, vector<16xi32>], vector<16xf32>,
      %parallel_loop3A_1035 = arith.constant 16 : i32
      %parallel_loop3A_1036 = arith.muli %parallel_loop3A_1035, %parallel_loop3A_968 : i32
      %parallel_loop3A_1037 = vector.broadcast %parallel_loop3A_1036 : i32 to vector<16xi32>
      %parallel_loop3A_1038 = arith.addi %and3A_870, %parallel_loop3A_1037 : vector<16xi32>
      %parallel_loop3A_1039 = arith.addi %parallel_loop3A_980, %parallel_loop3A_1038 : vector<16xi32>
      %parallel_loop3A_1040 = tpu.vector_load_idx %arg10[%parallel_loop3A_972, %parallel_loop3A_1039] : memref<256x128xf32, #tpu.memory_space<vmem>>[vector<16xi32>, vector<16xi32>], vector<16xf32>,
      tpu.vector_store_idx %arg12[%parallel_loop3A_1038, %parallel_loop3A_972], %parallel_loop3A_1040 : memref<64x256xf32, #tpu.memory_space<vmem>>[vector<16xi32>, vector<16xi32>], vector<16xf32>,
      %parallel_loop3A_1041 = arith.constant 16 : i32
      %parallel_loop3A_1042 = arith.muli %parallel_loop3A_1041, %parallel_loop3A_968 : i32
      %parallel_loop3A_1043 = vector.broadcast %parallel_loop3A_1042 : i32 to vector<16xi32>
      %parallel_loop3A_1044 = arith.addi %and3A_876, %parallel_loop3A_1043 : vector<16xi32>
      %parallel_loop3A_1045 = arith.addi %parallel_loop3A_980, %parallel_loop3A_1044 : vector<16xi32>
      %parallel_loop3A_1046 = tpu.vector_load_idx %arg10[%parallel_loop3A_972, %parallel_loop3A_1045] : memref<256x128xf32, #tpu.memory_space<vmem>>[vector<16xi32>, vector<16xi32>], vector<16xf32>,
      tpu.vector_store_idx %arg12[%parallel_loop3A_1044, %parallel_loop3A_972], %parallel_loop3A_1046 : memref<64x256xf32, #tpu.memory_space<vmem>>[vector<16xi32>, vector<16xi32>], vector<16xf32>,
      %parallel_loop3A_1047 = arith.constant 16 : i32
      %parallel_loop3A_1048 = arith.muli %parallel_loop3A_1047, %parallel_loop3A_968 : i32
      %parallel_loop3A_1049 = vector.broadcast %parallel_loop3A_1048 : i32 to vector<16xi32>
      %parallel_loop3A_1050 = arith.addi %and3A_882, %parallel_loop3A_1049 : vector<16xi32>
      %parallel_loop3A_1051 = arith.addi %parallel_loop3A_980, %parallel_loop3A_1050 : vector<16xi32>
      %parallel_loop3A_1052 = tpu.vector_load_idx %arg10[%parallel_loop3A_972, %parallel_loop3A_1051] : memref<256x128xf32, #tpu.memory_space<vmem>>[vector<16xi32>, vector<16xi32>], vector<16xf32>,
      tpu.vector_store_idx %arg12[%parallel_loop3A_1050, %parallel_loop3A_972], %parallel_loop3A_1052 : memref<64x256xf32, #tpu.memory_space<vmem>>[vector<16xi32>, vector<16xi32>], vector<16xf32>,
      %parallel_loop3A_1053 = arith.constant 16 : i32
      %parallel_loop3A_1054 = arith.muli %parallel_loop3A_1053, %parallel_loop3A_968 : i32
      %parallel_loop3A_1055 = vector.broadcast %parallel_loop3A_1054 : i32 to vector<16xi32>
      %parallel_loop3A_1056 = arith.addi %and3A_888, %parallel_loop3A_1055 : vector<16xi32>
      %parallel_loop3A_1057 = arith.addi %parallel_loop3A_980, %parallel_loop3A_1056 : vector<16xi32>
      %parallel_loop3A_1058 = tpu.vector_load_idx %arg10[%parallel_loop3A_972, %parallel_loop3A_1057] : memref<256x128xf32, #tpu.memory_space<vmem>>[vector<16xi32>, vector<16xi32>], vector<16xf32>,
      tpu.vector_store_idx %arg12[%parallel_loop3A_1056, %parallel_loop3A_972], %parallel_loop3A_1058 : memref<64x256xf32, #tpu.memory_space<vmem>>[vector<16xi32>, vector<16xi32>], vector<16xf32>,
      %parallel_loop3A_1059 = arith.constant 16 : i32
      %parallel_loop3A_1060 = arith.muli %parallel_loop3A_1059, %parallel_loop3A_968 : i32
      %parallel_loop3A_1061 = vector.broadcast %parallel_loop3A_1060 : i32 to vector<16xi32>
      %parallel_loop3A_1062 = arith.addi %and3A_894, %parallel_loop3A_1061 : vector<16xi32>
      %parallel_loop3A_1063 = arith.addi %parallel_loop3A_980, %parallel_loop3A_1062 : vector<16xi32>
      %parallel_loop3A_1064 = tpu.vector_load_idx %arg10[%parallel_loop3A_972, %parallel_loop3A_1063] : memref<256x128xf32, #tpu.memory_space<vmem>>[vector<16xi32>, vector<16xi32>], vector<16xf32>,
      tpu.vector_store_idx %arg12[%parallel_loop3A_1062, %parallel_loop3A_972], %parallel_loop3A_1064 : memref<64x256xf32, #tpu.memory_space<vmem>>[vector<16xi32>, vector<16xi32>], vector<16xf32>,
      %parallel_loop3A_1065 = arith.constant 16 : i32
      %parallel_loop3A_1066 = arith.muli %parallel_loop3A_1065, %parallel_loop3A_968 : i32
      %parallel_loop3A_1067 = vector.broadcast %parallel_loop3A_1066 : i32 to vector<16xi32>
      %parallel_loop3A_1068 = arith.addi %and3A_900, %parallel_loop3A_1067 : vector<16xi32>
      %parallel_loop3A_1069 = arith.addi %parallel_loop3A_980, %parallel_loop3A_1068 : vector<16xi32>
      %parallel_loop3A_1070 = tpu.vector_load_idx %arg10[%parallel_loop3A_972, %parallel_loop3A_1069] : memref<256x128xf32, #tpu.memory_space<vmem>>[vector<16xi32>, vector<16xi32>], vector<16xf32>,
      tpu.vector_store_idx %arg12[%parallel_loop3A_1068, %parallel_loop3A_972], %parallel_loop3A_1070 : memref<64x256xf32, #tpu.memory_space<vmem>>[vector<16xi32>, vector<16xi32>], vector<16xf32>,
      %parallel_loop3A_1071 = arith.constant 16 : i32
      %parallel_loop3A_1072 = arith.muli %parallel_loop3A_1071, %parallel_loop3A_968 : i32
      %parallel_loop3A_1073 = vector.broadcast %parallel_loop3A_1072 : i32 to vector<16xi32>
      %parallel_loop3A_1074 = arith.addi %and3A_906, %parallel_loop3A_1073 : vector<16xi32>
      %parallel_loop3A_1075 = arith.addi %parallel_loop3A_980, %parallel_loop3A_1074 : vector<16xi32>
      %parallel_loop3A_1076 = tpu.vector_load_idx %arg10[%parallel_loop3A_972, %parallel_loop3A_1075] : memref<256x128xf32, #tpu.memory_space<vmem>>[vector<16xi32>, vector<16xi32>], vector<16xf32>,
      tpu.vector_store_idx %arg12[%parallel_loop3A_1074, %parallel_loop3A_972], %parallel_loop3A_1076 : memref<64x256xf32, #tpu.memory_space<vmem>>[vector<16xi32>, vector<16xi32>], vector<16xf32>,
    } {sc.loop_unroll_factor = 2 : i64, sc.parallel_access}
    %add3A_910 = arith.constant 102144 : i32
    %add3A_911 = arith.addi %mul3A_2, %add3A_910 : i32
    %dma_start3A_912 = arith.constant 0 : i32
    %dma_start3A_913 = tpu.memref_slice %arg4[%dma_start3A_912, %add3A_911] : memref<64x3276800xf32, #tpu.memory_space<hbm>> -> memref<64x256xf32, #tpu.memory_space<hbm>>
    %dma_start3A_914 = arith.constant 0 : i32
    %dma_start3A_915 = tpu.memref_slice %arg4[%dma_start3A_914, %add3A_911] : memref<64x3276800xf32, #tpu.memory_space<hbm>> -> memref<64x256xf32, #tpu.memory_space<hbm>>
    tpu.enqueue_dma source(%arg12 : memref<64x256xf32, #tpu.memory_space<vmem>>) target(%dma_start3A_915 : memref<64x256xf32, #tpu.memory_space<hbm>>) target_semaphore(%arg16 : memref<!tpu.dma_semaphore, #tpu.memory_space<semaphore_mem>>)
    %add3A_916 = arith.constant 101888 : i32
    %add3A_917 = arith.addi %mul3A_2, %add3A_916 : i32
    %dma_wait3A_918 = arith.constant 0 : i32
    %dma_wait3A_919 = tpu.memref_slice %arg4[%dma_wait3A_918, %add3A_917] : memref<64x3276800xf32, #tpu.memory_space<hbm>> -> memref<64x256xf32, #tpu.memory_space<hbm>>
    %dma_wait3A_920 = arith.constant 0 : i32
    %dma_wait3A_921 = tpu.memref_slice %arg4[%dma_wait3A_920, %add3A_917] : memref<64x3276800xf32, #tpu.memory_space<hbm>> -> memref<64x256xf32, #tpu.memory_space<hbm>>
    tpu.wait_dma2 semaphore(%arg15 : memref<!tpu.dma_semaphore, #tpu.memory_space<semaphore_mem>>) src(%arg11 : memref<64x256xf32, #tpu.memory_space<vmem>>) dst(%dma_wait3A_921 : memref<64x256xf32, #tpu.memory_space<hbm>>)
    %add3A_922 = arith.constant 102144 : i32
    %add3A_923 = arith.addi %mul3A_2, %add3A_922 : i32
    %dma_wait3A_924 = arith.constant 0 : i32
    %dma_wait3A_925 = tpu.memref_slice %arg4[%dma_wait3A_924, %add3A_923] : memref<64x3276800xf32, #tpu.memory_space<hbm>> -> memref<64x256xf32, #tpu.memory_space<hbm>>
    %dma_wait3A_926 = arith.constant 0 : i32
    %dma_wait3A_927 = tpu.memref_slice %arg4[%dma_wait3A_926, %add3A_923] : memref<64x3276800xf32, #tpu.memory_space<hbm>> -> memref<64x256xf32, #tpu.memory_space<hbm>>
    tpu.wait_dma2 semaphore(%arg16 : memref<!tpu.dma_semaphore, #tpu.memory_space<semaphore_mem>>) src(%arg12 : memref<64x256xf32, #tpu.memory_space<vmem>>) dst(%dma_wait3A_927 : memref<64x256xf32, #tpu.memory_space<hbm>>)
    return
  }
}

</mosaic_0001>

<sc_bundles>
// kernel: kernel.3.cloned.1.call-start
scs
__scs_entry_jumppad:
0x0: {  	(pc) =	sbr.rel $0x88, $3  }
0x1: {  	(tag) =	ssettag $0x0;
	lr =	simm.s32 $0x1  }
0x2: {  	[smem:$0x3F9F] =	sst lr;
	_ =	strace $0xD0000000  }
0x3: {  	_ = 	snop  }
0x4: {  	_ = 	snop  }
0x5: {  	_ = 	snop  }
0x6: {  	_ = 	snop  }
0x7: {  	_ = 	snop  }
__scs_overlays_trampoline_lowered:
0x8: {  	[smem:$0x3FAE] =	sst s0  }
0x9: {  	[smem:$0x3FAF] =	sst s1  }
0xa: {  	[smem:$0x3FB0] =	sst s2  }
0xb: {  	[smem:$0x3FB1] =	sst s3  }
0xc: {  	[smem:$0x3FB2] =	sst s4  }
0xd: {  	[smem:$0x3FB3] =	sst s5  }
0xe: {  	[smem:$0x3FB4] =	sst s6  }
0xf: {  	[smem:$0x3FB5] =	sst s7  }
0x10: {  	[smem:$0x3FB6] =	sst s8  }
0x11: {  	[smem:$0x3FB7] =	sst s9;
	s0 =	simm.s32 @!p0 $0x0  }
0x12: {  	s1 =	sld [smem:$0x3F9D];
	s0 =	simm.s32 @p0 $0x1  }
0x13: {  	[smem:$0x3FB8] =	sst s0;
	s0 =	simm.s32 @!p1 $0x0  }
0x14: {  	s2 =	sld [smem:$0x3F9C];
	s0 =	simm.s32 @p1 $0x1  }
0x15: {  	[smem:$0x3FB9] =	sst s0;
	s0 =	simm.s32 @!p2 $0x0  }
0x16: {  	s3 =	sld [smem:$0x3FDB];
	s0 =	simm.s32 @p2 $0x1  }
0x17: {  	s4 =	simm.s32 $0x1BF5;
	[smem:$0x3FBB] =	sst s0  }
0x18: {  	s0 =	sld [smem:$0x3F9E];
	_ =	swait.ge [sflag:s4], $0x0  }
0x19: {  	s7 =	sld [smem:$0x3F9F]  }
0x1a: {  	s8 =	sadd.s32 $0xFFFFE003, lr  }
0x1b: {  	s9 =	sadd.s32 $0xFFFFFEF7, lr;
	s5 =	simm.s32 $0xFFFFFFFF;
	p2 =	slt.u32 s8, $0xFFFFF086  }
0x1c: {  	p1 =	slt.u32 s9, $0xF7A;
	s5 =	simm.s32 @!p2 $0x0  }
0x1d: {  	s5 =	simm.s32 @p1 $0x1;
	p0 =	seq.s32 s7, s2  }
0x1e: {  	s7 =	smul.u32 @!p0 $0xF7A, s2;
	p2 =	seq.s32 @!p0 s5, $0x0  }
0x1f: {  	s9 =	smul.u32 $0xF7A, s1;
	s8 =	simm.s32 @!p0 $0x1BF5;
	p2 =	por !p2, p0  }
0x20: {  	[sflag:s8] =	ssyncset.s32 @!p0 $0xFFFFF086;
	s6 =	sadd.s32 @!p0 s3, s7;
	s7 =	simm.s32 @!p0 $0x108  }
0x21: {  	s3 =	sadd.s32 s3, s9;
	s6 =	sadd.s32 @!p0 $0x88, s6;
	s7 =	simm.s32 @p2 $0x1082  }
0x22: {  	[simem:s7], [sflag:s8] =	dma.local @!p0 [hbm:s6], $0xF7A  }
0x23: {  	s9 =	sor.u32 $0xD0000000, s2;
	s6 =	simm.s32 $0x108;
	_ =	swait.ge @!p0 [sflag:s8], $0x0  }
0x24: {  	s3 =	sadd.s32 $0x88, s3;
	s6 =	simm.s32 @!p1 $0x1082;
	[sflag:s4] =	ssyncset.s32 $0xFFFFF086  }
0x25: {  	[simem:s6], [sflag:s4] =	dma.local [hbm:s3], $0xF7A  }
0x26: {  	[smem:$0x3F9F] =	sst s1;
	(tag) =	ssettag s2;
	_ =	strace s9  }
0x27: {  	s1 =	sld [smem:$0x3FAF]  }
0x28: {  	s2 =	sld [smem:$0x3FB0]  }
0x29: {  	s4 =	sld [smem:$0x3FB2]  }
0x2a: {  	p0 =	seq.s32 s5, $0x0;
	s5 =	sld [smem:$0x3FB3]  }
0x2b: {  	s6 =	sld [smem:$0x3FB4]  }
0x2c: {  	s7 =	sld [smem:$0x3FB5]  }
0x2d: {  	s3 =	simm.s32 $0x108;
	s8 =	sld [smem:$0x3FB6]  }
0x2e: {  	s3 =	simm.s32 @!p0 $0x1082;
	s9 =	sld [smem:$0x3FB7]  }
0x2f: {  	lr =	sadd.s32 s0, s3;
	s0 =	sld [smem:$0x3FAE]  }
0x30: {  	s3 =	sld [smem:$0x3FB1]  }
0x31: {  	[smem:$0x3FBA] =	sst s10  }
0x32: {  	s10 =	sld [smem:$0x3FB8];
	_ =	sdelay $0x3  }
0x33: {  	p0 =	seq.s32 s10, $0x1;
	s10 =	sld [smem:$0x3FBA];
	_ =	sdelay $0x3  }
0x34: {  	[smem:$0x3FBA] =	sst s10  }
0x35: {  	s10 =	sld [smem:$0x3FB9];
	_ =	sdelay $0x3  }
0x36: {  	p1 =	seq.s32 s10, $0x1;
	s10 =	sld [smem:$0x3FBA];
	_ =	sdelay $0x3  }
0x37: {  	[smem:$0x3FBA] =	sst s10  }
0x38: {  	s10 =	sld [smem:$0x3FBB]  }
0x39: {  	_ = 	snop;
	(pc) =	sbr.ind lr, $3  }
0x3a: {  	_ = 	snop  }
0x3b: {  	_ = 	snop  }
0x3c: {  	p2 =	seq.s32 s10, $0x1;
	s10 =	sld [smem:$0x3FBA]  }
0x3d: {  	_ =	shalt  }
0x3e: {  	_ =	shalt  }
0x3f: {  	_ =	shalt  }
0x40: {  	_ =	shalt  }
0x41: {  	_ =	shalt  }
0x42: {  	_ =	shalt  }
0x43: {  	_ =	shalt  }
0x44: {  	_ =	shalt  }
0x45: {  	_ =	shalt  }
0x46: {  	_ =	shalt  }
0x47: {  	_ =	shalt  }
0x48: {  	_ =	shalt  }
0x49: {  	_ =	shalt  }
0x4a: {  	_ =	shalt  }
0x4b: {  	_ =	shalt  }
0x4c: {  	_ =	shalt  }
0x4d: {  	_ =	shalt  }
0x4e: {  	_ =	shalt  }
0x4f: {  	_ =	shalt  }
0x50: {  	_ =	shalt  }
0x51: {  	_ =	shalt  }
0x52: {  	_ =	shalt  }
0x53: {  	_ =	shalt  }
0x54: {  	_ =	shalt  }
0x55: {  	_ =	shalt  }
0x56: {  	_ =	shalt  }
0x57: {  	_ =	shalt  }
0x58: {  	_ =	shalt  }
0x59: {  	_ =	shalt  }
0x5a: {  	_ =	shalt  }
0x5b: {  	_ =	shalt  }
0x5c: {  	_ =	shalt  }
0x5d: {  	_ =	shalt  }
0x5e: {  	_ =	shalt  }
0x5f: {  	_ =	shalt  }
0x60: {  	_ =	shalt  }
0x61: {  	_ =	shalt  }
0x62: {  	_ =	shalt  }
0x63: {  	_ =	shalt  }
0x64: {  	_ =	shalt  }
0x65: {  	_ =	shalt  }
0x66: {  	_ =	shalt  }
0x67: {  	_ =	shalt  }
0x68: {  	_ =	shalt  }
0x69: {  	_ =	shalt  }
0x6a: {  	_ =	shalt  }
0x6b: {  	_ =	shalt  }
0x6c: {  	_ =	shalt  }
0x6d: {  	_ =	shalt  }
0x6e: {  	_ =	shalt  }
0x6f: {  	_ =	shalt  }
0x70: {  	_ =	shalt  }
0x71: {  	_ =	shalt  }
0x72: {  	_ =	shalt  }
0x73: {  	_ =	shalt  }
0x74: {  	_ =	shalt  }
0x75: {  	_ =	shalt  }
0x76: {  	_ =	shalt  }
0x77: {  	_ =	shalt  }
0x78: {  	_ =	shalt  }
0x79: {  	_ =	shalt  }
0x7a: {  	_ =	shalt  }
0x7b: {  	_ =	shalt  }
0x7c: {  	_ =	shalt  }
0x7d: {  	_ =	shalt  }
0x7e: {  	_ =	shalt  }
0x7f: {  	_ =	shalt  }
0x80: {  	_ =	shalt  }
0x81: {  	_ =	shalt  }
0x82: {  	_ =	shalt  }
0x83: {  	_ =	shalt  }
0x84: {  	_ =	shalt  }
0x85: {  	_ =	shalt  }
0x86: {  	_ =	shalt  }
0x87: {  	_ =	shalt  }
.Lfunc_end0:
.L_simem_size_0:
called_computation_lowered:
.L_overlay_start_0:
0x88: {  	s2 =	sld [smem:$0x3FD9]  }
0x89: {  	s3 =	sld [smem:$0x3FFE];
	_ =	sdelay $0x1  }
0x8a: {  	s1 =	srdreg.scid  }
0x8b: {  	s0 =	sand.u32 $0x1, s1  }
0x8c: {  	s17 =	sshll.u32 s0, $0xA;
	s2 =	sadd.s32 s3, s2  }
0x8d: {  	s2 =	sadd.s32 s2, s17  }
0x8e: {  	[smem:$0x3FC6] =	sst s2  }
0x8f: {  	_ = 	snop  }
0x90: {  	s2 =	sld [smem:$0x3FC9]  }
0x91: {  	s18 =	sld [smem:$0x3FD0];
	(tm) =	ssettm $0x1  }
0x92: {  	s4 =	sld [smem:$0x3FFB];
	_ =	sdelay $0x3  }
0x93: {  	_ =	strace s4  }
0x94: {  	s4 =	sld [smem:$0x3FFC];
	_ =	sdelay $0x3  }
0x95: {  	_ =	strace s4  }
0x96: {  	s4 =	sld [smem:$0x3FFD];
	_ =	sdelay $0x3  }
0x97: {  	_ =	strace s4  }
0x98: {  	_ =	strace $0x8FFFFFFF  }
0x99: {  	s19 =	sld [smem:$0x3FDB];
	_ =	sdelay $0x1  }
0x9a: {  	s5 =	simm.s32 $_scs_section_size  }
0x9b: {  	s6 =	simm.s32 $_size__tile_overlayer_lowered;
	s7 =	simm.s32 $_tile_overlayer_lowered  }
0x9c: {  	s22 =	simm.s32 $0x1BFF;
	s21 =	sshll.u32 s7, $0x1;
	s4 =	sadd.s32 s5, s19  }
0x9d: {  	s8 =	simm.s32 $0x0;
	s20 =	sshll.u32 s6, $0x1;
	s6 =	sadd.s32 s21, s4  }
0x9e: {  	[timem:s8], [sflag:s22] =	dma.local [hbm:s6], s20  }
0x9f: {  	_ =	swait.ge [sflag:s22], s20  }
0xa0: {  	s5 =	ssub.s32 $0x0, s20;
	[sflag:s22] =	ssyncset.done $0x0  }
0xa1: {  	[sflag:s22] =	ssyncadd.s32 s5;
	_ =	sdelay $0x1  }
0xa2: {  	s23 =	simm.s32 $0x1B8B  }
0xa3: {  	_ =	swait.ge [sflag:s23], $0x1  }
0xa4: {  	[sflag:s23] =	ssyncset.done $0x0  }
0xa5: {  	s25 =	simm.s32 $0x1B8E;
	s24 =	sld [smem:$0x3FFE];
	[sflag:s23] =	ssyncadd.s32 $0xFFFFFFFF  }
0xa6: {  	s26 =	simm.s32 $execute0_lowered;
	[smem:$0x3FD2] =	sst s25  }
0xa7: {  	s6 =	sshll.u32 s26, $0x1;
	_ =	strace $0x80000046;
	[dreg:$0x1] =	wrdreg $0xFFFFFFFF  }
0xa8: {  	s28 =	simm.s32 $_size_execute0_lowered;
	s4 =	sadd.s32 s4, s6;
	[dreg:$0x0] =	wrdreg $0x0  }
0xa9: {  	s6 =	sshll.u32 s28, $0x1;
	[dreg:$0x2] =	wrdreg s4  }
0xaa: {  	[dreg:$0x3] =	wrdreg s6  }
0xab: {  	[dreg:$0x4] =	wrdreg $0xC0  }
0xac: {  	_ =	task [dreg:s8], $0x5FFFF  }
0xad: {  	[dreg:$0x1] =	wrdreg $0xFFFFFFFF  }
0xae: {  	[dreg:$0x0] =	wrdreg $0x60  }
0xaf: {  	[dreg:$0x2] =	wrdreg s2  }
0xb0: {  	[dreg:$0x3] =	wrdreg s24  }
0xb1: {  	[dreg:$0x4] =	wrdreg s18  }
0xb2: {  	[dreg:$0x5] =	wrdreg $0x9  }
0xb3: {  	_ =	task.clear_ibuf [dreg:s8], $0x6FFFF;
	_ =	strace $0x90000046  }
0xb4: {  	s29 =	simm.s32 $0x9;
	_ =	strace $0x80000048  }
0xb5: {  	_ =	swait.ge [sflag:s29], $0x1  }
0xb6: {  	[sflag:s29] =	ssyncadd.s32 $0xFFFFFFFF  }
0xb7: {  	_ =	strace $0x90000048  }
0xb8: {  	_ =	sfence  }
0xb9: {  	s30 =	sld [smem:$0x0];
	_ =	sdelay $0x2  }
0xba: {  	s31 =	sshll.u32 s1, $0xD;
	s1 =	sshrl.u32 s1, $0x2  }
0xbb: {  	s3 =	sand.u32 $0x4000, s31;
	s1 =	sadd.s32 s1, s30  }
0xbc: {  	s0 =	sor.u32 s3, s0;
	s1 =	sshll.u32 s1, $0x11  }
0xbd: {  	s0 =	sor.u32 s1, s0  }
0xbe: {  	s0 =	sadd.s32 $0x8F2B, s0  }
0xbf: {  	[sflag:s0] =	ssyncadd.remote.s32 $0x1  }
0xc0: {  	_ =	sfence.sel $0xFFFF  }
0xc1: {  	[dreg:$0x0] =	wrdreg $0xFFFFFFFF;
	(pc) =	sbr.abs _section_cstart, $3  }
0xc2: {  	[dreg:$0x1] =	wrdreg $0xFFFFFFFF  }
0xc3: {  	_ =	task.clear_ibuf [dreg:s8], $0x2FFFF;
	_ =	strace $0x9FFFFFFF  }
0xc4: {  	(tm) =	ssettm $0x7FFFFFFF  }
0xc5: {  	_ =	shalt  }
tec
execute0_lowered:
.L_overlay_start_1:
0x0: {  	(tag) =	ssettag $0x1  }
0x1: {  	v0 =	vlaneseq.u32;
	v2 =	vimm.s32 $0xFEDCBA9;
	vm13 =	vcmask $0x300  }
0x2: {  	v3 =	vimm.s32 $0x0;
	vm12 =	vcmask $0x704;
	v4 =	vimm.s32 $0x87654321  }
0x3: {  	vm11 =	vcmask $0xB08;
	vm10 =	vcmask $0xF0C;
	vm9 =	vcmask $0x1310  }
0x4: {  	vm8 =	vcmask $0x1714;
	vm7 =	vcmask $0x1B18;
	vm6 =	vcmask $0x2320  }
0x5: {  	vm5 =	vcmask $0x2724;
	v2 =	vunpack.c.l.s4.s8 v2;
	v3 =	vsel vm13, $0x80, v3  }
0x6: {  	vm4 =	vcmask $0x2B28;
	v4 =	vunpack.c.l.s4.s8 v4;
	v3 =	vsel vm12, $0x100, v3  }
0x7: {  	vm2 =	vcmask $0x2F2C;
	v3 =	vsel vm11, $0x180, v3;
	v16 =	vunpack.c.0.s8.s32 v2  }
0x8: {  	v17 =	vunpack.c.0.s8.s32 v4;
	v4 =	vimm.s32 $0x80;
	v2 =	vsel vm10, $0x200, v3  }
0x9: {  	vm1 =	vcmask $0x3330;
	v4 =	vsel vm13, $0x100, v4;
	v2 =	vsel vm9, $0x280, v2  }
0xa: {  	vm0 =	vcmask $0x3734;
	v4 =	vsel vm12, $0x180, v4;
	v2 =	vsel vm8, $0x300, v2  }
0xb: {  	v6 =	vimm.s32 $0x98765432;
	v4 =	vsel vm11, $0x200, v4;
	v2 =	vsel vm7, $0x380, v2  }
0xc: {  	vm3 =	vcmask $0x3B38;
	v4 =	vsel vm10, $0x280, v4;
	v2 =	vsel vm6, $0x80, v2  }
0xd: {  	v8 =	vimm.s32 $0xA9876543;
	v4 =	vsel vm9, $0x300, v4;
	v2 =	vsel vm5, $0x100, v2  }
0xe: {  	v3 =	vcombine.low v17, v16;
	v4 =	vsel vm8, $0x380, v4;
	v2 =	vsel vm4, $0x180, v2  }
0xf: {  	v6 =	vunpack.c.l.s4.s8 v6;
	v4 =	vsel vm7, $0x0, v4;
	v5 =	vsel vm2, $0x200, v2  }
0x10: {  	v2 =	vand.u32 $0xF, v3;
	v3 =	vsel vm1, $0x280, v5;
	v5 =	vimm.s32 $0x10FEDCBA  }
0x11: {  	v10 =	vimm.s32 $0xBA987654;
	v4 =	vsel vm6, $0x100, v4;
	v5 =	vunpack.c.l.s4.s8 v5  }
0x12: {  	v12 =	vimm.s32 $0xCBA98765;
	v19 =	vunpack.c.0.s8.s32 v6;
	v4 =	vsel vm5, $0x180, v4  }
0x13: {  	v4 =	vsel vm4, $0x200, v4;
	v18 =	vunpack.c.0.s8.s32 v5;
	v5 =	vimm.s32 $0x100  }
0x14: {  	v8 =	vunpack.c.l.s4.s8 v8;
	v7 =	vsel vm2, $0x280, v4;
	v5 =	vsel vm13, $0x180, v5  }
0x15: {  	v6 =	vcombine.low v19, v18;
	v4 =	vsel vm12, $0x200, v5;
	v5 =	vimm.s32 $0x210FEDCB  }
0x16: {  	v28 =	vimm.s32 $0xEDCBA987;
	v4 =	vsel vm11, $0x280, v4;
	v5 =	vunpack.c.l.s4.s8 v5  }
0x17: {  	v21 =	vunpack.c.0.s8.s32 v8;
	v9 =	vsel vm10, $0x300, v4;
	v4 =	vand.u32 $0xF, v6  }
0x18: {  	v6 =	vsel vm1, $0x300, v7;
	v7 =	vsel vm9, $0x380, v9;
	v20 =	vunpack.c.0.s8.s32 v5  }
0x19: {  	v10 =	vunpack.c.l.s4.s8 v10;
	v6 =	vsel vm0, $0x380, v6;
	v5 =	vsel vm8, $0x0, v7  }
0x1a: {  	v7 =	vimm.s32 $0x180;
	v5 =	vsel vm7, $0x80, v5;
	v8 =	vcombine.low v21, v20  }
0x1b: {  	v7 =	vsel vm13, $0x200, v7;
	v9 =	vsel vm6, $0x180, v5;
	v5 =	vsel vm3, $0x0, v6  }
0x1c: {  	v7 =	vsel vm12, $0x280, v7;
	v9 =	vsel vm5, $0x200, v9;
	v6 =	vand.u32 $0xF, v8  }
0x1d: {  	v7 =	vsel vm11, $0x300, v7;
	v8 =	vsel vm4, $0x280, v9;
	v9 =	vimm.s32 $0x3210FEDC  }
0x1e: {  	v30 =	vimm.s32 $0x76543210;
	v7 =	vsel vm10, $0x380, v7;
	v9 =	vunpack.c.l.s4.s8 v9  }
0x1f: {  	v1 =	vand.u32 $0x7, v0;
	v23 =	vunpack.c.0.s8.s32 v10;
	v7 =	vsel vm9, $0x0, v7  }
0x20: {  	v7 =	vsel vm8, $0x80, v7;
	v22 =	vunpack.c.0.s8.s32 v9;
	v9 =	vimm.s32 $0x200  }
0x21: {  	v3 =	vsel vm0, $0x300, v3;
	v7 =	vsel vm7, $0x100, v7;
	v9 =	vsel vm13, $0x280, v9  }
0x22: {  	v8 =	vsel vm2, $0x300, v8;
	v7 =	vsel vm6, $0x200, v7;
	v9 =	vsel vm12, $0x300, v9  }
0x23: {  	v8 =	vsel vm1, $0x380, v8;
	v7 =	vsel vm5, $0x280, v7;
	v9 =	vsel vm11, $0x380, v9  }
0x24: {  	v3 =	vsel vm3, $0x380, v3;
	v8 =	vsel vm0, $0x0, v8;
	v9 =	vsel vm10, $0x0, v9  }
0x25: {  	v10 =	vcombine.low v23, v22;
	v11 =	vsel vm4, $0x300, v7;
	v9 =	vsel vm9, $0x80, v9  }
0x26: {  	v11 =	vsel vm2, $0x380, v11;
	v7 =	vmovc v3;
	v3 =	vsel vm3, $0x80, v8;
	v9 =	vsel vm8, $0x100, v9  }
0x27: {  	v8 =	vand.u32 $0xF, v10;
	v10 =	vsel vm1, $0x0, v11;
	v11 =	vimm.s32 $0x43210FED  }
0x28: {  	v10 =	vsel vm0, $0x80, v10;
	v11 =	vunpack.c.l.s4.s8 v11;
	v13 =	vsel vm7, $0x180, v9  }
0x29: {  	v9 =	vmovc v5;
	v5 =	vsel vm3, $0x100, v10;
	v10 =	vunpack.c.l.s4.s8 v12;
	v12 =	vsel vm6, $0x280, v13  }
0x2a: {  	v24 =	vunpack.c.0.s8.s32 v11;
	v11 =	vsel vm5, $0x300, v12;
	v12 =	vimm.s32 $0x280  }
0x2b: {  	v25 =	vunpack.c.0.s8.s32 v10;
	v10 =	vsel vm4, $0x380, v11;
	v11 =	vsel vm13, $0x300, v12  }
0x2c: {  	v13 =	vimm.s32 $0xDCBA9876;
	v12 =	vimm.s32 $0x543210FE;
	v11 =	vsel vm12, $0x380, v11  }
0x2d: {  	v13 =	vunpack.c.l.s4.s8 v13;
	v12 =	vunpack.c.l.s4.s8 v12;
	v11 =	vsel vm11, $0x0, v11  }
0x2e: {  	v15 =	vsel vm2, $0x0, v10;
	v14 =	vcombine.low v25, v24;
	v10 =	vsel vm10, $0x80, v11  }
0x2f: {  	v27 =	vunpack.c.0.s8.s32 v13;
	v26 =	vunpack.c.0.s8.s32 v12;
	v11 =	vsel vm9, $0x100, v10  }
0x30: {  	v12 =	vsel vm1, $0x80, v15;
	v10 =	vand.u32 $0xF, v14;
	v11 =	vsel vm8, $0x180, v11  }
0x31: {  	v12 =	vsel vm0, $0x100, v12;
	v13 =	vcombine.low v27, v26;
	v14 =	vsel vm7, $0x200, v11  }
0x32: {  	v15 =	vimm.s32 $0x300;
	v0 =	vsel vm3, $0x180, v12;
	v14 =	vsel vm6, $0x300, v14  }
0x33: {  	s0 =	rddreg [dreg:$0x0];
	s1 =	srdreg.scid;
	v12 =	vand.u32 $0xF, v13;
	v13 =	vsel vm5, $0x380, v14;
	v14 =	vsel vm13, $0x380, v15  }
0x34: {  	s3 =	stileid.u32;
	s2 =	rddreg [dreg:$0x1];
	v28 =	vunpack.c.l.s4.s8 v28;
	v15 =	vimm.s32 $0x6543210F;
	v14 =	vsel vm12, $0x0, v14  }
0x35: {  	s16 =	simm.s32 $0x0;
	s28 =	simm.s32 $0x1900000;
	s29 =	simm.s32 $0x2;
	v30 =	vunpack.c.l.s4.s8 v30;
	v15 =	vunpack.c.l.s4.s8 v15;
	v14 =	vsel vm11, $0x80, v14  }
0x36: {  	s30 =	simm.s32 $0x14400;
	s1 =	sand.u32 $0x1, s1;
	s4 =	sshll.u32 s3, $0x1;
	v1 =	vmul.u32 $0x80, v1;
	v13 =	vsel vm4, $0x0, v13;
	v14 =	vsel vm10, $0x100, v14  }
0x37: {  	s31 =	simm.s32 $0x3;
	s3 =	rddreg [dreg:$0x2];
	s7 =	sor.u32 s1, s4;
	v29 =	vunpack.c.0.s8.s32 v15;
	v15 =	vimm.s32 $0xFEDCBA98;
	v14 =	vsel vm9, $0x180, v14  }
0x38: {  	[smem:$0x7FF] =	sst s16;
	s1 =	ssub.s32 $0x2, s1;
	s5 =	smul.u32 $0x19000, s7;
	v13 =	vsel vm2, $0x80, v13;
	v15 =	vunpack.c.l.s4.s8 v15;
	v14 =	vsel vm8, $0x200, v14  }
0x39: {  	s6 =	sadd.s32 $0x400, s2;
	_ =	strace $0x80000047;
	s18 =	sshrl.u32 s1, $0x1;
	v28 =	vunpack.c.0.s8.s32 v28;
	v13 =	vsel vm1, $0x100, v13;
	v14 =	vsel vm7, $0x280, v14  }
0x3a: {  	s1 =	ssub.s32 s1, s18;
	s18 =	simm.s32 $0x5;
	[tilespmem:$0x1FF90] =	vst v1;
	s8 =	sshrl.u32 s5, $0x7;
	v13 =	vsel vm0, $0x180, v13;
	v15 =	vunpack.c.0.s8.s32 v15;
	v14 =	vsel vm6, $0x380, v14  }
0x3b: {  	v30 =	vunpack.c.0.s8.s32 v30;
	s9 =	sshrl.u32 s5, $0x3;
	s21 =	sadd.s32 s3, s5;
	s22 =	sadd.s32 $0x18F00, s5;
	[tilespmem:$0x1FFA0] =	vst v7;
	v14 =	vsel vm5, $0x0, v14  }
0x3c: {  	s13 =	sor.u32 $0x200, s5;
	s1 =	smax.u32 s1, $0x1;
	s17 =	sor.u32 $0x2, s8;
	[tilespmem:$0x1FFB0] =	vst v9;
	v11 =	vmovc v3;
	v31 =	vcombine.low v28, v29;
	v15 =	vand.u32 $0xF, v15;
	v32 =	vsel vm4, $0x80, v14  }
0x3d: {  	s19 =	sadd.s32 s0, s9;
	[dreg:$0x6] =	wrdreg s21;
	s23 =	sshrl.u32 s22, $0x3;
	[tilespmem:$0x1FFC0] =	vst v11;
	v3 =	vsel vm3, $0x200, v13;
	v13 =	vmovc v5;
	v5 =	vcombine.low v15, v30;
	v63 =	vsel vm2, $0x100, v32  }
0x3e: {  	s26 =	sadd.s32 s3, s22;
	[dreg:$0xc] =	wrdreg s1;
	s21 =	simm.s32 $0x400;
	[tilespmem:$0x1FFD0] =	vst v13;
	v14 =	vmov v3;
	v3 =	vand.u32 $0xF, v31;
	v31 =	vsel vm1, $0x180, v63  }
0x3f: {  	v17 =	vcombine.low v16, v17;
	s22 =	simm.s32 $0x300;
	s1 =	simm.s32 $0x0;
	s10 =	sshll.u32 s17, $0x4;
	[tilespmem:$0x1FF20] =	vst v5;
	v16 =	vsel vm0, $0x200, v31  }
0x40: {  	s2 =	sshll.u32 s17, $0x7;
	[dreg:$0x4] =	wrdreg s19;
	s4 =	sadd.s32 $0x40, s19;
	v18 =	vcombine.low v18, v19;
	v15 =	vmov v3;
	[tilespmem:$0x1FFF0] =	vst v14;
	v3 =	vsel vm3, $0x280, v16  }
0x41: {  	[dreg:$0xb] =	wrdreg s26;
	s19 =	simm.s32 $0x100;
	s20 =	sadd.s32 s0, s10;
	[tilespmem:$0x1FF30] =	vst v3;
	v3 =	vand.u32 $0xF, v17  }
0x42: {  	s10 =	smul.u32 $0xC8000, s7;
	[dreg:$0x7] =	wrdreg s4;
	s2 =	sand.u32 $0x1FFFF100, s2;
	v19 =	vcombine.low v20, v21;
	[tilespmem:$0x1FF40] =	vst v3;
	v3 =	vand.u32 $0xF, v18  }
0x43: {  	s26 =	simm.s32 $0x800;
	[dreg:$0x5] =	wrdreg s20;
	s2 =	sadd.s32 s3, s2;
	v20 =	vcombine.low v22, v23;
	v16 =	vmov v0;
	[tilespmem:$0x1FF50] =	vst v3  }
0x44: {  	s20 =	simm.s32 $0x200;
	[dreg:$0x8] =	wrdreg s2;
	s24 =	sshrl.u32 s10, $0x3;
	v21 =	vcombine.low v24, v25;
	v3 =	vand.u32 $0xF, v19;
	[tilespmem:$0x1FFE0] =	vst v16  }
0x45: {  	s2 =	sadd.s32 s0, s23;
	s23 =	simm.s32 $0x8400;
	s25 =	sadd.s32 s3, s24;
	v22 =	vcombine.low v26, v27;
	v23 =	vcombine.low v29, v28;
	[tilespmem:$0x1FF60] =	vst v3;
	v3 =	vand.u32 $0xF, v20  }
0x46: {  	[dreg:$0x9] =	wrdreg s2;
	s24 =	simm.s32 $0x1;
	s2 =	sadd.s32 $0x18E00, s25;
	[tilespmem:$0x1FF70] =	vst v3;
	v3 =	vand.u32 $0xF, v21  }
0x47: {  	s25 =	simm.s32 $0x10400;
	[dreg:$0xa] =	wrdreg s2;
	s2 =	simm.s32 $0x4;
	v22 =	vand.u32 $0xF, v22;
	v23 =	vand.u32 $0xF, v23;
	v0 =	vlaneseq.u32;
	[tilespmem:$0x1FF80] =	vst v3  }
.LBB2_1:
0x48: {  	s4 =	simm.s32 $0x0;
	s7 =	rddreg [dreg:$0x4]  }
0x49: {  	[tilespmem:s4], [sflag:$0x5] =	stream.linear.gather [hbm4b:s7+s4], $0x100, $0x38;
	[tilespmem:$0x18400] =	vst v63  }
0x4a: {  	_ =	swait.ge [sflag:s18], $0x100  }
0x4b: {  	[sflag:s18] =	ssyncset.done $0x0  }
0x4c: {  	[sflag:s18] =	ssyncadd.s32 $0xFFFFFF00  }
0x4d: {  	v24 =	vld [tilespmem:$0x0]  }
0x4e: {  	v25 =	vld [tilespmem:$0x10]  }
0x4f: {  	v26 =	vld [tilespmem:$0x20]  }
0x50: {  	v27 =	vld [tilespmem:$0x30]  }
0x51: {  	v28 =	vld [tilespmem:$0x40]  }
0x52: {  	v29 =	vld [tilespmem:$0x50];
	v24 =	vshra.s32 v24, $0x1  }
0x53: {  	[tilespmem:$0x200] =	vst v24;
	v24 =	vshra.s32 v25, $0x1;
	v25 =	vld [tilespmem:$0x60]  }
0x54: {  	[tilespmem:$0x210] =	vst v24;
	v24 =	vshra.s32 v26, $0x1;
	v26 =	vld [tilespmem:$0x70]  }
0x55: {  	[tilespmem:$0x220] =	vst v24;
	v24 =	vshra.s32 v27, $0x1;
	v27 =	vld [tilespmem:$0x80]  }
0x56: {  	[tilespmem:$0x230] =	vst v24;
	v24 =	vshra.s32 v28, $0x1;
	v28 =	vld [tilespmem:$0x90]  }
0x57: {  	[tilespmem:$0x240] =	vst v24;
	v24 =	vshra.s32 v29, $0x1;
	v29 =	vld [tilespmem:$0xA0]  }
0x58: {  	[tilespmem:$0x250] =	vst v24;
	v24 =	vshra.s32 v25, $0x1;
	v25 =	vld [tilespmem:$0xB0]  }
0x59: {  	[tilespmem:$0x260] =	vst v24;
	v24 =	vshra.s32 v26, $0x1;
	v26 =	vld [tilespmem:$0xC0]  }
0x5a: {  	[tilespmem:$0x270] =	vst v24;
	v24 =	vshra.s32 v27, $0x1;
	v27 =	vld [tilespmem:$0xD0]  }
0x5b: {  	[tilespmem:$0x280] =	vst v24;
	v24 =	vshra.s32 v28, $0x1;
	v28 =	vld [tilespmem:$0xE0]  }
0x5c: {  	[tilespmem:$0x290] =	vst v24;
	v24 =	vshra.s32 v29, $0x1;
	v29 =	vld [tilespmem:$0xF0]  }
0x5d: {  	[tilespmem:$0x2A0] =	vst v24;
	v24 =	vshra.s32 v25, $0x1  }
0x5e: {  	[tilespmem:$0x2B0] =	vst v24;
	v24 =	vshra.s32 v26, $0x1  }
0x5f: {  	[tilespmem:$0x2C0] =	vst v24;
	v24 =	vshra.s32 v27, $0x1  }
0x60: {  	[tilespmem:$0x2D0] =	vst v24;
	v24 =	vshra.s32 v28, $0x1  }
0x61: {  	[tilespmem:$0x2E0] =	vst v24;
	v24 =	vshra.s32 v29, $0x1  }
0x62: {  	[tilespmem:$0x2F0] =	vst v24  }
0x63: {  	[tilespmem:s21], [sflag:$0x1] =	stream.indirect.gather [hbm4b:s6+s19], $0x80, s20, s19, $0xb8;
	[tilespmem:$0x18400] =	vst v63  }
0x64: {  	s15 =	rddreg [dreg:$0x5]  }
0x65: {  	[tilespmem:s19], [sflag:$0x5] =	stream.linear.gather [hbm4b:s15+s4], $0x100, $0x38;
	[tilespmem:$0x18400] =	vst v63  }
0x66: {  	_ =	swait.ge [sflag:s18], $0x100  }
0x67: {  	[sflag:s18] =	ssyncset.done $0x0  }
0x68: {  	[sflag:s18] =	ssyncadd.s32 $0xFFFFFF00  }
0x69: {  	v24 =	vld [tilespmem:$0x100]  }
0x6a: {  	v25 =	vld [tilespmem:$0x110]  }
0x6b: {  	v26 =	vld [tilespmem:$0x120]  }
0x6c: {  	v27 =	vld [tilespmem:$0x130]  }
0x6d: {  	v28 =	vld [tilespmem:$0x140]  }
0x6e: {  	v29 =	vld [tilespmem:$0x150];
	v24 =	vshra.s32 v24, $0x1  }
0x6f: {  	[tilespmem:$0x300] =	vst v24;
	v24 =	vshra.s32 v25, $0x1;
	v25 =	vld [tilespmem:$0x160]  }
0x70: {  	[tilespmem:$0x310] =	vst v24;
	v24 =	vshra.s32 v26, $0x1;
	v26 =	vld [tilespmem:$0x170]  }
0x71: {  	[tilespmem:$0x320] =	vst v24;
	v24 =	vshra.s32 v27, $0x1;
	v27 =	vld [tilespmem:$0x180]  }
0x72: {  	[tilespmem:$0x330] =	vst v24;
	v24 =	vshra.s32 v28, $0x1;
	v28 =	vld [tilespmem:$0x190]  }
0x73: {  	[tilespmem:$0x340] =	vst v24;
	v24 =	vshra.s32 v29, $0x1;
	v29 =	vld [tilespmem:$0x1A0]  }
0x74: {  	[tilespmem:$0x350] =	vst v24;
	v24 =	vshra.s32 v25, $0x1;
	v25 =	vld [tilespmem:$0x1B0]  }
0x75: {  	[tilespmem:$0x360] =	vst v24;
	v24 =	vshra.s32 v26, $0x1;
	v26 =	vld [tilespmem:$0x1C0]  }
0x76: {  	[tilespmem:$0x370] =	vst v24;
	v24 =	vshra.s32 v27, $0x1;
	v27 =	vld [tilespmem:$0x1D0]  }
0x77: {  	[tilespmem:$0x380] =	vst v24;
	v24 =	vshra.s32 v28, $0x1;
	v28 =	vld [tilespmem:$0x1E0]  }
0x78: {  	[tilespmem:$0x390] =	vst v24;
	v24 =	vshra.s32 v29, $0x1;
	v29 =	vld [tilespmem:$0x1F0]  }
0x79: {  	[tilespmem:$0x3A0] =	vst v24;
	v24 =	vshra.s32 v25, $0x1  }
0x7a: {  	[tilespmem:$0x3B0] =	vst v24;
	v24 =	vshra.s32 v26, $0x1  }
0x7b: {  	[tilespmem:$0x3C0] =	vst v24;
	v24 =	vshra.s32 v27, $0x1  }
0x7c: {  	[tilespmem:$0x3D0] =	vst v24;
	v24 =	vshra.s32 v28, $0x1  }
0x7d: {  	[tilespmem:$0x3E0] =	vst v24;
	v24 =	vshra.s32 v29, $0x1  }
0x7e: {  	[tilespmem:$0x3F0] =	vst v24  }
0x7f: {  	[tilespmem:s23], [sflag:$0x2] =	stream.indirect.gather [hbm4b:s6+s19], $0x80, s22, s19, $0xb8;
	[tilespmem:$0x18400] =	vst v63  }
0x80: {  	_ =	swait.ge [sflag:s24], $0x8000  }
0x81: {  	[sflag:s24] =	ssyncset.done $0x0  }
0x82: {  	s8 =	sand.u32 $0xF0, s4;
	[sflag:s24] =	ssyncadd.s32 $0xFFFF8000  }
0x83: {  	v24 =	vld [tilespmem:s8+$0x0];
	_ =	sdelay $0x4  }
0x84: {  	s16 =	sand.u32 $0x20, s4;
	v25 =	vor.u32 s8, v0;
	v24 =	vshll.u32 v24, $0x6  }
0x85: {  	s12 =	sor.u32 $0x10, s16;
	v26 =	vshll.u32 v25, $0x7;
	v24 =	vand.u32 $0x40, v24  }
0x86: {  	v35 =	vor.u32 v26, v24;
	v26 =	vor.u32 s12, v0  }
0x87: {  	v29 =	vor.u32 s16, v0;
	v24 =	vmov s8;
	v27 =	vor.u32 v26, v35  }
0x88: {  	v24 =	vshll.u32 v24, $0x3;
	v30 =	vor.u32 v29, v35  }
0x89: {  	v25 =	vand.u32 $0x7F, v25;
	v24 =	vand.u32 $0x400, v24  }
0x8a: {  	v24 =	vor.u32 v24, v25;
	v25 =	vshll.u32 v26, $0x8  }
0x8b: {  	v26 =	vshll.u32 v29, $0x8;
	v28 =	vor.u32 v1, v24;
	v25 =	vand.u32 $0x3800, v25  }
0x8c: {  	v29 =	vor.u32 s12, v2;
	v26 =	vand.u32 $0x2800, v26;
	v25 =	vor.u32 v25, v28;
	v27 =	vld.idx.msk [tilespmem:v27+s21+$0x0], $0xffff  }
0x8d: {  	v32 =	vor.u32 s16, v2;
	v31 =	vor.u32 v29, v35;
	v26 =	vor.u32 v26, v28;
	v30 =	vld.idx.msk [tilespmem:v30+s21+$0x0], $0xffff  }
0x8e: {  	v33 =	vor.u32 v32, v35;
	_ =	sdelay $0x1  }
0x8f: {  	v36 =	vor.u32 s16, v4;
	v34 =	vshll.u32 v29, $0x8  }
0x90: {  	v32 =	vshll.u32 v32, $0x8;
	v29 =	vor.u32 v7, v24;
	[tilespmem:v25+s25+$0x0] =	vst.idx.msk $0xffff, v27;
	v25 =	vand.u32 $0x3800, v34  }
0x91: {  	v57 =	vor.u32 s12, v4;
	v32 =	vand.u32 $0x2800, v32;
	[tilespmem:v26+s25+$0x0] =	vst.idx.msk $0xffff, v30;
	v31 =	vld.idx.msk [tilespmem:v31+s21+$0x0], $0xffff;
	v25 =	vor.u32 v25, v29  }
0x92: {  	v37 =	vor.u32 s16, v6;
	v32 =	vor.u32 v32, v29;
	v26 =	vor.u32 v57, v35;
	v33 =	vld.idx.msk [tilespmem:v33+s21+$0x0], $0xffff  }
0x93: {  	v27 =	vor.u32 v36, v35;
	v30 =	vshll.u32 v37, $0x8  }
0x94: {  	v38 =	vand.u32 $0x2800, v30;
	v30 =	vor.u32 s16, v8  }
0x95: {  	v36 =	vshll.u32 v36, $0x8;
	v34 =	vshll.u32 v57, $0x8;
	v40 =	vor.u32 v30, v35  }
0x96: {  	v41 =	vshll.u32 v30, $0x8;
	v30 =	vor.u32 v9, v24;
	[tilespmem:v25+s25+$0x0] =	vst.idx.msk $0xffff, v31;
	v25 =	vand.u32 $0x3800, v34  }
0x97: {  	v58 =	vor.u32 s12, v6;
	v36 =	vand.u32 $0x2800, v36;
	[tilespmem:v32+s25+$0x0] =	vst.idx.msk $0xffff, v33;
	v26 =	vld.idx.msk [tilespmem:v26+s21+$0x0], $0xffff;
	v25 =	vor.u32 v25, v30  }
0x98: {  	v60 =	vor.u32 v58, v35;
	v36 =	vor.u32 v36, v30;
	v27 =	vld.idx.msk [tilespmem:v27+s21+$0x0], $0xffff  }
0x99: {  	v37 =	vor.u32 v37, v35;
	_ =	sdelay $0x1  }
0x9a: {  	v34 =	vshll.u32 v58, $0x8  }
0x9b: {  	v32 =	vor.u32 v11, v24;
	v3 =	vld [tilespmem:$0x1FF20];
	[tilespmem:v25+s25+$0x0] =	vst.idx.msk $0xffff, v26;
	v25 =	vand.u32 $0x3800, v34  }
0x9c: {  	[tilespmem:v36+s25+$0x0] =	vst.idx.msk $0xffff, v27;
	v33 =	vld.idx.msk [tilespmem:v60+s21+$0x0], $0xffff;
	v25 =	vor.u32 v25, v32  }
0x9d: {  	v38 =	vor.u32 v38, v32;
	v37 =	vld.idx.msk [tilespmem:v37+s21+$0x0], $0xffff;
	_ =	sdelay $0x1  }
0x9e: {  	v43 =	vor.u32 s16, v15  }
0x9f: {  	v61 =	vor.u32 s12, v8;
	v26 =	vshll.u32 v43, $0x8;
	v17 =	vld [tilespmem:$0x1FF40]  }
0xa0: {  	v27 =	vand.u32 $0x2800, v26;
	v26 =	vor.u32 v61, v35;
	v18 =	vld [tilespmem:$0x1FF50];
	[tilespmem:v25+s25+$0x0] =	vst.idx.msk $0xffff, v33  }
0xa1: {  	[tilespmem:v38+s25+$0x0] =	vst.idx.msk $0xffff, v37  }
0xa2: {  	v19 =	vld [tilespmem:$0x1FF60]  }
0xa3: {  	v34 =	vshll.u32 v61, $0x8  }
0xa4: {  	v45 =	vor.u32 v13, v24;
	v34 =	vand.u32 $0x3800, v34  }
0xa5: {  	v41 =	vand.u32 $0x2800, v41;
	v55 =	vor.u32 v34, v45;
	v26 =	vld.idx.msk [tilespmem:v26+s21+$0x0], $0xffff  }
0xa6: {  	v39 =	vor.u32 s16, v10;
	v59 =	vor.u32 s16, v12;
	v54 =	vor.u32 v41, v45;
	v38 =	vld.idx.msk [tilespmem:v40+s21+$0x0], $0xffff  }
0xa7: {  	v42 =	vshll.u32 v59, $0x8;
	v63 =	vor.u32 s16, v17;
	v58 =	vor.u32 s16, v19  }
0xa8: {  	v56 =	vor.u32 s12, v10;
	v48 =	vshll.u32 v63, $0x8;
	v5 =	vor.u32 v58, v35  }
0xa9: {  	v50 =	vor.u32 v59, v35;
	v51 =	vor.u32 v43, v35;
	v25 =	vand.u32 $0x2800, v48;
	[tilespmem:$0x1FEF0] =	vst v5  }
0xaa: {  	v59 =	vshll.u32 v56, $0x8;
	v47 =	vor.u32 v25, v29;
	v25 =	vor.u32 v56, v35;
	[tilespmem:v55+s25+$0x0] =	vst.idx.msk $0xffff, v26  }
0xab: {  	v31 =	vor.u32 v39, v35;
	v39 =	vshll.u32 v39, $0x8;
	v53 =	vor.u32 s16, v18;
	v20 =	vld [tilespmem:$0x1FF70];
	[tilespmem:v54+s25+$0x0] =	vst.idx.msk $0xffff, v38  }
0xac: {  	v39 =	vand.u32 $0x2800, v39;
	v44 =	vor.u32 s16, v3;
	v57 =	vshll.u32 v53, $0x8;
	v21 =	vld [tilespmem:$0x1FF80]  }
0xad: {  	v62 =	vshll.u32 v44, $0x8;
	v61 =	vor.u32 s12, v12;
	v37 =	vand.u32 $0x2800, v57  }
0xae: {  	v48 =	vor.u32 v16, v24;
	v43 =	vor.u32 v37, v30;
	v37 =	vand.u32 $0x3800, v59  }
0xaf: {  	v36 =	vand.u32 $0x2800, v62;
	v46 =	vor.u32 v53, v35;
	v37 =	vor.u32 v37, v48;
	v25 =	vld.idx.msk [tilespmem:v25+s21+$0x0], $0xffff  }
0xb0: {  	v53 =	vor.u32 v61, v35;
	v60 =	vor.u32 v39, v48;
	v40 =	vshll.u32 v58, $0x8;
	v31 =	vld.idx.msk [tilespmem:v31+s21+$0x0], $0xffff  }
0xb1: {  	v39 =	vshll.u32 v61, $0x8;
	v26 =	vand.u32 $0x2800, v40;
	v62 =	vor.u32 s16, v21  }
0xb2: {  	v40 =	vor.u32 v26, v32;
	v26 =	vor.u32 s16, v20;
	v5 =	vor.u32 v62, v35  }
0xb3: {  	s17 =	simm.s32 $0x8;
	v39 =	vand.u32 $0x3800, v39;
	v54 =	vshll.u32 v26, $0x8;
	v38 =	vor.u32 v26, v35;
	[tilespmem:$0x1FF00] =	vst v5  }
0xb4: {  	s14 =	sand.u32 $0xF0, s17;
	v26 =	vand.u32 $0x2800, v54;
	v5 =	vor.u32 v14, v24;
	[tilespmem:v37+s25+$0x0] =	vst.idx.msk $0xffff, v25;
	v25 =	vor.u32 s16, v22  }
0xb5: {  	v56 =	vor.u32 v39, v5;
	v39 =	vor.u32 v26, v45;
	[tilespmem:v60+s25+$0x0] =	vst.idx.msk $0xffff, v31;
	v31 =	vld [tilespmem:s14+$0x0];
	v26 =	vshll.u32 v25, $0x8  }
0xb6: {  	v42 =	vand.u32 $0x2800, v42;
	v53 =	vld.idx.msk [tilespmem:v53+s21+$0x0], $0xffff;
	v26 =	vand.u32 $0x2800, v26  }
0xb7: {  	v55 =	vor.u32 v42, v5;
	v37 =	vmov v5;
	v50 =	vld.idx.msk [tilespmem:v50+s21+$0x0], $0xffff;
	v5 =	vor.u32 v26, v5  }
0xb8: {  	v57 =	vor.u32 s12, v15;
	[tilespmem:$0x1FF10] =	vst v5;
	v5 =	vld [tilespmem:$0x1FF30]  }
0xb9: {  	v52 =	vor.u32 v44, v35;
	v49 =	vor.u32 v36, v28;
	v58 =	vor.u32 v57, v35  }
0xba: {  	v36 =	vor.u32 s14, v0;
	v33 =	vor.u32 s16, v23;
	v44 =	vor.u32 v63, v35  }
0xbb: {  	v59 =	vor.u32 s12, v3;
	v61 =	vmov s14;
	v63 =	vshll.u32 v62, $0x8  }
0xbc: {  	v61 =	vshll.u32 v61, $0x3;
	v57 =	vshll.u32 v57, $0x8;
	v54 =	vand.u32 $0x2800, v63;
	[tilespmem:v56+s25+$0x0] =	vst.idx.msk $0xffff, v53  }
0xbd: {  	s11 =	simm.s32 $0x20;
	v34 =	vand.u32 $0x3800, v57;
	v41 =	vor.u32 v54, v48;
	[tilespmem:v55+s25+$0x0] =	vst.idx.msk $0xffff, v50;
	v26 =	vor.u32 v5, v24  }
0xbe: {  	s9 =	sand.u32 $0x20, s11;
	v57 =	vor.u32 v27, v26;
	v54 =	vor.u32 v34, v26;
	v27 =	vshll.u32 v31, $0x6;
	v31 =	vld.idx.msk [tilespmem:v58+s21+$0x0], $0xffff  }
0xbf: {  	v62 =	vor.u32 s9, v0;
	v60 =	vor.u32 v59, v35;
	v59 =	vshll.u32 v59, $0x8;
	v51 =	vld.idx.msk [tilespmem:v51+s21+$0x0], $0xffff  }
0xc0: {  	v63 =	vshll.u32 v36, $0x7;
	v42 =	vor.u32 v25, v35;
	v59 =	vand.u32 $0x3800, v59  }
0xc1: {  	s8 =	sor.u32 $0x10, s9;
	v25 =	vor.u32 v33, v35;
	v59 =	vor.u32 v59, v28;
	v27 =	vand.u32 $0x40, v27  }
0xc2: {  	v28 =	vand.u32 $0x7F, v36;
	v56 =	vor.u32 s8, v0;
	v27 =	vor.u32 v63, v27  }
0xc3: {  	v24 =	vshll.u32 v33, $0x8;
	v33 =	vshll.u32 v62, $0x8;
	v34 =	vor.u32 v56, v27;
	[tilespmem:v54+s25+$0x0] =	vst.idx.msk $0xffff, v31  }
0xc4: {  	v55 =	vand.u32 $0x2800, v33;
	v50 =	vor.u32 v62, v27;
	v62 =	vor.u32 s12, v17;
	[tilespmem:v57+s25+$0x0] =	vst.idx.msk $0xffff, v51;
	v36 =	vld.idx.msk [tilespmem:v60+s21+$0x0], $0xffff  }
0xc5: {  	v56 =	vshll.u32 v56, $0x8;
	v53 =	vor.u32 v62, v35;
	v31 =	vand.u32 $0x400, v61;
	v52 =	vld.idx.msk [tilespmem:v52+s21+$0x0], $0xffff  }
0xc6: {  	v33 =	vor.u32 s9, v2;
	v56 =	vand.u32 $0x3800, v56;
	v31 =	vor.u32 v31, v28  }
0xc7: {  	v62 =	vshll.u32 v62, $0x8;
	v57 =	vor.u32 v33, v27;
	v28 =	vor.u32 v1, v31  }
0xc8: {  	v62 =	vand.u32 $0x3800, v62;
	v58 =	vld.idx.msk [tilespmem:v34+s21+$0x0], $0xffff;
	v56 =	vor.u32 v56, v28;
	v34 =	vor.u32 s8, v2  }
0xc9: {  	v55 =	vor.u32 v55, v28;
	v50 =	vld.idx.msk [tilespmem:v50+s21+$0x0], $0xffff;
	v61 =	vor.u32 v34, v27;
	[tilespmem:v59+s25+$0x0] =	vst.idx.msk $0xffff, v36  }
0xca: {  	v59 =	vor.u32 v62, v29;
	v62 =	vor.u32 s12, v18;
	[tilespmem:v49+s25+$0x0] =	vst.idx.msk $0xffff, v52;
	v53 =	vld.idx.msk [tilespmem:v53+s21+$0x0], $0xffff  }
0xcb: {  	v63 =	vor.u32 s9, v4;
	v54 =	vshll.u32 v33, $0x8;
	v52 =	vor.u32 v62, v35;
	v44 =	vld.idx.msk [tilespmem:v44+s21+$0x0], $0xffff  }
0xcc: {  	v51 =	vor.u32 v63, v27;
	v34 =	vshll.u32 v34, $0x8;
	v29 =	vshll.u32 v63, $0x8  }
0xcd: {  	v60 =	vand.u32 $0x3800, v34;
	v63 =	vand.u32 $0x2800, v29;
	v29 =	vor.u32 v7, v31;
	[tilespmem:v56+s25+$0x0] =	vst.idx.msk $0xffff, v58  }
0xce: {  	v54 =	vand.u32 $0x2800, v54;
	[tilespmem:v55+s25+$0x0] =	vst.idx.msk $0xffff, v50;
	v50 =	vor.u32 v60, v29;
	v60 =	vshll.u32 v62, $0x8;
	v55 =	vld.idx.msk [tilespmem:v61+s21+$0x0], $0xffff  }
0xcf: {  	v54 =	vor.u32 v54, v29;
	v57 =	vld.idx.msk [tilespmem:v57+s21+$0x0], $0xffff;
	v60 =	vand.u32 $0x3800, v60;
	[tilespmem:v59+s25+$0x0] =	vst.idx.msk $0xffff, v53  }
0xd0: {  	v59 =	vor.u32 v60, v30;
	v60 =	vor.u32 s12, v19;
	[tilespmem:v47+s25+$0x0] =	vst.idx.msk $0xffff, v44;
	v47 =	vld.idx.msk [tilespmem:v52+s21+$0x0], $0xffff  }
0xd1: {  	v44 =	vor.u32 v60, v35;
	v46 =	vld.idx.msk [tilespmem:v46+s21+$0x0], $0xffff;
	_ =	sdelay $0x1  }
0xd2: {  	[tilespmem:v50+s25+$0x0] =	vst.idx.msk $0xffff, v55  }
0xd3: {  	v33 =	vor.u32 s9, v6;
	[tilespmem:v54+s25+$0x0] =	vst.idx.msk $0xffff, v57  }
0xd4: {  	v36 =	vor.u32 v33, v27;
	v49 =	vshll.u32 v33, $0x8;
	v56 =	vor.u32 s8, v4;
	[tilespmem:v59+s25+$0x0] =	vst.idx.msk $0xffff, v47  }
0xd5: {  	v34 =	vor.u32 s9, v10;
	v58 =	vand.u32 $0x2800, v49;
	v49 =	vor.u32 v56, v27;
	[tilespmem:v43+s25+$0x0] =	vst.idx.msk $0xffff, v46;
	v43 =	vld.idx.msk [tilespmem:v44+s21+$0x0], $0xffff  }
0xd6: {  	v33 =	vor.u32 s9, v8;
	v62 =	vshll.u32 v34, $0x8;
	v44 =	vor.u32 s9, v3;
	v3 =	vld [tilespmem:$0x1FEF0]  }
0xd7: {  	v61 =	vor.u32 v34, v27;
	v34 =	vor.u32 s9, v12;
	v30 =	vshll.u32 v33, $0x8  }
0xd8: {  	v53 =	vor.u32 v33, v27;
	v33 =	vshll.u32 v56, $0x8;
	v52 =	vand.u32 $0x2800, v30  }
0xd9: {  	v30 =	vor.u32 v9, v31;
	v60 =	vshll.u32 v60, $0x8;
	v50 =	vand.u32 $0x3800, v33  }
0xda: {  	v54 =	vand.u32 $0x2800, v62;
	v57 =	vor.u32 s8, v6;
	v55 =	vld.idx.msk [tilespmem:v49+s21+$0x0], $0xffff;
	v50 =	vor.u32 v50, v30  }
0xdb: {  	v56 =	vor.u32 v63, v30;
	v63 =	vor.u32 v34, v27;
	v51 =	vld.idx.msk [tilespmem:v51+s21+$0x0], $0xffff;
	v62 =	vor.u32 v57, v27  }
0xdc: {  	v60 =	vand.u32 $0x3800, v60;
	v33 =	vor.u32 s12, v20;
	v49 =	vshll.u32 v34, $0x8  }
0xdd: {  	v60 =	vor.u32 v60, v32;
	v32 =	vor.u32 s9, v15;
	v57 =	vshll.u32 v57, $0x8  }
0xde: {  	v57 =	vand.u32 $0x3800, v57;
	v59 =	vand.u32 $0x2800, v49;
	v46 =	vor.u32 v33, v35;
	v34 =	vld.idx.msk [tilespmem:v3+s21+$0x0], $0xffff  }
0xdf: {  	v49 =	vor.u32 v32, v27;
	v47 =	vshll.u32 v32, $0x8;
	v32 =	vor.u32 v11, v31;
	[tilespmem:v50+s25+$0x0] =	vst.idx.msk $0xffff, v55  }
0xe0: {  	[tilespmem:v56+s25+$0x0] =	vst.idx.msk $0xffff, v51;
	v56 =	vor.u32 v57, v32;
	v57 =	vor.u32 s8, v8;
	v51 =	vld.idx.msk [tilespmem:v62+s21+$0x0], $0xffff  }
0xe1: {  	v33 =	vshll.u32 v33, $0x8;
	v55 =	vor.u32 v58, v32;
	v36 =	vld.idx.msk [tilespmem:v36+s21+$0x0], $0xffff;
	v58 =	vor.u32 v57, v27  }
0xe2: {  	v33 =	vand.u32 $0x3800, v33;
	v62 =	vshll.u32 v44, $0x8;
	[tilespmem:v60+s25+$0x0] =	vst.idx.msk $0xffff, v43  }
0xe3: {  	v50 =	vand.u32 $0x2800, v47;
	[tilespmem:v40+s25+$0x0] =	vst.idx.msk $0xffff, v34;
	v34 =	vand.u32 $0x2800, v62;
	v40 =	vor.u32 v33, v45;
	v62 =	vld.idx.msk [tilespmem:v46+s21+$0x0], $0xffff  }
0xe4: {  	v47 =	vor.u32 v44, v27;
	v44 =	vor.u32 s9, v17;
	v60 =	vor.u32 s12, v21;
	v38 =	vld.idx.msk [tilespmem:v38+s21+$0x0], $0xffff  }
0xe5: {  	v43 =	vshll.u32 v44, $0x8;
	[tilespmem:v56+s25+$0x0] =	vst.idx.msk $0xffff, v51;
	v51 =	vor.u32 s9, v18;
	v56 =	vshll.u32 v57, $0x8  }
0xe6: {  	[tilespmem:v55+s25+$0x0] =	vst.idx.msk $0xffff, v36;
	v55 =	vld.idx.msk [tilespmem:v58+s21+$0x0], $0xffff;
	v46 =	vor.u32 v34, v28;
	v34 =	vor.u32 v60, v35  }
0xe7: {  	v36 =	vand.u32 $0x2800, v43;
	v57 =	vand.u32 $0x3800, v56;
	v53 =	vld.idx.msk [tilespmem:v53+s21+$0x0], $0xffff;
	v33 =	vor.u32 v13, v31  }
0xe8: {  	v43 =	vor.u32 v36, v29;
	v56 =	vor.u32 v57, v33;
	v57 =	vor.u32 s8, v10;
	[tilespmem:v40+s25+$0x0] =	vst.idx.msk $0xffff, v62  }
0xe9: {  	v52 =	vor.u32 v52, v33;
	v60 =	vshll.u32 v60, $0x8;
	v36 =	vor.u32 v57, v27;
	[tilespmem:v39+s25+$0x0] =	vst.idx.msk $0xffff, v38  }
0xea: {  	v45 =	vor.u32 v44, v27;
	v44 =	vor.u32 v51, v27;
	v60 =	vand.u32 $0x3800, v60;
	v3 =	vld [tilespmem:$0x1FF00]  }
0xeb: {  	v48 =	vor.u32 v60, v48;
	v62 =	vshll.u32 v51, $0x8;
	v51 =	vor.u32 s12, v22;
	v58 =	vld.idx.msk [tilespmem:v34+s21+$0x0], $0xffff  }
0xec: {  	v60 =	vor.u32 v51, v35  }
0xed: {  	v57 =	vshll.u32 v57, $0x8;
	[tilespmem:v56+s25+$0x0] =	vst.idx.msk $0xffff, v55  }
0xee: {  	v57 =	vand.u32 $0x3800, v57;
	v34 =	vor.u32 v16, v31;
	[tilespmem:v52+s25+$0x0] =	vst.idx.msk $0xffff, v53;
	v52 =	vld.idx.msk [tilespmem:v36+s21+$0x0], $0xffff  }
0xef: {  	v24 =	vand.u32 $0x2800, v24;
	v55 =	vor.u32 v57, v34;
	v53 =	vld.idx.msk [tilespmem:v61+s21+$0x0], $0xffff;
	v61 =	vshll.u32 v51, $0x8  }
0xf0: {  	v5 =	vor.u32 v24, v26;
	v24 =	vor.u32 v54, v34;
	v36 =	vand.u32 $0x3800, v61;
	[tilespmem:v48+s25+$0x0] =	vst.idx.msk $0xffff, v58  }
0xf1: {  	v62 =	vand.u32 $0x2800, v62;
	v57 =	vld.idx.msk [tilespmem:v60+s21+$0x0], $0xffff;
	v60 =	vor.u32 v36, v37  }
0xf2: {  	v39 =	vor.u32 v62, v30;
	v62 =	vld.idx.msk [tilespmem:v3+s21+$0x0], $0xffff;
	_ =	sdelay $0x1  }
0xf3: {  	[tilespmem:v55+s25+$0x0] =	vst.idx.msk $0xffff, v52  }
0xf4: {  	[tilespmem:v24+s25+$0x0] =	vst.idx.msk $0xffff, v53  }
0xf5: {  	v38 =	vor.u32 s9, v19;
	[tilespmem:v60+s25+$0x0] =	vst.idx.msk $0xffff, v57  }
0xf6: {  	v40 =	vor.u32 v38, v27;
	v38 =	vshll.u32 v38, $0x8;
	[tilespmem:v41+s25+$0x0] =	vst.idx.msk $0xffff, v62  }
0xf7: {  	v56 =	vor.u32 s8, v12;
	v38 =	vand.u32 $0x2800, v38;
	v3 =	vld [tilespmem:$0x1FF10]  }
0xf8: {  	v54 =	vor.u32 v56, v27;
	v48 =	vor.u32 s9, v20;
	v37 =	vor.u32 s9, v21  }
0xf9: {  	v61 =	vor.u32 s12, v23;
	v36 =	vshll.u32 v48, $0x8;
	v51 =	vor.u32 v37, v27  }
0xfa: {  	v37 =	vshll.u32 v37, $0x8;
	v41 =	vor.u32 v48, v27;
	v48 =	vor.u32 v61, v35;
	v62 =	vld.idx.msk [tilespmem:v42+s21+$0x0], $0xffff  }
0xfb: {  	v56 =	vshll.u32 v56, $0x8;
	v38 =	vor.u32 v38, v32;
	v24 =	vand.u32 $0x2800, v37  }
0xfc: {  	v58 =	vand.u32 $0x3800, v56;
	v37 =	vor.u32 v24, v34;
	v35 =	vor.u32 v14, v31  }
0xfd: {  	v20 =	vmovc v5;
	v55 =	vld.idx.msk [tilespmem:v54+s21+$0x0], $0xffff;
	v60 =	vshll.u32 v61, $0x8;
	v42 =	vand.u32 $0x2800, v36;
	v54 =	vor.u32 v59, v35  }
0xfe: {  	v21 =	vmovc v25;
	v56 =	vld.idx.msk [tilespmem:v63+s21+$0x0], $0xffff;
	v58 =	vor.u32 v58, v35;
	v59 =	vor.u32 s8, v15;
	v42 =	vor.u32 v42, v33  }
0xff: {  	s14 =	simm.s32 $0x10;
	s12 =	simm.s32 $0x2;
	v53 =	vor.u32 s9, v22;
	v57 =	vor.u32 v59, v27;
	v52 =	vld.idx.msk [tilespmem:v48+s21+$0x0], $0xffff;
	v48 =	vand.u32 $0x3800, v60;
	[tilespmem:v3+s25+$0x0] =	vst.idx.msk $0xffff, v62  }
.LBB2_2:
0x100: {  	v3 =	vor.u32 v53, v27  }
0x101: {  	[tilespmem:$0x1FEE0] =	vst v3;
	v3 =	vld [tilespmem:$0x1FF30]  }
0x102: {  	s7 =	sand.u32 $0xF0, s14  }
0x103: {  	v61 =	vor.u32 v48, v26;
	v62 =	vld [tilespmem:s7+$0x0]  }
0x104: {  	v36 =	vshll.u32 v53, $0x8  }
0x105: {  	v60 =	vld.idx.msk [tilespmem:v21+s21+$0x0], $0xffff;
	v25 =	vand.u32 $0x2800, v36;
	v36 =	vor.u32 s9, v23  }
0x106: {  	v48 =	vor.u32 v25, v35;
	[tilespmem:v58+s25+$0x0] =	vst.idx.msk $0xffff, v55;
	v58 =	vshll.u32 v59, $0x8;
	v26 =	vor.u32 v3, v31;
	v3 =	vld [tilespmem:$0x1FF20]  }
0x107: {  	s11 =	sadd.s32 $0x20, s11;
	v21 =	vor.u32 v36, v27;
	[tilespmem:v54+s25+$0x0] =	vst.idx.msk $0xffff, v56;
	v53 =	vld.idx.msk [tilespmem:v57+s21+$0x0], $0xffff;
	v59 =	vand.u32 $0x3800, v58;
	v57 =	vor.u32 s7, v0  }
0x108: {  	s9 =	sand.u32 $0x20, s11;
	[tilespmem:v61+s25+$0x0] =	vst.idx.msk $0xffff, v52;
	v63 =	vshll.u32 v57, $0x7;
	v31 =	vshll.u32 v36, $0x8;
	v61 =	vshll.u32 v62, $0x6  }
0x109: {  	v49 =	vld.idx.msk [tilespmem:v49+s21+$0x0], $0xffff;
	v62 =	vor.u32 s9, v0;
	v54 =	vor.u32 v59, v26;
	v31 =	vand.u32 $0x2800, v31  }
0x10a: {  	s15 =	sor.u32 $0x10, s9;
	[tilespmem:v20+s25+$0x0] =	vst.idx.msk $0xffff, v60;
	v50 =	vor.u32 v50, v26;
	v20 =	vor.u32 v31, v26;
	v31 =	vand.u32 $0x40, v61  }
0x10b: {  	v5 =	vld [tilespmem:$0x1FF40];
	v36 =	vor.u32 s15, v0;
	v52 =	vor.u32 v63, v31;
	v55 =	vor.u32 s8, v3  }
0x10c: {  	v31 =	vshll.u32 v62, $0x8;
	v58 =	vor.u32 v62, v52;
	v56 =	vor.u32 v55, v27  }
0x10d: {  	v60 =	vor.u32 v36, v52;
	v62 =	vmov s7;
	v61 =	vshll.u32 v55, $0x8  }
0x10e: {  	v63 =	vshll.u32 v62, $0x3;
	[tilespmem:v54+s25+$0x0] =	vst.idx.msk $0xffff, v53;
	v55 =	vand.u32 $0x2800, v31;
	v31 =	vand.u32 $0x3800, v61  }
0x10f: {  	v17 =	vld [tilespmem:$0x1FF50];
	[tilespmem:v50+s25+$0x0] =	vst.idx.msk $0xffff, v49;
	v53 =	vor.u32 v31, v28;
	v28 =	vand.u32 $0x7F, v57;
	v31 =	vand.u32 $0x400, v63  }
0x110: {  	v36 =	vshll.u32 v36, $0x8;
	v54 =	vor.u32 s8, v5;
	v47 =	vld.idx.msk [tilespmem:v47+s21+$0x0], $0xffff;
	v31 =	vor.u32 v31, v28  }
0x111: {  	v50 =	vor.u32 v54, v27;
	v61 =	vor.u32 s15, v2;
	v28 =	vor.u32 v1, v31;
	v49 =	vld.idx.msk [tilespmem:v56+s21+$0x0], $0xffff  }
0x112: {  	v57 =	vand.u32 $0x3800, v36;
	v62 =	vor.u32 v61, v52;
	v58 =	vld.idx.msk [tilespmem:v58+s21+$0x0], $0xffff;
	v55 =	vor.u32 v55, v28  }
0x113: {  	v63 =	vshll.u32 v54, $0x8;
	v60 =	vld.idx.msk [tilespmem:v60+s21+$0x0], $0xffff;
	v56 =	vor.u32 s9, v2;
	v57 =	vor.u32 v57, v28  }
0x114: {  	v36 =	vor.u32 s9, v4;
	v63 =	vand.u32 $0x3800, v63;
	v59 =	vor.u32 v56, v52  }
0x115: {  	v61 =	vshll.u32 v61, $0x8;
	[tilespmem:v46+s25+$0x0] =	vst.idx.msk $0xffff, v47;
	v47 =	vor.u32 v63, v29;
	v29 =	vshll.u32 v36, $0x8  }
0x116: {  	v18 =	vld [tilespmem:$0x1FF60];
	v56 =	vshll.u32 v56, $0x8;
	v63 =	vand.u32 $0x2800, v29;
	v29 =	vor.u32 v7, v31;
	[tilespmem:v53+s25+$0x0] =	vst.idx.msk $0xffff, v49  }
0x117: {  	v45 =	vld.idx.msk [tilespmem:v45+s21+$0x0], $0xffff;
	v53 =	vand.u32 $0x2800, v56;
	v49 =	vor.u32 v36, v52;
	v36 =	vor.u32 s9, v6;
	[tilespmem:v55+s25+$0x0] =	vst.idx.msk $0xffff, v58  }
0x118: {  	v46 =	vld.idx.msk [tilespmem:v50+s21+$0x0], $0xffff;
	v50 =	vor.u32 s8, v17;
	v24 =	vor.u32 v36, v52;
	[tilespmem:v57+s25+$0x0] =	vst.idx.msk $0xffff, v60;
	v54 =	vshll.u32 v36, $0x8  }
0x119: {  	v57 =	vand.u32 $0x3800, v61;
	v58 =	vld.idx.msk [tilespmem:v59+s21+$0x0], $0xffff;
	v53 =	vor.u32 v53, v29;
	v56 =	vor.u32 v50, v27  }
0x11a: {  	v59 =	vor.u32 s15, v4;
	v61 =	vor.u32 s9, v8;
	v55 =	vld.idx.msk [tilespmem:v62+s21+$0x0], $0xffff;
	v62 =	vshll.u32 v50, $0x8  }
0x11b: {  	v57 =	vor.u32 v57, v29;
	v60 =	vand.u32 $0x2800, v54;
	v62 =	vand.u32 $0x3800, v62  }
0x11c: {  	v19 =	vld [tilespmem:$0x1FF70];
	v54 =	vor.u32 v59, v52;
	[tilespmem:v43+s25+$0x0] =	vst.idx.msk $0xffff, v45;
	v45 =	vor.u32 v62, v30;
	v30 =	vshll.u32 v61, $0x8  }
0x11d: {  	v36 =	vor.u32 s9, v10;
	v44 =	vld.idx.msk [tilespmem:v44+s21+$0x0], $0xffff;
	v62 =	vand.u32 $0x2800, v30;
	v30 =	vor.u32 v9, v31;
	[tilespmem:v47+s25+$0x0] =	vst.idx.msk $0xffff, v46  }
0x11e: {  	v50 =	vshll.u32 v36, $0x8;
	v46 =	vor.u32 s8, v18;
	[tilespmem:v53+s25+$0x0] =	vst.idx.msk $0xffff, v58;
	v58 =	vor.u32 v63, v30;
	v43 =	vld.idx.msk [tilespmem:v56+s21+$0x0], $0xffff  }
0x11f: {  	v56 =	vor.u32 v61, v52;
	v61 =	vor.u32 v36, v52;
	v36 =	vshll.u32 v59, $0x8  }
0x120: {  	v63 =	vor.u32 s15, v6;
	v47 =	vor.u32 v46, v27;
	[tilespmem:v57+s25+$0x0] =	vst.idx.msk $0xffff, v55;
	v55 =	vld.idx.msk [tilespmem:v49+s21+$0x0], $0xffff;
	v36 =	vand.u32 $0x3800, v36  }
0x121: {  	v57 =	vand.u32 $0x2800, v50;
	v50 =	vld.idx.msk [tilespmem:v54+s21+$0x0], $0xffff;
	v59 =	vor.u32 v36, v30;
	v36 =	vor.u32 s9, v12  }
0x122: {  	v25 =	vor.u32 v63, v52;
	[tilespmem:v39+s25+$0x0] =	vst.idx.msk $0xffff, v44;
	v44 =	vor.u32 s8, v19;
	v53 =	vor.u32 v36, v52  }
0x123: {  	v54 =	vshll.u32 v36, $0x8;
	v36 =	vor.u32 s9, v15;
	[tilespmem:v45+s25+$0x0] =	vst.idx.msk $0xffff, v43;
	v43 =	vshll.u32 v46, $0x8  }
0x124: {  	v40 =	vld.idx.msk [tilespmem:v40+s21+$0x0], $0xffff;
	v49 =	vor.u32 v36, v52;
	v45 =	vor.u32 s9, v3;
	v43 =	vand.u32 $0x3800, v43  }
0x125: {  	v39 =	vld.idx.msk [tilespmem:v47+s21+$0x0], $0xffff;
	v47 =	vshll.u32 v36, $0x8;
	v36 =	vshll.u32 v63, $0x8;
	v43 =	vor.u32 v43, v32  }
0x126: {  	v46 =	vor.u32 v44, v27;
	v3 =	vld [tilespmem:$0x1FF80];
	[tilespmem:v59+s25+$0x0] =	vst.idx.msk $0xffff, v50;
	v32 =	vor.u32 v11, v31;
	v59 =	vand.u32 $0x3800, v36  }
0x127: {  	[tilespmem:v58+s25+$0x0] =	vst.idx.msk $0xffff, v55;
	v25 =	vld.idx.msk [tilespmem:v25+s21+$0x0], $0xffff;
	v58 =	vor.u32 v59, v32  }
0x128: {  	v54 =	vand.u32 $0x2800, v54;
	v24 =	vld.idx.msk [tilespmem:v24+s21+$0x0], $0xffff;
	v63 =	vshll.u32 v45, $0x8;
	v59 =	vor.u32 s15, v8  }
0x129: {  	v50 =	vand.u32 $0x2800, v47;
	[tilespmem:v38+s25+$0x0] =	vst.idx.msk $0xffff, v40;
	v55 =	vor.u32 v60, v32;
	v60 =	vor.u32 v59, v52  }
0x12a: {  	v47 =	vor.u32 v45, v52;
	v41 =	vld.idx.msk [tilespmem:v41+s21+$0x0], $0xffff;
	[tilespmem:v43+s25+$0x0] =	vst.idx.msk $0xffff, v39;
	v39 =	vshll.u32 v44, $0x8;
	v44 =	vor.u32 s9, v5  }
0x12b: {  	v38 =	vld.idx.msk [tilespmem:v46+s21+$0x0], $0xffff;
	v39 =	vand.u32 $0x3800, v39;
	v46 =	vand.u32 $0x2800, v63;
	v63 =	vor.u32 s8, v3  }
0x12c: {  	v45 =	vor.u32 v44, v52;
	[tilespmem:v58+s25+$0x0] =	vst.idx.msk $0xffff, v25;
	v25 =	vshll.u32 v59, $0x8;
	v39 =	vor.u32 v39, v33  }
0x12d: {  	v40 =	vor.u32 v63, v27;
	v33 =	vor.u32 v13, v31;
	v25 =	vand.u32 $0x3800, v25  }
0x12e: {  	v36 =	vor.u32 s9, v17;
	v43 =	vshll.u32 v44, $0x8;
	[tilespmem:v55+s25+$0x0] =	vst.idx.msk $0xffff, v24;
	v55 =	vld.idx.msk [tilespmem:v60+s21+$0x0], $0xffff;
	v25 =	vor.u32 v25, v33  }
0x12f: {  	v59 =	vor.u32 s15, v10;
	v44 =	vor.u32 v36, v52;
	v46 =	vor.u32 v46, v28  }
0x130: {  	v36 =	vshll.u32 v36, $0x8;
	v24 =	vand.u32 $0x2800, v43;
	v56 =	vld.idx.msk [tilespmem:v56+s21+$0x0], $0xffff;
	[tilespmem:v42+s25+$0x0] =	vst.idx.msk $0xffff, v41;
	v58 =	vor.u32 v62, v33  }
0x131: {  	v43 =	vor.u32 v24, v29;
	v24 =	vor.u32 v59, v52;
	v42 =	vld.idx.msk [tilespmem:v51+s21+$0x0], $0xffff;
	[tilespmem:v39+s25+$0x0] =	vst.idx.msk $0xffff, v38  }
0x132: {  	v36 =	vand.u32 $0x2800, v36;
	v60 =	vor.u32 s8, v22;
	v62 =	vshll.u32 v63, $0x8;
	v41 =	vld.idx.msk [tilespmem:v40+s21+$0x0], $0xffff  }
0x133: {  	v38 =	vand.u32 $0x3800, v62;
	[tilespmem:v25+s25+$0x0] =	vst.idx.msk $0xffff, v55;
	v25 =	vshll.u32 v59, $0x8;
	v59 =	vor.u32 s9, v3;
	v3 =	vld [tilespmem:$0x1FEE0]  }
0x134: {  	v63 =	vor.u32 s9, v18;
	v39 =	vor.u32 v36, v30;
	v51 =	vor.u32 v38, v34  }
0x135: {  	v36 =	vor.u32 v60, v27;
	v62 =	vshll.u32 v63, $0x8;
	v40 =	vor.u32 v63, v52  }
0x136: {  	[tilespmem:v58+s25+$0x0] =	vst.idx.msk $0xffff, v56;
	v34 =	vor.u32 v16, v31;
	v38 =	vand.u32 $0x2800, v62;
	v63 =	vshll.u32 v60, $0x8;
	v24 =	vld.idx.msk [tilespmem:v24+s21+$0x0], $0xffff  }
0x137: {  	v25 =	vand.u32 $0x3800, v25;
	v55 =	vld.idx.msk [tilespmem:v61+s21+$0x0], $0xffff;
	v56 =	vor.u32 v57, v34;
	v57 =	vor.u32 s15, v12  }
0x138: {  	v38 =	vor.u32 v38, v32;
	[tilespmem:v37+s25+$0x0] =	vst.idx.msk $0xffff, v42;
	v37 =	vand.u32 $0x3800, v63;
	v25 =	vor.u32 v25, v34  }
0x139: {  	v61 =	vor.u32 s8, v23;
	v63 =	vshll.u32 v59, $0x8;
	v58 =	vor.u32 v57, v52;
	[tilespmem:v51+s25+$0x0] =	vst.idx.msk $0xffff, v41  }
0x13a: {  	s12 =	sadd.s32 $0x2, s12;
	v37 =	vor.u32 v37, v35;
	v35 =	vor.u32 v14, v31;
	v51 =	vor.u32 s9, v19;
	v36 =	vld.idx.msk [tilespmem:v36+s21+$0x0], $0xffff  }
0x13b: {  	p0 =	slt.u32 s12, $0x3E;
	s8 =	smov.u32 s15;
	v62 =	vor.u32 v61, v27;
	v54 =	vor.u32 v54, v35;
	v41 =	vor.u32 v51, v52;
	v60 =	vld.idx.msk [tilespmem:v3+s21+$0x0], $0xffff  }
.Ltmp0:
0x13c: {  	v27 =	vmovc v52;
	v42 =	vshll.u32 v51, $0x8;
	v51 =	vor.u32 v59, v52;
	v59 =	vor.u32 s8, v15;
	(pc) =	sbr.rel @p0 .LBB2_2-.Ltmp0, $4  }
0x13d: {  	v42 =	vand.u32 $0x2800, v42;
	[tilespmem:v25+s25+$0x0] =	vst.idx.msk $0xffff, v24;
	v24 =	vshll.u32 v57, $0x8;
	v57 =	vor.u32 v59, v27  }
0x13e: {  	[tilespmem:v56+s25+$0x0] =	vst.idx.msk $0xffff, v55;
	v55 =	vld.idx.msk [tilespmem:v58+s21+$0x0], $0xffff;
	v24 =	vand.u32 $0x3800, v24;
	v42 =	vor.u32 v42, v33  }
0x13f: {  	v25 =	vand.u32 $0x2800, v63;
	v56 =	vld.idx.msk [tilespmem:v53+s21+$0x0], $0xffff;
	v58 =	vor.u32 v24, v35;
	v24 =	vshll.u32 v61, $0x8;
	[tilespmem:v37+s25+$0x0] =	vst.idx.msk $0xffff, v36  }
0x140: {  	s14 =	sadd.s32 $0x8, s14;
	v53 =	vor.u32 s9, v22;
	v37 =	vor.u32 v25, v34;
	v52 =	vld.idx.msk [tilespmem:v62+s21+$0x0], $0xffff;
	[tilespmem:v48+s25+$0x0] =	vst.idx.msk $0xffff, v60;
	v48 =	vand.u32 $0x3800, v24  }
0x141: {  	_ =	sdelay $0x3  }
0x142: {  	[tilespmem:v58+s25+$0x0] =	vst.idx.msk $0xffff, v55  }
0x143: {  	v24 =	vshll.u32 v59, $0x8;
	v59 =	vld [tilespmem:$0x1FF30];
	_ =	sdelay $0x1  }
0x144: {  	[tilespmem:v54+s25+$0x0] =	vst.idx.msk $0xffff, v56  }
0x145: {  	v5 =	vld [tilespmem:$0x1FF20];
	_ =	sdelay $0x1  }
0x146: {  	v24 =	vand.u32 $0x3800, v24;
	v25 =	vor.u32 v59, v31  }
0x147: {  	v31 =	vld.idx.msk [tilespmem:v57+s21+$0x0], $0xffff;
	v24 =	vor.u32 v24, v25  }
0x148: {  	v49 =	vld.idx.msk [tilespmem:v49+s21+$0x0], $0xffff;
	v50 =	vor.u32 v50, v25  }
0x149: {  	v36 =	vor.u32 s8, v5  }
0x14a: {  	v61 =	vor.u32 v36, v27;
	_ =	sdelay $0x1  }
0x14b: {  	[tilespmem:v24+s25+$0x0] =	vst.idx.msk $0xffff, v31  }
0x14c: {  	v36 =	vshll.u32 v36, $0x8;
	[tilespmem:v50+s25+$0x0] =	vst.idx.msk $0xffff, v49  }
0x14d: {  	v24 =	vand.u32 $0x3800, v36;
	v17 =	vld [tilespmem:$0x1FF40]  }
0x14e: {  	v31 =	vld.idx.msk [tilespmem:v61+s21+$0x0], $0xffff;
	v24 =	vor.u32 v24, v28  }
0x14f: {  	v62 =	vld.idx.msk [tilespmem:v47+s21+$0x0], $0xffff;
	_ =	sdelay $0x2  }
0x150: {  	v28 =	vor.u32 s8, v17  }
0x151: {  	[tilespmem:v24+s25+$0x0] =	vst.idx.msk $0xffff, v31;
	v63 =	vor.u32 v28, v27  }
0x152: {  	[tilespmem:v46+s25+$0x0] =	vst.idx.msk $0xffff, v62  }
0x153: {  	v18 =	vld [tilespmem:$0x1FF50]  }
0x154: {  	v28 =	vshll.u32 v28, $0x8  }
0x155: {  	v31 =	vld.idx.msk [tilespmem:v45+s21+$0x0], $0xffff;
	v24 =	vand.u32 $0x3800, v28  }
0x156: {  	v24 =	vor.u32 v24, v29;
	v28 =	vld.idx.msk [tilespmem:v63+s21+$0x0], $0xffff;
	_ =	sdelay $0x1  }
0x157: {  	v29 =	vor.u32 s8, v18  }
0x158: {  	v47 =	vor.u32 v29, v27  }
0x159: {  	[tilespmem:v43+s25+$0x0] =	vst.idx.msk $0xffff, v31  }
0x15a: {  	[tilespmem:v24+s25+$0x0] =	vst.idx.msk $0xffff, v28  }
0x15b: {  	v29 =	vshll.u32 v29, $0x8;
	v19 =	vld [tilespmem:$0x1FF60]  }
0x15c: {  	v24 =	vand.u32 $0x3800, v29  }
0x15d: {  	v28 =	vld.idx.msk [tilespmem:v47+s21+$0x0], $0xffff;
	v24 =	vor.u32 v24, v30  }
0x15e: {  	v30 =	vld.idx.msk [tilespmem:v44+s21+$0x0], $0xffff;
	_ =	sdelay $0x1  }
0x15f: {  	v29 =	vor.u32 s8, v19  }
0x160: {  	v31 =	vor.u32 v29, v27  }
0x161: {  	[tilespmem:v24+s25+$0x0] =	vst.idx.msk $0xffff, v28  }
0x162: {  	[tilespmem:v39+s25+$0x0] =	vst.idx.msk $0xffff, v30  }
0x163: {  	v49 =	vmov v20;
	v29 =	vshll.u32 v29, $0x8;
	v20 =	vld [tilespmem:$0x1FF70]  }
0x164: {  	v30 =	vld.idx.msk [tilespmem:v40+s21+$0x0], $0xffff;
	v24 =	vand.u32 $0x3800, v29  }
0x165: {  	v24 =	vor.u32 v24, v32;
	v28 =	vld.idx.msk [tilespmem:v31+s21+$0x0], $0xffff;
	_ =	sdelay $0x3  }
0x166: {  	[tilespmem:v38+s25+$0x0] =	vst.idx.msk $0xffff, v30  }
0x167: {  	v29 =	vor.u32 s8, v20;
	[tilespmem:v24+s25+$0x0] =	vst.idx.msk $0xffff, v28  }
0x168: {  	v50 =	vmov v21;
	v31 =	vor.u32 v29, v27;
	v21 =	vld [tilespmem:$0x1FF80];
	_ =	sdelay $0x2  }
0x169: {  	v29 =	vshll.u32 v29, $0x8  }
0x16a: {  	v24 =	vand.u32 $0x3800, v29  }
0x16b: {  	v28 =	vld.idx.msk [tilespmem:v31+s21+$0x0], $0xffff;
	v24 =	vor.u32 v24, v33;
	v29 =	vor.u32 s8, v21  }
0x16c: {  	v30 =	vld.idx.msk [tilespmem:v41+s21+$0x0], $0xffff;
	v31 =	vor.u32 v29, v27;
	_ =	sdelay $0x2  }
0x16d: {  	v29 =	vshll.u32 v29, $0x8  }
0x16e: {  	[tilespmem:v24+s25+$0x0] =	vst.idx.msk $0xffff, v28;
	v24 =	vand.u32 $0x3800, v29  }
0x16f: {  	[tilespmem:v42+s25+$0x0] =	vst.idx.msk $0xffff, v30;
	v29 =	vor.u32 s8, v22;
	v24 =	vor.u32 v24, v34;
	v28 =	vld.idx.msk [tilespmem:v31+s21+$0x0], $0xffff  }
0x170: {  	v30 =	vld.idx.msk [tilespmem:v51+s21+$0x0], $0xffff;
	v31 =	vor.u32 v29, v27  }
0x171: {  	v51 =	vor.u32 v53, v27;
	_ =	sdelay $0x1  }
0x172: {  	v29 =	vshll.u32 v29, $0x8  }
0x173: {  	v53 =	vshll.u32 v53, $0x8;
	[tilespmem:v24+s25+$0x0] =	vst.idx.msk $0xffff, v28;
	v24 =	vand.u32 $0x3800, v29  }
0x174: {  	[tilespmem:v37+s25+$0x0] =	vst.idx.msk $0xffff, v30;
	v30 =	vor.u32 s8, v23;
	v28 =	vand.u32 $0x2800, v53;
	v29 =	vld.idx.msk [tilespmem:v31+s21+$0x0], $0xffff;
	v24 =	vor.u32 v24, v35  }
0x175: {  	v32 =	vld.idx.msk [tilespmem:v51+s21+$0x0], $0xffff;
	v54 =	vor.u32 v30, v27;
	v31 =	vor.u32 s9, v23;
	v28 =	vor.u32 v28, v35  }
0x176: {  	v27 =	vor.u32 v31, v27;
	_ =	sdelay $0x1  }
0x177: {  	v26 =	vor.u32 v48, v26;
	v30 =	vshll.u32 v30, $0x8  }
0x178: {  	v55 =	vld.idx.msk [tilespmem:v50+s21+$0x0], $0xffff;
	v31 =	vshll.u32 v31, $0x8;
	[tilespmem:v24+s25+$0x0] =	vst.idx.msk $0xffff, v29;
	v24 =	vand.u32 $0x3800, v30  }
0x179: {  	v29 =	vand.u32 $0x2800, v31;
	[tilespmem:v28+s25+$0x0] =	vst.idx.msk $0xffff, v32;
	v28 =	vld.idx.msk [tilespmem:v54+s21+$0x0], $0xffff;
	v24 =	vor.u32 v24, v25  }
0x17a: {  	v25 =	vor.u32 v29, v25;
	v27 =	vld.idx.msk [tilespmem:v27+s21+$0x0], $0xffff;
	_ =	sdelay $0x1  }
0x17b: {  	[tilespmem:v26+s25+$0x0] =	vst.idx.msk $0xffff, v52  }
0x17c: {  	[tilespmem:v49+s25+$0x0] =	vst.idx.msk $0xffff, v55  }
0x17d: {  	[tilespmem:v24+s25+$0x0] =	vst.idx.msk $0xffff, v28  }
0x17e: {  	[tilespmem:v25+s25+$0x0] =	vst.idx.msk $0xffff, v27  }
0x17f: {  	s4 =	rddreg [dreg:$0x6]  }
0x180: {  	[hbm4b:s4+s26] =	stream.strided.scatter [tilespmem:s25], [sflag:$0x3], $0x4000, s28, s26, $0x38;
	[tilespmem:$0x18400] =	vst v63  }
0x181: {  	s7 =	simm.s32 $0x0;
	s15 =	rddreg [dreg:$0x7]  }
0x182: {  	[tilespmem:s7], [sflag:$0x5] =	stream.linear.gather [hbm4b:s15+s7], $0x100, $0x38;
	[tilespmem:$0x18400] =	vst v63  }
0x183: {  	_ =	swait.ge [sflag:s18], $0x100  }
0x184: {  	[sflag:s18] =	ssyncset.done $0x0  }
0x185: {  	[sflag:s18] =	ssyncadd.s32 $0xFFFFFF00  }
0x186: {  	v24 =	vld [tilespmem:$0x0]  }
0x187: {  	v25 =	vld [tilespmem:$0x10]  }
0x188: {  	v26 =	vld [tilespmem:$0x20]  }
0x189: {  	v27 =	vld [tilespmem:$0x30]  }
0x18a: {  	v28 =	vld [tilespmem:$0x40]  }
0x18b: {  	v29 =	vld [tilespmem:$0x50];
	v24 =	vshra.s32 v24, $0x1  }
0x18c: {  	[tilespmem:$0x200] =	vst v24;
	v24 =	vshra.s32 v25, $0x1;
	v25 =	vld [tilespmem:$0x60]  }
0x18d: {  	[tilespmem:$0x210] =	vst v24;
	v24 =	vshra.s32 v26, $0x1;
	v26 =	vld [tilespmem:$0x70]  }
0x18e: {  	[tilespmem:$0x220] =	vst v24;
	v24 =	vshra.s32 v27, $0x1;
	v27 =	vld [tilespmem:$0x80]  }
0x18f: {  	[tilespmem:$0x230] =	vst v24;
	v24 =	vshra.s32 v28, $0x1;
	v28 =	vld [tilespmem:$0x90]  }
0x190: {  	[tilespmem:$0x240] =	vst v24;
	v24 =	vshra.s32 v29, $0x1;
	v29 =	vld [tilespmem:$0xA0]  }
0x191: {  	[tilespmem:$0x250] =	vst v24;
	v24 =	vshra.s32 v25, $0x1;
	v25 =	vld [tilespmem:$0xB0]  }
0x192: {  	[tilespmem:$0x260] =	vst v24;
	v24 =	vshra.s32 v26, $0x1;
	v26 =	vld [tilespmem:$0xC0]  }
0x193: {  	[tilespmem:$0x270] =	vst v24;
	v24 =	vshra.s32 v27, $0x1;
	v27 =	vld [tilespmem:$0xD0]  }
0x194: {  	[tilespmem:$0x280] =	vst v24;
	v24 =	vshra.s32 v28, $0x1;
	v28 =	vld [tilespmem:$0xE0]  }
0x195: {  	[tilespmem:$0x290] =	vst v24;
	v24 =	vshra.s32 v29, $0x1;
	v29 =	vld [tilespmem:$0xF0]  }
0x196: {  	[tilespmem:$0x2A0] =	vst v24;
	v24 =	vshra.s32 v25, $0x1  }
0x197: {  	[tilespmem:$0x2B0] =	vst v24;
	v24 =	vshra.s32 v26, $0x1  }
0x198: {  	[tilespmem:$0x2C0] =	vst v24;
	v24 =	vshra.s32 v27, $0x1  }
0x199: {  	[tilespmem:$0x2D0] =	vst v24;
	v24 =	vshra.s32 v28, $0x1  }
0x19a: {  	[tilespmem:$0x2E0] =	vst v24;
	v24 =	vshra.s32 v29, $0x1  }
0x19b: {  	[tilespmem:$0x2F0] =	vst v24  }
0x19c: {  	[tilespmem:s21], [sflag:$0x1] =	stream.indirect.gather [hbm4b:s6+s19], $0x80, s20, s19, $0xb8;
	[tilespmem:$0x18400] =	vst v63  }
0x19d: {  	_ =	swait.ge [sflag:s29], $0x8000  }
0x19e: {  	[sflag:s29] =	ssyncset.done $0x0  }
0x19f: {  	s16 =	sand.u32 $0xF0, s7;
	[sflag:s29] =	ssyncadd.s32 $0xFFFF8000  }
0x1a0: {  	v24 =	vld [tilespmem:s16+$0x100];
	_ =	sdelay $0x4  }
0x1a1: {  	s7 =	sand.u32 $0x20, s7;
	v25 =	vor.u32 s16, v0;
	v24 =	vshll.u32 v24, $0x6  }
0x1a2: {  	s12 =	sor.u32 $0x10, s7;
	v26 =	vshll.u32 v25, $0x7;
	v24 =	vand.u32 $0x40, v24  }
0x1a3: {  	v35 =	vor.u32 v26, v24;
	v26 =	vor.u32 s12, v0  }
0x1a4: {  	v29 =	vor.u32 s7, v0;
	v24 =	vmov s16;
	v27 =	vor.u32 v26, v35  }
0x1a5: {  	v24 =	vshll.u32 v24, $0x3;
	v30 =	vor.u32 v29, v35  }
0x1a6: {  	v25 =	vand.u32 $0x7F, v25;
	v24 =	vand.u32 $0x400, v24  }
0x1a7: {  	v24 =	vor.u32 v24, v25;
	v25 =	vshll.u32 v26, $0x8  }
0x1a8: {  	v26 =	vshll.u32 v29, $0x8;
	v28 =	vor.u32 v1, v24;
	v25 =	vand.u32 $0x3800, v25  }
0x1a9: {  	v29 =	vor.u32 s12, v2;
	v26 =	vand.u32 $0x2800, v26;
	v25 =	vor.u32 v25, v28;
	v27 =	vld.idx.msk [tilespmem:v27+s23+$0x0], $0xffff  }
0x1aa: {  	v56 =	vor.u32 s7, v2;
	v31 =	vor.u32 v29, v35;
	v26 =	vor.u32 v26, v28;
	v30 =	vld.idx.msk [tilespmem:v30+s23+$0x0], $0xffff  }
0x1ab: {  	v57 =	vor.u32 v56, v35;
	_ =	sdelay $0x1  }
0x1ac: {  	v60 =	vor.u32 s7, v4;
	v58 =	vshll.u32 v29, $0x8  }
0x1ad: {  	v32 =	vshll.u32 v56, $0x8;
	v29 =	vor.u32 v7, v24;
	[tilespmem:v25+s30+$0x0] =	vst.idx.msk $0xffff, v27;
	v25 =	vand.u32 $0x3800, v58  }
0x1ae: {  	v61 =	vor.u32 s12, v4;
	v32 =	vand.u32 $0x2800, v32;
	[tilespmem:v26+s30+$0x0] =	vst.idx.msk $0xffff, v30;
	v31 =	vld.idx.msk [tilespmem:v31+s23+$0x0], $0xffff;
	v25 =	vor.u32 v25, v29  }
0x1af: {  	v62 =	vor.u32 s7, v6;
	v32 =	vor.u32 v32, v29;
	v26 =	vor.u32 v61, v35;
	v33 =	vld.idx.msk [tilespmem:v57+s23+$0x0], $0xffff  }
0x1b0: {  	v27 =	vor.u32 v60, v35;
	v30 =	vshll.u32 v62, $0x8  }
0x1b1: {  	v63 =	vand.u32 $0x2800, v30;
	v30 =	vor.u32 s7, v8  }
0x1b2: {  	v36 =	vshll.u32 v60, $0x8;
	v34 =	vshll.u32 v61, $0x8;
	v40 =	vor.u32 v30, v35  }
0x1b3: {  	v53 =	vshll.u32 v30, $0x8;
	v30 =	vor.u32 v9, v24;
	[tilespmem:v25+s30+$0x0] =	vst.idx.msk $0xffff, v31;
	v25 =	vand.u32 $0x3800, v34  }
0x1b4: {  	v54 =	vor.u32 s12, v6;
	v36 =	vand.u32 $0x2800, v36;
	[tilespmem:v32+s30+$0x0] =	vst.idx.msk $0xffff, v33;
	v26 =	vld.idx.msk [tilespmem:v26+s23+$0x0], $0xffff;
	v25 =	vor.u32 v25, v30  }
0x1b5: {  	v56 =	vor.u32 v54, v35;
	v36 =	vor.u32 v36, v30;
	v27 =	vld.idx.msk [tilespmem:v27+s23+$0x0], $0xffff  }
0x1b6: {  	v52 =	vor.u32 s7, v10;
	v37 =	vor.u32 v62, v35  }
0x1b7: {  	v55 =	vor.u32 s7, v12;
	v39 =	vshll.u32 v52, $0x8  }
0x1b8: {  	v50 =	vor.u32 v55, v35;
	v45 =	vor.u32 v13, v24;
	v34 =	vshll.u32 v54, $0x8  }
0x1b9: {  	v58 =	vor.u32 s7, v15;
	v32 =	vor.u32 v11, v24;
	[tilespmem:v25+s30+$0x0] =	vst.idx.msk $0xffff, v26;
	v25 =	vand.u32 $0x3800, v34  }
0x1ba: {  	v61 =	vor.u32 s12, v8;
	v26 =	vshll.u32 v58, $0x8;
	[tilespmem:v36+s30+$0x0] =	vst.idx.msk $0xffff, v27;
	v33 =	vld.idx.msk [tilespmem:v56+s23+$0x0], $0xffff;
	v25 =	vor.u32 v25, v32  }
0x1bb: {  	v38 =	vor.u32 v63, v32;
	v27 =	vand.u32 $0x2800, v26;
	v26 =	vor.u32 v61, v35;
	v37 =	vld.idx.msk [tilespmem:v37+s23+$0x0], $0xffff  }
0x1bc: {  	v60 =	vor.u32 s7, v5;
	v57 =	vshll.u32 v55, $0x8;
	v51 =	vor.u32 v58, v35  }
0x1bd: {  	v62 =	vshll.u32 v60, $0x8;
	v42 =	vand.u32 $0x2800, v57;
	v41 =	vand.u32 $0x2800, v53  }
0x1be: {  	v31 =	vor.u32 v52, v35;
	v63 =	vor.u32 s7, v17;
	v34 =	vshll.u32 v61, $0x8  }
0x1bf: {  	v52 =	vor.u32 v60, v35;
	v55 =	vshll.u32 v63, $0x8;
	v34 =	vand.u32 $0x3800, v34;
	[tilespmem:v25+s30+$0x0] =	vst.idx.msk $0xffff, v33  }
0x1c0: {  	v60 =	vor.u32 s12, v10;
	v58 =	vor.u32 v34, v45;
	v25 =	vand.u32 $0x2800, v55;
	[tilespmem:v38+s30+$0x0] =	vst.idx.msk $0xffff, v37;
	v26 =	vld.idx.msk [tilespmem:v26+s23+$0x0], $0xffff  }
0x1c1: {  	v57 =	vor.u32 v41, v45;
	v47 =	vor.u32 v25, v29;
	v25 =	vor.u32 v60, v35;
	v38 =	vld.idx.msk [tilespmem:v40+s23+$0x0], $0xffff  }
0x1c2: {  	v36 =	vand.u32 $0x2800, v62;
	v62 =	vor.u32 s7, v19;
	v56 =	vor.u32 s7, v18  }
0x1c3: {  	v39 =	vand.u32 $0x2800, v39;
	v3 =	vor.u32 v62, v35;
	v61 =	vshll.u32 v56, $0x8  }
0x1c4: {  	v44 =	vor.u32 v63, v35;
	v63 =	vshll.u32 v60, $0x8;
	v37 =	vand.u32 $0x2800, v61;
	[tilespmem:$0x1FEB0] =	vst v3  }
0x1c5: {  	s17 =	simm.s32 $0x8;
	v48 =	vor.u32 v16, v24;
	v43 =	vor.u32 v37, v30;
	v37 =	vand.u32 $0x3800, v63;
	[tilespmem:v58+s30+$0x0] =	vst.idx.msk $0xffff, v26  }
0x1c6: {  	s14 =	sand.u32 $0xF0, s17;
	v41 =	vor.u32 v39, v48;
	v37 =	vor.u32 v37, v48;
	[tilespmem:v57+s30+$0x0] =	vst.idx.msk $0xffff, v38;
	v25 =	vld.idx.msk [tilespmem:v25+s23+$0x0], $0xffff  }
0x1c7: {  	v49 =	vor.u32 v36, v28;
	v36 =	vor.u32 s14, v0;
	v33 =	vor.u32 s12, v12;
	v31 =	vld.idx.msk [tilespmem:v31+s23+$0x0], $0xffff  }
0x1c8: {  	v46 =	vor.u32 v56, v35;
	v34 =	vor.u32 v33, v35;
	v60 =	vor.u32 s7, v21  }
0x1c9: {  	v40 =	vshll.u32 v62, $0x8;
	v39 =	vshll.u32 v33, $0x8;
	v3 =	vor.u32 v60, v35  }
0x1ca: {  	v63 =	vor.u32 s12, v15;
	v39 =	vand.u32 $0x3800, v39;
	v26 =	vand.u32 $0x2800, v40;
	[tilespmem:$0x1FEC0] =	vst v3  }
0x1cb: {  	v58 =	vor.u32 v63, v35;
	v40 =	vor.u32 v26, v32;
	v26 =	vor.u32 s7, v20;
	[tilespmem:v37+s30+$0x0] =	vst.idx.msk $0xffff, v25  }
0x1cc: {  	v3 =	vor.u32 v14, v24;
	v61 =	vshll.u32 v26, $0x8;
	v38 =	vor.u32 v26, v35;
	[tilespmem:v41+s30+$0x0] =	vst.idx.msk $0xffff, v31;
	v31 =	vld [tilespmem:s14+$0x100]  }
0x1cd: {  	v56 =	vor.u32 v39, v3;
	v26 =	vand.u32 $0x2800, v61;
	v25 =	vor.u32 s7, v22;
	v53 =	vld.idx.msk [tilespmem:v34+s23+$0x0], $0xffff  }
0x1ce: {  	v55 =	vor.u32 v42, v3;
	v39 =	vor.u32 v26, v45;
	v26 =	vshll.u32 v25, $0x8;
	v50 =	vld.idx.msk [tilespmem:v50+s23+$0x0], $0xffff  }
0x1cf: {  	s11 =	simm.s32 $0x20;
	v33 =	vor.u32 s7, v23;
	v62 =	vshll.u32 v60, $0x8;
	v26 =	vand.u32 $0x2800, v26  }
0x1d0: {  	s9 =	sand.u32 $0x20, s11;
	v54 =	vand.u32 $0x2800, v62;
	v42 =	vor.u32 v25, v35;
	v25 =	vor.u32 v26, v3  }
0x1d1: {  	v62 =	vor.u32 s9, v0;
	v57 =	vshll.u32 v63, $0x8;
	v26 =	vor.u32 v59, v24;
	[tilespmem:$0x1FED0] =	vst v25  }
0x1d2: {  	v41 =	vor.u32 v54, v48;
	v34 =	vand.u32 $0x3800, v57;
	v57 =	vor.u32 v27, v26;
	[tilespmem:v56+s30+$0x0] =	vst.idx.msk $0xffff, v53  }
0x1d3: {  	v59 =	vor.u32 s12, v5;
	v54 =	vor.u32 v34, v26;
	v27 =	vshll.u32 v31, $0x6;
	[tilespmem:v55+s30+$0x0] =	vst.idx.msk $0xffff, v50;
	v31 =	vld.idx.msk [tilespmem:v58+s23+$0x0], $0xffff  }
0x1d4: {  	v63 =	vshll.u32 v36, $0x7;
	v61 =	vmov s14;
	v60 =	vor.u32 v59, v35;
	v51 =	vld.idx.msk [tilespmem:v51+s23+$0x0], $0xffff  }
0x1d5: {  	v61 =	vshll.u32 v61, $0x3;
	v37 =	vor.u32 v33, v35;
	v24 =	vshll.u32 v33, $0x8  }
0x1d6: {  	s8 =	sor.u32 $0x10, s9;
	v33 =	vshll.u32 v62, $0x8;
	v59 =	vshll.u32 v59, $0x8;
	v27 =	vand.u32 $0x40, v27  }
0x1d7: {  	v59 =	vand.u32 $0x3800, v59;
	v56 =	vor.u32 s8, v0;
	v27 =	vor.u32 v63, v27  }
0x1d8: {  	v55 =	vand.u32 $0x2800, v33;
	v59 =	vor.u32 v59, v28;
	v34 =	vor.u32 v56, v27;
	[tilespmem:v54+s30+$0x0] =	vst.idx.msk $0xffff, v31  }
0x1d9: {  	v28 =	vand.u32 $0x7F, v36;
	v50 =	vor.u32 v62, v27;
	v62 =	vor.u32 s12, v17;
	[tilespmem:v57+s30+$0x0] =	vst.idx.msk $0xffff, v51;
	v36 =	vld.idx.msk [tilespmem:v60+s23+$0x0], $0xffff  }
0x1da: {  	v33 =	vor.u32 s9, v2;
	v53 =	vor.u32 v62, v35;
	v31 =	vand.u32 $0x400, v61;
	v52 =	vld.idx.msk [tilespmem:v52+s23+$0x0], $0xffff  }
0x1db: {  	v56 =	vshll.u32 v56, $0x8;
	v62 =	vshll.u32 v62, $0x8;
	v31 =	vor.u32 v31, v28  }
0x1dc: {  	v56 =	vand.u32 $0x3800, v56;
	v62 =	vand.u32 $0x3800, v62;
	v28 =	vor.u32 v1, v31  }
0x1dd: {  	v57 =	vor.u32 v33, v27;
	v58 =	vld.idx.msk [tilespmem:v34+s23+$0x0], $0xffff;
	v34 =	vor.u32 s8, v2;
	v56 =	vor.u32 v56, v28  }
0x1de: {  	v50 =	vld.idx.msk [tilespmem:v50+s23+$0x0], $0xffff;
	v61 =	vor.u32 v34, v27;
	v55 =	vor.u32 v55, v28;
	[tilespmem:v59+s30+$0x0] =	vst.idx.msk $0xffff, v36  }
0x1df: {  	v59 =	vor.u32 v62, v29;
	v62 =	vor.u32 s12, v18;
	[tilespmem:v49+s30+$0x0] =	vst.idx.msk $0xffff, v52;
	v53 =	vld.idx.msk [tilespmem:v53+s23+$0x0], $0xffff  }
0x1e0: {  	v63 =	vor.u32 s9, v4;
	v54 =	vshll.u32 v33, $0x8;
	v52 =	vor.u32 v62, v35;
	v44 =	vld.idx.msk [tilespmem:v44+s23+$0x0], $0xffff  }
0x1e1: {  	v51 =	vor.u32 v63, v27;
	v34 =	vshll.u32 v34, $0x8;
	v29 =	vshll.u32 v63, $0x8  }
0x1e2: {  	v60 =	vand.u32 $0x3800, v34;
	v63 =	vand.u32 $0x2800, v29;
	v29 =	vor.u32 v7, v31;
	[tilespmem:v56+s30+$0x0] =	vst.idx.msk $0xffff, v58  }
0x1e3: {  	v54 =	vand.u32 $0x2800, v54;
	[tilespmem:v55+s30+$0x0] =	vst.idx.msk $0xffff, v50;
	v50 =	vor.u32 v60, v29;
	v60 =	vshll.u32 v62, $0x8;
	v55 =	vld.idx.msk [tilespmem:v61+s23+$0x0], $0xffff  }
0x1e4: {  	v54 =	vor.u32 v54, v29;
	v57 =	vld.idx.msk [tilespmem:v57+s23+$0x0], $0xffff;
	v60 =	vand.u32 $0x3800, v60;
	[tilespmem:v59+s30+$0x0] =	vst.idx.msk $0xffff, v53  }
0x1e5: {  	v59 =	vor.u32 v60, v30;
	v60 =	vor.u32 s12, v19;
	[tilespmem:v47+s30+$0x0] =	vst.idx.msk $0xffff, v44;
	v47 =	vld.idx.msk [tilespmem:v52+s23+$0x0], $0xffff  }
0x1e6: {  	v44 =	vor.u32 v60, v35;
	v46 =	vld.idx.msk [tilespmem:v46+s23+$0x0], $0xffff;
	_ =	sdelay $0x1  }
0x1e7: {  	[tilespmem:v50+s30+$0x0] =	vst.idx.msk $0xffff, v55  }
0x1e8: {  	v33 =	vor.u32 s9, v6;
	[tilespmem:v54+s30+$0x0] =	vst.idx.msk $0xffff, v57  }
0x1e9: {  	v36 =	vor.u32 v33, v27;
	v49 =	vshll.u32 v33, $0x8;
	v56 =	vor.u32 s8, v4;
	[tilespmem:v59+s30+$0x0] =	vst.idx.msk $0xffff, v47  }
0x1ea: {  	v34 =	vor.u32 s9, v10;
	v58 =	vand.u32 $0x2800, v49;
	v49 =	vor.u32 v56, v27;
	[tilespmem:v43+s30+$0x0] =	vst.idx.msk $0xffff, v46;
	v43 =	vld.idx.msk [tilespmem:v44+s23+$0x0], $0xffff  }
0x1eb: {  	v33 =	vor.u32 s9, v8;
	v62 =	vshll.u32 v34, $0x8;
	v44 =	vor.u32 s9, v5;
	v5 =	vld [tilespmem:$0x1FEB0]  }
0x1ec: {  	v61 =	vor.u32 v34, v27;
	v34 =	vor.u32 s9, v12;
	v30 =	vshll.u32 v33, $0x8  }
0x1ed: {  	v53 =	vor.u32 v33, v27;
	v33 =	vshll.u32 v56, $0x8;
	v52 =	vand.u32 $0x2800, v30  }
0x1ee: {  	v30 =	vor.u32 v9, v31;
	v60 =	vshll.u32 v60, $0x8;
	v50 =	vand.u32 $0x3800, v33  }
0x1ef: {  	v54 =	vand.u32 $0x2800, v62;
	v57 =	vor.u32 s8, v6;
	v55 =	vld.idx.msk [tilespmem:v49+s23+$0x0], $0xffff;
	v50 =	vor.u32 v50, v30  }
0x1f0: {  	v56 =	vor.u32 v63, v30;
	v63 =	vor.u32 v34, v27;
	v51 =	vld.idx.msk [tilespmem:v51+s23+$0x0], $0xffff;
	v62 =	vor.u32 v57, v27  }
0x1f1: {  	v60 =	vand.u32 $0x3800, v60;
	v33 =	vor.u32 s12, v20;
	v49 =	vshll.u32 v34, $0x8  }
0x1f2: {  	v60 =	vor.u32 v60, v32;
	v32 =	vor.u32 s9, v15;
	v57 =	vshll.u32 v57, $0x8  }
0x1f3: {  	v57 =	vand.u32 $0x3800, v57;
	v59 =	vand.u32 $0x2800, v49;
	v46 =	vor.u32 v33, v35;
	v34 =	vld.idx.msk [tilespmem:v5+s23+$0x0], $0xffff  }
0x1f4: {  	v49 =	vor.u32 v32, v27;
	v47 =	vshll.u32 v32, $0x8;
	v32 =	vor.u32 v11, v31;
	[tilespmem:v50+s30+$0x0] =	vst.idx.msk $0xffff, v55  }
0x1f5: {  	[tilespmem:v56+s30+$0x0] =	vst.idx.msk $0xffff, v51;
	v56 =	vor.u32 v57, v32;
	v57 =	vor.u32 s8, v8;
	v51 =	vld.idx.msk [tilespmem:v62+s23+$0x0], $0xffff  }
0x1f6: {  	v33 =	vshll.u32 v33, $0x8;
	v55 =	vor.u32 v58, v32;
	v36 =	vld.idx.msk [tilespmem:v36+s23+$0x0], $0xffff;
	v58 =	vor.u32 v57, v27  }
0x1f7: {  	v33 =	vand.u32 $0x3800, v33;
	v62 =	vshll.u32 v44, $0x8;
	[tilespmem:v60+s30+$0x0] =	vst.idx.msk $0xffff, v43  }
0x1f8: {  	v50 =	vand.u32 $0x2800, v47;
	[tilespmem:v40+s30+$0x0] =	vst.idx.msk $0xffff, v34;
	v34 =	vand.u32 $0x2800, v62;
	v40 =	vor.u32 v33, v45;
	v62 =	vld.idx.msk [tilespmem:v46+s23+$0x0], $0xffff  }
0x1f9: {  	v47 =	vor.u32 v44, v27;
	v44 =	vor.u32 s9, v17;
	v60 =	vor.u32 s12, v21;
	v38 =	vld.idx.msk [tilespmem:v38+s23+$0x0], $0xffff  }
0x1fa: {  	v43 =	vshll.u32 v44, $0x8;
	[tilespmem:v56+s30+$0x0] =	vst.idx.msk $0xffff, v51;
	v51 =	vor.u32 s9, v18;
	v56 =	vshll.u32 v57, $0x8  }
0x1fb: {  	[tilespmem:v55+s30+$0x0] =	vst.idx.msk $0xffff, v36;
	v55 =	vld.idx.msk [tilespmem:v58+s23+$0x0], $0xffff;
	v46 =	vor.u32 v34, v28;
	v34 =	vor.u32 v60, v35  }
0x1fc: {  	v36 =	vand.u32 $0x2800, v43;
	v57 =	vand.u32 $0x3800, v56;
	v53 =	vld.idx.msk [tilespmem:v53+s23+$0x0], $0xffff;
	v33 =	vor.u32 v13, v31  }
0x1fd: {  	v43 =	vor.u32 v36, v29;
	v56 =	vor.u32 v57, v33;
	v57 =	vor.u32 s8, v10;
	[tilespmem:v40+s30+$0x0] =	vst.idx.msk $0xffff, v62  }
0x1fe: {  	v52 =	vor.u32 v52, v33;
	v60 =	vshll.u32 v60, $0x8;
	v36 =	vor.u32 v57, v27;
	[tilespmem:v39+s30+$0x0] =	vst.idx.msk $0xffff, v38  }
0x1ff: {  	v45 =	vor.u32 v44, v27;
	v44 =	vor.u32 v51, v27;
	v60 =	vand.u32 $0x3800, v60;
	v5 =	vld [tilespmem:$0x1FEC0]  }
0x200: {  	v48 =	vor.u32 v60, v48;
	v62 =	vshll.u32 v51, $0x8;
	v51 =	vor.u32 s12, v22;
	v58 =	vld.idx.msk [tilespmem:v34+s23+$0x0], $0xffff  }
0x201: {  	v60 =	vor.u32 v51, v35  }
0x202: {  	v57 =	vshll.u32 v57, $0x8;
	[tilespmem:v56+s30+$0x0] =	vst.idx.msk $0xffff, v55  }
0x203: {  	v57 =	vand.u32 $0x3800, v57;
	v34 =	vor.u32 v16, v31;
	[tilespmem:v52+s30+$0x0] =	vst.idx.msk $0xffff, v53;
	v52 =	vld.idx.msk [tilespmem:v36+s23+$0x0], $0xffff  }
0x204: {  	v24 =	vand.u32 $0x2800, v24;
	v55 =	vor.u32 v57, v34;
	v53 =	vld.idx.msk [tilespmem:v61+s23+$0x0], $0xffff;
	v61 =	vshll.u32 v51, $0x8  }
0x205: {  	v25 =	vor.u32 v24, v26;
	v24 =	vor.u32 v54, v34;
	v36 =	vand.u32 $0x3800, v61;
	[tilespmem:v48+s30+$0x0] =	vst.idx.msk $0xffff, v58  }
0x206: {  	v62 =	vand.u32 $0x2800, v62;
	v57 =	vld.idx.msk [tilespmem:v60+s23+$0x0], $0xffff;
	v60 =	vor.u32 v36, v3  }
0x207: {  	v39 =	vor.u32 v62, v30;
	v62 =	vld.idx.msk [tilespmem:v5+s23+$0x0], $0xffff;
	_ =	sdelay $0x1  }
0x208: {  	[tilespmem:v55+s30+$0x0] =	vst.idx.msk $0xffff, v52  }
0x209: {  	[tilespmem:v24+s30+$0x0] =	vst.idx.msk $0xffff, v53  }
0x20a: {  	v38 =	vor.u32 s9, v19;
	[tilespmem:v60+s30+$0x0] =	vst.idx.msk $0xffff, v57  }
0x20b: {  	v40 =	vor.u32 v38, v27;
	v38 =	vshll.u32 v38, $0x8;
	[tilespmem:v41+s30+$0x0] =	vst.idx.msk $0xffff, v62  }
0x20c: {  	v56 =	vor.u32 s8, v12;
	v38 =	vand.u32 $0x2800, v38;
	v3 =	vld [tilespmem:$0x1FED0]  }
0x20d: {  	v54 =	vor.u32 v56, v27;
	v56 =	vshll.u32 v56, $0x8;
	v48 =	vor.u32 s9, v20  }
0x20e: {  	v61 =	vor.u32 s12, v23;
	v58 =	vor.u32 s9, v21;
	v36 =	vshll.u32 v48, $0x8  }
0x20f: {  	v21 =	vmovc v37;
	v37 =	vshll.u32 v58, $0x8;
	v41 =	vor.u32 v48, v27;
	v48 =	vor.u32 v61, v35;
	v62 =	vld.idx.msk [tilespmem:v42+s23+$0x0], $0xffff  }
0x210: {  	v38 =	vor.u32 v38, v32;
	v51 =	vor.u32 v58, v27;
	v24 =	vand.u32 $0x2800, v37  }
0x211: {  	v58 =	vand.u32 $0x3800, v56;
	v37 =	vor.u32 v24, v34;
	v35 =	vor.u32 v14, v31  }
0x212: {  	v55 =	vld.idx.msk [tilespmem:v54+s23+$0x0], $0xffff;
	v60 =	vshll.u32 v61, $0x8;
	v42 =	vand.u32 $0x2800, v36;
	v54 =	vor.u32 v59, v35  }
0x213: {  	v20 =	vmovc v25;
	v56 =	vld.idx.msk [tilespmem:v63+s23+$0x0], $0xffff;
	v58 =	vor.u32 v58, v35;
	v59 =	vor.u32 s8, v15;
	v42 =	vor.u32 v42, v33  }
0x214: {  	s14 =	simm.s32 $0x10;
	s12 =	simm.s32 $0x2;
	v53 =	vor.u32 s9, v22;
	v57 =	vor.u32 v59, v27;
	v52 =	vld.idx.msk [tilespmem:v48+s23+$0x0], $0xffff;
	v48 =	vand.u32 $0x3800, v60;
	[tilespmem:v3+s30+$0x0] =	vst.idx.msk $0xffff, v62  }
.LBB2_4:
0x215: {  	v3 =	vor.u32 v53, v27  }
0x216: {  	[tilespmem:$0x1FEA0] =	vst v3;
	v3 =	vld [tilespmem:$0x1FF30]  }
0x217: {  	s7 =	sand.u32 $0xF0, s14  }
0x218: {  	v61 =	vor.u32 v48, v26;
	v62 =	vld [tilespmem:s7+$0x100]  }
0x219: {  	v36 =	vshll.u32 v53, $0x8  }
0x21a: {  	v60 =	vld.idx.msk [tilespmem:v21+s23+$0x0], $0xffff;
	v25 =	vand.u32 $0x2800, v36;
	v36 =	vor.u32 s9, v23  }
0x21b: {  	v48 =	vor.u32 v25, v35;
	[tilespmem:v58+s30+$0x0] =	vst.idx.msk $0xffff, v55;
	v58 =	vshll.u32 v59, $0x8;
	v26 =	vor.u32 v3, v31;
	v3 =	vld [tilespmem:$0x1FF20]  }
0x21c: {  	s11 =	sadd.s32 $0x20, s11;
	v21 =	vor.u32 v36, v27;
	[tilespmem:v54+s30+$0x0] =	vst.idx.msk $0xffff, v56;
	v53 =	vld.idx.msk [tilespmem:v57+s23+$0x0], $0xffff;
	v59 =	vand.u32 $0x3800, v58;
	v57 =	vor.u32 s7, v0  }
0x21d: {  	s9 =	sand.u32 $0x20, s11;
	[tilespmem:v61+s30+$0x0] =	vst.idx.msk $0xffff, v52;
	v63 =	vshll.u32 v57, $0x7;
	v31 =	vshll.u32 v36, $0x8;
	v61 =	vshll.u32 v62, $0x6  }
0x21e: {  	v49 =	vld.idx.msk [tilespmem:v49+s23+$0x0], $0xffff;
	v62 =	vor.u32 s9, v0;
	v54 =	vor.u32 v59, v26;
	v31 =	vand.u32 $0x2800, v31  }
0x21f: {  	s15 =	sor.u32 $0x10, s9;
	[tilespmem:v20+s30+$0x0] =	vst.idx.msk $0xffff, v60;
	v50 =	vor.u32 v50, v26;
	v20 =	vor.u32 v31, v26;
	v31 =	vand.u32 $0x40, v61  }
0x220: {  	v5 =	vld [tilespmem:$0x1FF40];
	v36 =	vor.u32 s15, v0;
	v52 =	vor.u32 v63, v31;
	v55 =	vor.u32 s8, v3  }
0x221: {  	v31 =	vshll.u32 v62, $0x8;
	v58 =	vor.u32 v62, v52;
	v56 =	vor.u32 v55, v27  }
0x222: {  	v60 =	vor.u32 v36, v52;
	v62 =	vmov s7;
	v61 =	vshll.u32 v55, $0x8  }
0x223: {  	v63 =	vshll.u32 v62, $0x3;
	[tilespmem:v54+s30+$0x0] =	vst.idx.msk $0xffff, v53;
	v55 =	vand.u32 $0x2800, v31;
	v31 =	vand.u32 $0x3800, v61  }
0x224: {  	v17 =	vld [tilespmem:$0x1FF50];
	[tilespmem:v50+s30+$0x0] =	vst.idx.msk $0xffff, v49;
	v53 =	vor.u32 v31, v28;
	v28 =	vand.u32 $0x7F, v57;
	v31 =	vand.u32 $0x400, v63  }
0x225: {  	v36 =	vshll.u32 v36, $0x8;
	v54 =	vor.u32 s8, v5;
	v47 =	vld.idx.msk [tilespmem:v47+s23+$0x0], $0xffff;
	v31 =	vor.u32 v31, v28  }
0x226: {  	v50 =	vor.u32 v54, v27;
	v61 =	vor.u32 s15, v2;
	v28 =	vor.u32 v1, v31;
	v49 =	vld.idx.msk [tilespmem:v56+s23+$0x0], $0xffff  }
0x227: {  	v57 =	vand.u32 $0x3800, v36;
	v62 =	vor.u32 v61, v52;
	v58 =	vld.idx.msk [tilespmem:v58+s23+$0x0], $0xffff;
	v55 =	vor.u32 v55, v28  }
0x228: {  	v63 =	vshll.u32 v54, $0x8;
	v60 =	vld.idx.msk [tilespmem:v60+s23+$0x0], $0xffff;
	v56 =	vor.u32 s9, v2;
	v57 =	vor.u32 v57, v28  }
0x229: {  	v36 =	vor.u32 s9, v4;
	v63 =	vand.u32 $0x3800, v63;
	v59 =	vor.u32 v56, v52  }
0x22a: {  	v61 =	vshll.u32 v61, $0x8;
	[tilespmem:v46+s30+$0x0] =	vst.idx.msk $0xffff, v47;
	v47 =	vor.u32 v63, v29;
	v29 =	vshll.u32 v36, $0x8  }
0x22b: {  	v18 =	vld [tilespmem:$0x1FF60];
	v56 =	vshll.u32 v56, $0x8;
	v63 =	vand.u32 $0x2800, v29;
	v29 =	vor.u32 v7, v31;
	[tilespmem:v53+s30+$0x0] =	vst.idx.msk $0xffff, v49  }
0x22c: {  	v45 =	vld.idx.msk [tilespmem:v45+s23+$0x0], $0xffff;
	v53 =	vand.u32 $0x2800, v56;
	v49 =	vor.u32 v36, v52;
	v36 =	vor.u32 s9, v6;
	[tilespmem:v55+s30+$0x0] =	vst.idx.msk $0xffff, v58  }
0x22d: {  	v46 =	vld.idx.msk [tilespmem:v50+s23+$0x0], $0xffff;
	v50 =	vor.u32 s8, v17;
	v24 =	vor.u32 v36, v52;
	[tilespmem:v57+s30+$0x0] =	vst.idx.msk $0xffff, v60;
	v54 =	vshll.u32 v36, $0x8  }
0x22e: {  	v57 =	vand.u32 $0x3800, v61;
	v58 =	vld.idx.msk [tilespmem:v59+s23+$0x0], $0xffff;
	v53 =	vor.u32 v53, v29;
	v56 =	vor.u32 v50, v27  }
0x22f: {  	v59 =	vor.u32 s15, v4;
	v61 =	vor.u32 s9, v8;
	v55 =	vld.idx.msk [tilespmem:v62+s23+$0x0], $0xffff;
	v62 =	vshll.u32 v50, $0x8  }
0x230: {  	v57 =	vor.u32 v57, v29;
	v60 =	vand.u32 $0x2800, v54;
	v62 =	vand.u32 $0x3800, v62  }
0x231: {  	v19 =	vld [tilespmem:$0x1FF70];
	v54 =	vor.u32 v59, v52;
	[tilespmem:v43+s30+$0x0] =	vst.idx.msk $0xffff, v45;
	v45 =	vor.u32 v62, v30;
	v30 =	vshll.u32 v61, $0x8  }
0x232: {  	v36 =	vor.u32 s9, v10;
	v44 =	vld.idx.msk [tilespmem:v44+s23+$0x0], $0xffff;
	v62 =	vand.u32 $0x2800, v30;
	v30 =	vor.u32 v9, v31;
	[tilespmem:v47+s30+$0x0] =	vst.idx.msk $0xffff, v46  }
0x233: {  	v50 =	vshll.u32 v36, $0x8;
	v46 =	vor.u32 s8, v18;
	[tilespmem:v53+s30+$0x0] =	vst.idx.msk $0xffff, v58;
	v58 =	vor.u32 v63, v30;
	v43 =	vld.idx.msk [tilespmem:v56+s23+$0x0], $0xffff  }
0x234: {  	v56 =	vor.u32 v61, v52;
	v61 =	vor.u32 v36, v52;
	v36 =	vshll.u32 v59, $0x8  }
0x235: {  	v63 =	vor.u32 s15, v6;
	v47 =	vor.u32 v46, v27;
	[tilespmem:v57+s30+$0x0] =	vst.idx.msk $0xffff, v55;
	v55 =	vld.idx.msk [tilespmem:v49+s23+$0x0], $0xffff;
	v36 =	vand.u32 $0x3800, v36  }
0x236: {  	v57 =	vand.u32 $0x2800, v50;
	v50 =	vld.idx.msk [tilespmem:v54+s23+$0x0], $0xffff;
	v59 =	vor.u32 v36, v30;
	v36 =	vor.u32 s9, v12  }
0x237: {  	v25 =	vor.u32 v63, v52;
	[tilespmem:v39+s30+$0x0] =	vst.idx.msk $0xffff, v44;
	v44 =	vor.u32 s8, v19;
	v53 =	vor.u32 v36, v52  }
0x238: {  	v54 =	vshll.u32 v36, $0x8;
	v36 =	vor.u32 s9, v15;
	[tilespmem:v45+s30+$0x0] =	vst.idx.msk $0xffff, v43;
	v43 =	vshll.u32 v46, $0x8  }
0x239: {  	v40 =	vld.idx.msk [tilespmem:v40+s23+$0x0], $0xffff;
	v49 =	vor.u32 v36, v52;
	v45 =	vor.u32 s9, v3;
	v43 =	vand.u32 $0x3800, v43  }
0x23a: {  	v39 =	vld.idx.msk [tilespmem:v47+s23+$0x0], $0xffff;
	v47 =	vshll.u32 v36, $0x8;
	v36 =	vshll.u32 v63, $0x8;
	v43 =	vor.u32 v43, v32  }
0x23b: {  	v46 =	vor.u32 v44, v27;
	v3 =	vld [tilespmem:$0x1FF80];
	[tilespmem:v59+s30+$0x0] =	vst.idx.msk $0xffff, v50;
	v32 =	vor.u32 v11, v31;
	v59 =	vand.u32 $0x3800, v36  }
0x23c: {  	[tilespmem:v58+s30+$0x0] =	vst.idx.msk $0xffff, v55;
	v25 =	vld.idx.msk [tilespmem:v25+s23+$0x0], $0xffff;
	v58 =	vor.u32 v59, v32  }
0x23d: {  	v54 =	vand.u32 $0x2800, v54;
	v24 =	vld.idx.msk [tilespmem:v24+s23+$0x0], $0xffff;
	v63 =	vshll.u32 v45, $0x8;
	v59 =	vor.u32 s15, v8  }
0x23e: {  	v50 =	vand.u32 $0x2800, v47;
	[tilespmem:v38+s30+$0x0] =	vst.idx.msk $0xffff, v40;
	v55 =	vor.u32 v60, v32;
	v60 =	vor.u32 v59, v52  }
0x23f: {  	v47 =	vor.u32 v45, v52;
	v41 =	vld.idx.msk [tilespmem:v41+s23+$0x0], $0xffff;
	[tilespmem:v43+s30+$0x0] =	vst.idx.msk $0xffff, v39;
	v39 =	vshll.u32 v44, $0x8;
	v44 =	vor.u32 s9, v5  }
0x240: {  	v38 =	vld.idx.msk [tilespmem:v46+s23+$0x0], $0xffff;
	v39 =	vand.u32 $0x3800, v39;
	v46 =	vand.u32 $0x2800, v63;
	v63 =	vor.u32 s8, v3  }
0x241: {  	v45 =	vor.u32 v44, v52;
	[tilespmem:v58+s30+$0x0] =	vst.idx.msk $0xffff, v25;
	v25 =	vshll.u32 v59, $0x8;
	v39 =	vor.u32 v39, v33  }
0x242: {  	v40 =	vor.u32 v63, v27;
	v33 =	vor.u32 v13, v31;
	v25 =	vand.u32 $0x3800, v25  }
0x243: {  	v36 =	vor.u32 s9, v17;
	v43 =	vshll.u32 v44, $0x8;
	[tilespmem:v55+s30+$0x0] =	vst.idx.msk $0xffff, v24;
	v55 =	vld.idx.msk [tilespmem:v60+s23+$0x0], $0xffff;
	v25 =	vor.u32 v25, v33  }
0x244: {  	v59 =	vor.u32 s15, v10;
	v44 =	vor.u32 v36, v52;
	v46 =	vor.u32 v46, v28  }
0x245: {  	v36 =	vshll.u32 v36, $0x8;
	v24 =	vand.u32 $0x2800, v43;
	v56 =	vld.idx.msk [tilespmem:v56+s23+$0x0], $0xffff;
	[tilespmem:v42+s30+$0x0] =	vst.idx.msk $0xffff, v41;
	v58 =	vor.u32 v62, v33  }
0x246: {  	v43 =	vor.u32 v24, v29;
	v24 =	vor.u32 v59, v52;
	v42 =	vld.idx.msk [tilespmem:v51+s23+$0x0], $0xffff;
	[tilespmem:v39+s30+$0x0] =	vst.idx.msk $0xffff, v38  }
0x247: {  	v36 =	vand.u32 $0x2800, v36;
	v60 =	vor.u32 s8, v22;
	v62 =	vshll.u32 v63, $0x8;
	v41 =	vld.idx.msk [tilespmem:v40+s23+$0x0], $0xffff  }
0x248: {  	v38 =	vand.u32 $0x3800, v62;
	[tilespmem:v25+s30+$0x0] =	vst.idx.msk $0xffff, v55;
	v25 =	vshll.u32 v59, $0x8;
	v59 =	vor.u32 s9, v3;
	v3 =	vld [tilespmem:$0x1FEA0]  }
0x249: {  	v63 =	vor.u32 s9, v18;
	v39 =	vor.u32 v36, v30;
	v51 =	vor.u32 v38, v34  }
0x24a: {  	v36 =	vor.u32 v60, v27;
	v62 =	vshll.u32 v63, $0x8;
	v40 =	vor.u32 v63, v52  }
0x24b: {  	[tilespmem:v58+s30+$0x0] =	vst.idx.msk $0xffff, v56;
	v34 =	vor.u32 v16, v31;
	v38 =	vand.u32 $0x2800, v62;
	v63 =	vshll.u32 v60, $0x8;
	v24 =	vld.idx.msk [tilespmem:v24+s23+$0x0], $0xffff  }
0x24c: {  	v25 =	vand.u32 $0x3800, v25;
	v55 =	vld.idx.msk [tilespmem:v61+s23+$0x0], $0xffff;
	v56 =	vor.u32 v57, v34;
	v57 =	vor.u32 s15, v12  }
0x24d: {  	v38 =	vor.u32 v38, v32;
	[tilespmem:v37+s30+$0x0] =	vst.idx.msk $0xffff, v42;
	v37 =	vand.u32 $0x3800, v63;
	v25 =	vor.u32 v25, v34  }
0x24e: {  	v61 =	vor.u32 s8, v23;
	v63 =	vshll.u32 v59, $0x8;
	v58 =	vor.u32 v57, v52;
	[tilespmem:v51+s30+$0x0] =	vst.idx.msk $0xffff, v41  }
0x24f: {  	s12 =	sadd.s32 $0x2, s12;
	v37 =	vor.u32 v37, v35;
	v35 =	vor.u32 v14, v31;
	v51 =	vor.u32 s9, v19;
	v36 =	vld.idx.msk [tilespmem:v36+s23+$0x0], $0xffff  }
0x250: {  	p0 =	slt.u32 s12, $0x3E;
	s8 =	smov.u32 s15;
	v62 =	vor.u32 v61, v27;
	v54 =	vor.u32 v54, v35;
	v41 =	vor.u32 v51, v52;
	v60 =	vld.idx.msk [tilespmem:v3+s23+$0x0], $0xffff  }
.Ltmp1:
0x251: {  	v27 =	vmovc v52;
	v42 =	vshll.u32 v51, $0x8;
	v51 =	vor.u32 v59, v52;
	v59 =	vor.u32 s8, v15;
	(pc) =	sbr.rel @p0 .LBB2_4-.Ltmp1, $4  }
0x252: {  	v42 =	vand.u32 $0x2800, v42;
	[tilespmem:v25+s30+$0x0] =	vst.idx.msk $0xffff, v24;
	v24 =	vshll.u32 v57, $0x8;
	v57 =	vor.u32 v59, v27  }
0x253: {  	[tilespmem:v56+s30+$0x0] =	vst.idx.msk $0xffff, v55;
	v55 =	vld.idx.msk [tilespmem:v58+s23+$0x0], $0xffff;
	v24 =	vand.u32 $0x3800, v24;
	v42 =	vor.u32 v42, v33  }
0x254: {  	v25 =	vand.u32 $0x2800, v63;
	v56 =	vld.idx.msk [tilespmem:v53+s23+$0x0], $0xffff;
	v58 =	vor.u32 v24, v35;
	v24 =	vshll.u32 v61, $0x8;
	[tilespmem:v37+s30+$0x0] =	vst.idx.msk $0xffff, v36  }
0x255: {  	s14 =	sadd.s32 $0x8, s14;
	v53 =	vor.u32 s9, v22;
	v37 =	vor.u32 v25, v34;
	v52 =	vld.idx.msk [tilespmem:v62+s23+$0x0], $0xffff;
	[tilespmem:v48+s30+$0x0] =	vst.idx.msk $0xffff, v60;
	v48 =	vand.u32 $0x3800, v24  }
0x256: {  	_ =	sdelay $0x3  }
0x257: {  	[tilespmem:v58+s30+$0x0] =	vst.idx.msk $0xffff, v55  }
0x258: {  	v1 =	vld [tilespmem:$0x1FF30];
	_ =	sdelay $0x3  }
0x259: {  	v24 =	vshll.u32 v59, $0x8  }
0x25a: {  	v24 =	vand.u32 $0x3800, v24;
	[tilespmem:v54+s30+$0x0] =	vst.idx.msk $0xffff, v56;
	v18 =	vld.idx.msk [tilespmem:v57+s23+$0x0], $0xffff;
	v25 =	vor.u32 v1, v31  }
0x25b: {  	v1 =	vld [tilespmem:$0x1FF20];
	v24 =	vor.u32 v24, v25  }
0x25c: {  	v49 =	vld.idx.msk [tilespmem:v49+s23+$0x0], $0xffff;
	v50 =	vor.u32 v50, v25;
	_ =	sdelay $0x3  }
0x25d: {  	v36 =	vor.u32 s8, v1;
	[tilespmem:v24+s30+$0x0] =	vst.idx.msk $0xffff, v18  }
0x25e: {  	v19 =	vor.u32 v36, v27;
	[tilespmem:v50+s30+$0x0] =	vst.idx.msk $0xffff, v49  }
0x25f: {  	v1 =	vld [tilespmem:$0x1FF40];
	_ =	sdelay $0x1  }
0x260: {  	v36 =	vshll.u32 v36, $0x8  }
0x261: {  	v36 =	vand.u32 $0x3800, v36;
	v55 =	vld.idx.msk [tilespmem:v47+s23+$0x0], $0xffff  }
0x262: {  	v24 =	vor.u32 v36, v28;
	v31 =	vld.idx.msk [tilespmem:v19+s23+$0x0], $0xffff  }
0x263: {  	v54 =	vor.u32 s8, v1  }
0x264: {  	v56 =	vor.u32 v54, v27;
	_ =	sdelay $0x1  }
0x265: {  	[tilespmem:v46+s30+$0x0] =	vst.idx.msk $0xffff, v55  }
0x266: {  	v28 =	vshll.u32 v54, $0x8;
	v60 =	vld.idx.msk [tilespmem:v45+s23+$0x0], $0xffff;
	[tilespmem:v24+s30+$0x0] =	vst.idx.msk $0xffff, v31  }
0x267: {  	v57 =	vand.u32 $0x3800, v28;
	v1 =	vld [tilespmem:$0x1FF50]  }
0x268: {  	v24 =	vor.u32 v57, v29;
	v58 =	vld.idx.msk [tilespmem:v56+s23+$0x0], $0xffff;
	_ =	sdelay $0x3  }
0x269: {  	[tilespmem:v43+s30+$0x0] =	vst.idx.msk $0xffff, v60;
	v59 =	vor.u32 s8, v1  }
0x26a: {  	v61 =	vor.u32 v59, v27;
	[tilespmem:v24+s30+$0x0] =	vst.idx.msk $0xffff, v58  }
0x26b: {  	v1 =	vld [tilespmem:$0x1FF60];
	_ =	sdelay $0x1  }
0x26c: {  	v29 =	vshll.u32 v59, $0x8  }
0x26d: {  	v18 =	vld.idx.msk [tilespmem:v44+s23+$0x0], $0xffff;
	v62 =	vand.u32 $0x3800, v29  }
0x26e: {  	v24 =	vor.u32 v62, v30;
	v28 =	vld.idx.msk [tilespmem:v61+s23+$0x0], $0xffff  }
0x26f: {  	v63 =	vor.u32 s8, v1  }
0x270: {  	v19 =	vor.u32 v63, v27;
	_ =	sdelay $0x1  }
0x271: {  	[tilespmem:v39+s30+$0x0] =	vst.idx.msk $0xffff, v18  }
0x272: {  	v30 =	vld.idx.msk [tilespmem:v40+s23+$0x0], $0xffff;
	v29 =	vshll.u32 v63, $0x8;
	[tilespmem:v24+s30+$0x0] =	vst.idx.msk $0xffff, v28  }
0x273: {  	v36 =	vand.u32 $0x3800, v29;
	v1 =	vld [tilespmem:$0x1FF70]  }
0x274: {  	v24 =	vor.u32 v36, v32;
	v28 =	vld.idx.msk [tilespmem:v19+s23+$0x0], $0xffff;
	_ =	sdelay $0x3  }
0x275: {  	[tilespmem:v38+s30+$0x0] =	vst.idx.msk $0xffff, v30  }
0x276: {  	v39 =	vor.u32 s8, v1;
	[tilespmem:v24+s30+$0x0] =	vst.idx.msk $0xffff, v28  }
0x277: {  	v40 =	vor.u32 v39, v27;
	v1 =	vld [tilespmem:$0x1FF80];
	_ =	sdelay $0x2  }
0x278: {  	v29 =	vshll.u32 v39, $0x8  }
0x279: {  	v30 =	vld.idx.msk [tilespmem:v41+s23+$0x0], $0xffff;
	v43 =	vand.u32 $0x3800, v29  }
0x27a: {  	v24 =	vor.u32 v43, v33;
	v28 =	vld.idx.msk [tilespmem:v40+s23+$0x0], $0xffff;
	v44 =	vor.u32 s8, v1  }
0x27b: {  	v45 =	vor.u32 v44, v27;
	_ =	sdelay $0x2  }
0x27c: {  	[tilespmem:v42+s30+$0x0] =	vst.idx.msk $0xffff, v30;
	v29 =	vshll.u32 v44, $0x8  }
0x27d: {  	v30 =	vld.idx.msk [tilespmem:v51+s23+$0x0], $0xffff;
	v46 =	vand.u32 $0x3800, v29;
	[tilespmem:v24+s30+$0x0] =	vst.idx.msk $0xffff, v28  }
0x27e: {  	v50 =	vor.u32 v53, v27;
	v47 =	vor.u32 s8, v22;
	v24 =	vor.u32 v46, v34;
	v28 =	vld.idx.msk [tilespmem:v45+s23+$0x0], $0xffff  }
0x27f: {  	v49 =	vor.u32 v47, v27;
	_ =	sdelay $0x1  }
0x280: {  	v51 =	vshll.u32 v53, $0x8  }
0x281: {  	v54 =	vand.u32 $0x2800, v51;
	[tilespmem:v37+s30+$0x0] =	vst.idx.msk $0xffff, v30;
	v29 =	vshll.u32 v47, $0x8  }
0x282: {  	v57 =	vor.u32 s9, v23;
	v32 =	vld.idx.msk [tilespmem:v50+s23+$0x0], $0xffff;
	v53 =	vand.u32 $0x3800, v29;
	[tilespmem:v24+s30+$0x0] =	vst.idx.msk $0xffff, v28;
	v28 =	vor.u32 v54, v35  }
0x283: {  	v56 =	vor.u32 s8, v23;
	v59 =	vor.u32 v57, v27;
	v24 =	vor.u32 v53, v35;
	v55 =	vld.idx.msk [tilespmem:v49+s23+$0x0], $0xffff  }
0x284: {  	v58 =	vor.u32 v56, v27;
	_ =	sdelay $0x1  }
0x285: {  	v26 =	vor.u32 v48, v26;
	v31 =	vshll.u32 v57, $0x8;
	v30 =	vshll.u32 v56, $0x8  }
0x286: {  	v60 =	vld.idx.msk [tilespmem:v21+s23+$0x0], $0xffff;
	v62 =	vand.u32 $0x2800, v31;
	v61 =	vand.u32 $0x3800, v30;
	[tilespmem:v28+s30+$0x0] =	vst.idx.msk $0xffff, v32  }
0x287: {  	[tilespmem:v24+s30+$0x0] =	vst.idx.msk $0xffff, v55;
	v24 =	vor.u32 v61, v25;
	v25 =	vor.u32 v62, v25;
	v27 =	vld.idx.msk [tilespmem:v59+s23+$0x0], $0xffff  }
0x288: {  	v63 =	vld.idx.msk [tilespmem:v58+s23+$0x0], $0xffff;
	_ =	sdelay $0x1  }
0x289: {  	[tilespmem:v26+s30+$0x0] =	vst.idx.msk $0xffff, v52  }
0x28a: {  	[tilespmem:v20+s30+$0x0] =	vst.idx.msk $0xffff, v60  }
0x28b: {  	[tilespmem:v25+s30+$0x0] =	vst.idx.msk $0xffff, v27  }
0x28c: {  	[tilespmem:v24+s30+$0x0] =	vst.idx.msk $0xffff, v63  }
0x28d: {  	s8 =	simm.s32 $0x1;
	s4 =	rddreg [dreg:$0x8]  }
0x28e: {  	[hbm4b:s4+s26] =	stream.strided.scatter [tilespmem:s30], [sflag:$0x4], $0x4000, s28, s26, $0x38;
	[tilespmem:$0x18400] =	vst v63  }
.LBB2_6:
0x28f: {  	s11 =	sshll.u32 s8, $0x9  }
0x290: {  	s7 =	sadd.s32 s11, s5  }
0x291: {  	_ =	swait.ge [sflag:s31], $0x4000;
	s9 =	sadd.s32 $0x100, s7  }
0x292: {  	[sflag:s31] =	ssyncset.done $0x0;
	s7 =	sshrl.u32 s9, $0x3  }
0x293: {  	s12 =	simm.s32 $0x0;
	[sflag:s31] =	ssyncadd.s32 $0xFFFFC000;
	s7 =	sadd.s32 s0, s7  }
0x294: {  	[tilespmem:s19], [sflag:$0x5] =	stream.linear.gather [hbm4b:s7+s12], $0x100, $0x38;
	[tilespmem:$0x18400] =	vst v63  }
0x295: {  	_ =	swait.ge [sflag:s18], $0x100  }
0x296: {  	[sflag:s18] =	ssyncset.done $0x0  }
0x297: {  	[sflag:s18] =	ssyncadd.s32 $0xFFFFFF00  }
0x298: {  	v24 =	vld [tilespmem:$0x100]  }
0x299: {  	v25 =	vld [tilespmem:$0x110]  }
0x29a: {  	v26 =	vld [tilespmem:$0x120]  }
0x29b: {  	v27 =	vld [tilespmem:$0x130]  }
0x29c: {  	v28 =	vld [tilespmem:$0x140]  }
0x29d: {  	v29 =	vld [tilespmem:$0x150];
	v24 =	vshra.s32 v24, $0x1  }
0x29e: {  	[tilespmem:$0x300] =	vst v24;
	v24 =	vshra.s32 v25, $0x1;
	v25 =	vld [tilespmem:$0x160]  }
0x29f: {  	[tilespmem:$0x310] =	vst v24;
	v24 =	vshra.s32 v26, $0x1;
	v26 =	vld [tilespmem:$0x170]  }
0x2a0: {  	[tilespmem:$0x320] =	vst v24;
	v24 =	vshra.s32 v27, $0x1;
	v27 =	vld [tilespmem:$0x180]  }
0x2a1: {  	[tilespmem:$0x330] =	vst v24;
	v24 =	vshra.s32 v28, $0x1;
	v28 =	vld [tilespmem:$0x190]  }
0x2a2: {  	[tilespmem:$0x340] =	vst v24;
	v24 =	vshra.s32 v29, $0x1;
	v29 =	vld [tilespmem:$0x1A0]  }
0x2a3: {  	[tilespmem:$0x350] =	vst v24;
	v24 =	vshra.s32 v25, $0x1;
	v25 =	vld [tilespmem:$0x1B0]  }
0x2a4: {  	[tilespmem:$0x360] =	vst v24;
	v24 =	vshra.s32 v26, $0x1;
	v26 =	vld [tilespmem:$0x1C0]  }
0x2a5: {  	[tilespmem:$0x370] =	vst v24;
	v24 =	vshra.s32 v27, $0x1;
	v27 =	vld [tilespmem:$0x1D0]  }
0x2a6: {  	[tilespmem:$0x380] =	vst v24;
	v24 =	vshra.s32 v28, $0x1;
	v28 =	vld [tilespmem:$0x1E0]  }
0x2a7: {  	[tilespmem:$0x390] =	vst v24;
	v24 =	vshra.s32 v29, $0x1;
	v29 =	vld [tilespmem:$0x1F0]  }
0x2a8: {  	[tilespmem:$0x3A0] =	vst v24;
	v24 =	vshra.s32 v25, $0x1  }
0x2a9: {  	[tilespmem:$0x3B0] =	vst v24;
	v24 =	vshra.s32 v26, $0x1  }
0x2aa: {  	[tilespmem:$0x3C0] =	vst v24;
	v24 =	vshra.s32 v27, $0x1  }
0x2ab: {  	[tilespmem:$0x3D0] =	vst v24;
	v24 =	vshra.s32 v28, $0x1  }
0x2ac: {  	[tilespmem:$0x3E0] =	vst v24;
	v24 =	vshra.s32 v29, $0x1  }
0x2ad: {  	[tilespmem:$0x3F0] =	vst v24  }
0x2ae: {  	[tilespmem:s23], [sflag:$0x2] =	stream.indirect.gather [hbm4b:s6+s19], $0x80, s22, s19, $0xb8;
	[tilespmem:$0x18400] =	vst v63  }
0x2af: {  	_ =	swait.ge [sflag:s24], $0x8000  }
0x2b0: {  	[sflag:s24] =	ssyncset.done $0x0  }
0x2b1: {  	s14 =	sand.u32 $0xF0, s12;
	[sflag:s24] =	ssyncadd.s32 $0xFFFF8000  }
0x2b2: {  	v24 =	vld [tilespmem:s14+$0x0];
	_ =	sdelay $0x4  }
0x2b3: {  	s15 =	sand.u32 $0x20, s12;
	v25 =	vor.u32 s14, v0;
	v24 =	vshll.u32 v24, $0x6  }
0x2b4: {  	s16 =	sor.u32 $0x10, s15;
	v26 =	vshll.u32 v25, $0x7;
	v24 =	vand.u32 $0x40, v24  }
0x2b5: {  	v7 =	vld [tilespmem:$0x1FF90];
	v35 =	vor.u32 v26, v24;
	v26 =	vor.u32 s16, v0  }
0x2b6: {  	v24 =	vmov s14;
	v27 =	vor.u32 v26, v35  }
0x2b7: {  	v24 =	vshll.u32 v24, $0x3  }
0x2b8: {  	v25 =	vand.u32 $0x7F, v25;
	v24 =	vand.u32 $0x400, v24  }
0x2b9: {  	v24 =	vor.u32 v24, v25;
	v25 =	vshll.u32 v26, $0x8  }
0x2ba: {  	v28 =	vor.u32 v7, v24;
	v25 =	vand.u32 $0x3800, v25  }
0x2bb: {  	v25 =	vor.u32 v25, v28;
	v27 =	vld.idx.msk [tilespmem:v27+s21+$0x0], $0xffff;
	_ =	sdelay $0x4  }
0x2bc: {  	v29 =	vor.u32 s15, v0;
	[tilespmem:v25+s25+$0x0] =	vst.idx.msk $0xffff, v27  }
0x2bd: {  	v30 =	vor.u32 v29, v35;
	v26 =	vshll.u32 v29, $0x8;
	v29 =	vor.u32 s16, v2;
	v9 =	vld [tilespmem:$0x1FFA0]  }
0x2be: {  	v31 =	vor.u32 v29, v35;
	_ =	sdelay $0x2  }
0x2bf: {  	v26 =	vand.u32 $0x2800, v26;
	v34 =	vshll.u32 v29, $0x8  }
0x2c0: {  	v26 =	vor.u32 v26, v28;
	v30 =	vld.idx.msk [tilespmem:v30+s21+$0x0], $0xffff;
	v25 =	vand.u32 $0x3800, v34;
	v29 =	vor.u32 v9, v24  }
0x2c1: {  	v31 =	vld.idx.msk [tilespmem:v31+s21+$0x0], $0xffff;
	v25 =	vor.u32 v25, v29;
	_ =	sdelay $0x3  }
0x2c2: {  	[tilespmem:v26+s25+$0x0] =	vst.idx.msk $0xffff, v30  }
0x2c3: {  	v32 =	vor.u32 s15, v2;
	[tilespmem:v25+s25+$0x0] =	vst.idx.msk $0xffff, v31  }
0x2c4: {  	v57 =	vor.u32 s16, v4;
	v33 =	vor.u32 v32, v35;
	v11 =	vld [tilespmem:$0x1FFB0]  }
0x2c5: {  	v37 =	vor.u32 s15, v6;
	v26 =	vor.u32 v57, v35  }
0x2c6: {  	v32 =	vshll.u32 v32, $0x8;
	v30 =	vshll.u32 v37, $0x8  }
0x2c7: {  	v32 =	vand.u32 $0x2800, v32;
	v38 =	vand.u32 $0x2800, v30;
	v30 =	vor.u32 s15, v8  }
0x2c8: {  	v34 =	vshll.u32 v57, $0x8;
	v40 =	vor.u32 v30, v35;
	v41 =	vshll.u32 v30, $0x8  }
0x2c9: {  	v33 =	vld.idx.msk [tilespmem:v33+s21+$0x0], $0xffff;
	v32 =	vor.u32 v32, v29;
	v25 =	vand.u32 $0x3800, v34;
	v30 =	vor.u32 v11, v24  }
0x2ca: {  	v26 =	vld.idx.msk [tilespmem:v26+s21+$0x0], $0xffff;
	v25 =	vor.u32 v25, v30;
	_ =	sdelay $0x2  }
0x2cb: {  	v36 =	vor.u32 s15, v4  }
0x2cc: {  	v27 =	vor.u32 v36, v35;
	[tilespmem:v32+s25+$0x0] =	vst.idx.msk $0xffff, v33  }
0x2cd: {  	v1 =	vld [tilespmem:$0x1FF20];
	[tilespmem:v25+s25+$0x0] =	vst.idx.msk $0xffff, v26  }
0x2ce: {  	v58 =	vor.u32 s16, v6;
	v13 =	vld [tilespmem:$0x1FFC0]  }
0x2cf: {  	v60 =	vor.u32 v58, v35;
	v36 =	vshll.u32 v36, $0x8  }
0x2d0: {  	v36 =	vand.u32 $0x2800, v36  }
0x2d1: {  	v27 =	vld.idx.msk [tilespmem:v27+s21+$0x0], $0xffff;
	v36 =	vor.u32 v36, v30  }
0x2d2: {  	v37 =	vor.u32 v37, v35;
	v34 =	vshll.u32 v58, $0x8  }
0x2d3: {  	v25 =	vand.u32 $0x3800, v34;
	v32 =	vor.u32 v13, v24  }
0x2d4: {  	v33 =	vld.idx.msk [tilespmem:v60+s21+$0x0], $0xffff;
	v25 =	vor.u32 v25, v32;
	_ =	sdelay $0x1  }
0x2d5: {  	[tilespmem:v36+s25+$0x0] =	vst.idx.msk $0xffff, v27  }
0x2d6: {  	v37 =	vld.idx.msk [tilespmem:v37+s21+$0x0], $0xffff;
	v38 =	vor.u32 v38, v32  }
0x2d7: {  	v5 =	vld [tilespmem:$0x1FF40]  }
0x2d8: {  	v43 =	vor.u32 s15, v15;
	v18 =	vld [tilespmem:$0x1FF50];
	[tilespmem:v25+s25+$0x0] =	vst.idx.msk $0xffff, v33  }
0x2d9: {  	v61 =	vor.u32 s16, v8;
	v26 =	vshll.u32 v43, $0x8;
	v16 =	vld [tilespmem:$0x1FFD0]  }
0x2da: {  	v27 =	vand.u32 $0x2800, v26;
	v26 =	vor.u32 v61, v35  }
0x2db: {  	[tilespmem:v38+s25+$0x0] =	vst.idx.msk $0xffff, v37  }
0x2dc: {  	v19 =	vld [tilespmem:$0x1FF60]  }
0x2dd: {  	v34 =	vshll.u32 v61, $0x8  }
0x2de: {  	v34 =	vand.u32 $0x3800, v34;
	v45 =	vor.u32 v16, v24  }
0x2df: {  	v41 =	vand.u32 $0x2800, v41;
	v26 =	vld.idx.msk [tilespmem:v26+s21+$0x0], $0xffff;
	v55 =	vor.u32 v34, v45  }
0x2e0: {  	v39 =	vor.u32 s15, v10;
	v63 =	vor.u32 s15, v5;
	v38 =	vld.idx.msk [tilespmem:v40+s21+$0x0], $0xffff;
	v54 =	vor.u32 v41, v45  }
0x2e1: {  	v59 =	vor.u32 s15, v12;
	v48 =	vshll.u32 v63, $0x8;
	v58 =	vor.u32 s15, v19  }
0x2e2: {  	v56 =	vor.u32 s16, v10;
	v25 =	vand.u32 $0x2800, v48;
	v0 =	vor.u32 v58, v35  }
0x2e3: {  	v42 =	vshll.u32 v59, $0x8;
	v47 =	vor.u32 v25, v29;
	v25 =	vor.u32 v56, v35;
	[tilespmem:$0x1FE70] =	vst v0;
	v0 =	vld [tilespmem:$0x1FFE0]  }
0x2e4: {  	v50 =	vor.u32 v59, v35;
	v51 =	vor.u32 v43, v35;
	v59 =	vshll.u32 v56, $0x8;
	[tilespmem:v55+s25+$0x0] =	vst.idx.msk $0xffff, v26  }
0x2e5: {  	v31 =	vor.u32 v39, v35;
	v44 =	vor.u32 s15, v1;
	v53 =	vor.u32 s15, v18;
	v20 =	vld [tilespmem:$0x1FF70];
	[tilespmem:v54+s25+$0x0] =	vst.idx.msk $0xffff, v38  }
0x2e6: {  	v39 =	vshll.u32 v39, $0x8;
	v62 =	vshll.u32 v44, $0x8;
	v57 =	vshll.u32 v53, $0x8;
	v21 =	vld [tilespmem:$0x1FF80]  }
0x2e7: {  	v39 =	vand.u32 $0x2800, v39;
	v36 =	vand.u32 $0x2800, v62;
	v37 =	vand.u32 $0x2800, v57  }
0x2e8: {  	v43 =	vor.u32 v37, v30;
	v37 =	vand.u32 $0x3800, v59;
	v25 =	vld.idx.msk [tilespmem:v25+s21+$0x0], $0xffff;
	v48 =	vor.u32 v0, v24  }
0x2e9: {  	v61 =	vor.u32 s16, v12;
	v40 =	vshll.u32 v58, $0x8;
	v17 =	vld [tilespmem:$0x1FFF0];
	v37 =	vor.u32 v37, v48  }
0x2ea: {  	v46 =	vor.u32 v53, v35;
	v26 =	vand.u32 $0x2800, v40;
	v31 =	vld.idx.msk [tilespmem:v31+s21+$0x0], $0xffff;
	v60 =	vor.u32 v39, v48  }
0x2eb: {  	v53 =	vor.u32 v61, v35;
	v40 =	vor.u32 v26, v32;
	v62 =	vor.u32 s15, v21  }
0x2ec: {  	v39 =	vshll.u32 v61, $0x8;
	v26 =	vor.u32 s15, v20;
	v3 =	vor.u32 v62, v35  }
0x2ed: {  	s17 =	simm.s32 $0x8;
	v39 =	vand.u32 $0x3800, v39;
	v54 =	vshll.u32 v26, $0x8;
	v38 =	vor.u32 v26, v35;
	[tilespmem:$0x1FE80] =	vst v3  }
0x2ee: {  	s17 =	sand.u32 $0xF0, s17;
	v26 =	vand.u32 $0x2800, v54;
	v3 =	vor.u32 v17, v24;
	[tilespmem:v37+s25+$0x0] =	vst.idx.msk $0xffff, v25;
	v25 =	vor.u32 s15, v22  }
0x2ef: {  	v56 =	vor.u32 v39, v3;
	v39 =	vor.u32 v26, v45;
	[tilespmem:v60+s25+$0x0] =	vst.idx.msk $0xffff, v31;
	v31 =	vld [tilespmem:s17+$0x0];
	v26 =	vshll.u32 v25, $0x8  }
0x2f0: {  	v42 =	vand.u32 $0x2800, v42;
	v53 =	vld.idx.msk [tilespmem:v53+s21+$0x0], $0xffff;
	v26 =	vand.u32 $0x2800, v26  }
0x2f1: {  	v55 =	vor.u32 v42, v3;
	v37 =	vmov v3;
	v50 =	vld.idx.msk [tilespmem:v50+s21+$0x0], $0xffff;
	v3 =	vor.u32 v26, v3  }
0x2f2: {  	v14 =	vlaneseq.u32;
	v57 =	vor.u32 s16, v15;
	[tilespmem:$0x1FE90] =	vst v3;
	v3 =	vld [tilespmem:$0x1FF30]  }
0x2f3: {  	v52 =	vor.u32 v44, v35;
	v49 =	vor.u32 v36, v28;
	v58 =	vor.u32 v57, v35  }
0x2f4: {  	v36 =	vor.u32 s17, v14;
	v44 =	vor.u32 v63, v35;
	v33 =	vor.u32 s15, v23  }
0x2f5: {  	v59 =	vor.u32 s16, v1;
	v57 =	vshll.u32 v57, $0x8;
	v63 =	vshll.u32 v62, $0x8  }
0x2f6: {  	v34 =	vand.u32 $0x3800, v57;
	v61 =	vmov s17;
	v54 =	vand.u32 $0x2800, v63;
	[tilespmem:v56+s25+$0x0] =	vst.idx.msk $0xffff, v53  }
0x2f7: {  	v61 =	vshll.u32 v61, $0x3;
	v41 =	vor.u32 v54, v48;
	[tilespmem:v55+s25+$0x0] =	vst.idx.msk $0xffff, v50;
	v26 =	vor.u32 v3, v24  }
0x2f8: {  	v57 =	vor.u32 v27, v26;
	v54 =	vor.u32 v34, v26;
	v27 =	vshll.u32 v31, $0x6;
	v31 =	vld.idx.msk [tilespmem:v58+s21+$0x0], $0xffff  }
0x2f9: {  	v63 =	vshll.u32 v36, $0x7;
	v60 =	vor.u32 v59, v35;
	s15 =	simm.s32 $0x20;
	v59 =	vshll.u32 v59, $0x8;
	v51 =	vld.idx.msk [tilespmem:v51+s21+$0x0], $0xffff  }
0x2fa: {  	v42 =	vor.u32 v25, v35;
	v25 =	vor.u32 v33, v35;
	s14 =	sand.u32 $0x20, s15;
	v59 =	vand.u32 $0x3800, v59  }
0x2fb: {  	v62 =	vor.u32 s14, v14;
	s12 =	sor.u32 $0x10, s14;
	v59 =	vor.u32 v59, v28;
	v27 =	vand.u32 $0x40, v27  }
0x2fc: {  	v28 =	vand.u32 $0x7F, v36;
	v56 =	vor.u32 s12, v14;
	v27 =	vor.u32 v63, v27  }
0x2fd: {  	v24 =	vshll.u32 v33, $0x8;
	v33 =	vshll.u32 v62, $0x8;
	v34 =	vor.u32 v56, v27;
	[tilespmem:v54+s25+$0x0] =	vst.idx.msk $0xffff, v31  }
0x2fe: {  	v55 =	vand.u32 $0x2800, v33;
	v50 =	vor.u32 v62, v27;
	v62 =	vor.u32 s16, v5;
	[tilespmem:v57+s25+$0x0] =	vst.idx.msk $0xffff, v51;
	v36 =	vld.idx.msk [tilespmem:v60+s21+$0x0], $0xffff  }
0x2ff: {  	v56 =	vshll.u32 v56, $0x8;
	v53 =	vor.u32 v62, v35;
	v31 =	vand.u32 $0x400, v61;
	v52 =	vld.idx.msk [tilespmem:v52+s21+$0x0], $0xffff  }
0x300: {  	v33 =	vor.u32 s14, v2;
	v56 =	vand.u32 $0x3800, v56;
	v31 =	vor.u32 v31, v28  }
0x301: {  	v62 =	vshll.u32 v62, $0x8;
	v57 =	vor.u32 v33, v27;
	v28 =	vor.u32 v7, v31  }
0x302: {  	v62 =	vand.u32 $0x3800, v62;
	v58 =	vld.idx.msk [tilespmem:v34+s21+$0x0], $0xffff;
	v56 =	vor.u32 v56, v28;
	v34 =	vor.u32 s12, v2  }
0x303: {  	v55 =	vor.u32 v55, v28;
	v50 =	vld.idx.msk [tilespmem:v50+s21+$0x0], $0xffff;
	v61 =	vor.u32 v34, v27;
	[tilespmem:v59+s25+$0x0] =	vst.idx.msk $0xffff, v36  }
0x304: {  	v59 =	vor.u32 v62, v29;
	v62 =	vor.u32 s16, v18;
	[tilespmem:v49+s25+$0x0] =	vst.idx.msk $0xffff, v52;
	v53 =	vld.idx.msk [tilespmem:v53+s21+$0x0], $0xffff  }
0x305: {  	v63 =	vor.u32 s14, v4;
	v54 =	vshll.u32 v33, $0x8;
	v52 =	vor.u32 v62, v35;
	v44 =	vld.idx.msk [tilespmem:v44+s21+$0x0], $0xffff  }
0x306: {  	v51 =	vor.u32 v63, v27;
	v34 =	vshll.u32 v34, $0x8;
	v29 =	vshll.u32 v63, $0x8  }
0x307: {  	v60 =	vand.u32 $0x3800, v34;
	v63 =	vand.u32 $0x2800, v29;
	v29 =	vor.u32 v9, v31;
	[tilespmem:v56+s25+$0x0] =	vst.idx.msk $0xffff, v58  }
0x308: {  	v54 =	vand.u32 $0x2800, v54;
	[tilespmem:v55+s25+$0x0] =	vst.idx.msk $0xffff, v50;
	v50 =	vor.u32 v60, v29;
	v60 =	vshll.u32 v62, $0x8;
	v55 =	vld.idx.msk [tilespmem:v61+s21+$0x0], $0xffff  }
0x309: {  	v54 =	vor.u32 v54, v29;
	v57 =	vld.idx.msk [tilespmem:v57+s21+$0x0], $0xffff;
	v60 =	vand.u32 $0x3800, v60;
	[tilespmem:v59+s25+$0x0] =	vst.idx.msk $0xffff, v53  }
0x30a: {  	v59 =	vor.u32 v60, v30;
	v60 =	vor.u32 s16, v19;
	[tilespmem:v47+s25+$0x0] =	vst.idx.msk $0xffff, v44;
	v47 =	vld.idx.msk [tilespmem:v52+s21+$0x0], $0xffff  }
0x30b: {  	v44 =	vor.u32 v60, v35;
	v46 =	vld.idx.msk [tilespmem:v46+s21+$0x0], $0xffff;
	_ =	sdelay $0x1  }
0x30c: {  	[tilespmem:v50+s25+$0x0] =	vst.idx.msk $0xffff, v55  }
0x30d: {  	v33 =	vor.u32 s14, v6;
	[tilespmem:v54+s25+$0x0] =	vst.idx.msk $0xffff, v57  }
0x30e: {  	v36 =	vor.u32 v33, v27;
	v49 =	vshll.u32 v33, $0x8;
	v56 =	vor.u32 s12, v4;
	[tilespmem:v59+s25+$0x0] =	vst.idx.msk $0xffff, v47  }
0x30f: {  	v34 =	vor.u32 s14, v10;
	v58 =	vand.u32 $0x2800, v49;
	v49 =	vor.u32 v56, v27;
	[tilespmem:v43+s25+$0x0] =	vst.idx.msk $0xffff, v46;
	v43 =	vld.idx.msk [tilespmem:v44+s21+$0x0], $0xffff  }
0x310: {  	v33 =	vor.u32 s14, v8;
	v62 =	vshll.u32 v34, $0x8;
	v44 =	vor.u32 s14, v1;
	v1 =	vld [tilespmem:$0x1FE70]  }
0x311: {  	v61 =	vor.u32 v34, v27;
	v34 =	vor.u32 s14, v12;
	v30 =	vshll.u32 v33, $0x8  }
0x312: {  	v53 =	vor.u32 v33, v27;
	v33 =	vshll.u32 v56, $0x8;
	v52 =	vand.u32 $0x2800, v30  }
0x313: {  	v30 =	vor.u32 v11, v31;
	v60 =	vshll.u32 v60, $0x8;
	v50 =	vand.u32 $0x3800, v33  }
0x314: {  	v54 =	vand.u32 $0x2800, v62;
	v57 =	vor.u32 s12, v6;
	v55 =	vld.idx.msk [tilespmem:v49+s21+$0x0], $0xffff;
	v50 =	vor.u32 v50, v30  }
0x315: {  	v56 =	vor.u32 v63, v30;
	v63 =	vor.u32 v34, v27;
	v51 =	vld.idx.msk [tilespmem:v51+s21+$0x0], $0xffff;
	v62 =	vor.u32 v57, v27  }
0x316: {  	v60 =	vand.u32 $0x3800, v60;
	v33 =	vor.u32 s16, v20;
	v49 =	vshll.u32 v34, $0x8  }
0x317: {  	v60 =	vor.u32 v60, v32;
	v32 =	vor.u32 s14, v15;
	v57 =	vshll.u32 v57, $0x8  }
0x318: {  	v57 =	vand.u32 $0x3800, v57;
	v59 =	vand.u32 $0x2800, v49;
	v46 =	vor.u32 v33, v35;
	v34 =	vld.idx.msk [tilespmem:v1+s21+$0x0], $0xffff  }
0x319: {  	v49 =	vor.u32 v32, v27;
	v47 =	vshll.u32 v32, $0x8;
	v32 =	vor.u32 v13, v31;
	[tilespmem:v50+s25+$0x0] =	vst.idx.msk $0xffff, v55  }
0x31a: {  	[tilespmem:v56+s25+$0x0] =	vst.idx.msk $0xffff, v51;
	v56 =	vor.u32 v57, v32;
	v57 =	vor.u32 s12, v8;
	v51 =	vld.idx.msk [tilespmem:v62+s21+$0x0], $0xffff  }
0x31b: {  	v33 =	vshll.u32 v33, $0x8;
	v55 =	vor.u32 v58, v32;
	v36 =	vld.idx.msk [tilespmem:v36+s21+$0x0], $0xffff;
	v58 =	vor.u32 v57, v27  }
0x31c: {  	v33 =	vand.u32 $0x3800, v33;
	v62 =	vshll.u32 v44, $0x8;
	[tilespmem:v60+s25+$0x0] =	vst.idx.msk $0xffff, v43  }
0x31d: {  	v50 =	vand.u32 $0x2800, v47;
	[tilespmem:v40+s25+$0x0] =	vst.idx.msk $0xffff, v34;
	v34 =	vand.u32 $0x2800, v62;
	v40 =	vor.u32 v33, v45;
	v62 =	vld.idx.msk [tilespmem:v46+s21+$0x0], $0xffff  }
0x31e: {  	v47 =	vor.u32 v44, v27;
	v44 =	vor.u32 s14, v5;
	v60 =	vor.u32 s16, v21;
	v38 =	vld.idx.msk [tilespmem:v38+s21+$0x0], $0xffff  }
0x31f: {  	v43 =	vshll.u32 v44, $0x8;
	[tilespmem:v56+s25+$0x0] =	vst.idx.msk $0xffff, v51;
	v51 =	vor.u32 s14, v18;
	v56 =	vshll.u32 v57, $0x8  }
0x320: {  	[tilespmem:v55+s25+$0x0] =	vst.idx.msk $0xffff, v36;
	v55 =	vld.idx.msk [tilespmem:v58+s21+$0x0], $0xffff;
	v46 =	vor.u32 v34, v28;
	v34 =	vor.u32 v60, v35  }
0x321: {  	v36 =	vand.u32 $0x2800, v43;
	v57 =	vand.u32 $0x3800, v56;
	v53 =	vld.idx.msk [tilespmem:v53+s21+$0x0], $0xffff;
	v33 =	vor.u32 v16, v31  }
0x322: {  	v43 =	vor.u32 v36, v29;
	v56 =	vor.u32 v57, v33;
	v57 =	vor.u32 s12, v10;
	[tilespmem:v40+s25+$0x0] =	vst.idx.msk $0xffff, v62  }
0x323: {  	v52 =	vor.u32 v52, v33;
	v60 =	vshll.u32 v60, $0x8;
	v36 =	vor.u32 v57, v27;
	[tilespmem:v39+s25+$0x0] =	vst.idx.msk $0xffff, v38  }
0x324: {  	v45 =	vor.u32 v44, v27;
	v44 =	vor.u32 v51, v27;
	v60 =	vand.u32 $0x3800, v60;
	v1 =	vld [tilespmem:$0x1FE80]  }
0x325: {  	v48 =	vor.u32 v60, v48;
	v62 =	vshll.u32 v51, $0x8;
	v51 =	vor.u32 s16, v22;
	v58 =	vld.idx.msk [tilespmem:v34+s21+$0x0], $0xffff  }
0x326: {  	v60 =	vor.u32 v51, v35  }
0x327: {  	v57 =	vshll.u32 v57, $0x8;
	[tilespmem:v56+s25+$0x0] =	vst.idx.msk $0xffff, v55  }
0x328: {  	v57 =	vand.u32 $0x3800, v57;
	v34 =	vor.u32 v0, v31;
	[tilespmem:v52+s25+$0x0] =	vst.idx.msk $0xffff, v53;
	v52 =	vld.idx.msk [tilespmem:v36+s21+$0x0], $0xffff  }
0x329: {  	v55 =	vor.u32 v57, v34;
	v53 =	vld.idx.msk [tilespmem:v61+s21+$0x0], $0xffff;
	v61 =	vshll.u32 v51, $0x8  }
0x32a: {  	v51 =	vor.u32 v54, v34;
	v36 =	vand.u32 $0x3800, v61;
	[tilespmem:v48+s25+$0x0] =	vst.idx.msk $0xffff, v58  }
0x32b: {  	v62 =	vand.u32 $0x2800, v62;
	v57 =	vld.idx.msk [tilespmem:v60+s21+$0x0], $0xffff;
	v60 =	vor.u32 v36, v37  }
0x32c: {  	v39 =	vor.u32 v62, v30;
	v62 =	vld.idx.msk [tilespmem:v1+s21+$0x0], $0xffff;
	_ =	sdelay $0x1  }
0x32d: {  	[tilespmem:v55+s25+$0x0] =	vst.idx.msk $0xffff, v52  }
0x32e: {  	[tilespmem:v51+s25+$0x0] =	vst.idx.msk $0xffff, v53  }
0x32f: {  	v38 =	vor.u32 s14, v19;
	[tilespmem:v60+s25+$0x0] =	vst.idx.msk $0xffff, v57  }
0x330: {  	v24 =	vand.u32 $0x2800, v24;
	v40 =	vor.u32 v38, v27;
	v38 =	vshll.u32 v38, $0x8;
	[tilespmem:v41+s25+$0x0] =	vst.idx.msk $0xffff, v62  }
0x331: {  	v24 =	vor.u32 v24, v26;
	v56 =	vor.u32 s12, v12;
	v38 =	vand.u32 $0x2800, v38;
	v1 =	vld [tilespmem:$0x1FE90]  }
0x332: {  	v54 =	vor.u32 v56, v27;
	v56 =	vshll.u32 v56, $0x8;
	v58 =	vor.u32 s14, v21  }
0x333: {  	v61 =	vor.u32 s16, v23;
	v48 =	vor.u32 s14, v20;
	v37 =	vshll.u32 v58, $0x8  }
0x334: {  	v41 =	vor.u32 v48, v27;
	v62 =	vld.idx.msk [tilespmem:v42+s21+$0x0], $0xffff;
	v42 =	vshll.u32 v48, $0x8;
	v48 =	vor.u32 v61, v35  }
0x335: {  	v38 =	vor.u32 v38, v32;
	v36 =	vor.u32 v58, v27;
	v37 =	vand.u32 $0x2800, v37  }
0x336: {  	v58 =	vand.u32 $0x3800, v56;
	v37 =	vor.u32 v37, v34;
	v35 =	vor.u32 v17, v31  }
0x337: {  	v55 =	vld.idx.msk [tilespmem:v54+s21+$0x0], $0xffff;
	v60 =	vshll.u32 v61, $0x8;
	v42 =	vand.u32 $0x2800, v42;
	v54 =	vor.u32 v59, v35  }
0x338: {  	v56 =	vld.idx.msk [tilespmem:v63+s21+$0x0], $0xffff;
	v58 =	vor.u32 v58, v35;
	v59 =	vor.u32 s12, v15;
	v42 =	vor.u32 v42, v33  }
0x339: {  	s17 =	simm.s32 $0x10;
	s16 =	simm.s32 $0x2;
	v53 =	vor.u32 s14, v22;
	v57 =	vor.u32 v59, v27;
	v52 =	vld.idx.msk [tilespmem:v48+s21+$0x0], $0xffff;
	v48 =	vand.u32 $0x3800, v60;
	[tilespmem:v1+s25+$0x0] =	vst.idx.msk $0xffff, v62  }
.LBB2_7:
0x33a: {  	v1 =	vld [tilespmem:$0x1FF30]  }
0x33b: {  	v5 =	vld [tilespmem:$0x1FF20]  }
0x33c: {  	s4 =	sand.u32 $0xF0, s17;
	v51 =	vor.u32 v53, v27;
	v53 =	vshll.u32 v53, $0x8;
	v60 =	vld.idx.msk [tilespmem:v25+s21+$0x0], $0xffff;
	v61 =	vor.u32 v48, v26  }
0x33d: {  	v62 =	vld [tilespmem:s4+$0x0];
	v25 =	vand.u32 $0x2800, v53  }
0x33e: {  	v63 =	vshll.u32 v59, $0x8;
	v53 =	vor.u32 s14, v23;
	v48 =	vor.u32 v25, v35  }
0x33f: {  	s15 =	sadd.s32 $0x20, s15;
	v25 =	vor.u32 v53, v27;
	[tilespmem:v58+s25+$0x0] =	vst.idx.msk $0xffff, v55;
	v58 =	vand.u32 $0x3800, v63;
	v26 =	vor.u32 v1, v31  }
0x340: {  	s14 =	sand.u32 $0x20, s15;
	[tilespmem:v54+s25+$0x0] =	vst.idx.msk $0xffff, v56;
	v31 =	vshll.u32 v53, $0x8;
	v53 =	vld.idx.msk [tilespmem:v57+s21+$0x0], $0xffff;
	v55 =	vor.u32 s12, v5;
	v57 =	vor.u32 s4, v14  }
0x341: {  	[tilespmem:v61+s25+$0x0] =	vst.idx.msk $0xffff, v52;
	v61 =	vor.u32 s14, v14;
	v50 =	vor.u32 v50, v26;
	v54 =	vor.u32 v58, v26  }
0x342: {  	v18 =	vld [tilespmem:$0x1FF40];
	v31 =	vand.u32 $0x2800, v31;
	v56 =	vor.u32 v55, v27;
	v59 =	vshll.u32 v62, $0x6  }
0x343: {  	s7 =	sor.u32 $0x10, s14;
	v49 =	vld.idx.msk [tilespmem:v49+s21+$0x0], $0xffff;
	[tilespmem:v24+s25+$0x0] =	vst.idx.msk $0xffff, v60;
	v62 =	vshll.u32 v57, $0x7;
	v24 =	vor.u32 v31, v26;
	v31 =	vand.u32 $0x40, v59  }
0x344: {  	v63 =	vshll.u32 v55, $0x8;
	v59 =	vor.u32 s7, v14;
	v52 =	vor.u32 v62, v31  }
0x345: {  	v31 =	vshll.u32 v61, $0x8;
	v58 =	vor.u32 v61, v52;
	v60 =	vor.u32 v59, v52  }
0x346: {  	v61 =	vmov s4;
	v55 =	vand.u32 $0x2800, v31;
	v31 =	vand.u32 $0x3800, v63  }
0x347: {  	v63 =	vor.u32 s14, v4;
	v62 =	vshll.u32 v61, $0x3;
	v61 =	vor.u32 s7, v2;
	[tilespmem:v54+s25+$0x0] =	vst.idx.msk $0xffff, v53  }
0x348: {  	[tilespmem:v50+s25+$0x0] =	vst.idx.msk $0xffff, v49;
	v53 =	vor.u32 v31, v28;
	v54 =	vor.u32 s12, v18;
	v28 =	vand.u32 $0x7F, v57;
	v49 =	vld.idx.msk [tilespmem:v56+s21+$0x0], $0xffff  }
0x349: {  	v31 =	vand.u32 $0x400, v62;
	v57 =	vshll.u32 v59, $0x8;
	v62 =	vor.u32 v61, v52;
	v47 =	vld.idx.msk [tilespmem:v47+s21+$0x0], $0xffff  }
0x34a: {  	v19 =	vld [tilespmem:$0x1FF50];
	v61 =	vshll.u32 v61, $0x8;
	v50 =	vor.u32 v54, v27;
	v31 =	vor.u32 v31, v28  }
0x34b: {  	v56 =	vor.u32 s14, v2;
	v57 =	vand.u32 $0x3800, v57;
	v28 =	vor.u32 v7, v31  }
0x34c: {  	v59 =	vor.u32 v56, v52;
	v56 =	vshll.u32 v56, $0x8;
	v60 =	vld.idx.msk [tilespmem:v60+s21+$0x0], $0xffff;
	v57 =	vor.u32 v57, v28  }
0x34d: {  	v58 =	vld.idx.msk [tilespmem:v58+s21+$0x0], $0xffff;
	v55 =	vor.u32 v55, v28;
	[tilespmem:v53+s25+$0x0] =	vst.idx.msk $0xffff, v49;
	v49 =	vshll.u32 v54, $0x8;
	v53 =	vand.u32 $0x2800, v56  }
0x34e: {  	[tilespmem:v46+s25+$0x0] =	vst.idx.msk $0xffff, v47;
	v54 =	vor.u32 s14, v6;
	v56 =	vand.u32 $0x3800, v49;
	v49 =	vor.u32 v63, v52  }
0x34f: {  	v46 =	vld.idx.msk [tilespmem:v50+s21+$0x0], $0xffff;
	v50 =	vor.u32 s12, v19;
	v1 =	vor.u32 v54, v52;
	v47 =	vor.u32 v56, v29  }
0x350: {  	v45 =	vld.idx.msk [tilespmem:v45+s21+$0x0], $0xffff;
	v54 =	vshll.u32 v54, $0x8;
	v29 =	vshll.u32 v63, $0x8;
	v56 =	vor.u32 v50, v27  }
0x351: {  	v20 =	vld [tilespmem:$0x1FF60];
	[tilespmem:v57+s25+$0x0] =	vst.idx.msk $0xffff, v60;
	v57 =	vand.u32 $0x3800, v61;
	v63 =	vand.u32 $0x2800, v29;
	v29 =	vor.u32 v9, v31  }
0x352: {  	[tilespmem:v55+s25+$0x0] =	vst.idx.msk $0xffff, v58;
	v60 =	vand.u32 $0x2800, v54;
	v55 =	vld.idx.msk [tilespmem:v62+s21+$0x0], $0xffff;
	v57 =	vor.u32 v57, v29  }
0x353: {  	v58 =	vld.idx.msk [tilespmem:v59+s21+$0x0], $0xffff;
	v59 =	vor.u32 s7, v4;
	v62 =	vshll.u32 v50, $0x8;
	v53 =	vor.u32 v53, v29  }
0x354: {  	v61 =	vor.u32 s14, v8;
	v54 =	vor.u32 v59, v52;
	v62 =	vand.u32 $0x3800, v62;
	[tilespmem:v47+s25+$0x0] =	vst.idx.msk $0xffff, v46  }
0x355: {  	v50 =	vor.u32 s14, v10;
	[tilespmem:v43+s25+$0x0] =	vst.idx.msk $0xffff, v45;
	v45 =	vor.u32 v62, v30;
	v30 =	vshll.u32 v61, $0x8;
	v43 =	vld.idx.msk [tilespmem:v56+s21+$0x0], $0xffff  }
0x356: {  	v44 =	vld.idx.msk [tilespmem:v44+s21+$0x0], $0xffff;
	v46 =	vor.u32 s12, v20;
	v62 =	vand.u32 $0x2800, v30;
	v56 =	vor.u32 v61, v52  }
0x357: {  	v61 =	vor.u32 v50, v52;
	v47 =	vor.u32 v46, v27;
	v50 =	vshll.u32 v50, $0x8;
	[tilespmem:v57+s25+$0x0] =	vst.idx.msk $0xffff, v55  }
0x358: {  	v21 =	vld [tilespmem:$0x1FF70];
	v30 =	vor.u32 v11, v31;
	v55 =	vshll.u32 v59, $0x8;
	[tilespmem:v53+s25+$0x0] =	vst.idx.msk $0xffff, v58;
	v57 =	vand.u32 $0x2800, v50  }
0x359: {  	v58 =	vor.u32 v63, v30;
	v63 =	vor.u32 s7, v6;
	v53 =	vand.u32 $0x3800, v55;
	v55 =	vld.idx.msk [tilespmem:v49+s21+$0x0], $0xffff  }
0x35a: {  	v50 =	vld.idx.msk [tilespmem:v54+s21+$0x0], $0xffff;
	v49 =	vor.u32 s14, v12;
	v59 =	vor.u32 v53, v30;
	[tilespmem:v45+s25+$0x0] =	vst.idx.msk $0xffff, v43;
	v43 =	vshll.u32 v46, $0x8  }
0x35b: {  	v3 =	vor.u32 v63, v52;
	v63 =	vshll.u32 v63, $0x8;
	v43 =	vand.u32 $0x3800, v43  }
0x35c: {  	v53 =	vor.u32 v49, v52;
	[tilespmem:v39+s25+$0x0] =	vst.idx.msk $0xffff, v44;
	v39 =	vld.idx.msk [tilespmem:v47+s21+$0x0], $0xffff;
	v43 =	vor.u32 v43, v32  }
0x35d: {  	v54 =	vshll.u32 v49, $0x8;
	v44 =	vor.u32 s12, v21;
	v40 =	vld.idx.msk [tilespmem:v40+s21+$0x0], $0xffff;
	v32 =	vor.u32 s14, v15  }
0x35e: {  	v54 =	vand.u32 $0x2800, v54;
	v46 =	vor.u32 v44, v27;
	[tilespmem:v58+s25+$0x0] =	vst.idx.msk $0xffff, v55;
	v49 =	vor.u32 v32, v52  }
0x35f: {  	v47 =	vshll.u32 v32, $0x8;
	[tilespmem:v59+s25+$0x0] =	vst.idx.msk $0xffff, v50;
	v32 =	vor.u32 v13, v31;
	v59 =	vand.u32 $0x3800, v63;
	v1 =	vld.idx.msk [tilespmem:v1+s21+$0x0], $0xffff  }
0x360: {  	v45 =	vor.u32 s14, v5;
	v3 =	vld.idx.msk [tilespmem:v3+s21+$0x0], $0xffff;
	v55 =	vor.u32 v60, v32;
	v58 =	vor.u32 v59, v32  }
0x361: {  	v59 =	vor.u32 s7, v8;
	[tilespmem:v43+s25+$0x0] =	vst.idx.msk $0xffff, v39;
	v39 =	vshll.u32 v44, $0x8;
	v44 =	vor.u32 s14, v18;
	v18 =	vld [tilespmem:$0x1FF80]  }
0x362: {  	v5 =	vor.u32 s14, v19;
	v63 =	vshll.u32 v45, $0x8;
	v60 =	vor.u32 v59, v52;
	[tilespmem:v38+s25+$0x0] =	vst.idx.msk $0xffff, v40  }
0x363: {  	v50 =	vand.u32 $0x2800, v47;
	v47 =	vor.u32 v45, v52;
	v41 =	vld.idx.msk [tilespmem:v41+s21+$0x0], $0xffff;
	v39 =	vand.u32 $0x3800, v39  }
0x364: {  	v38 =	vld.idx.msk [tilespmem:v46+s21+$0x0], $0xffff;
	v46 =	vand.u32 $0x2800, v63;
	v45 =	vor.u32 v44, v52;
	v43 =	vshll.u32 v44, $0x8  }
0x365: {  	v44 =	vor.u32 v5, v52;
	v5 =	vshll.u32 v5, $0x8;
	v39 =	vor.u32 v39, v33;
	[tilespmem:v58+s25+$0x0] =	vst.idx.msk $0xffff, v3  }
0x366: {  	v46 =	vor.u32 v46, v28;
	v3 =	vshll.u32 v59, $0x8;
	[tilespmem:v55+s25+$0x0] =	vst.idx.msk $0xffff, v1;
	v63 =	vor.u32 s12, v18  }
0x367: {  	v33 =	vor.u32 v16, v31;
	v1 =	vand.u32 $0x2800, v43;
	v55 =	vld.idx.msk [tilespmem:v60+s21+$0x0], $0xffff;
	v40 =	vor.u32 v63, v27  }
0x368: {  	v59 =	vor.u32 s7, v10;
	v3 =	vand.u32 $0x3800, v3;
	v56 =	vld.idx.msk [tilespmem:v56+s21+$0x0], $0xffff;
	v58 =	vor.u32 v62, v33  }
0x369: {  	v43 =	vor.u32 v1, v29;
	v3 =	vor.u32 v3, v33;
	[tilespmem:v42+s25+$0x0] =	vst.idx.msk $0xffff, v41;
	v60 =	vshll.u32 v63, $0x8  }
0x36a: {  	v5 =	vand.u32 $0x2800, v5;
	v1 =	vor.u32 v59, v52;
	v36 =	vld.idx.msk [tilespmem:v36+s21+$0x0], $0xffff;
	[tilespmem:v39+s25+$0x0] =	vst.idx.msk $0xffff, v38;
	v38 =	vand.u32 $0x3800, v60  }
0x36b: {  	v60 =	vor.u32 s12, v22;
	v39 =	vor.u32 v5, v30;
	v5 =	vor.u32 s14, v20  }
0x36c: {  	v42 =	vor.u32 v38, v34;
	v62 =	vor.u32 v60, v27;
	v34 =	vor.u32 v0, v31;
	v41 =	vld.idx.msk [tilespmem:v40+s21+$0x0], $0xffff  }
0x36d: {  	[tilespmem:v58+s25+$0x0] =	vst.idx.msk $0xffff, v56;
	v58 =	vor.u32 s14, v18;
	v56 =	vor.u32 v57, v34;
	v57 =	vor.u32 s7, v12  }
0x36e: {  	v40 =	vor.u32 v5, v52;
	v5 =	vshll.u32 v5, $0x8;
	[tilespmem:v3+s25+$0x0] =	vst.idx.msk $0xffff, v55;
	v3 =	vshll.u32 v59, $0x8  }
0x36f: {  	v55 =	vld.idx.msk [tilespmem:v61+s21+$0x0], $0xffff;
	v61 =	vshll.u32 v60, $0x8;
	[tilespmem:v37+s25+$0x0] =	vst.idx.msk $0xffff, v36;
	v36 =	vor.u32 v58, v52;
	v3 =	vand.u32 $0x3800, v3  }
0x370: {  	v5 =	vand.u32 $0x2800, v5;
	v1 =	vld.idx.msk [tilespmem:v1+s21+$0x0], $0xffff;
	v63 =	vand.u32 $0x3800, v61;
	v3 =	vor.u32 v3, v34  }
0x371: {  	v51 =	vld.idx.msk [tilespmem:v51+s21+$0x0], $0xffff;
	v38 =	vor.u32 v5, v32;
	v5 =	vor.u32 v57, v52;
	[tilespmem:v42+s25+$0x0] =	vst.idx.msk $0xffff, v41  }
0x372: {  	s16 =	sadd.s32 $0x2, s16;
	v61 =	vor.u32 s12, v23;
	v60 =	vor.u32 v63, v35;
	v63 =	vshll.u32 v58, $0x8;
	v37 =	vld.idx.msk [tilespmem:v62+s21+$0x0], $0xffff  }
0x373: {  	p0 =	slt.u32 s16, $0x3E;
	v35 =	vor.u32 v17, v31;
	v42 =	vor.u32 s14, v21;
	v62 =	vor.u32 v61, v27  }
.Ltmp2:
0x374: {  	v54 =	vor.u32 v54, v35;
	[tilespmem:v56+s25+$0x0] =	vst.idx.msk $0xffff, v55;
	v41 =	vor.u32 v42, v52;
	v59 =	vshll.u32 v42, $0x8;
	(pc) =	sbr.rel @p0 .LBB2_7-.Ltmp2, $4  }
0x375: {  	s12 =	smov.u32 s7;
	v56 =	vld.idx.msk [tilespmem:v53+s21+$0x0], $0xffff;
	v53 =	vor.u32 s14, v22;
	v42 =	vand.u32 $0x2800, v59;
	[tilespmem:v3+s25+$0x0] =	vst.idx.msk $0xffff, v1;
	v1 =	vshll.u32 v57, $0x8  }
0x376: {  	v27 =	vmovc v52;
	[tilespmem:v48+s25+$0x0] =	vst.idx.msk $0xffff, v51;
	v3 =	vand.u32 $0x2800, v63;
	v59 =	vor.u32 s12, v15;
	v55 =	vld.idx.msk [tilespmem:v5+s21+$0x0], $0xffff;
	v1 =	vand.u32 $0x3800, v1  }
0x377: {  	v42 =	vor.u32 v42, v33;
	v58 =	vor.u32 v1, v35;
	v1 =	vshll.u32 v61, $0x8;
	[tilespmem:v60+s25+$0x0] =	vst.idx.msk $0xffff, v37  }
0x378: {  	s17 =	sadd.s32 $0x8, s17;
	v57 =	vor.u32 v59, v27;
	v48 =	vand.u32 $0x3800, v1;
	v37 =	vor.u32 v3, v34;
	v52 =	vld.idx.msk [tilespmem:v62+s21+$0x0], $0xffff  }
0x379: {  	_ =	sdelay $0x3  }
0x37a: {  	[tilespmem:v58+s25+$0x0] =	vst.idx.msk $0xffff, v55  }
0x37b: {  	v58 =	vld [tilespmem:$0x1FF30];
	_ =	sdelay $0x2  }
0x37c: {  	[tilespmem:v54+s25+$0x0] =	vst.idx.msk $0xffff, v56  }
0x37d: {  	v1 =	vshll.u32 v59, $0x8;
	v63 =	vld [tilespmem:$0x1FF20]  }
0x37e: {  	v1 =	vand.u32 $0x3800, v1;
	v3 =	vor.u32 v58, v31  }
0x37f: {  	v5 =	vld.idx.msk [tilespmem:v57+s21+$0x0], $0xffff;
	v1 =	vor.u32 v1, v3  }
0x380: {  	v49 =	vld.idx.msk [tilespmem:v49+s21+$0x0], $0xffff;
	v50 =	vor.u32 v50, v3;
	_ =	sdelay $0x1  }
0x381: {  	v31 =	vor.u32 s12, v63  }
0x382: {  	v51 =	vor.u32 v31, v27  }
0x383: {  	[tilespmem:v1+s25+$0x0] =	vst.idx.msk $0xffff, v5  }
0x384: {  	[tilespmem:v50+s25+$0x0] =	vst.idx.msk $0xffff, v49  }
0x385: {  	v31 =	vshll.u32 v31, $0x8;
	v19 =	vld [tilespmem:$0x1FF40]  }
0x386: {  	v1 =	vand.u32 $0x3800, v31  }
0x387: {  	v5 =	vld.idx.msk [tilespmem:v51+s21+$0x0], $0xffff;
	v1 =	vor.u32 v1, v28  }
0x388: {  	v31 =	vld.idx.msk [tilespmem:v47+s21+$0x0], $0xffff;
	_ =	sdelay $0x1  }
0x389: {  	v28 =	vor.u32 s12, v19  }
0x38a: {  	v62 =	vor.u32 v28, v27  }
0x38b: {  	[tilespmem:v1+s25+$0x0] =	vst.idx.msk $0xffff, v5  }
0x38c: {  	[tilespmem:v46+s25+$0x0] =	vst.idx.msk $0xffff, v31;
	v28 =	vshll.u32 v28, $0x8  }
0x38d: {  	v20 =	vld [tilespmem:$0x1FF50];
	v1 =	vand.u32 $0x3800, v28  }
0x38e: {  	v1 =	vor.u32 v1, v29;
	v29 =	vld.idx.msk [tilespmem:v45+s21+$0x0], $0xffff  }
0x38f: {  	v5 =	vld.idx.msk [tilespmem:v62+s21+$0x0], $0xffff;
	_ =	sdelay $0x3  }
0x390: {  	v28 =	vor.u32 s12, v20;
	[tilespmem:v43+s25+$0x0] =	vst.idx.msk $0xffff, v29  }
0x391: {  	v31 =	vor.u32 v28, v27;
	[tilespmem:v1+s25+$0x0] =	vst.idx.msk $0xffff, v5  }
0x392: {  	v21 =	vld [tilespmem:$0x1FF60];
	_ =	sdelay $0x1  }
0x393: {  	v28 =	vshll.u32 v28, $0x8  }
0x394: {  	v29 =	vld.idx.msk [tilespmem:v44+s21+$0x0], $0xffff;
	v1 =	vand.u32 $0x3800, v28  }
0x395: {  	v5 =	vld.idx.msk [tilespmem:v31+s21+$0x0], $0xffff;
	v1 =	vor.u32 v1, v30  }
0x396: {  	v28 =	vor.u32 s12, v21  }
0x397: {  	v30 =	vor.u32 v28, v27;
	_ =	sdelay $0x1  }
0x398: {  	[tilespmem:v39+s25+$0x0] =	vst.idx.msk $0xffff, v29  }
0x399: {  	v29 =	vld.idx.msk [tilespmem:v40+s21+$0x0], $0xffff;
	[tilespmem:v1+s25+$0x0] =	vst.idx.msk $0xffff, v5;
	v28 =	vshll.u32 v28, $0x8  }
0x39a: {  	v62 =	vld [tilespmem:$0x1FF70];
	v1 =	vand.u32 $0x3800, v28  }
0x39b: {  	v1 =	vor.u32 v1, v32;
	v5 =	vld.idx.msk [tilespmem:v30+s21+$0x0], $0xffff;
	_ =	sdelay $0x3  }
0x39c: {  	[tilespmem:v38+s25+$0x0] =	vst.idx.msk $0xffff, v29  }
0x39d: {  	v28 =	vor.u32 s12, v62;
	[tilespmem:v1+s25+$0x0] =	vst.idx.msk $0xffff, v5  }
0x39e: {  	v30 =	vor.u32 v28, v27;
	v18 =	vld [tilespmem:$0x1FF80];
	_ =	sdelay $0x2  }
0x39f: {  	v28 =	vshll.u32 v28, $0x8  }
0x3a0: {  	v1 =	vand.u32 $0x3800, v28  }
0x3a1: {  	v5 =	vld.idx.msk [tilespmem:v30+s21+$0x0], $0xffff;
	v1 =	vor.u32 v1, v33;
	v28 =	vor.u32 s12, v18  }
0x3a2: {  	v29 =	vld.idx.msk [tilespmem:v41+s21+$0x0], $0xffff;
	v30 =	vor.u32 v28, v27;
	_ =	sdelay $0x2  }
0x3a3: {  	v28 =	vshll.u32 v28, $0x8  }
0x3a4: {  	[tilespmem:v1+s25+$0x0] =	vst.idx.msk $0xffff, v5;
	v1 =	vand.u32 $0x3800, v28  }
0x3a5: {  	[tilespmem:v42+s25+$0x0] =	vst.idx.msk $0xffff, v29;
	v28 =	vor.u32 s12, v22;
	v1 =	vor.u32 v1, v34;
	v5 =	vld.idx.msk [tilespmem:v30+s21+$0x0], $0xffff  }
0x3a6: {  	v29 =	vld.idx.msk [tilespmem:v36+s21+$0x0], $0xffff;
	v30 =	vor.u32 v28, v27  }
0x3a7: {  	v31 =	vor.u32 v53, v27;
	_ =	sdelay $0x1  }
0x3a8: {  	v28 =	vshll.u32 v28, $0x8  }
0x3a9: {  	v49 =	vshll.u32 v53, $0x8;
	[tilespmem:v1+s25+$0x0] =	vst.idx.msk $0xffff, v5;
	v1 =	vand.u32 $0x3800, v28  }
0x3aa: {  	[tilespmem:v37+s25+$0x0] =	vst.idx.msk $0xffff, v29;
	v29 =	vor.u32 s12, v23;
	v5 =	vand.u32 $0x2800, v49;
	v28 =	vld.idx.msk [tilespmem:v30+s21+$0x0], $0xffff;
	v1 =	vor.u32 v1, v35  }
0x3ab: {  	v31 =	vld.idx.msk [tilespmem:v31+s21+$0x0], $0xffff;
	v50 =	vor.u32 v29, v27;
	v30 =	vor.u32 s14, v23;
	v5 =	vor.u32 v5, v35  }
0x3ac: {  	v27 =	vor.u32 v30, v27;
	_ =	sdelay $0x1  }
0x3ad: {  	v26 =	vor.u32 v48, v26;
	v29 =	vshll.u32 v29, $0x8  }
0x3ae: {  	v25 =	vld.idx.msk [tilespmem:v25+s21+$0x0], $0xffff;
	v30 =	vshll.u32 v30, $0x8;
	[tilespmem:v1+s25+$0x0] =	vst.idx.msk $0xffff, v28;
	v1 =	vand.u32 $0x3800, v29  }
0x3af: {  	v28 =	vand.u32 $0x2800, v30;
	[tilespmem:v5+s25+$0x0] =	vst.idx.msk $0xffff, v31;
	v5 =	vld.idx.msk [tilespmem:v50+s21+$0x0], $0xffff;
	v1 =	vor.u32 v1, v3  }
0x3b0: {  	v3 =	vor.u32 v28, v3;
	v27 =	vld.idx.msk [tilespmem:v27+s21+$0x0], $0xffff;
	_ =	sdelay $0x1  }
0x3b1: {  	s4 =	sshll.u32 s8, $0xC;
	[tilespmem:v26+s25+$0x0] =	vst.idx.msk $0xffff, v52  }
0x3b2: {  	s4 =	sadd.s32 s10, s4;
	[tilespmem:v24+s25+$0x0] =	vst.idx.msk $0xffff, v25  }
0x3b3: {  	s4 =	sshrl.u32 s4, $0x3;
	[tilespmem:v1+s25+$0x0] =	vst.idx.msk $0xffff, v5  }
0x3b4: {  	s4 =	sadd.s32 s3, s4;
	[tilespmem:v3+s25+$0x0] =	vst.idx.msk $0xffff, v27  }
0x3b5: {  	[hbm4b:s4+s26] =	stream.strided.scatter [tilespmem:s25], [sflag:$0x3], $0x4000, s28, s26, $0x38;
	[tilespmem:$0x18400] =	vst v63  }
0x3b6: {  	s15 =	sadd.s32 s11, s13;
	_ =	swait.ge [sflag:s2], $0x4000  }
0x3b7: {  	s4 =	sshrl.u32 s15, $0x3;
	[sflag:s2] =	ssyncset.done $0x0  }
0x3b8: {  	s7 =	simm.s32 $0x0;
	s4 =	sadd.s32 s0, s4;
	[sflag:s2] =	ssyncadd.s32 $0xFFFFC000  }
0x3b9: {  	[tilespmem:s7], [sflag:$0x5] =	stream.linear.gather [hbm4b:s4+s7], $0x100, $0x38;
	[tilespmem:$0x18400] =	vst v63  }
0x3ba: {  	_ =	swait.ge [sflag:s18], $0x100  }
0x3bb: {  	[sflag:s18] =	ssyncset.done $0x0  }
0x3bc: {  	[sflag:s18] =	ssyncadd.s32 $0xFFFFFF00  }
0x3bd: {  	v1 =	vld [tilespmem:$0x0]  }
0x3be: {  	v3 =	vld [tilespmem:$0x10]  }
0x3bf: {  	v5 =	vld [tilespmem:$0x20]  }
0x3c0: {  	v24 =	vld [tilespmem:$0x30]  }
0x3c1: {  	v25 =	vld [tilespmem:$0x40]  }
0x3c2: {  	v26 =	vld [tilespmem:$0x50];
	v1 =	vshra.s32 v1, $0x1  }
0x3c3: {  	[tilespmem:$0x200] =	vst v1;
	v1 =	vshra.s32 v3, $0x1;
	v3 =	vld [tilespmem:$0x60]  }
0x3c4: {  	[tilespmem:$0x210] =	vst v1;
	v1 =	vshra.s32 v5, $0x1;
	v5 =	vld [tilespmem:$0x70]  }
0x3c5: {  	[tilespmem:$0x220] =	vst v1;
	v1 =	vshra.s32 v24, $0x1;
	v24 =	vld [tilespmem:$0x80]  }
0x3c6: {  	[tilespmem:$0x230] =	vst v1;
	v1 =	vshra.s32 v25, $0x1;
	v25 =	vld [tilespmem:$0x90]  }
0x3c7: {  	[tilespmem:$0x240] =	vst v1;
	v1 =	vshra.s32 v26, $0x1;
	v26 =	vld [tilespmem:$0xA0]  }
0x3c8: {  	[tilespmem:$0x250] =	vst v1;
	v1 =	vshra.s32 v3, $0x1;
	v3 =	vld [tilespmem:$0xB0]  }
0x3c9: {  	[tilespmem:$0x260] =	vst v1;
	v1 =	vshra.s32 v5, $0x1;
	v5 =	vld [tilespmem:$0xC0]  }
0x3ca: {  	[tilespmem:$0x270] =	vst v1;
	v1 =	vshra.s32 v24, $0x1;
	v24 =	vld [tilespmem:$0xD0]  }
0x3cb: {  	[tilespmem:$0x280] =	vst v1;
	v1 =	vshra.s32 v25, $0x1;
	v25 =	vld [tilespmem:$0xE0]  }
0x3cc: {  	[tilespmem:$0x290] =	vst v1;
	v1 =	vshra.s32 v26, $0x1;
	v26 =	vld [tilespmem:$0xF0]  }
0x3cd: {  	[tilespmem:$0x2A0] =	vst v1;
	v1 =	vshra.s32 v3, $0x1  }
0x3ce: {  	[tilespmem:$0x2B0] =	vst v1;
	v1 =	vshra.s32 v5, $0x1  }
0x3cf: {  	[tilespmem:$0x2C0] =	vst v1;
	v1 =	vshra.s32 v24, $0x1  }
0x3d0: {  	[tilespmem:$0x2D0] =	vst v1;
	v1 =	vshra.s32 v25, $0x1  }
0x3d1: {  	[tilespmem:$0x2E0] =	vst v1;
	v1 =	vshra.s32 v26, $0x1  }
0x3d2: {  	[tilespmem:$0x2F0] =	vst v1  }
0x3d3: {  	[tilespmem:s21], [sflag:$0x1] =	stream.indirect.gather [hbm4b:s6+s19], $0x80, s20, s19, $0xb8;
	[tilespmem:$0x18400] =	vst v63  }
0x3d4: {  	_ =	swait.ge [sflag:s29], $0x8000  }
0x3d5: {  	[sflag:s29] =	ssyncset.done $0x0  }
0x3d6: {  	s16 =	sand.u32 $0xF0, s7;
	[sflag:s29] =	ssyncadd.s32 $0xFFFF8000  }
0x3d7: {  	v1 =	vld [tilespmem:s16+$0x100];
	_ =	sdelay $0x4  }
0x3d8: {  	s7 =	sand.u32 $0x20, s7;
	v3 =	vor.u32 s16, v14;
	v1 =	vshll.u32 v1, $0x6  }
0x3d9: {  	s15 =	sor.u32 $0x10, s7;
	v5 =	vshll.u32 v3, $0x7;
	v1 =	vand.u32 $0x40, v1  }
0x3da: {  	v35 =	vor.u32 v5, v1;
	v1 =	vor.u32 s15, v14  }
0x3db: {  	v24 =	vmov s16;
	v25 =	vor.u32 s7, v14;
	v5 =	vor.u32 v1, v35  }
0x3dc: {  	v24 =	vshll.u32 v24, $0x3;
	v26 =	vor.u32 v25, v35  }
0x3dd: {  	v3 =	vand.u32 $0x7F, v3;
	v24 =	vand.u32 $0x400, v24  }
0x3de: {  	v24 =	vor.u32 v24, v3;
	v1 =	vshll.u32 v1, $0x8  }
0x3df: {  	v3 =	vshll.u32 v25, $0x8;
	v28 =	vor.u32 v7, v24;
	v1 =	vand.u32 $0x3800, v1  }
0x3e0: {  	v3 =	vand.u32 $0x2800, v3;
	v25 =	vor.u32 s15, v2;
	v1 =	vor.u32 v1, v28;
	v5 =	vld.idx.msk [tilespmem:v5+s23+$0x0], $0xffff  }
0x3e1: {  	v29 =	vor.u32 s7, v2;
	v3 =	vor.u32 v3, v28;
	v27 =	vor.u32 v25, v35;
	v26 =	vld.idx.msk [tilespmem:v26+s23+$0x0], $0xffff  }
0x3e2: {  	v30 =	vor.u32 v29, v35  }
0x3e3: {  	v51 =	vor.u32 s7, v4;
	v52 =	vor.u32 s7, v6  }
0x3e4: {  	v56 =	vor.u32 s7, v10;
	v29 =	vshll.u32 v29, $0x8;
	v25 =	vshll.u32 v25, $0x8  }
0x3e5: {  	v31 =	vand.u32 $0x2800, v29;
	v29 =	vor.u32 v9, v24;
	[tilespmem:v1+s30+$0x0] =	vst.idx.msk $0xffff, v5;
	v1 =	vand.u32 $0x3800, v25  }
0x3e6: {  	v61 =	vor.u32 s7, v15;
	[tilespmem:v3+s30+$0x0] =	vst.idx.msk $0xffff, v26;
	v25 =	vld.idx.msk [tilespmem:v27+s23+$0x0], $0xffff;
	v1 =	vor.u32 v1, v29;
	v27 =	vor.u32 s15, v4  }
0x3e7: {  	v45 =	vor.u32 s7, v63;
	v31 =	vor.u32 v31, v29;
	v54 =	vld.idx.msk [tilespmem:v30+s23+$0x0], $0xffff;
	v3 =	vor.u32 v27, v35  }
0x3e8: {  	v32 =	vshll.u32 v51, $0x8;
	v53 =	vshll.u32 v52, $0x8;
	v5 =	vor.u32 v51, v35  }
0x3e9: {  	v46 =	vor.u32 s15, v8;
	v55 =	vand.u32 $0x2800, v53;
	v30 =	vor.u32 s7, v8  }
0x3ea: {  	v34 =	vshll.u32 v46, $0x8;
	v37 =	vor.u32 v30, v35;
	v27 =	vshll.u32 v27, $0x8  }
0x3eb: {  	v57 =	vshll.u32 v30, $0x8;
	v30 =	vor.u32 v11, v24;
	[tilespmem:v1+s30+$0x0] =	vst.idx.msk $0xffff, v25;
	v1 =	vand.u32 $0x3800, v27  }
0x3ec: {  	v26 =	vand.u32 $0x2800, v32;
	v27 =	vor.u32 s15, v6;
	[tilespmem:v31+s30+$0x0] =	vst.idx.msk $0xffff, v54;
	v3 =	vld.idx.msk [tilespmem:v3+s23+$0x0], $0xffff;
	v1 =	vor.u32 v1, v30  }
0x3ed: {  	v32 =	vshll.u32 v56, $0x8;
	v26 =	vor.u32 v26, v30;
	v59 =	vor.u32 v27, v35;
	v5 =	vld.idx.msk [tilespmem:v5+s23+$0x0], $0xffff  }
0x3ee: {  	v33 =	vor.u32 v52, v35;
	v40 =	vand.u32 $0x2800, v32;
	v32 =	vor.u32 v13, v24  }
0x3ef: {  	v50 =	vor.u32 v61, v35;
	v51 =	vor.u32 v45, v35;
	v36 =	vor.u32 v55, v32  }
0x3f0: {  	v55 =	vor.u32 s7, v20;
	v38 =	vand.u32 $0x2800, v57;
	v27 =	vshll.u32 v27, $0x8  }
0x3f1: {  	v57 =	vshll.u32 v55, $0x8;
	v25 =	vor.u32 v56, v35;
	[tilespmem:v1+s30+$0x0] =	vst.idx.msk $0xffff, v3;
	v1 =	vand.u32 $0x3800, v27  }
0x3f2: {  	v31 =	vor.u32 s7, v12;
	v54 =	vor.u32 s7, v19;
	[tilespmem:v26+s30+$0x0] =	vst.idx.msk $0xffff, v5;
	v27 =	vld.idx.msk [tilespmem:v59+s23+$0x0], $0xffff;
	v1 =	vor.u32 v1, v32  }
0x3f3: {  	v56 =	vor.u32 s15, v10;
	v60 =	vshll.u32 v31, $0x8;
	v5 =	vor.u32 v46, v35;
	v47 =	vld.idx.msk [tilespmem:v33+s23+$0x0], $0xffff  }
0x3f4: {  	v31 =	vor.u32 v31, v35;
	v48 =	vor.u32 v54, v35;
	v26 =	vshll.u32 v45, $0x8  }
0x3f5: {  	v39 =	vand.u32 $0x2800, v60;
	v60 =	vshll.u32 v56, $0x8;
	v26 =	vand.u32 $0x2800, v26  }
0x3f6: {  	v46 =	vor.u32 v55, v35;
	v49 =	vor.u32 v26, v28;
	v26 =	vshll.u32 v54, $0x8  }
0x3f7: {  	v33 =	vor.u32 v16, v24;
	[tilespmem:v1+s30+$0x0] =	vst.idx.msk $0xffff, v27;
	v1 =	vand.u32 $0x2800, v26;
	v26 =	vand.u32 $0x3800, v34  }
0x3f8: {  	v3 =	vshll.u32 v61, $0x8;
	v59 =	vor.u32 s7, v21;
	[tilespmem:v36+s30+$0x0] =	vst.idx.msk $0xffff, v47;
	v5 =	vld.idx.msk [tilespmem:v5+s23+$0x0], $0xffff;
	v26 =	vor.u32 v26, v33  }
0x3f9: {  	v27 =	vor.u32 v38, v33;
	v47 =	vor.u32 v1, v29;
	v1 =	vor.u32 v56, v35;
	v37 =	vld.idx.msk [tilespmem:v37+s23+$0x0], $0xffff  }
0x3fa: {  	v3 =	vand.u32 $0x2800, v3;
	v44 =	vor.u32 v59, v35;
	v36 =	vand.u32 $0x2800, v57  }
0x3fb: {  	v38 =	vshll.u32 v59, $0x8;
	v34 =	vor.u32 v0, v24;
	v57 =	vor.u32 s7, v18  }
0x3fc: {  	v45 =	vor.u32 v36, v30;
	v36 =	vand.u32 $0x3800, v60;
	v56 =	vor.u32 s15, v12  }
0x3fd: {  	v61 =	vor.u32 v36, v34;
	v60 =	vshll.u32 v56, $0x8;
	v36 =	vor.u32 v17, v24;
	[tilespmem:v26+s30+$0x0] =	vst.idx.msk $0xffff, v5  }
0x3fe: {  	v42 =	vand.u32 $0x3800, v60;
	v52 =	vor.u32 v39, v36;
	v60 =	vor.u32 s7, v23;
	[tilespmem:v27+s30+$0x0] =	vst.idx.msk $0xffff, v37;
	v1 =	vld.idx.msk [tilespmem:v1+s23+$0x0], $0xffff  }
0x3ff: {  	v5 =	vand.u32 $0x2800, v38;
	v26 =	vor.u32 v40, v34;
	v27 =	vor.u32 v56, v35;
	v25 =	vld.idx.msk [tilespmem:v25+s23+$0x0], $0xffff  }
0x400: {  	v37 =	vshll.u32 v57, $0x8;
	v43 =	vor.u32 v5, v32;
	v5 =	vor.u32 s7, v62  }
0x401: {  	s17 =	simm.s32 $0x8;
	v59 =	vshll.u32 v5, $0x8;
	v40 =	vor.u32 v5, v35;
	v5 =	vor.u32 v57, v35  }
0x402: {  	s4 =	sand.u32 $0xF0, s17;
	v38 =	vmovc v18;
	v18 =	vmovc v62;
	v37 =	vand.u32 $0x2800, v37;
	v62 =	vor.u32 s15, v62;
	[tilespmem:$0x1FE60] =	vst v5;
	v5 =	vand.u32 $0x2800, v59  }
0x403: {  	v57 =	vor.u32 s7, v22;
	v41 =	vor.u32 v37, v34;
	v39 =	vor.u32 v5, v33;
	v55 =	vld [tilespmem:s4+$0x100];
	[tilespmem:v61+s30+$0x0] =	vst.idx.msk $0xffff, v1  }
0x404: {  	v59 =	vshll.u32 v57, $0x8;
	v1 =	vor.u32 v42, v36;
	v61 =	vor.u32 s15, v15;
	[tilespmem:v26+s30+$0x0] =	vst.idx.msk $0xffff, v25;
	v27 =	vld.idx.msk [tilespmem:v27+s23+$0x0], $0xffff  }
0x405: {  	v25 =	vand.u32 $0x2800, v59;
	v42 =	vor.u32 v57, v35;
	v5 =	vor.u32 v61, v35;
	v31 =	vld.idx.msk [tilespmem:v31+s23+$0x0], $0xffff  }
0x406: {  	v26 =	vor.u32 v58, v24;
	v24 =	vshll.u32 v60, $0x8;
	v37 =	vor.u32 v25, v36  }
0x407: {  	v25 =	vor.u32 v60, v35;
	v53 =	vshll.u32 v61, $0x8;
	v61 =	vor.u32 s15, v63  }
0x408: {  	s14 =	simm.s32 $0x20;
	v3 =	vor.u32 v3, v26;
	v53 =	vand.u32 $0x3800, v53;
	v56 =	vor.u32 v61, v35  }
0x409: {  	s12 =	sand.u32 $0x20, s14;
	v53 =	vor.u32 v53, v26;
	[tilespmem:v1+s30+$0x0] =	vst.idx.msk $0xffff, v27;
	v1 =	vor.u32 s4, v14;
	v27 =	vshll.u32 v55, $0x6  }
0x40a: {  	s11 =	sor.u32 $0x10, s12;
	[tilespmem:v52+s30+$0x0] =	vst.idx.msk $0xffff, v31;
	v31 =	vor.u32 s12, v14;
	v5 =	vld.idx.msk [tilespmem:v5+s23+$0x0], $0xffff;
	v27 =	vand.u32 $0x40, v27;
	v59 =	vshll.u32 v1, $0x7  }
0x40b: {  	v55 =	vor.u32 s11, v14;
	v50 =	vld.idx.msk [tilespmem:v50+s23+$0x0], $0xffff;
	v60 =	vshll.u32 v31, $0x8;
	v27 =	vor.u32 v59, v27  }
0x40c: {  	v1 =	vand.u32 $0x7F, v1;
	v52 =	vand.u32 $0x2800, v60;
	v57 =	vor.u32 v31, v27  }
0x40d: {  	v58 =	vor.u32 v55, v27;
	v31 =	vshll.u32 v61, $0x8;
	v61 =	vmov s4  }
0x40e: {  	v60 =	vor.u32 s15, v19;
	v31 =	vand.u32 $0x3800, v31;
	v54 =	vshll.u32 v61, $0x3  }
0x40f: {  	v59 =	vor.u32 v31, v28;
	[tilespmem:v53+s30+$0x0] =	vst.idx.msk $0xffff, v5;
	v5 =	vand.u32 $0x400, v54;
	v53 =	vor.u32 v60, v35  }
0x410: {  	[tilespmem:v3+s30+$0x0] =	vst.idx.msk $0xffff, v50;
	v3 =	vld.idx.msk [tilespmem:v56+s23+$0x0], $0xffff;
	v31 =	vor.u32 v5, v1;
	v1 =	vor.u32 s12, v2;
	v5 =	vshll.u32 v55, $0x8  }
0x411: {  	v50 =	vld.idx.msk [tilespmem:v51+s23+$0x0], $0xffff;
	v55 =	vor.u32 s11, v2;
	v28 =	vor.u32 v7, v31;
	v5 =	vand.u32 $0x3800, v5  }
0x412: {  	v51 =	vor.u32 v1, v27;
	v54 =	vld.idx.msk [tilespmem:v58+s23+$0x0], $0xffff;
	v1 =	vshll.u32 v1, $0x8;
	v5 =	vor.u32 v5, v28  }
0x413: {  	v56 =	vld.idx.msk [tilespmem:v57+s23+$0x0], $0xffff;
	v57 =	vor.u32 v55, v27;
	v58 =	vshll.u32 v60, $0x8;
	v52 =	vor.u32 v52, v28  }
0x414: {  	v60 =	vor.u32 s12, v4;
	v1 =	vand.u32 $0x2800, v1;
	v58 =	vand.u32 $0x3800, v58  }
0x415: {  	v58 =	vor.u32 v58, v29;
	v29 =	vshll.u32 v60, $0x8;
	[tilespmem:v59+s30+$0x0] =	vst.idx.msk $0xffff, v3;
	v3 =	vor.u32 v60, v27  }
0x416: {  	v59 =	vor.u32 s15, v20;
	[tilespmem:v49+s30+$0x0] =	vst.idx.msk $0xffff, v50;
	v49 =	vor.u32 s12, v6;
	v60 =	vand.u32 $0x2800, v29  }
0x417: {  	v29 =	vor.u32 v9, v31;
	v50 =	vor.u32 v59, v35;
	v53 =	vld.idx.msk [tilespmem:v53+s23+$0x0], $0xffff;
	[tilespmem:v5+s30+$0x0] =	vst.idx.msk $0xffff, v54  }
0x418: {  	v61 =	vor.u32 v49, v27;
	v48 =	vld.idx.msk [tilespmem:v48+s23+$0x0], $0xffff;
	v49 =	vshll.u32 v49, $0x8;
	v5 =	vshll.u32 v55, $0x8;
	[tilespmem:v52+s30+$0x0] =	vst.idx.msk $0xffff, v56  }
0x419: {  	v1 =	vor.u32 v1, v29;
	v54 =	vor.u32 s11, v4;
	v5 =	vand.u32 $0x3800, v5;
	v51 =	vld.idx.msk [tilespmem:v51+s23+$0x0], $0xffff  }
0x41a: {  	v55 =	vand.u32 $0x2800, v49;
	v56 =	vshll.u32 v59, $0x8;
	v52 =	vld.idx.msk [tilespmem:v57+s23+$0x0], $0xffff;
	v5 =	vor.u32 v5, v29  }
0x41b: {  	v49 =	vor.u32 v54, v27;
	v57 =	vor.u32 s12, v8;
	v56 =	vand.u32 $0x3800, v56  }
0x41c: {  	v59 =	vor.u32 s12, v10;
	v56 =	vor.u32 v56, v30;
	[tilespmem:v58+s30+$0x0] =	vst.idx.msk $0xffff, v53;
	v53 =	vor.u32 v57, v27  }
0x41d: {  	v30 =	vshll.u32 v57, $0x8;
	v58 =	vor.u32 s15, v21;
	[tilespmem:v47+s30+$0x0] =	vst.idx.msk $0xffff, v48;
	v48 =	vor.u32 v59, v27;
	v50 =	vld.idx.msk [tilespmem:v50+s23+$0x0], $0xffff  }
0x41e: {  	v57 =	vand.u32 $0x2800, v30;
	v59 =	vshll.u32 v59, $0x8;
	v47 =	vor.u32 v58, v35;
	v46 =	vld.idx.msk [tilespmem:v46+s23+$0x0], $0xffff;
	[tilespmem:v1+s30+$0x0] =	vst.idx.msk $0xffff, v51  }
0x41f: {  	v30 =	vor.u32 v11, v31;
	v58 =	vshll.u32 v58, $0x8;
	[tilespmem:v5+s30+$0x0] =	vst.idx.msk $0xffff, v52;
	v5 =	vshll.u32 v54, $0x8  }
0x420: {  	v1 =	vand.u32 $0x2800, v59;
	v52 =	vor.u32 v60, v30;
	v3 =	vld.idx.msk [tilespmem:v3+s23+$0x0], $0xffff;
	v5 =	vand.u32 $0x3800, v5  }
0x421: {  	v58 =	vand.u32 $0x3800, v58;
	v54 =	vor.u32 s11, v6;
	v51 =	vld.idx.msk [tilespmem:v49+s23+$0x0], $0xffff;
	v5 =	vor.u32 v5, v30  }
0x422: {  	v58 =	vor.u32 v58, v32;
	v32 =	vor.u32 s12, v15;
	v49 =	vor.u32 s12, v12;
	[tilespmem:v56+s30+$0x0] =	vst.idx.msk $0xffff, v50  }
0x423: {  	v59 =	vor.u32 v54, v27;
	v60 =	vor.u32 v49, v27;
	[tilespmem:v45+s30+$0x0] =	vst.idx.msk $0xffff, v46;
	v45 =	vld.idx.msk [tilespmem:v47+s23+$0x0], $0xffff  }
0x424: {  	v49 =	vshll.u32 v49, $0x8;
	v46 =	vor.u32 s12, v63;
	v63 =	vor.u32 v62, v35;
	v44 =	vld.idx.msk [tilespmem:v44+s23+$0x0], $0xffff  }
0x425: {  	v56 =	vand.u32 $0x2800, v49;
	v49 =	vor.u32 v32, v27;
	[tilespmem:v52+s30+$0x0] =	vst.idx.msk $0xffff, v3  }
0x426: {  	v50 =	vshll.u32 v32, $0x8;
	v32 =	vor.u32 v13, v31;
	[tilespmem:v5+s30+$0x0] =	vst.idx.msk $0xffff, v51;
	v5 =	vshll.u32 v54, $0x8  }
0x427: {  	v62 =	vshll.u32 v62, $0x8;
	v51 =	vor.u32 v55, v32;
	v54 =	vld.idx.msk [tilespmem:v61+s23+$0x0], $0xffff;
	v3 =	vand.u32 $0x3800, v5  }
0x428: {  	v62 =	vand.u32 $0x3800, v62;
	v61 =	vshll.u32 v46, $0x8;
	v5 =	vld.idx.msk [tilespmem:v59+s23+$0x0], $0xffff;
	v3 =	vor.u32 v3, v32;
	[tilespmem:v58+s30+$0x0] =	vst.idx.msk $0xffff, v45  }
0x429: {  	[tilespmem:v43+s30+$0x0] =	vst.idx.msk $0xffff, v44;
	v43 =	vand.u32 $0x2800, v61;
	v44 =	vor.u32 v62, v33;
	v61 =	vld.idx.msk [tilespmem:v63+s23+$0x0], $0xffff  }
0x42a: {  	v40 =	vld.idx.msk [tilespmem:v40+s23+$0x0], $0xffff;
	_ =	sdelay $0x1  }
0x42b: {  	v52 =	vor.u32 s11, v8;
	[tilespmem:v51+s30+$0x0] =	vst.idx.msk $0xffff, v54  }
0x42c: {  	v55 =	vor.u32 v52, v27;
	v58 =	vor.u32 s12, v19;
	v19 =	vmovc v38;
	v38 =	vor.u32 s15, v38;
	[tilespmem:v3+s30+$0x0] =	vst.idx.msk $0xffff, v5  }
0x42d: {  	v24 =	vand.u32 $0x2800, v24;
	v62 =	vor.u32 v38, v35;
	[tilespmem:v44+s30+$0x0] =	vst.idx.msk $0xffff, v61  }
0x42e: {  	v24 =	vor.u32 v24, v26;
	v47 =	vor.u32 v46, v27;
	v59 =	vor.u32 s15, v22;
	[tilespmem:v39+s30+$0x0] =	vst.idx.msk $0xffff, v40  }
0x42f: {  	v33 =	vor.u32 v16, v31;
	v3 =	vor.u32 s12, v20;
	v5 =	vshll.u32 v52, $0x8;
	v20 =	vld [tilespmem:$0x1FE60]  }
0x430: {  	v38 =	vshll.u32 v38, $0x8;
	v53 =	vld.idx.msk [tilespmem:v53+s23+$0x0], $0xffff;
	v52 =	vor.u32 v57, v33;
	v5 =	vand.u32 $0x3800, v5  }
0x431: {  	v46 =	vor.u32 v43, v28;
	v57 =	vand.u32 $0x3800, v38;
	v51 =	vld.idx.msk [tilespmem:v55+s23+$0x0], $0xffff;
	v5 =	vor.u32 v5, v33  }
0x432: {  	v45 =	vor.u32 v58, v27;
	v63 =	vshll.u32 v58, $0x8;
	v57 =	vor.u32 v57, v34;
	v58 =	vld.idx.msk [tilespmem:v62+s23+$0x0], $0xffff  }
0x433: {  	v43 =	vand.u32 $0x2800, v63;
	v54 =	vor.u32 s11, v10;
	v61 =	vor.u32 v59, v35  }
0x434: {  	v43 =	vor.u32 v43, v29;
	v55 =	vor.u32 v54, v27;
	v44 =	vor.u32 v3, v27  }
0x435: {  	v3 =	vshll.u32 v3, $0x8;
	v34 =	vor.u32 v0, v31;
	v59 =	vshll.u32 v59, $0x8;
	[tilespmem:v52+s30+$0x0] =	vst.idx.msk $0xffff, v53  }
0x436: {  	v3 =	vand.u32 $0x2800, v3;
	v1 =	vor.u32 v1, v34;
	v63 =	vand.u32 $0x3800, v59;
	v48 =	vld.idx.msk [tilespmem:v48+s23+$0x0], $0xffff;
	[tilespmem:v5+s30+$0x0] =	vst.idx.msk $0xffff, v51  }
0x437: {  	v39 =	vor.u32 v3, v30;
	v3 =	vor.u32 s12, v21;
	v5 =	vshll.u32 v54, $0x8;
	[tilespmem:v57+s30+$0x0] =	vst.idx.msk $0xffff, v58;
	v62 =	vld.idx.msk [tilespmem:v20+s23+$0x0], $0xffff  }
0x438: {  	v59 =	vor.u32 v63, v36;
	v40 =	vor.u32 v3, v27;
	v5 =	vand.u32 $0x3800, v5;
	v57 =	vld.idx.msk [tilespmem:v61+s23+$0x0], $0xffff  }
0x439: {  	v3 =	vshll.u32 v3, $0x8;
	v52 =	vor.u32 s11, v12;
	v51 =	vld.idx.msk [tilespmem:v55+s23+$0x0], $0xffff;
	v5 =	vor.u32 v5, v34  }
0x43a: {  	v3 =	vand.u32 $0x2800, v3;
	v53 =	vor.u32 v52, v27;
	v61 =	vor.u32 s15, v23  }
0x43b: {  	v50 =	vand.u32 $0x2800, v50;
	v38 =	vor.u32 v3, v32;
	v63 =	vor.u32 v61, v35;
	[tilespmem:v1+s30+$0x0] =	vst.idx.msk $0xffff, v48  }
0x43c: {  	v3 =	vor.u32 s12, v18;
	v58 =	vor.u32 s12, v19;
	v35 =	vor.u32 v17, v31;
	[tilespmem:v41+s30+$0x0] =	vst.idx.msk $0xffff, v62  }
0x43d: {  	v36 =	vor.u32 v58, v27;
	v54 =	vor.u32 v56, v35;
	[tilespmem:v59+s30+$0x0] =	vst.idx.msk $0xffff, v57;
	v62 =	vld.idx.msk [tilespmem:v42+s23+$0x0], $0xffff  }
0x43e: {  	v59 =	vor.u32 s11, v15;
	[tilespmem:v5+s30+$0x0] =	vst.idx.msk $0xffff, v51;
	v5 =	vshll.u32 v58, $0x8;
	v58 =	vshll.u32 v52, $0x8  }
0x43f: {  	v56 =	vld.idx.msk [tilespmem:v60+s23+$0x0], $0xffff;
	v57 =	vor.u32 v59, v27;
	v41 =	vor.u32 v3, v27;
	v3 =	vshll.u32 v3, $0x8  }
0x440: {  	v52 =	vld.idx.msk [tilespmem:v63+s23+$0x0], $0xffff;
	v1 =	vand.u32 $0x2800, v5;
	v5 =	vand.u32 $0x3800, v58;
	v3 =	vand.u32 $0x2800, v3  }
0x441: {  	v55 =	vld.idx.msk [tilespmem:v53+s23+$0x0], $0xffff;
	v53 =	vor.u32 s12, v22;
	v42 =	vor.u32 v3, v33;
	v3 =	vshll.u32 v61, $0x8  }
0x442: {  	s16 =	simm.s32 $0x10;
	s15 =	simm.s32 $0x2;
	v58 =	vor.u32 v5, v35;
	v48 =	vand.u32 $0x3800, v3;
	[tilespmem:v37+s30+$0x0] =	vst.idx.msk $0xffff, v62;
	v37 =	vor.u32 v1, v34  }
.LBB2_9:
0x443: {  	v5 =	vor.u32 v48, v26;
	v26 =	vld [tilespmem:$0x1FF30]  }
0x444: {  	v63 =	vld [tilespmem:$0x1FF20]  }
0x445: {  	s4 =	sand.u32 $0xF0, s16;
	v1 =	vshll.u32 v53, $0x8  }
0x446: {  	v51 =	vor.u32 v53, v27;
	v53 =	vld [tilespmem:s4+$0x100];
	v1 =	vand.u32 $0x2800, v1  }
0x447: {  	v3 =	vld.idx.msk [tilespmem:v25+s23+$0x0], $0xffff;
	v60 =	vor.u32 s12, v23;
	v48 =	vor.u32 v1, v35;
	v1 =	vshll.u32 v59, $0x8  }
0x448: {  	v18 =	vld [tilespmem:$0x1FF40];
	v25 =	vor.u32 v60, v27;
	[tilespmem:v58+s30+$0x0] =	vst.idx.msk $0xffff, v55;
	v1 =	vand.u32 $0x3800, v1  }
0x449: {  	s14 =	sadd.s32 $0x20, s14;
	[tilespmem:v54+s30+$0x0] =	vst.idx.msk $0xffff, v56;
	v54 =	vld.idx.msk [tilespmem:v57+s23+$0x0], $0xffff;
	v26 =	vor.u32 v26, v31;
	v31 =	vshll.u32 v60, $0x8;
	v55 =	vor.u32 s11, v63  }
0x44a: {  	s12 =	sand.u32 $0x20, s14;
	[tilespmem:v5+s30+$0x0] =	vst.idx.msk $0xffff, v52;
	v5 =	vor.u32 s4, v14;
	v50 =	vor.u32 v50, v26;
	v1 =	vor.u32 v1, v26  }
0x44b: {  	s7 =	sor.u32 $0x10, s12;
	v49 =	vld.idx.msk [tilespmem:v49+s23+$0x0], $0xffff;
	v31 =	vand.u32 $0x2800, v31;
	v62 =	vor.u32 v55, v27;
	v60 =	vshll.u32 v53, $0x6  }
0x44c: {  	v61 =	vshll.u32 v5, $0x7;
	v53 =	vor.u32 s7, v14;
	v5 =	vand.u32 $0x7F, v5  }
0x44d: {  	[tilespmem:v24+s30+$0x0] =	vst.idx.msk $0xffff, v3;
	v24 =	vor.u32 v31, v26;
	v3 =	vand.u32 $0x40, v60;
	v60 =	vor.u32 s11, v18  }
0x44e: {  	v19 =	vld [tilespmem:$0x1FF50];
	v31 =	vor.u32 s12, v14;
	v52 =	vor.u32 v61, v3;
	v61 =	vor.u32 v60, v27  }
0x44f: {  	v3 =	vshll.u32 v31, $0x8;
	v57 =	vor.u32 v31, v52;
	v58 =	vor.u32 v53, v52;
	[tilespmem:v1+s30+$0x0] =	vst.idx.msk $0xffff, v54  }
0x450: {  	v31 =	vmov s4;
	v3 =	vand.u32 $0x2800, v3;
	v1 =	vshll.u32 v55, $0x8;
	[tilespmem:v50+s30+$0x0] =	vst.idx.msk $0xffff, v49  }
0x451: {  	v53 =	vshll.u32 v53, $0x8;
	v31 =	vshll.u32 v31, $0x3;
	v1 =	vand.u32 $0x3800, v1;
	v47 =	vld.idx.msk [tilespmem:v47+s23+$0x0], $0xffff  }
0x452: {  	v53 =	vand.u32 $0x3800, v53;
	v62 =	vld.idx.msk [tilespmem:v62+s23+$0x0], $0xffff;
	v1 =	vor.u32 v1, v28;
	v28 =	vand.u32 $0x400, v31  }
0x453: {  	v50 =	vor.u32 s11, v19;
	v49 =	vor.u32 s12, v6;
	v31 =	vor.u32 v28, v5  }
0x454: {  	v54 =	vor.u32 v50, v27;
	v5 =	vor.u32 s12, v2;
	v28 =	vor.u32 v7, v31  }
0x455: {  	v56 =	vld.idx.msk [tilespmem:v58+s23+$0x0], $0xffff;
	v58 =	vor.u32 s7, v2;
	v55 =	vor.u32 v5, v52;
	v53 =	vor.u32 v53, v28  }
0x456: {  	v57 =	vld.idx.msk [tilespmem:v57+s23+$0x0], $0xffff;
	v59 =	vor.u32 v58, v52;
	v3 =	vor.u32 v3, v28;
	[tilespmem:v46+s30+$0x0] =	vst.idx.msk $0xffff, v47  }
0x457: {  	v20 =	vld [tilespmem:$0x1FF60];
	v5 =	vshll.u32 v5, $0x8;
	[tilespmem:v1+s30+$0x0] =	vst.idx.msk $0xffff, v62;
	v1 =	vshll.u32 v60, $0x8;
	v62 =	vor.u32 s12, v4  }
0x458: {  	v58 =	vshll.u32 v58, $0x8;
	v45 =	vld.idx.msk [tilespmem:v45+s23+$0x0], $0xffff;
	v1 =	vand.u32 $0x3800, v1;
	v47 =	vor.u32 v62, v52  }
0x459: {  	v46 =	vld.idx.msk [tilespmem:v61+s23+$0x0], $0xffff;
	v61 =	vor.u32 v49, v52;
	v1 =	vor.u32 v1, v29;
	v29 =	vshll.u32 v62, $0x8  }
0x45a: {  	v60 =	vand.u32 $0x2800, v29;
	[tilespmem:v53+s30+$0x0] =	vst.idx.msk $0xffff, v56;
	v29 =	vor.u32 v9, v31;
	v53 =	vand.u32 $0x3800, v58  }
0x45b: {  	v62 =	vor.u32 s12, v8;
	[tilespmem:v3+s30+$0x0] =	vst.idx.msk $0xffff, v57;
	v3 =	vshll.u32 v49, $0x8;
	v49 =	vld.idx.msk [tilespmem:v59+s23+$0x0], $0xffff;
	v53 =	vor.u32 v53, v29  }
0x45c: {  	v5 =	vand.u32 $0x2800, v5;
	v56 =	vor.u32 s7, v4;
	v58 =	vor.u32 v62, v52;
	v55 =	vld.idx.msk [tilespmem:v55+s23+$0x0], $0xffff  }
0x45d: {  	v5 =	vor.u32 v5, v29;
	v57 =	vor.u32 v56, v52;
	[tilespmem:v43+s30+$0x0] =	vst.idx.msk $0xffff, v45;
	v45 =	vor.u32 s11, v20  }
0x45e: {  	[tilespmem:v1+s30+$0x0] =	vst.idx.msk $0xffff, v46;
	v1 =	vshll.u32 v50, $0x8;
	v50 =	vor.u32 s12, v10;
	v46 =	vor.u32 v45, v27  }
0x45f: {  	v44 =	vld.idx.msk [tilespmem:v44+s23+$0x0], $0xffff;
	v1 =	vand.u32 $0x3800, v1;
	v59 =	vor.u32 v50, v52;
	v50 =	vshll.u32 v50, $0x8  }
0x460: {  	v43 =	vld.idx.msk [tilespmem:v54+s23+$0x0], $0xffff;
	v1 =	vor.u32 v1, v30;
	v30 =	vshll.u32 v62, $0x8;
	[tilespmem:v53+s30+$0x0] =	vst.idx.msk $0xffff, v49;
	v53 =	vshll.u32 v56, $0x8  }
0x461: {  	v21 =	vld [tilespmem:$0x1FF70];
	v62 =	vand.u32 $0x2800, v30;
	v30 =	vor.u32 v11, v31;
	v49 =	vand.u32 $0x3800, v53  }
0x462: {  	[tilespmem:v5+s30+$0x0] =	vst.idx.msk $0xffff, v55;
	v5 =	vand.u32 $0x2800, v50;
	v50 =	vld.idx.msk [tilespmem:v57+s23+$0x0], $0xffff;
	v56 =	vor.u32 v49, v30  }
0x463: {  	v47 =	vld.idx.msk [tilespmem:v47+s23+$0x0], $0xffff;
	v57 =	vor.u32 s7, v6;
	v55 =	vor.u32 v60, v30  }
0x464: {  	v3 =	vand.u32 $0x2800, v3;
	v60 =	vor.u32 v57, v52;
	[tilespmem:v39+s30+$0x0] =	vst.idx.msk $0xffff, v44  }
0x465: {  	v49 =	vor.u32 s12, v12;
	v44 =	vor.u32 s12, v63;
	[tilespmem:v1+s30+$0x0] =	vst.idx.msk $0xffff, v43;
	v1 =	vshll.u32 v45, $0x8  }
0x466: {  	v63 =	vshll.u32 v57, $0x8;
	v53 =	vor.u32 v49, v52;
	v40 =	vld.idx.msk [tilespmem:v40+s23+$0x0], $0xffff;
	v1 =	vand.u32 $0x3800, v1  }
0x467: {  	v54 =	vshll.u32 v49, $0x8;
	v43 =	vor.u32 s11, v21;
	v39 =	vld.idx.msk [tilespmem:v46+s23+$0x0], $0xffff;
	v1 =	vor.u32 v1, v32;
	[tilespmem:v56+s30+$0x0] =	vst.idx.msk $0xffff, v50  }
0x468: {  	v63 =	vand.u32 $0x3800, v63;
	v45 =	vor.u32 v43, v27;
	v32 =	vor.u32 s12, v15;
	[tilespmem:v55+s30+$0x0] =	vst.idx.msk $0xffff, v47  }
0x469: {  	v49 =	vor.u32 v32, v52;
	v46 =	vshll.u32 v32, $0x8;
	v32 =	vor.u32 v13, v31;
	v55 =	vld.idx.msk [tilespmem:v60+s23+$0x0], $0xffff  }
0x46a: {  	v54 =	vand.u32 $0x2800, v54;
	v57 =	vor.u32 v63, v32;
	v63 =	vor.u32 s12, v18;
	v18 =	vld [tilespmem:$0x1FF80]  }
0x46b: {  	v47 =	vor.u32 v44, v52;
	v56 =	vld.idx.msk [tilespmem:v61+s23+$0x0], $0xffff;
	v60 =	vor.u32 s7, v8;
	[tilespmem:v38+s30+$0x0] =	vst.idx.msk $0xffff, v40;
	v50 =	vand.u32 $0x2800, v46  }
0x46c: {  	v3 =	vor.u32 v3, v32;
	v61 =	vor.u32 v60, v52;
	[tilespmem:v1+s30+$0x0] =	vst.idx.msk $0xffff, v39;
	v1 =	vshll.u32 v43, $0x8  }
0x46d: {  	v46 =	vshll.u32 v44, $0x8;
	v40 =	vld.idx.msk [tilespmem:v41+s23+$0x0], $0xffff;
	v60 =	vshll.u32 v60, $0x8;
	v1 =	vand.u32 $0x3800, v1  }
0x46e: {  	v39 =	vand.u32 $0x2800, v46;
	v43 =	vshll.u32 v63, $0x8;
	v38 =	vld.idx.msk [tilespmem:v45+s23+$0x0], $0xffff;
	v1 =	vor.u32 v1, v33  }
0x46f: {  	v46 =	vor.u32 v39, v28;
	v45 =	vor.u32 v63, v52;
	v41 =	vor.u32 s11, v18  }
0x470: {  	v63 =	vor.u32 s12, v19;
	[tilespmem:v57+s30+$0x0] =	vst.idx.msk $0xffff, v55;
	v33 =	vor.u32 v16, v31;
	v39 =	vor.u32 v41, v27  }
0x471: {  	[tilespmem:v3+s30+$0x0] =	vst.idx.msk $0xffff, v56;
	v3 =	vand.u32 $0x2800, v43;
	v44 =	vor.u32 v63, v52;
	v63 =	vshll.u32 v63, $0x8;
	v55 =	vld.idx.msk [tilespmem:v61+s23+$0x0], $0xffff  }
0x472: {  	v61 =	vand.u32 $0x3800, v60;
	v56 =	vld.idx.msk [tilespmem:v58+s23+$0x0], $0xffff;
	v57 =	vor.u32 v62, v33;
	v60 =	vor.u32 s7, v10;
	[tilespmem:v42+s30+$0x0] =	vst.idx.msk $0xffff, v40  }
0x473: {  	v43 =	vor.u32 v3, v29;
	v58 =	vor.u32 v61, v33;
	[tilespmem:v1+s30+$0x0] =	vst.idx.msk $0xffff, v38;
	v1 =	vshll.u32 v41, $0x8  }
0x474: {  	v42 =	vor.u32 s11, v22;
	v3 =	vor.u32 v60, v52;
	v36 =	vld.idx.msk [tilespmem:v36+s23+$0x0], $0xffff;
	v1 =	vand.u32 $0x3800, v1  }
0x475: {  	v61 =	vor.u32 v42, v27;
	v38 =	vand.u32 $0x2800, v63;
	v41 =	vld.idx.msk [tilespmem:v39+s23+$0x0], $0xffff;
	v1 =	vor.u32 v1, v34  }
0x476: {  	v63 =	vshll.u32 v60, $0x8;
	v39 =	vor.u32 v38, v30;
	v38 =	vor.u32 s12, v20  }
0x477: {  	v60 =	vor.u32 s11, v23;
	[tilespmem:v57+s30+$0x0] =	vst.idx.msk $0xffff, v56;
	v57 =	vor.u32 s7, v12;
	v40 =	vor.u32 v38, v52  }
0x478: {  	v62 =	vshll.u32 v38, $0x8;
	[tilespmem:v58+s30+$0x0] =	vst.idx.msk $0xffff, v55;
	v34 =	vor.u32 v0, v31;
	v55 =	vand.u32 $0x3800, v63;
	v56 =	vld.idx.msk [tilespmem:v59+s23+$0x0], $0xffff  }
0x479: {  	v58 =	vor.u32 v57, v52;
	[tilespmem:v37+s30+$0x0] =	vst.idx.msk $0xffff, v36;
	v3 =	vld.idx.msk [tilespmem:v3+s23+$0x0], $0xffff;
	v55 =	vor.u32 v55, v34  }
0x47a: {  	v59 =	vor.u32 s12, v18;
	v5 =	vor.u32 v5, v34;
	[tilespmem:v1+s30+$0x0] =	vst.idx.msk $0xffff, v41;
	v1 =	vshll.u32 v42, $0x8  }
0x47b: {  	s11 =	smov.u32 s7;
	v38 =	vand.u32 $0x2800, v62;
	v51 =	vld.idx.msk [tilespmem:v51+s23+$0x0], $0xffff;
	v36 =	vor.u32 v59, v52;
	v1 =	vand.u32 $0x3800, v1  }
0x47c: {  	s15 =	sadd.s32 $0x2, s15;
	v63 =	vshll.u32 v59, $0x8;
	v59 =	vor.u32 s11, v15;
	v37 =	vld.idx.msk [tilespmem:v61+s23+$0x0], $0xffff;
	v1 =	vor.u32 v1, v35  }
0x47d: {  	p0 =	slt.u32 s15, $0x3E;
	v38 =	vor.u32 v38, v32;
	v42 =	vor.u32 s12, v21;
	v61 =	vor.u32 v60, v27  }
.Ltmp3:
0x47e: {  	v41 =	vor.u32 v42, v52;
	v42 =	vshll.u32 v42, $0x8;
	v27 =	vmovc v52;
	[tilespmem:v55+s30+$0x0] =	vst.idx.msk $0xffff, v3;
	v3 =	vshll.u32 v57, $0x8;
	(pc) =	sbr.rel @p0 .LBB2_9-.Ltmp3, $4  }
0x47f: {  	[tilespmem:v5+s30+$0x0] =	vst.idx.msk $0xffff, v56;
	v5 =	vand.u32 $0x2800, v63;
	v42 =	vand.u32 $0x2800, v42;
	v35 =	vor.u32 v17, v31;
	v55 =	vld.idx.msk [tilespmem:v58+s23+$0x0], $0xffff  }
0x480: {  	v3 =	vand.u32 $0x3800, v3;
	v56 =	vld.idx.msk [tilespmem:v53+s23+$0x0], $0xffff;
	v57 =	vor.u32 v59, v27;
	v53 =	vor.u32 s12, v22;
	[tilespmem:v48+s30+$0x0] =	vst.idx.msk $0xffff, v51  }
0x481: {  	v54 =	vor.u32 v54, v35;
	v58 =	vor.u32 v3, v35;
	[tilespmem:v1+s30+$0x0] =	vst.idx.msk $0xffff, v37;
	v1 =	vshll.u32 v60, $0x8  }
0x482: {  	s16 =	sadd.s32 $0x8, s16;
	v42 =	vor.u32 v42, v33;
	v37 =	vor.u32 v5, v34;
	v52 =	vld.idx.msk [tilespmem:v61+s23+$0x0], $0xffff;
	v48 =	vand.u32 $0x3800, v1  }
0x483: {  	_ =	sdelay $0x3  }
0x484: {  	[tilespmem:v58+s30+$0x0] =	vst.idx.msk $0xffff, v55  }
0x485: {  	v0 =	vld [tilespmem:$0x1FF30];
	_ =	sdelay $0x3  }
0x486: {  	v1 =	vshll.u32 v59, $0x8  }
0x487: {  	v1 =	vand.u32 $0x3800, v1;
	[tilespmem:v54+s30+$0x0] =	vst.idx.msk $0xffff, v56;
	v5 =	vld.idx.msk [tilespmem:v57+s23+$0x0], $0xffff;
	v3 =	vor.u32 v0, v31  }
0x488: {  	v0 =	vld [tilespmem:$0x1FF20];
	v1 =	vor.u32 v1, v3  }
0x489: {  	v49 =	vld.idx.msk [tilespmem:v49+s23+$0x0], $0xffff;
	v50 =	vor.u32 v50, v3;
	_ =	sdelay $0x3  }
0x48a: {  	v59 =	vor.u32 s11, v0;
	[tilespmem:v1+s30+$0x0] =	vst.idx.msk $0xffff, v5  }
0x48b: {  	v51 =	vor.u32 v59, v27;
	[tilespmem:v50+s30+$0x0] =	vst.idx.msk $0xffff, v49  }
0x48c: {  	v0 =	vld [tilespmem:$0x1FF40];
	_ =	sdelay $0x1  }
0x48d: {  	v31 =	vshll.u32 v59, $0x8  }
0x48e: {  	v1 =	vand.u32 $0x3800, v31;
	v61 =	vld.idx.msk [tilespmem:v47+s23+$0x0], $0xffff  }
0x48f: {  	v1 =	vor.u32 v1, v28;
	v5 =	vld.idx.msk [tilespmem:v51+s23+$0x0], $0xffff  }
0x490: {  	v60 =	vor.u32 s11, v0  }
0x491: {  	v62 =	vor.u32 v60, v27;
	_ =	sdelay $0x1  }
0x492: {  	[tilespmem:v46+s30+$0x0] =	vst.idx.msk $0xffff, v61  }
0x493: {  	v28 =	vshll.u32 v60, $0x8;
	v18 =	vld.idx.msk [tilespmem:v45+s23+$0x0], $0xffff;
	[tilespmem:v1+s30+$0x0] =	vst.idx.msk $0xffff, v5  }
0x494: {  	v1 =	vand.u32 $0x3800, v28;
	v0 =	vld [tilespmem:$0x1FF50]  }
0x495: {  	v1 =	vor.u32 v1, v29;
	v5 =	vld.idx.msk [tilespmem:v62+s23+$0x0], $0xffff;
	_ =	sdelay $0x3  }
0x496: {  	[tilespmem:v43+s30+$0x0] =	vst.idx.msk $0xffff, v18;
	v63 =	vor.u32 s11, v0  }
0x497: {  	v19 =	vor.u32 v63, v27;
	[tilespmem:v1+s30+$0x0] =	vst.idx.msk $0xffff, v5  }
0x498: {  	v0 =	vld [tilespmem:$0x1FF60];
	_ =	sdelay $0x1  }
0x499: {  	v28 =	vshll.u32 v63, $0x8  }
0x49a: {  	v29 =	vld.idx.msk [tilespmem:v44+s23+$0x0], $0xffff;
	v1 =	vand.u32 $0x3800, v28  }
0x49b: {  	v1 =	vor.u32 v1, v30;
	v5 =	vld.idx.msk [tilespmem:v19+s23+$0x0], $0xffff  }
0x49c: {  	v45 =	vor.u32 s11, v0  }
0x49d: {  	v46 =	vor.u32 v45, v27;
	_ =	sdelay $0x1  }
0x49e: {  	[tilespmem:v39+s30+$0x0] =	vst.idx.msk $0xffff, v29  }
0x49f: {  	v29 =	vld.idx.msk [tilespmem:v40+s23+$0x0], $0xffff;
	v28 =	vshll.u32 v45, $0x8;
	[tilespmem:v1+s30+$0x0] =	vst.idx.msk $0xffff, v5  }
0x4a0: {  	v1 =	vand.u32 $0x3800, v28;
	v0 =	vld [tilespmem:$0x1FF70]  }
0x4a1: {  	v1 =	vor.u32 v1, v32;
	v5 =	vld.idx.msk [tilespmem:v46+s23+$0x0], $0xffff;
	_ =	sdelay $0x3  }
0x4a2: {  	[tilespmem:v38+s30+$0x0] =	vst.idx.msk $0xffff, v29  }
0x4a3: {  	v47 =	vor.u32 s11, v0;
	[tilespmem:v1+s30+$0x0] =	vst.idx.msk $0xffff, v5  }
0x4a4: {  	v49 =	vor.u32 v47, v27;
	v0 =	vld [tilespmem:$0x1FF80];
	_ =	sdelay $0x2  }
0x4a5: {  	v28 =	vshll.u32 v47, $0x8  }
0x4a6: {  	v1 =	vand.u32 $0x3800, v28  }
0x4a7: {  	v1 =	vor.u32 v1, v33;
	v5 =	vld.idx.msk [tilespmem:v49+s23+$0x0], $0xffff;
	v50 =	vor.u32 s11, v0  }
0x4a8: {  	v29 =	vld.idx.msk [tilespmem:v41+s23+$0x0], $0xffff;
	v51 =	vor.u32 v50, v27;
	_ =	sdelay $0x2  }
0x4a9: {  	v28 =	vshll.u32 v50, $0x8  }
0x4aa: {  	[tilespmem:v1+s30+$0x0] =	vst.idx.msk $0xffff, v5;
	v1 =	vand.u32 $0x3800, v28  }
0x4ab: {  	v54 =	vor.u32 s11, v22;
	[tilespmem:v42+s30+$0x0] =	vst.idx.msk $0xffff, v29;
	v1 =	vor.u32 v1, v34;
	v5 =	vld.idx.msk [tilespmem:v51+s23+$0x0], $0xffff  }
0x4ac: {  	v55 =	vor.u32 v54, v27;
	v29 =	vld.idx.msk [tilespmem:v36+s23+$0x0], $0xffff  }
0x4ad: {  	v56 =	vor.u32 v53, v27;
	_ =	sdelay $0x1  }
0x4ae: {  	v28 =	vshll.u32 v54, $0x8  }
0x4af: {  	v57 =	vshll.u32 v53, $0x8;
	[tilespmem:v1+s30+$0x0] =	vst.idx.msk $0xffff, v5;
	v1 =	vand.u32 $0x3800, v28  }
0x4b0: {  	v59 =	vor.u32 s11, v23;
	[tilespmem:v37+s30+$0x0] =	vst.idx.msk $0xffff, v29;
	v5 =	vand.u32 $0x2800, v57;
	v58 =	vld.idx.msk [tilespmem:v55+s23+$0x0], $0xffff;
	v1 =	vor.u32 v1, v35  }
0x4b1: {  	v61 =	vor.u32 v59, v27;
	v60 =	vor.u32 s12, v23;
	v31 =	vld.idx.msk [tilespmem:v56+s23+$0x0], $0xffff;
	v5 =	vor.u32 v5, v35  }
0x4b2: {  	v62 =	vor.u32 v60, v27;
	_ =	sdelay $0x1  }
0x4b3: {  	v26 =	vor.u32 v48, v26;
	v29 =	vshll.u32 v59, $0x8  }
0x4b4: {  	v25 =	vld.idx.msk [tilespmem:v25+s23+$0x0], $0xffff;
	v30 =	vshll.u32 v60, $0x8;
	[tilespmem:v1+s30+$0x0] =	vst.idx.msk $0xffff, v58;
	v1 =	vand.u32 $0x3800, v29  }
0x4b5: {  	v63 =	vand.u32 $0x2800, v30;
	[tilespmem:v5+s30+$0x0] =	vst.idx.msk $0xffff, v31;
	v5 =	vld.idx.msk [tilespmem:v61+s23+$0x0], $0xffff;
	v1 =	vor.u32 v1, v3  }
0x4b6: {  	s8 =	sadd.s32 $0x1, s8;
	v3 =	vor.u32 v63, v3;
	v27 =	vld.idx.msk [tilespmem:v62+s23+$0x0], $0xffff  }
0x4b7: {  	p0 =	sne.s32 s8, $0xC7  }
.Ltmp4:
0x4b8: {  	[tilespmem:v26+s30+$0x0] =	vst.idx.msk $0xffff, v52;
	(pc) =	sbr.rel @p0 .LBB2_6-.Ltmp4, $4  }
0x4b9: {  	[tilespmem:v24+s30+$0x0] =	vst.idx.msk $0xffff, v25  }
0x4ba: {  	[tilespmem:v1+s30+$0x0] =	vst.idx.msk $0xffff, v5  }
0x4bb: {  	s4 =	sadd.s32 s3, s9;
	[tilespmem:v3+s30+$0x0] =	vst.idx.msk $0xffff, v27  }
0x4bc: {  	v0 =	vlaneseq.u32;
	[hbm4b:s4+s26] =	stream.strided.scatter [tilespmem:s30], [sflag:$0x4], $0x4000, s28, s26, $0x38;
	[tilespmem:$0x18400] =	vst v63  }
0x4bd: {  	_ =	swait.ge [sflag:s31], $0x4000  }
0x4be: {  	[sflag:s31] =	ssyncset.done $0x0  }
0x4bf: {  	s4 =	simm.s32 $0x0;
	s7 =	rddreg [dreg:$0x9];
	[sflag:s31] =	ssyncadd.s32 $0xFFFFC000  }
0x4c0: {  	[tilespmem:s19], [sflag:$0x5] =	stream.linear.gather [hbm4b:s7+s4], $0x100, $0x38;
	[tilespmem:$0x18400] =	vst v63  }
0x4c1: {  	_ =	swait.ge [sflag:s18], $0x100  }
0x4c2: {  	[sflag:s18] =	ssyncset.done $0x0  }
0x4c3: {  	[sflag:s18] =	ssyncadd.s32 $0xFFFFFF00  }
0x4c4: {  	v1 =	vld [tilespmem:$0x100]  }
0x4c5: {  	v3 =	vld [tilespmem:$0x110]  }
0x4c6: {  	v5 =	vld [tilespmem:$0x120]  }
0x4c7: {  	v24 =	vld [tilespmem:$0x130]  }
0x4c8: {  	v25 =	vld [tilespmem:$0x140]  }
0x4c9: {  	v26 =	vld [tilespmem:$0x150];
	v1 =	vshra.s32 v1, $0x1  }
0x4ca: {  	[tilespmem:$0x300] =	vst v1;
	v1 =	vshra.s32 v3, $0x1;
	v3 =	vld [tilespmem:$0x160]  }
0x4cb: {  	[tilespmem:$0x310] =	vst v1;
	v1 =	vshra.s32 v5, $0x1;
	v5 =	vld [tilespmem:$0x170]  }
0x4cc: {  	[tilespmem:$0x320] =	vst v1;
	v1 =	vshra.s32 v24, $0x1;
	v24 =	vld [tilespmem:$0x180]  }
0x4cd: {  	[tilespmem:$0x330] =	vst v1;
	v1 =	vshra.s32 v25, $0x1;
	v25 =	vld [tilespmem:$0x190]  }
0x4ce: {  	[tilespmem:$0x340] =	vst v1;
	v1 =	vshra.s32 v26, $0x1;
	v26 =	vld [tilespmem:$0x1A0]  }
0x4cf: {  	[tilespmem:$0x350] =	vst v1;
	v1 =	vshra.s32 v3, $0x1;
	v3 =	vld [tilespmem:$0x1B0]  }
0x4d0: {  	[tilespmem:$0x360] =	vst v1;
	v1 =	vshra.s32 v5, $0x1;
	v5 =	vld [tilespmem:$0x1C0]  }
0x4d1: {  	[tilespmem:$0x370] =	vst v1;
	v1 =	vshra.s32 v24, $0x1;
	v24 =	vld [tilespmem:$0x1D0]  }
0x4d2: {  	[tilespmem:$0x380] =	vst v1;
	v1 =	vshra.s32 v25, $0x1;
	v25 =	vld [tilespmem:$0x1E0]  }
0x4d3: {  	[tilespmem:$0x390] =	vst v1;
	v1 =	vshra.s32 v26, $0x1;
	v26 =	vld [tilespmem:$0x1F0]  }
0x4d4: {  	[tilespmem:$0x3A0] =	vst v1;
	v1 =	vshra.s32 v3, $0x1  }
0x4d5: {  	[tilespmem:$0x3B0] =	vst v1;
	v1 =	vshra.s32 v5, $0x1  }
0x4d6: {  	[tilespmem:$0x3C0] =	vst v1;
	v1 =	vshra.s32 v24, $0x1  }
0x4d7: {  	[tilespmem:$0x3D0] =	vst v1;
	v1 =	vshra.s32 v25, $0x1  }
0x4d8: {  	[tilespmem:$0x3E0] =	vst v1;
	v1 =	vshra.s32 v26, $0x1  }
0x4d9: {  	[tilespmem:$0x3F0] =	vst v1  }
0x4da: {  	[tilespmem:s23], [sflag:$0x2] =	stream.indirect.gather [hbm4b:s6+s19], $0x80, s22, s19, $0xb8;
	[tilespmem:$0x18400] =	vst v63  }
0x4db: {  	_ =	swait.ge [sflag:s24], $0x8000  }
0x4dc: {  	[sflag:s24] =	ssyncset.done $0x0  }
0x4dd: {  	s8 =	sand.u32 $0xF0, s4;
	[sflag:s24] =	ssyncadd.s32 $0xFFFF8000  }
0x4de: {  	v1 =	vld [tilespmem:s8+$0x0];
	_ =	sdelay $0x4  }
0x4df: {  	s16 =	sand.u32 $0x20, s4;
	v3 =	vor.u32 s8, v0;
	v1 =	vshll.u32 v1, $0x6  }
0x4e0: {  	s12 =	sor.u32 $0x10, s16;
	v5 =	vshll.u32 v3, $0x7;
	v1 =	vand.u32 $0x40, v1  }
0x4e1: {  	v61 =	vld [tilespmem:$0x1FF90];
	v35 =	vor.u32 v5, v1;
	v1 =	vor.u32 s12, v0  }
0x4e2: {  	v24 =	vmov s8;
	v5 =	vor.u32 v1, v35  }
0x4e3: {  	v24 =	vshll.u32 v24, $0x3  }
0x4e4: {  	v3 =	vand.u32 $0x7F, v3;
	v24 =	vand.u32 $0x400, v24  }
0x4e5: {  	v24 =	vor.u32 v24, v3;
	v1 =	vshll.u32 v1, $0x8  }
0x4e6: {  	v28 =	vor.u32 v61, v24;
	v1 =	vand.u32 $0x3800, v1  }
0x4e7: {  	v1 =	vor.u32 v1, v28;
	v5 =	vld.idx.msk [tilespmem:v5+s21+$0x0], $0xffff;
	_ =	sdelay $0x4  }
0x4e8: {  	v25 =	vor.u32 s16, v0;
	[tilespmem:v1+s25+$0x0] =	vst.idx.msk $0xffff, v5  }
0x4e9: {  	v3 =	vshll.u32 v25, $0x8;
	v26 =	vor.u32 v25, v35;
	v25 =	vor.u32 s12, v2;
	v62 =	vld [tilespmem:$0x1FFA0]  }
0x4ea: {  	v27 =	vor.u32 v25, v35  }
0x4eb: {  	v3 =	vand.u32 $0x2800, v3  }
0x4ec: {  	v29 =	vor.u32 s16, v2;
	v3 =	vor.u32 v3, v28  }
0x4ed: {  	v30 =	vor.u32 v29, v35;
	v29 =	vshll.u32 v29, $0x8;
	v25 =	vshll.u32 v25, $0x8  }
0x4ee: {  	v31 =	vand.u32 $0x2800, v29;
	v26 =	vld.idx.msk [tilespmem:v26+s21+$0x0], $0xffff;
	v1 =	vand.u32 $0x3800, v25;
	v29 =	vor.u32 v62, v24  }
0x4ef: {  	v25 =	vld.idx.msk [tilespmem:v27+s21+$0x0], $0xffff;
	v1 =	vor.u32 v1, v29;
	_ =	sdelay $0x3  }
0x4f0: {  	[tilespmem:v3+s25+$0x0] =	vst.idx.msk $0xffff, v26  }
0x4f1: {  	[tilespmem:v1+s25+$0x0] =	vst.idx.msk $0xffff, v25  }
0x4f2: {  	v27 =	vor.u32 s12, v4;
	v63 =	vld [tilespmem:$0x1FFB0]  }
0x4f3: {  	v3 =	vor.u32 v27, v35;
	_ =	sdelay $0x1  }
0x4f4: {  	v34 =	vld.idx.msk [tilespmem:v30+s21+$0x0], $0xffff;
	v30 =	vor.u32 s16, v8  }
0x4f5: {  	v27 =	vshll.u32 v27, $0x8;
	v37 =	vor.u32 v30, v35;
	v38 =	vshll.u32 v30, $0x8  }
0x4f6: {  	v31 =	vor.u32 v31, v29;
	v1 =	vand.u32 $0x3800, v27;
	v30 =	vor.u32 v63, v24  }
0x4f7: {  	v3 =	vld.idx.msk [tilespmem:v3+s21+$0x0], $0xffff;
	v1 =	vor.u32 v1, v30;
	_ =	sdelay $0x3  }
0x4f8: {  	v32 =	vor.u32 s16, v4;
	[tilespmem:v31+s25+$0x0] =	vst.idx.msk $0xffff, v34  }
0x4f9: {  	v5 =	vor.u32 v32, v35;
	v17 =	vld [tilespmem:$0x1FF20];
	[tilespmem:v1+s25+$0x0] =	vst.idx.msk $0xffff, v3  }
0x4fa: {  	v27 =	vor.u32 s12, v6;
	v18 =	vld [tilespmem:$0x1FFC0]  }
0x4fb: {  	v45 =	vor.u32 v27, v35  }
0x4fc: {  	v32 =	vshll.u32 v32, $0x8  }
0x4fd: {  	v44 =	vor.u32 s16, v10;
	v26 =	vand.u32 $0x2800, v32  }
0x4fe: {  	v32 =	vshll.u32 v44, $0x8;
	v27 =	vshll.u32 v27, $0x8;
	v5 =	vld.idx.msk [tilespmem:v5+s21+$0x0], $0xffff;
	v26 =	vor.u32 v26, v30  }
0x4ff: {  	v40 =	vand.u32 $0x2800, v32;
	v1 =	vand.u32 $0x3800, v27;
	v32 =	vor.u32 v18, v24  }
0x500: {  	v27 =	vld.idx.msk [tilespmem:v45+s21+$0x0], $0xffff;
	v1 =	vor.u32 v1, v32  }
0x501: {  	v33 =	vor.u32 s16, v6  }
0x502: {  	v43 =	vshll.u32 v33, $0x8;
	v33 =	vor.u32 v33, v35  }
0x503: {  	[tilespmem:v26+s25+$0x0] =	vst.idx.msk $0xffff, v5  }
0x504: {  	v36 =	vand.u32 $0x2800, v43;
	v43 =	vld [tilespmem:$0x1FF40]  }
0x505: {  	v19 =	vld [tilespmem:$0x1FF50];
	[tilespmem:v1+s25+$0x0] =	vst.idx.msk $0xffff, v27  }
0x506: {  	v46 =	vor.u32 s12, v8;
	v20 =	vld [tilespmem:$0x1FFD0]  }
0x507: {  	v42 =	vor.u32 s16, v17;
	v5 =	vor.u32 v46, v35;
	v47 =	vld.idx.msk [tilespmem:v33+s21+$0x0], $0xffff;
	v36 =	vor.u32 v36, v32  }
0x508: {  	v26 =	vshll.u32 v42, $0x8  }
0x509: {  	v26 =	vand.u32 $0x2800, v26;
	v54 =	vor.u32 s16, v43  }
0x50a: {  	v34 =	vshll.u32 v46, $0x8;
	v49 =	vor.u32 v26, v28;
	v26 =	vshll.u32 v54, $0x8  }
0x50b: {  	v1 =	vand.u32 $0x2800, v26;
	v26 =	vand.u32 $0x3800, v34;
	v33 =	vor.u32 v20, v24  }
0x50c: {  	v38 =	vand.u32 $0x2800, v38;
	v5 =	vld.idx.msk [tilespmem:v5+s21+$0x0], $0xffff;
	[tilespmem:v36+s25+$0x0] =	vst.idx.msk $0xffff, v47;
	v26 =	vor.u32 v26, v33  }
0x50d: {  	v37 =	vld.idx.msk [tilespmem:v37+s21+$0x0], $0xffff;
	v27 =	vor.u32 v38, v33;
	_ =	sdelay $0x1  }
0x50e: {  	v41 =	vor.u32 s16, v15;
	v56 =	vor.u32 s12, v10;
	v53 =	vor.u32 s12, v15;
	v21 =	vld [tilespmem:$0x1FF60]  }
0x50f: {  	v59 =	vshll.u32 v56, $0x8;
	v47 =	vor.u32 v1, v29;
	v1 =	vor.u32 v56, v35;
	v16 =	vld [tilespmem:$0x1FFE0]  }
0x510: {  	v25 =	vor.u32 v44, v35;
	v31 =	vor.u32 s16, v12;
	v55 =	vor.u32 s16, v19;
	[tilespmem:v26+s25+$0x0] =	vst.idx.msk $0xffff, v5  }
0x511: {  	v50 =	vor.u32 v41, v35;
	v39 =	vshll.u32 v31, $0x8;
	v57 =	vshll.u32 v55, $0x8;
	v14 =	vld [tilespmem:$0x1FF70];
	[tilespmem:v27+s25+$0x0] =	vst.idx.msk $0xffff, v37  }
0x512: {  	v31 =	vor.u32 v31, v35;
	v39 =	vand.u32 $0x2800, v39;
	v36 =	vand.u32 $0x2800, v57;
	v13 =	vld [tilespmem:$0x1FF80]  }
0x513: {  	v48 =	vor.u32 v54, v35;
	v45 =	vor.u32 v36, v30;
	v58 =	vor.u32 s16, v21  }
0x514: {  	v36 =	vand.u32 $0x3800, v59;
	v34 =	vor.u32 v16, v24;
	v38 =	vshll.u32 v58, $0x8;
	v1 =	vld.idx.msk [tilespmem:v1+s21+$0x0], $0xffff  }
0x515: {  	v46 =	vor.u32 v55, v35;
	v60 =	vor.u32 v36, v34;
	v5 =	vand.u32 $0x2800, v38;
	v25 =	vld.idx.msk [tilespmem:v25+s21+$0x0], $0xffff  }
0x516: {  	v54 =	vor.u32 s12, v12;
	v26 =	vor.u32 v40, v34;
	v38 =	vor.u32 v5, v32;
	v7 =	vld [tilespmem:$0x1FFF0]  }
0x517: {  	v27 =	vor.u32 v54, v35;
	v5 =	vor.u32 s16, v14;
	v55 =	vor.u32 s16, v13  }
0x518: {  	v56 =	vshll.u32 v5, $0x8;
	v40 =	vor.u32 v5, v35;
	v5 =	vor.u32 v55, v35  }
0x519: {  	s17 =	simm.s32 $0x8;
	v51 =	vor.u32 v42, v35;
	v3 =	vshll.u32 v41, $0x8;
	v57 =	vshll.u32 v54, $0x8;
	[tilespmem:$0x1FE50] =	vst v5  }
0x51a: {  	s4 =	sand.u32 $0xF0, s17;
	v3 =	vand.u32 $0x2800, v3;
	v42 =	vand.u32 $0x3800, v57;
	v44 =	vor.u32 v58, v35;
	[tilespmem:v60+s25+$0x0] =	vst.idx.msk $0xffff, v1  }
0x51b: {  	v58 =	vor.u32 s16, v22;
	v36 =	vor.u32 v7, v24;
	v37 =	vshll.u32 v55, $0x8;
	[tilespmem:v26+s25+$0x0] =	vst.idx.msk $0xffff, v25;
	v55 =	vld [tilespmem:s4+$0x0]  }
0x51c: {  	v59 =	vor.u32 s16, v23;
	v54 =	vshll.u32 v58, $0x8;
	v52 =	vor.u32 v39, v36;
	v26 =	vld [tilespmem:$0x1FF30]  }
0x51d: {  	v5 =	vand.u32 $0x2800, v56;
	v37 =	vand.u32 $0x2800, v37;
	v1 =	vor.u32 v42, v36;
	v27 =	vld.idx.msk [tilespmem:v27+s21+$0x0], $0xffff  }
0x51e: {  	v39 =	vor.u32 v5, v33;
	v5 =	vor.u32 v53, v35;
	v41 =	vor.u32 v37, v34;
	v31 =	vld.idx.msk [tilespmem:v31+s21+$0x0], $0xffff  }
0x51f: {  	v25 =	vand.u32 $0x2800, v54;
	v42 =	vor.u32 v58, v35;
	v53 =	vshll.u32 v53, $0x8  }
0x520: {  	s11 =	simm.s32 $0x20;
	v60 =	vor.u32 s12, v17;
	v37 =	vor.u32 v25, v36;
	v25 =	vor.u32 v59, v35  }
0x521: {  	s9 =	sand.u32 $0x20, s11;
	v53 =	vand.u32 $0x3800, v53;
	v56 =	vor.u32 v60, v35;
	v26 =	vor.u32 v26, v24  }
0x522: {  	s8 =	sor.u32 $0x10, s9;
	v24 =	vshll.u32 v59, $0x8;
	[tilespmem:v1+s25+$0x0] =	vst.idx.msk $0xffff, v27;
	v1 =	vor.u32 s4, v0;
	v27 =	vshll.u32 v55, $0x6  }
0x523: {  	[tilespmem:v52+s25+$0x0] =	vst.idx.msk $0xffff, v31;
	v31 =	vor.u32 s9, v0;
	v55 =	vor.u32 s8, v0;
	v53 =	vor.u32 v53, v26;
	v5 =	vld.idx.msk [tilespmem:v5+s21+$0x0], $0xffff  }
0x524: {  	v3 =	vor.u32 v3, v26;
	v27 =	vand.u32 $0x40, v27;
	v59 =	vshll.u32 v1, $0x7  }
0x525: {  	v50 =	vld.idx.msk [tilespmem:v50+s21+$0x0], $0xffff;
	v52 =	vshll.u32 v31, $0x8;
	v1 =	vand.u32 $0x7F, v1;
	v27 =	vor.u32 v59, v27  }
0x526: {  	v57 =	vor.u32 v31, v27;
	v31 =	vshll.u32 v60, $0x8;
	v60 =	vmov s4  }
0x527: {  	v52 =	vand.u32 $0x2800, v52;
	v58 =	vor.u32 v55, v27;
	v54 =	vshll.u32 v60, $0x3  }
0x528: {  	v31 =	vand.u32 $0x3800, v31;
	v60 =	vor.u32 s12, v43;
	[tilespmem:v53+s25+$0x0] =	vst.idx.msk $0xffff, v5;
	v5 =	vand.u32 $0x400, v54  }
0x529: {  	v59 =	vor.u32 v31, v28;
	v53 =	vor.u32 v60, v35;
	v31 =	vor.u32 v5, v1  }
0x52a: {  	[tilespmem:v3+s25+$0x0] =	vst.idx.msk $0xffff, v50;
	v3 =	vld.idx.msk [tilespmem:v56+s21+$0x0], $0xffff;
	v1 =	vor.u32 s9, v2;
	v5 =	vshll.u32 v55, $0x8;
	v55 =	vor.u32 s8, v2  }
0x52b: {  	v50 =	vld.idx.msk [tilespmem:v51+s21+$0x0], $0xffff;
	v28 =	vor.u32 v61, v31;
	v51 =	vor.u32 v1, v27;
	v5 =	vand.u32 $0x3800, v5  }
0x52c: {  	v54 =	vld.idx.msk [tilespmem:v58+s21+$0x0], $0xffff;
	v1 =	vshll.u32 v1, $0x8;
	v58 =	vshll.u32 v60, $0x8;
	v5 =	vor.u32 v5, v28  }
0x52d: {  	v56 =	vld.idx.msk [tilespmem:v57+s21+$0x0], $0xffff;
	v57 =	vor.u32 v55, v27;
	v52 =	vor.u32 v52, v28;
	v58 =	vand.u32 $0x3800, v58  }
0x52e: {  	v60 =	vor.u32 s9, v4;
	v1 =	vand.u32 $0x2800, v1;
	v58 =	vor.u32 v58, v29  }
0x52f: {  	v29 =	vshll.u32 v60, $0x8;
	[tilespmem:v59+s25+$0x0] =	vst.idx.msk $0xffff, v3;
	v3 =	vor.u32 v60, v27;
	v59 =	vor.u32 s12, v19  }
0x530: {  	[tilespmem:v49+s25+$0x0] =	vst.idx.msk $0xffff, v50;
	v49 =	vor.u32 s9, v6;
	v60 =	vand.u32 $0x2800, v29;
	v29 =	vor.u32 v62, v31  }
0x531: {  	v50 =	vor.u32 v59, v35;
	v53 =	vld.idx.msk [tilespmem:v53+s21+$0x0], $0xffff;
	v61 =	vor.u32 v49, v27;
	[tilespmem:v5+s25+$0x0] =	vst.idx.msk $0xffff, v54  }
0x532: {  	v48 =	vld.idx.msk [tilespmem:v48+s21+$0x0], $0xffff;
	v49 =	vshll.u32 v49, $0x8;
	v1 =	vor.u32 v1, v29;
	v5 =	vshll.u32 v55, $0x8;
	[tilespmem:v52+s25+$0x0] =	vst.idx.msk $0xffff, v56  }
0x533: {  	v7 =	vmovc v62;
	v62 =	vshll.u32 v59, $0x8;
	v59 =	vor.u32 s9, v10;
	v5 =	vand.u32 $0x3800, v5;
	v51 =	vld.idx.msk [tilespmem:v51+s21+$0x0], $0xffff  }
0x534: {  	v54 =	vor.u32 s8, v4;
	v55 =	vand.u32 $0x2800, v49;
	v52 =	vld.idx.msk [tilespmem:v57+s21+$0x0], $0xffff;
	v5 =	vor.u32 v5, v29  }
0x535: {  	v56 =	vand.u32 $0x3800, v62;
	v62 =	vor.u32 s12, v21;
	v57 =	vor.u32 s9, v8  }
0x536: {  	v49 =	vor.u32 v54, v27;
	v56 =	vor.u32 v56, v30;
	v30 =	vshll.u32 v57, $0x8;
	[tilespmem:v58+s25+$0x0] =	vst.idx.msk $0xffff, v53  }
0x537: {  	v53 =	vor.u32 v57, v27;
	[tilespmem:v47+s25+$0x0] =	vst.idx.msk $0xffff, v48;
	v48 =	vor.u32 v59, v27;
	v50 =	vld.idx.msk [tilespmem:v50+s21+$0x0], $0xffff  }
0x538: {  	v47 =	vor.u32 v62, v35;
	v57 =	vand.u32 $0x2800, v30;
	v46 =	vld.idx.msk [tilespmem:v46+s21+$0x0], $0xffff;
	[tilespmem:v1+s25+$0x0] =	vst.idx.msk $0xffff, v51  }
0x539: {  	v59 =	vshll.u32 v59, $0x8;
	v30 =	vor.u32 v63, v31;
	[tilespmem:v5+s25+$0x0] =	vst.idx.msk $0xffff, v52;
	v5 =	vshll.u32 v54, $0x8  }
0x53a: {  	v58 =	vshll.u32 v62, $0x8;
	v52 =	vor.u32 v60, v30;
	v3 =	vld.idx.msk [tilespmem:v3+s21+$0x0], $0xffff;
	v5 =	vand.u32 $0x3800, v5  }
0x53b: {  	v9 =	vmovc v63;
	v62 =	vor.u32 s12, v14;
	v58 =	vand.u32 $0x3800, v58;
	v51 =	vld.idx.msk [tilespmem:v49+s21+$0x0], $0xffff;
	v5 =	vor.u32 v5, v30  }
0x53c: {  	v63 =	vor.u32 v62, v35;
	v58 =	vor.u32 v58, v32;
	v54 =	vor.u32 s8, v6;
	[tilespmem:v56+s25+$0x0] =	vst.idx.msk $0xffff, v50  }
0x53d: {  	v1 =	vand.u32 $0x2800, v59;
	v49 =	vor.u32 s9, v12;
	v59 =	vor.u32 v54, v27;
	[tilespmem:v45+s25+$0x0] =	vst.idx.msk $0xffff, v46;
	v45 =	vld.idx.msk [tilespmem:v47+s21+$0x0], $0xffff  }
0x53e: {  	v32 =	vor.u32 s9, v15;
	v60 =	vor.u32 v49, v27;
	v49 =	vshll.u32 v49, $0x8;
	v44 =	vld.idx.msk [tilespmem:v44+s21+$0x0], $0xffff  }
0x53f: {  	v62 =	vshll.u32 v62, $0x8;
	v56 =	vand.u32 $0x2800, v49;
	v49 =	vor.u32 v32, v27;
	[tilespmem:v52+s25+$0x0] =	vst.idx.msk $0xffff, v3  }
0x540: {  	v50 =	vshll.u32 v32, $0x8;
	v32 =	vor.u32 v18, v31;
	[tilespmem:v5+s25+$0x0] =	vst.idx.msk $0xffff, v51;
	v5 =	vshll.u32 v54, $0x8  }
0x541: {  	v46 =	vor.u32 s9, v17;
	v51 =	vor.u32 v55, v32;
	v54 =	vld.idx.msk [tilespmem:v61+s21+$0x0], $0xffff;
	v3 =	vand.u32 $0x3800, v5  }
0x542: {  	v62 =	vand.u32 $0x3800, v62;
	v61 =	vshll.u32 v46, $0x8;
	v5 =	vld.idx.msk [tilespmem:v59+s21+$0x0], $0xffff;
	v3 =	vor.u32 v3, v32;
	[tilespmem:v58+s25+$0x0] =	vst.idx.msk $0xffff, v45  }
0x543: {  	v58 =	vor.u32 s9, v43;
	[tilespmem:v38+s25+$0x0] =	vst.idx.msk $0xffff, v44;
	v43 =	vand.u32 $0x2800, v61;
	v44 =	vor.u32 v62, v33;
	v61 =	vld.idx.msk [tilespmem:v63+s21+$0x0], $0xffff  }
0x544: {  	v40 =	vld.idx.msk [tilespmem:v40+s21+$0x0], $0xffff;
	_ =	sdelay $0x1  }
0x545: {  	v52 =	vor.u32 s8, v8;
	[tilespmem:v51+s25+$0x0] =	vst.idx.msk $0xffff, v54  }
0x546: {  	v55 =	vor.u32 v52, v27;
	[tilespmem:v3+s25+$0x0] =	vst.idx.msk $0xffff, v5  }
0x547: {  	[tilespmem:v44+s25+$0x0] =	vst.idx.msk $0xffff, v61  }
0x548: {  	v24 =	vand.u32 $0x2800, v24;
	[tilespmem:v39+s25+$0x0] =	vst.idx.msk $0xffff, v40  }
0x549: {  	v11 =	vmovc v18;
	v38 =	vor.u32 s12, v13;
	v33 =	vor.u32 v20, v31;
	v5 =	vshll.u32 v52, $0x8;
	v18 =	vld [tilespmem:$0x1FE50]  }
0x54a: {  	v62 =	vor.u32 v38, v35;
	v53 =	vld.idx.msk [tilespmem:v53+s21+$0x0], $0xffff;
	v52 =	vor.u32 v57, v33;
	v5 =	vand.u32 $0x3800, v5  }
0x54b: {  	v24 =	vor.u32 v24, v26;
	v51 =	vld.idx.msk [tilespmem:v55+s21+$0x0], $0xffff;
	v5 =	vor.u32 v5, v33  }
0x54c: {  	v47 =	vor.u32 v46, v27;
	v59 =	vor.u32 s12, v22;
	v54 =	vor.u32 s8, v10  }
0x54d: {  	v46 =	vor.u32 v43, v28;
	v38 =	vshll.u32 v38, $0x8;
	v55 =	vor.u32 v54, v27  }
0x54e: {  	v45 =	vor.u32 v58, v27;
	v63 =	vshll.u32 v58, $0x8;
	v57 =	vand.u32 $0x3800, v38  }
0x54f: {  	v57 =	vor.u32 v57, v34;
	v34 =	vor.u32 v16, v31;
	v58 =	vld.idx.msk [tilespmem:v62+s21+$0x0], $0xffff;
	[tilespmem:v52+s25+$0x0] =	vst.idx.msk $0xffff, v53  }
0x550: {  	v43 =	vand.u32 $0x2800, v63;
	v1 =	vor.u32 v1, v34;
	v48 =	vld.idx.msk [tilespmem:v48+s21+$0x0], $0xffff;
	[tilespmem:v5+s25+$0x0] =	vst.idx.msk $0xffff, v51;
	v5 =	vshll.u32 v54, $0x8  }
0x551: {  	v3 =	vor.u32 s9, v19;
	v61 =	vor.u32 v59, v35;
	v5 =	vand.u32 $0x3800, v5;
	v62 =	vld.idx.msk [tilespmem:v18+s21+$0x0], $0xffff  }
0x552: {  	v44 =	vor.u32 v3, v27;
	v3 =	vshll.u32 v3, $0x8;
	v51 =	vld.idx.msk [tilespmem:v55+s21+$0x0], $0xffff;
	v5 =	vor.u32 v5, v34  }
0x553: {  	v43 =	vor.u32 v43, v29;
	v59 =	vshll.u32 v59, $0x8;
	v3 =	vand.u32 $0x2800, v3  }
0x554: {  	v17 =	vmovc v13;
	v63 =	vand.u32 $0x3800, v59;
	v39 =	vor.u32 v3, v30;
	v3 =	vor.u32 s9, v21;
	[tilespmem:v57+s25+$0x0] =	vst.idx.msk $0xffff, v58  }
0x555: {  	v59 =	vor.u32 v63, v36;
	v40 =	vor.u32 v3, v27;
	v52 =	vor.u32 s8, v12;
	[tilespmem:v1+s25+$0x0] =	vst.idx.msk $0xffff, v48  }
0x556: {  	v3 =	vshll.u32 v3, $0x8;
	v53 =	vor.u32 v52, v27;
	v57 =	vld.idx.msk [tilespmem:v61+s21+$0x0], $0xffff;
	v61 =	vor.u32 s12, v23;
	[tilespmem:v41+s25+$0x0] =	vst.idx.msk $0xffff, v62  }
0x557: {  	v50 =	vand.u32 $0x2800, v50;
	v3 =	vand.u32 $0x2800, v3;
	v63 =	vor.u32 v61, v35;
	[tilespmem:v5+s25+$0x0] =	vst.idx.msk $0xffff, v51;
	v62 =	vld.idx.msk [tilespmem:v42+s21+$0x0], $0xffff  }
0x558: {  	v38 =	vor.u32 v3, v32;
	v3 =	vor.u32 s9, v14;
	v58 =	vor.u32 s9, v17;
	v1 =	vld [tilespmem:$0x1FFF0]  }
0x559: {  	v36 =	vor.u32 v58, v27;
	v41 =	vor.u32 v3, v27;
	v3 =	vshll.u32 v3, $0x8  }
0x55a: {  	v5 =	vshll.u32 v58, $0x8;
	v58 =	vshll.u32 v52, $0x8;
	v3 =	vand.u32 $0x2800, v3  }
0x55b: {  	v55 =	vld.idx.msk [tilespmem:v53+s21+$0x0], $0xffff;
	[tilespmem:v59+s25+$0x0] =	vst.idx.msk $0xffff, v57;
	v59 =	vor.u32 s8, v15;
	v42 =	vor.u32 v3, v33;
	v3 =	vshll.u32 v61, $0x8  }
0x55c: {  	v13 =	vmovc v20;
	v53 =	vor.u32 s9, v22;
	v57 =	vor.u32 v59, v27;
	v52 =	vld.idx.msk [tilespmem:v63+s21+$0x0], $0xffff;
	v48 =	vand.u32 $0x3800, v3  }
0x55d: {  	v14 =	vmovc v1;
	v35 =	vor.u32 v1, v31;
	v1 =	vand.u32 $0x2800, v5;
	v5 =	vand.u32 $0x3800, v58;
	[tilespmem:v37+s25+$0x0] =	vst.idx.msk $0xffff, v62  }
0x55e: {  	s14 =	simm.s32 $0x10;
	s12 =	simm.s32 $0x2;
	v54 =	vor.u32 v56, v35;
	v58 =	vor.u32 v5, v35;
	v56 =	vld.idx.msk [tilespmem:v60+s21+$0x0], $0xffff;
	v37 =	vor.u32 v1, v34  }
.LBB2_12:
0x55f: {  	v17 =	vld [tilespmem:$0x1FF30];
	_ =	sdelay $0x2  }
0x560: {  	s4 =	sand.u32 $0xF0, s14;
	v3 =	vld.idx.msk [tilespmem:v25+s21+$0x0], $0xffff;
	v5 =	vor.u32 v48, v26  }
0x561: {  	v51 =	vor.u32 v53, v27;
	v1 =	vshll.u32 v53, $0x8;
	v53 =	vld [tilespmem:s4+$0x0]  }
0x562: {  	v1 =	vand.u32 $0x2800, v1;
	v26 =	vor.u32 v17, v31;
	v17 =	vld [tilespmem:$0x1FF20]  }
0x563: {  	v60 =	vor.u32 s9, v23;
	v48 =	vor.u32 v1, v35;
	v1 =	vshll.u32 v59, $0x8;
	[tilespmem:v58+s25+$0x0] =	vst.idx.msk $0xffff, v55  }
0x564: {  	v25 =	vor.u32 v60, v27;
	v1 =	vand.u32 $0x3800, v1;
	[tilespmem:v54+s25+$0x0] =	vst.idx.msk $0xffff, v56;
	v54 =	vld.idx.msk [tilespmem:v57+s21+$0x0], $0xffff;
	v31 =	vshll.u32 v60, $0x8  }
0x565: {  	[tilespmem:v5+s25+$0x0] =	vst.idx.msk $0xffff, v52;
	v5 =	vor.u32 s4, v0;
	v50 =	vor.u32 v50, v26;
	v1 =	vor.u32 v1, v26  }
0x566: {  	s11 =	sadd.s32 $0x20, s11;
	v49 =	vld.idx.msk [tilespmem:v49+s21+$0x0], $0xffff;
	v31 =	vand.u32 $0x2800, v31;
	v59 =	vshll.u32 v53, $0x6;
	v60 =	vshll.u32 v5, $0x7  }
0x567: {  	s9 =	sand.u32 $0x20, s11;
	[tilespmem:v24+s25+$0x0] =	vst.idx.msk $0xffff, v3;
	v24 =	vor.u32 v31, v26;
	v3 =	vand.u32 $0x40, v59;
	v62 =	vor.u32 s8, v17  }
0x568: {  	v18 =	vld [tilespmem:$0x1FF40];
	s7 =	sor.u32 $0x10, s9;
	v31 =	vor.u32 s9, v0;
	v52 =	vor.u32 v60, v3;
	v63 =	vor.u32 v62, v27  }
0x569: {  	v19 =	vld [tilespmem:$0x1FF90];
	v53 =	vor.u32 s7, v0;
	v3 =	vshll.u32 v31, $0x8;
	v57 =	vor.u32 v31, v52  }
0x56a: {  	v61 =	vor.u32 v53, v52;
	v31 =	vmov s4;
	[tilespmem:v1+s25+$0x0] =	vst.idx.msk $0xffff, v54;
	v1 =	vshll.u32 v62, $0x8  }
0x56b: {  	v31 =	vshll.u32 v31, $0x3;
	[tilespmem:v50+s25+$0x0] =	vst.idx.msk $0xffff, v49;
	v1 =	vand.u32 $0x3800, v1  }
0x56c: {  	v5 =	vand.u32 $0x7F, v5;
	v47 =	vld.idx.msk [tilespmem:v47+s21+$0x0], $0xffff;
	v1 =	vor.u32 v1, v28;
	v28 =	vand.u32 $0x400, v31  }
0x56d: {  	v58 =	vor.u32 s7, v2;
	v3 =	vand.u32 $0x2800, v3;
	v31 =	vor.u32 v28, v5;
	v62 =	vld.idx.msk [tilespmem:v63+s21+$0x0], $0xffff  }
0x56e: {  	v53 =	vshll.u32 v53, $0x8;
	v28 =	vor.u32 v19, v31;
	v19 =	vld [tilespmem:$0x1FF50];
	v63 =	vor.u32 s8, v18  }
0x56f: {  	v59 =	vor.u32 v58, v52;
	v53 =	vand.u32 $0x3800, v53;
	v56 =	vld.idx.msk [tilespmem:v61+s21+$0x0], $0xffff;
	v60 =	vor.u32 v63, v27  }
0x570: {  	v49 =	vor.u32 s9, v6;
	v5 =	vor.u32 s9, v2;
	v57 =	vld.idx.msk [tilespmem:v57+s21+$0x0], $0xffff;
	v3 =	vor.u32 v3, v28  }
0x571: {  	v55 =	vor.u32 v5, v52;
	v5 =	vshll.u32 v5, $0x8;
	v53 =	vor.u32 v53, v28;
	[tilespmem:v46+s25+$0x0] =	vst.idx.msk $0xffff, v47  }
0x572: {  	v61 =	vor.u32 s9, v4;
	v5 =	vand.u32 $0x2800, v5;
	[tilespmem:v1+s25+$0x0] =	vst.idx.msk $0xffff, v62;
	v1 =	vshll.u32 v63, $0x8  }
0x573: {  	v47 =	vor.u32 v61, v52;
	v45 =	vld.idx.msk [tilespmem:v45+s21+$0x0], $0xffff;
	v50 =	vor.u32 s8, v19;
	v1 =	vand.u32 $0x3800, v1  }
0x574: {  	v54 =	vor.u32 v50, v27;
	v62 =	vshll.u32 v58, $0x8;
	v46 =	vld.idx.msk [tilespmem:v60+s21+$0x0], $0xffff;
	v1 =	vor.u32 v1, v29  }
0x575: {  	v20 =	vld [tilespmem:$0x1FF60];
	[tilespmem:v3+s25+$0x0] =	vst.idx.msk $0xffff, v57;
	v3 =	vshll.u32 v49, $0x8;
	v63 =	vor.u32 s9, v8;
	v29 =	vshll.u32 v61, $0x8  }
0x576: {  	[tilespmem:v53+s25+$0x0] =	vst.idx.msk $0xffff, v56;
	v53 =	vand.u32 $0x3800, v62;
	v60 =	vand.u32 $0x2800, v29;
	v29 =	vor.u32 v7, v31  }
0x577: {  	v56 =	vor.u32 s7, v4;
	v61 =	vor.u32 v49, v52;
	v49 =	vld.idx.msk [tilespmem:v59+s21+$0x0], $0xffff;
	v53 =	vor.u32 v53, v29  }
0x578: {  	v55 =	vld.idx.msk [tilespmem:v55+s21+$0x0], $0xffff;
	v57 =	vor.u32 v56, v52;
	[tilespmem:v43+s25+$0x0] =	vst.idx.msk $0xffff, v45;
	v5 =	vor.u32 v5, v29  }
0x579: {  	v3 =	vand.u32 $0x2800, v3;
	v58 =	vor.u32 v63, v52;
	[tilespmem:v1+s25+$0x0] =	vst.idx.msk $0xffff, v46;
	v1 =	vshll.u32 v50, $0x8  }
0x57a: {  	v45 =	vor.u32 s8, v20;
	v44 =	vld.idx.msk [tilespmem:v44+s21+$0x0], $0xffff;
	v50 =	vor.u32 s9, v10;
	v1 =	vand.u32 $0x3800, v1  }
0x57b: {  	v46 =	vor.u32 v45, v27;
	v43 =	vld.idx.msk [tilespmem:v54+s21+$0x0], $0xffff;
	v59 =	vor.u32 v50, v52;
	v1 =	vor.u32 v1, v30  }
0x57c: {  	v21 =	vld [tilespmem:$0x1FF70];
	v50 =	vshll.u32 v50, $0x8;
	v30 =	vshll.u32 v63, $0x8;
	[tilespmem:v53+s25+$0x0] =	vst.idx.msk $0xffff, v49;
	v53 =	vshll.u32 v56, $0x8  }
0x57d: {  	[tilespmem:v5+s25+$0x0] =	vst.idx.msk $0xffff, v55;
	v5 =	vand.u32 $0x2800, v50;
	v63 =	vor.u32 s9, v15;
	v62 =	vand.u32 $0x2800, v30;
	v50 =	vld.idx.msk [tilespmem:v57+s21+$0x0], $0xffff  }
0x57e: {  	v30 =	vor.u32 v9, v31;
	v49 =	vand.u32 $0x3800, v53;
	v47 =	vld.idx.msk [tilespmem:v47+s21+$0x0], $0xffff;
	v57 =	vor.u32 s7, v6  }
0x57f: {  	[tilespmem:v39+s25+$0x0] =	vst.idx.msk $0xffff, v44;
	v44 =	vor.u32 s9, v17;
	v55 =	vor.u32 v60, v30;
	v56 =	vor.u32 v49, v30  }
0x580: {  	v49 =	vor.u32 s9, v12;
	v60 =	vor.u32 v57, v52;
	[tilespmem:v1+s25+$0x0] =	vst.idx.msk $0xffff, v43;
	v1 =	vshll.u32 v45, $0x8  }
0x581: {  	v40 =	vld.idx.msk [tilespmem:v40+s21+$0x0], $0xffff;
	v53 =	vor.u32 v49, v52;
	v54 =	vshll.u32 v49, $0x8;
	v1 =	vand.u32 $0x3800, v1  }
0x582: {  	v49 =	vor.u32 v63, v52;
	v54 =	vand.u32 $0x2800, v54;
	v39 =	vld.idx.msk [tilespmem:v46+s21+$0x0], $0xffff;
	v1 =	vor.u32 v1, v32  }
0x583: {  	v43 =	vor.u32 s8, v21;
	v46 =	vshll.u32 v63, $0x8;
	v63 =	vshll.u32 v57, $0x8  }
0x584: {  	v17 =	vld [tilespmem:$0x1FF80];
	v45 =	vor.u32 v43, v27;
	[tilespmem:v56+s25+$0x0] =	vst.idx.msk $0xffff, v50;
	v32 =	vor.u32 v11, v31;
	v63 =	vand.u32 $0x3800, v63  }
0x585: {  	[tilespmem:v55+s25+$0x0] =	vst.idx.msk $0xffff, v47;
	v50 =	vand.u32 $0x2800, v46;
	v55 =	vld.idx.msk [tilespmem:v60+s21+$0x0], $0xffff;
	v57 =	vor.u32 v63, v32;
	v60 =	vor.u32 s7, v8  }
0x586: {  	v56 =	vld.idx.msk [tilespmem:v61+s21+$0x0], $0xffff;
	v3 =	vor.u32 v3, v32;
	[tilespmem:v38+s25+$0x0] =	vst.idx.msk $0xffff, v40;
	v61 =	vor.u32 v60, v52  }
0x587: {  	v47 =	vor.u32 v44, v52;
	v46 =	vshll.u32 v44, $0x8;
	[tilespmem:v1+s25+$0x0] =	vst.idx.msk $0xffff, v39;
	v1 =	vshll.u32 v43, $0x8  }
0x588: {  	v63 =	vor.u32 s9, v18;
	v40 =	vld.idx.msk [tilespmem:v41+s21+$0x0], $0xffff;
	v39 =	vand.u32 $0x2800, v46;
	v1 =	vand.u32 $0x3800, v1  }
0x589: {  	v41 =	vor.u32 s8, v17;
	v38 =	vld.idx.msk [tilespmem:v45+s21+$0x0], $0xffff;
	v46 =	vor.u32 v39, v28;
	v1 =	vor.u32 v1, v33  }
0x58a: {  	v60 =	vshll.u32 v60, $0x8;
	v45 =	vor.u32 v63, v52;
	v39 =	vor.u32 v41, v27;
	[tilespmem:v57+s25+$0x0] =	vst.idx.msk $0xffff, v55  }
0x58b: {  	v43 =	vshll.u32 v63, $0x8;
	[tilespmem:v3+s25+$0x0] =	vst.idx.msk $0xffff, v56;
	v33 =	vor.u32 v13, v31;
	v55 =	vld.idx.msk [tilespmem:v61+s21+$0x0], $0xffff;
	v61 =	vand.u32 $0x3800, v60  }
0x58c: {  	v63 =	vor.u32 s9, v19;
	v3 =	vand.u32 $0x2800, v43;
	v56 =	vld.idx.msk [tilespmem:v58+s21+$0x0], $0xffff;
	v58 =	vor.u32 v61, v33  }
0x58d: {  	v60 =	vor.u32 s7, v10;
	v43 =	vor.u32 v3, v29;
	[tilespmem:v42+s25+$0x0] =	vst.idx.msk $0xffff, v40;
	v57 =	vor.u32 v62, v33  }
0x58e: {  	v44 =	vor.u32 v63, v52;
	v3 =	vor.u32 v60, v52;
	[tilespmem:v1+s25+$0x0] =	vst.idx.msk $0xffff, v38;
	v1 =	vshll.u32 v41, $0x8  }
0x58f: {  	v63 =	vshll.u32 v63, $0x8;
	v42 =	vor.u32 s8, v22;
	v36 =	vld.idx.msk [tilespmem:v36+s21+$0x0], $0xffff;
	v1 =	vand.u32 $0x3800, v1  }
0x590: {  	v61 =	vor.u32 v42, v27;
	v38 =	vand.u32 $0x2800, v63;
	v41 =	vld.idx.msk [tilespmem:v39+s21+$0x0], $0xffff;
	v1 =	vor.u32 v1, v34  }
0x591: {  	v63 =	vshll.u32 v60, $0x8;
	v60 =	vor.u32 s8, v23;
	v39 =	vor.u32 v38, v30;
	[tilespmem:v58+s25+$0x0] =	vst.idx.msk $0xffff, v55  }
0x592: {  	v38 =	vor.u32 s9, v20;
	[tilespmem:v57+s25+$0x0] =	vst.idx.msk $0xffff, v56;
	v55 =	vand.u32 $0x3800, v63;
	v57 =	vor.u32 s7, v12  }
0x593: {  	v40 =	vor.u32 v38, v52;
	v62 =	vshll.u32 v38, $0x8;
	v34 =	vor.u32 v16, v31;
	v3 =	vld.idx.msk [tilespmem:v3+s21+$0x0], $0xffff  }
0x594: {  	v56 =	vld.idx.msk [tilespmem:v59+s21+$0x0], $0xffff;
	v58 =	vor.u32 v57, v52;
	[tilespmem:v37+s25+$0x0] =	vst.idx.msk $0xffff, v36;
	v55 =	vor.u32 v55, v34  }
0x595: {  	v59 =	vor.u32 s9, v17;
	v5 =	vor.u32 v5, v34;
	[tilespmem:v1+s25+$0x0] =	vst.idx.msk $0xffff, v41;
	v1 =	vshll.u32 v42, $0x8  }
0x596: {  	s8 =	smov.u32 s7;
	v38 =	vand.u32 $0x2800, v62;
	v51 =	vld.idx.msk [tilespmem:v51+s21+$0x0], $0xffff;
	v36 =	vor.u32 v59, v52;
	v1 =	vand.u32 $0x3800, v1  }
0x597: {  	s12 =	sadd.s32 $0x2, s12;
	v63 =	vshll.u32 v59, $0x8;
	v59 =	vor.u32 s8, v15;
	v37 =	vld.idx.msk [tilespmem:v61+s21+$0x0], $0xffff;
	v1 =	vor.u32 v1, v35  }
0x598: {  	p0 =	slt.u32 s12, $0x3E;
	v38 =	vor.u32 v38, v32;
	v42 =	vor.u32 s9, v21;
	v61 =	vor.u32 v60, v27  }
.Ltmp5:
0x599: {  	v41 =	vor.u32 v42, v52;
	v42 =	vshll.u32 v42, $0x8;
	v27 =	vmovc v52;
	[tilespmem:v55+s25+$0x0] =	vst.idx.msk $0xffff, v3;
	v3 =	vshll.u32 v57, $0x8;
	(pc) =	sbr.rel @p0 .LBB2_12-.Ltmp5, $4  }
0x59a: {  	[tilespmem:v5+s25+$0x0] =	vst.idx.msk $0xffff, v56;
	v5 =	vand.u32 $0x2800, v63;
	v42 =	vand.u32 $0x2800, v42;
	v35 =	vor.u32 v14, v31;
	v55 =	vld.idx.msk [tilespmem:v58+s21+$0x0], $0xffff  }
0x59b: {  	v3 =	vand.u32 $0x3800, v3;
	v56 =	vld.idx.msk [tilespmem:v53+s21+$0x0], $0xffff;
	v57 =	vor.u32 v59, v27;
	v53 =	vor.u32 s9, v22;
	[tilespmem:v48+s25+$0x0] =	vst.idx.msk $0xffff, v51  }
0x59c: {  	v54 =	vor.u32 v54, v35;
	v58 =	vor.u32 v3, v35;
	[tilespmem:v1+s25+$0x0] =	vst.idx.msk $0xffff, v37;
	v1 =	vshll.u32 v60, $0x8  }
0x59d: {  	s14 =	sadd.s32 $0x8, s14;
	v42 =	vor.u32 v42, v33;
	v37 =	vor.u32 v5, v34;
	v52 =	vld.idx.msk [tilespmem:v61+s21+$0x0], $0xffff;
	v48 =	vand.u32 $0x3800, v1  }
0x59e: {  	_ =	sdelay $0x3  }
0x59f: {  	[tilespmem:v58+s25+$0x0] =	vst.idx.msk $0xffff, v55  }
0x5a0: {  	v58 =	vld [tilespmem:$0x1FF30];
	_ =	sdelay $0x2  }
0x5a1: {  	[tilespmem:v54+s25+$0x0] =	vst.idx.msk $0xffff, v56  }
0x5a2: {  	v1 =	vshll.u32 v59, $0x8;
	v18 =	vld [tilespmem:$0x1FF20]  }
0x5a3: {  	v1 =	vand.u32 $0x3800, v1;
	v3 =	vor.u32 v58, v31  }
0x5a4: {  	v5 =	vld.idx.msk [tilespmem:v57+s21+$0x0], $0xffff;
	v1 =	vor.u32 v1, v3  }
0x5a5: {  	v49 =	vld.idx.msk [tilespmem:v49+s21+$0x0], $0xffff;
	v50 =	vor.u32 v50, v3;
	_ =	sdelay $0x1  }
0x5a6: {  	v31 =	vor.u32 s8, v18  }
0x5a7: {  	v51 =	vor.u32 v31, v27  }
0x5a8: {  	[tilespmem:v1+s25+$0x0] =	vst.idx.msk $0xffff, v5  }
0x5a9: {  	[tilespmem:v50+s25+$0x0] =	vst.idx.msk $0xffff, v49  }
0x5aa: {  	v31 =	vshll.u32 v31, $0x8;
	v20 =	vld [tilespmem:$0x1FF40]  }
0x5ab: {  	v1 =	vand.u32 $0x3800, v31  }
0x5ac: {  	v5 =	vld.idx.msk [tilespmem:v51+s21+$0x0], $0xffff;
	v1 =	vor.u32 v1, v28  }
0x5ad: {  	v31 =	vld.idx.msk [tilespmem:v47+s21+$0x0], $0xffff;
	_ =	sdelay $0x1  }
0x5ae: {  	v28 =	vor.u32 s8, v20  }
0x5af: {  	v51 =	vor.u32 v28, v27  }
0x5b0: {  	[tilespmem:v1+s25+$0x0] =	vst.idx.msk $0xffff, v5  }
0x5b1: {  	[tilespmem:v46+s25+$0x0] =	vst.idx.msk $0xffff, v31;
	v28 =	vshll.u32 v28, $0x8  }
0x5b2: {  	v19 =	vld [tilespmem:$0x1FF50];
	v1 =	vand.u32 $0x3800, v28  }
0x5b3: {  	v1 =	vor.u32 v1, v29;
	v29 =	vld.idx.msk [tilespmem:v45+s21+$0x0], $0xffff  }
0x5b4: {  	v5 =	vld.idx.msk [tilespmem:v51+s21+$0x0], $0xffff;
	_ =	sdelay $0x3  }
0x5b5: {  	v28 =	vor.u32 s8, v19;
	[tilespmem:v43+s25+$0x0] =	vst.idx.msk $0xffff, v29  }
0x5b6: {  	v31 =	vor.u32 v28, v27;
	[tilespmem:v1+s25+$0x0] =	vst.idx.msk $0xffff, v5  }
0x5b7: {  	v21 =	vld [tilespmem:$0x1FF60];
	_ =	sdelay $0x1  }
0x5b8: {  	v28 =	vshll.u32 v28, $0x8  }
0x5b9: {  	v29 =	vld.idx.msk [tilespmem:v44+s21+$0x0], $0xffff;
	v1 =	vand.u32 $0x3800, v28  }
0x5ba: {  	v5 =	vld.idx.msk [tilespmem:v31+s21+$0x0], $0xffff;
	v1 =	vor.u32 v1, v30  }
0x5bb: {  	v28 =	vor.u32 s8, v21  }
0x5bc: {  	v30 =	vor.u32 v28, v27;
	_ =	sdelay $0x1  }
0x5bd: {  	[tilespmem:v39+s25+$0x0] =	vst.idx.msk $0xffff, v29  }
0x5be: {  	v29 =	vld.idx.msk [tilespmem:v40+s21+$0x0], $0xffff;
	[tilespmem:v1+s25+$0x0] =	vst.idx.msk $0xffff, v5;
	v28 =	vshll.u32 v28, $0x8  }
0x5bf: {  	v55 =	vld [tilespmem:$0x1FF70];
	v1 =	vand.u32 $0x3800, v28  }
0x5c0: {  	v1 =	vor.u32 v1, v32;
	v5 =	vld.idx.msk [tilespmem:v30+s21+$0x0], $0xffff;
	_ =	sdelay $0x3  }
0x5c1: {  	[tilespmem:v38+s25+$0x0] =	vst.idx.msk $0xffff, v29  }
0x5c2: {  	v28 =	vor.u32 s8, v55;
	[tilespmem:v1+s25+$0x0] =	vst.idx.msk $0xffff, v5  }
0x5c3: {  	v30 =	vor.u32 v28, v27;
	v54 =	vld [tilespmem:$0x1FF80];
	_ =	sdelay $0x2  }
0x5c4: {  	v28 =	vshll.u32 v28, $0x8  }
0x5c5: {  	v1 =	vand.u32 $0x3800, v28  }
0x5c6: {  	v5 =	vld.idx.msk [tilespmem:v30+s21+$0x0], $0xffff;
	v1 =	vor.u32 v1, v33;
	v28 =	vor.u32 s8, v54  }
0x5c7: {  	v29 =	vld.idx.msk [tilespmem:v41+s21+$0x0], $0xffff;
	v30 =	vor.u32 v28, v27;
	_ =	sdelay $0x2  }
0x5c8: {  	v28 =	vshll.u32 v28, $0x8  }
0x5c9: {  	[tilespmem:v1+s25+$0x0] =	vst.idx.msk $0xffff, v5;
	v1 =	vand.u32 $0x3800, v28  }
0x5ca: {  	[tilespmem:v42+s25+$0x0] =	vst.idx.msk $0xffff, v29;
	v28 =	vor.u32 s8, v22;
	v1 =	vor.u32 v1, v34;
	v5 =	vld.idx.msk [tilespmem:v30+s21+$0x0], $0xffff  }
0x5cb: {  	v29 =	vld.idx.msk [tilespmem:v36+s21+$0x0], $0xffff;
	v30 =	vor.u32 v28, v27  }
0x5cc: {  	v31 =	vor.u32 v53, v27;
	_ =	sdelay $0x1  }
0x5cd: {  	v28 =	vshll.u32 v28, $0x8  }
0x5ce: {  	v53 =	vshll.u32 v53, $0x8;
	[tilespmem:v1+s25+$0x0] =	vst.idx.msk $0xffff, v5;
	v1 =	vand.u32 $0x3800, v28  }
0x5cf: {  	[tilespmem:v37+s25+$0x0] =	vst.idx.msk $0xffff, v29;
	v29 =	vor.u32 s8, v23;
	v5 =	vand.u32 $0x2800, v53;
	v28 =	vld.idx.msk [tilespmem:v30+s21+$0x0], $0xffff;
	v1 =	vor.u32 v1, v35  }
0x5d0: {  	v31 =	vld.idx.msk [tilespmem:v31+s21+$0x0], $0xffff;
	v56 =	vor.u32 v29, v27;
	v30 =	vor.u32 s9, v23;
	v5 =	vor.u32 v5, v35  }
0x5d1: {  	v27 =	vor.u32 v30, v27;
	_ =	sdelay $0x1  }
0x5d2: {  	v26 =	vor.u32 v48, v26;
	v29 =	vshll.u32 v29, $0x8  }
0x5d3: {  	v25 =	vld.idx.msk [tilespmem:v25+s21+$0x0], $0xffff;
	v30 =	vshll.u32 v30, $0x8;
	[tilespmem:v1+s25+$0x0] =	vst.idx.msk $0xffff, v28;
	v1 =	vand.u32 $0x3800, v29  }
0x5d4: {  	v28 =	vand.u32 $0x2800, v30;
	[tilespmem:v5+s25+$0x0] =	vst.idx.msk $0xffff, v31;
	v5 =	vld.idx.msk [tilespmem:v56+s21+$0x0], $0xffff;
	v1 =	vor.u32 v1, v3  }
0x5d5: {  	v3 =	vor.u32 v28, v3;
	v27 =	vld.idx.msk [tilespmem:v27+s21+$0x0], $0xffff;
	_ =	sdelay $0x1  }
0x5d6: {  	[tilespmem:v26+s25+$0x0] =	vst.idx.msk $0xffff, v52  }
0x5d7: {  	[tilespmem:v24+s25+$0x0] =	vst.idx.msk $0xffff, v25  }
0x5d8: {  	[tilespmem:v1+s25+$0x0] =	vst.idx.msk $0xffff, v5  }
0x5d9: {  	[tilespmem:v3+s25+$0x0] =	vst.idx.msk $0xffff, v27  }
0x5da: {  	s4 =	rddreg [dreg:$0xa]  }
0x5db: {  	[hbm4b:s4+s26] =	stream.strided.scatter [tilespmem:s25], [sflag:$0x3], $0x4000, s28, s26, $0x38;
	[tilespmem:$0x18400] =	vst v63  }
0x5dc: {  	_ =	swait.ge [sflag:s2], $0x4000  }
0x5dd: {  	[sflag:s2] =	ssyncset.done $0x0  }
0x5de: {  	[sflag:s2] =	ssyncadd.s32 $0xFFFFC000  }
0x5df: {  	_ =	swait.ge [sflag:s29], $0x8000  }
0x5e0: {  	s15 =	simm.s32 $0x0;
	[sflag:s29] =	ssyncset.done $0x0  }
0x5e1: {  	s16 =	sand.u32 $0xF0, s15;
	[sflag:s29] =	ssyncadd.s32 $0xFFFF8000  }
0x5e2: {  	v1 =	vld [tilespmem:s16+$0x100];
	_ =	sdelay $0x4  }
0x5e3: {  	s7 =	sand.u32 $0x20, s15;
	v3 =	vor.u32 s16, v0;
	v1 =	vshll.u32 v1, $0x6  }
0x5e4: {  	s12 =	sor.u32 $0x10, s7;
	v5 =	vshll.u32 v3, $0x7;
	v1 =	vand.u32 $0x40, v1  }
0x5e5: {  	v61 =	vld [tilespmem:$0x1FF90];
	v35 =	vor.u32 v5, v1;
	v1 =	vor.u32 s12, v0  }
0x5e6: {  	v24 =	vmov s16;
	v5 =	vor.u32 v1, v35  }
0x5e7: {  	v25 =	vor.u32 s7, v0;
	v24 =	vshll.u32 v24, $0x3  }
0x5e8: {  	v24 =	vand.u32 $0x400, v24;
	v3 =	vand.u32 $0x7F, v3;
	v26 =	vor.u32 v25, v35  }
0x5e9: {  	v24 =	vor.u32 v24, v3;
	v1 =	vshll.u32 v1, $0x8  }
0x5ea: {  	v28 =	vor.u32 v61, v24;
	v1 =	vand.u32 $0x3800, v1  }
0x5eb: {  	v3 =	vshll.u32 v25, $0x8;
	v25 =	vor.u32 s12, v2;
	v1 =	vor.u32 v1, v28;
	v5 =	vld.idx.msk [tilespmem:v5+s23+$0x0], $0xffff  }
0x5ec: {  	v3 =	vand.u32 $0x2800, v3;
	v27 =	vor.u32 v25, v35  }
0x5ed: {  	v29 =	vor.u32 s7, v2;
	v3 =	vor.u32 v3, v28;
	v26 =	vld.idx.msk [tilespmem:v26+s23+$0x0], $0xffff  }
0x5ee: {  	v30 =	vor.u32 v29, v35  }
0x5ef: {  	v29 =	vshll.u32 v29, $0x8;
	v25 =	vshll.u32 v25, $0x8  }
0x5f0: {  	v31 =	vand.u32 $0x2800, v29;
	v29 =	vor.u32 v7, v24;
	[tilespmem:v1+s30+$0x0] =	vst.idx.msk $0xffff, v5;
	v1 =	vand.u32 $0x3800, v25  }
0x5f1: {  	v25 =	vld.idx.msk [tilespmem:v27+s23+$0x0], $0xffff;
	v1 =	vor.u32 v1, v29;
	v27 =	vor.u32 s12, v4  }
0x5f2: {  	[tilespmem:v3+s30+$0x0] =	vst.idx.msk $0xffff, v26;
	v3 =	vor.u32 v27, v35  }
0x5f3: {  	v57 =	vor.u32 s7, v4;
	v31 =	vor.u32 v31, v29;
	v62 =	vld.idx.msk [tilespmem:v30+s23+$0x0], $0xffff  }
0x5f4: {  	v5 =	vor.u32 v57, v35;
	v30 =	vor.u32 s7, v8  }
0x5f5: {  	v59 =	vor.u32 s7, v6;
	v37 =	vor.u32 v30, v35;
	v27 =	vshll.u32 v27, $0x8  }
0x5f6: {  	v46 =	vshll.u32 v30, $0x8;
	v30 =	vor.u32 v9, v24;
	[tilespmem:v1+s30+$0x0] =	vst.idx.msk $0xffff, v25;
	v1 =	vand.u32 $0x3800, v27  }
0x5f7: {  	v32 =	vshll.u32 v57, $0x8;
	v27 =	vor.u32 s12, v6;
	v3 =	vld.idx.msk [tilespmem:v3+s23+$0x0], $0xffff;
	v1 =	vor.u32 v1, v30  }
0x5f8: {  	v60 =	vshll.u32 v59, $0x8;
	v26 =	vand.u32 $0x2800, v32;
	[tilespmem:v31+s30+$0x0] =	vst.idx.msk $0xffff, v62;
	v47 =	vor.u32 v27, v35  }
0x5f9: {  	v63 =	vand.u32 $0x2800, v60;
	v26 =	vor.u32 v26, v30;
	v5 =	vld.idx.msk [tilespmem:v5+s23+$0x0], $0xffff  }
0x5fa: {  	v45 =	vor.u32 s7, v10;
	v53 =	vor.u32 s7, v15;
	v56 =	vor.u32 s7, v18  }
0x5fb: {  	v33 =	vor.u32 v59, v35;
	v32 =	vshll.u32 v45, $0x8;
	v27 =	vshll.u32 v27, $0x8  }
0x5fc: {  	v40 =	vand.u32 $0x2800, v32;
	v32 =	vor.u32 v11, v24;
	[tilespmem:v1+s30+$0x0] =	vst.idx.msk $0xffff, v3;
	v1 =	vand.u32 $0x3800, v27  }
0x5fd: {  	v50 =	vor.u32 v53, v35;
	v57 =	vor.u32 s12, v8;
	v27 =	vld.idx.msk [tilespmem:v47+s23+$0x0], $0xffff;
	v1 =	vor.u32 v1, v32  }
0x5fe: {  	v60 =	vor.u32 s7, v20;
	v51 =	vor.u32 v56, v35;
	[tilespmem:v26+s30+$0x0] =	vst.idx.msk $0xffff, v5;
	v5 =	vor.u32 v57, v35  }
0x5ff: {  	v48 =	vor.u32 v60, v35;
	v34 =	vshll.u32 v57, $0x8;
	v26 =	vshll.u32 v56, $0x8  }
0x600: {  	v36 =	vor.u32 v63, v32;
	v63 =	vor.u32 s12, v10;
	v59 =	vld.idx.msk [tilespmem:v33+s23+$0x0], $0xffff;
	v26 =	vand.u32 $0x2800, v26  }
0x601: {  	v38 =	vand.u32 $0x2800, v46;
	v49 =	vor.u32 v26, v28;
	v26 =	vshll.u32 v60, $0x8  }
0x602: {  	v33 =	vor.u32 v13, v24;
	[tilespmem:v1+s30+$0x0] =	vst.idx.msk $0xffff, v27;
	v1 =	vand.u32 $0x2800, v26;
	v26 =	vand.u32 $0x3800, v34  }
0x603: {  	v25 =	vor.u32 v45, v35;
	v31 =	vor.u32 s7, v12;
	v5 =	vld.idx.msk [tilespmem:v5+s23+$0x0], $0xffff;
	v26 =	vor.u32 v26, v33  }
0x604: {  	v62 =	vor.u32 s7, v19;
	v52 =	vshll.u32 v31, $0x8;
	v31 =	vor.u32 v31, v35  }
0x605: {  	v43 =	vshll.u32 v62, $0x8;
	[tilespmem:v36+s30+$0x0] =	vst.idx.msk $0xffff, v59;
	v47 =	vor.u32 v1, v29;
	v1 =	vor.u32 v63, v35  }
0x606: {  	v39 =	vand.u32 $0x2800, v52;
	v52 =	vor.u32 s7, v21;
	v27 =	vor.u32 v38, v33;
	v37 =	vld.idx.msk [tilespmem:v37+s23+$0x0], $0xffff  }
0x607: {  	v46 =	vor.u32 v62, v35;
	v44 =	vor.u32 v52, v35;
	v38 =	vshll.u32 v52, $0x8  }
0x608: {  	v3 =	vshll.u32 v53, $0x8;
	v53 =	vshll.u32 v63, $0x8;
	[tilespmem:v26+s30+$0x0] =	vst.idx.msk $0xffff, v5;
	v5 =	vand.u32 $0x2800, v38  }
0x609: {  	v57 =	vor.u32 s12, v12;
	v36 =	vand.u32 $0x2800, v43;
	v5 =	vor.u32 v5, v32  }
0x60a: {  	v34 =	vor.u32 v16, v24;
	v45 =	vor.u32 v36, v30;
	v36 =	vand.u32 $0x3800, v53;
	v1 =	vld.idx.msk [tilespmem:v1+s23+$0x0], $0xffff;
	[tilespmem:$0x1FE20] =	vst v5  }
0x60b: {  	v3 =	vand.u32 $0x2800, v3;
	v62 =	vshll.u32 v57, $0x8;
	v56 =	vor.u32 v36, v34;
	[tilespmem:v27+s30+$0x0] =	vst.idx.msk $0xffff, v37  }
0x60c: {  	v26 =	vor.u32 v40, v34;
	v5 =	vor.u32 s7, v55;
	v27 =	vor.u32 v57, v35;
	v25 =	vld.idx.msk [tilespmem:v25+s23+$0x0], $0xffff  }
0x60d: {  	v59 =	vor.u32 s7, v54;
	v60 =	vshll.u32 v5, $0x8;
	v5 =	vor.u32 v5, v35  }
0x60e: {  	s17 =	simm.s32 $0x8;
	s11 =	simm.s32 $0x20;
	v42 =	vand.u32 $0x3800, v62;
	v63 =	vor.u32 s12, v15;
	[tilespmem:$0x1FE30] =	vst v5;
	v5 =	vor.u32 v59, v35  }
0x60f: {  	s9 =	sand.u32 $0x20, s11;
	s4 =	sand.u32 $0xF0, s17;
	v62 =	vor.u32 s7, v23;
	v36 =	vor.u32 v14, v24;
	v53 =	vshll.u32 v63, $0x8;
	[tilespmem:$0x1FE40] =	vst v5  }
0x610: {  	s8 =	sor.u32 $0x10, s9;
	v52 =	vor.u32 v39, v36;
	v53 =	vand.u32 $0x3800, v53;
	v38 =	vmovc v55;
	v5 =	vand.u32 $0x2800, v60;
	[tilespmem:v56+s30+$0x0] =	vst.idx.msk $0xffff, v1;
	v60 =	vld [tilespmem:s4+$0x100]  }
0x611: {  	v55 =	vor.u32 s8, v0;
	v37 =	vshll.u32 v59, $0x8;
	v1 =	vor.u32 v42, v36;
	v27 =	vld.idx.msk [tilespmem:v27+s23+$0x0], $0xffff;
	[tilespmem:v26+s30+$0x0] =	vst.idx.msk $0xffff, v25  }
0x612: {  	v57 =	vor.u32 s7, v22;
	v39 =	vor.u32 v5, v33;
	v5 =	vor.u32 v63, v35;
	v31 =	vld.idx.msk [tilespmem:v31+s23+$0x0], $0xffff  }
0x613: {  	v37 =	vand.u32 $0x2800, v37;
	v59 =	vshll.u32 v57, $0x8;
	v63 =	vor.u32 s12, v18  }
0x614: {  	v41 =	vor.u32 v37, v34;
	v42 =	vor.u32 v57, v35;
	v56 =	vor.u32 v63, v35  }
0x615: {  	v25 =	vand.u32 $0x2800, v59;
	v26 =	vor.u32 v58, v24;
	v24 =	vshll.u32 v62, $0x8  }
0x616: {  	v37 =	vor.u32 v25, v36;
	[tilespmem:v1+s30+$0x0] =	vst.idx.msk $0xffff, v27;
	v1 =	vor.u32 s4, v0;
	v27 =	vshll.u32 v60, $0x6  }
0x617: {  	v53 =	vor.u32 v53, v26;
	v5 =	vld.idx.msk [tilespmem:v5+s23+$0x0], $0xffff;
	v27 =	vand.u32 $0x40, v27;
	v60 =	vshll.u32 v1, $0x7;
	[tilespmem:v52+s30+$0x0] =	vst.idx.msk $0xffff, v31  }
0x618: {  	v3 =	vor.u32 v3, v26;
	v31 =	vor.u32 s9, v0;
	v27 =	vor.u32 v60, v27;
	v50 =	vld.idx.msk [tilespmem:v50+s23+$0x0], $0xffff  }
0x619: {  	v25 =	vor.u32 v62, v35;
	v62 =	vshll.u32 v31, $0x8;
	v57 =	vor.u32 v31, v27  }
0x61a: {  	v43 =	vor.u32 v55, v27;
	v31 =	vshll.u32 v63, $0x8;
	v63 =	vmov s4  }
0x61b: {  	v40 =	vmovc v54;
	v1 =	vand.u32 $0x7F, v1;
	v31 =	vand.u32 $0x3800, v31;
	v54 =	vshll.u32 v63, $0x3  }
0x61c: {  	v60 =	vor.u32 s12, v20;
	v59 =	vor.u32 v31, v28;
	[tilespmem:v53+s30+$0x0] =	vst.idx.msk $0xffff, v5;
	v5 =	vand.u32 $0x400, v54  }
0x61d: {  	v58 =	vshll.u32 v60, $0x8;
	v31 =	vor.u32 v5, v1;
	v5 =	vshll.u32 v55, $0x8;
	[tilespmem:v3+s30+$0x0] =	vst.idx.msk $0xffff, v50;
	v3 =	vld.idx.msk [tilespmem:v56+s23+$0x0], $0xffff  }
0x61e: {  	v53 =	vor.u32 v60, v35;
	v28 =	vor.u32 v61, v31;
	v5 =	vand.u32 $0x3800, v5;
	v50 =	vld.idx.msk [tilespmem:v51+s23+$0x0], $0xffff  }
0x61f: {  	v52 =	vand.u32 $0x2800, v62;
	v58 =	vand.u32 $0x3800, v58;
	v54 =	vld.idx.msk [tilespmem:v43+s23+$0x0], $0xffff;
	v5 =	vor.u32 v5, v28  }
0x620: {  	v58 =	vor.u32 v58, v29;
	v1 =	vor.u32 s9, v2;
	v56 =	vld.idx.msk [tilespmem:v57+s23+$0x0], $0xffff;
	v52 =	vor.u32 v52, v28  }
0x621: {  	v55 =	vor.u32 s8, v2;
	v43 =	vor.u32 s9, v4;
	v51 =	vor.u32 v1, v27  }
0x622: {  	v57 =	vor.u32 v55, v27;
	v1 =	vshll.u32 v1, $0x8;
	v29 =	vshll.u32 v43, $0x8;
	[tilespmem:v59+s30+$0x0] =	vst.idx.msk $0xffff, v3  }
0x623: {  	v1 =	vand.u32 $0x2800, v1;
	v60 =	vand.u32 $0x2800, v29;
	v59 =	vor.u32 s12, v19;
	[tilespmem:v49+s30+$0x0] =	vst.idx.msk $0xffff, v50;
	v53 =	vld.idx.msk [tilespmem:v53+s23+$0x0], $0xffff  }
0x624: {  	v29 =	vor.u32 v7, v31;
	v50 =	vor.u32 v59, v35;
	[tilespmem:v5+s30+$0x0] =	vst.idx.msk $0xffff, v54;
	v48 =	vld.idx.msk [tilespmem:v48+s23+$0x0], $0xffff  }
0x625: {  	v3 =	vor.u32 v43, v27;
	v43 =	vor.u32 s9, v6;
	v5 =	vshll.u32 v55, $0x8;
	[tilespmem:v52+s30+$0x0] =	vst.idx.msk $0xffff, v56  }
0x626: {  	v1 =	vor.u32 v1, v29;
	v49 =	vshll.u32 v43, $0x8;
	v5 =	vand.u32 $0x3800, v5;
	v51 =	vld.idx.msk [tilespmem:v51+s23+$0x0], $0xffff  }
0x627: {  	v54 =	vor.u32 s8, v4;
	v63 =	vshll.u32 v59, $0x8;
	v52 =	vld.idx.msk [tilespmem:v57+s23+$0x0], $0xffff;
	v5 =	vor.u32 v5, v29  }
0x628: {  	v17 =	vmovc v21;
	v55 =	vand.u32 $0x2800, v49;
	v49 =	vor.u32 v54, v27;
	v56 =	vand.u32 $0x3800, v63;
	[tilespmem:v58+s30+$0x0] =	vst.idx.msk $0xffff, v53  }
0x629: {  	v63 =	vor.u32 s12, v17;
	v56 =	vor.u32 v56, v30;
	[tilespmem:v47+s30+$0x0] =	vst.idx.msk $0xffff, v48;
	v50 =	vld.idx.msk [tilespmem:v50+s23+$0x0], $0xffff  }
0x62a: {  	v61 =	vor.u32 v43, v27;
	v43 =	vor.u32 s9, v8;
	v47 =	vor.u32 v63, v35;
	v46 =	vld.idx.msk [tilespmem:v46+s23+$0x0], $0xffff  }
0x62b: {  	v30 =	vshll.u32 v43, $0x8;
	[tilespmem:v1+s30+$0x0] =	vst.idx.msk $0xffff, v51  }
0x62c: {  	v57 =	vand.u32 $0x2800, v30;
	v30 =	vor.u32 v9, v31;
	[tilespmem:v5+s30+$0x0] =	vst.idx.msk $0xffff, v52;
	v5 =	vshll.u32 v54, $0x8  }
0x62d: {  	v58 =	vshll.u32 v63, $0x8;
	v52 =	vor.u32 v60, v30;
	v3 =	vld.idx.msk [tilespmem:v3+s23+$0x0], $0xffff;
	v5 =	vand.u32 $0x3800, v5  }
0x62e: {  	v58 =	vand.u32 $0x3800, v58;
	v51 =	vld.idx.msk [tilespmem:v49+s23+$0x0], $0xffff;
	v5 =	vor.u32 v5, v30;
	[tilespmem:v56+s30+$0x0] =	vst.idx.msk $0xffff, v50  }
0x62f: {  	v58 =	vor.u32 v58, v32;
	[tilespmem:v45+s30+$0x0] =	vst.idx.msk $0xffff, v46;
	v45 =	vld.idx.msk [tilespmem:v47+s23+$0x0], $0xffff  }
0x630: {  	v62 =	vor.u32 s9, v10  }
0x631: {  	v59 =	vshll.u32 v62, $0x8;
	v54 =	vor.u32 s8, v6  }
0x632: {  	v1 =	vand.u32 $0x2800, v59;
	v59 =	vor.u32 v54, v27;
	[tilespmem:v52+s30+$0x0] =	vst.idx.msk $0xffff, v3  }
0x633: {  	[tilespmem:v5+s30+$0x0] =	vst.idx.msk $0xffff, v51  }
0x634: {  	v21 =	vmov v18;
	v18 =	vmov v20;
	[tilespmem:v58+s30+$0x0] =	vst.idx.msk $0xffff, v45  }
0x635: {  	v5 =	vshll.u32 v54, $0x8;
	v58 =	vor.u32 s9, v18;
	v18 =	vld [tilespmem:$0x1FE20]  }
0x636: {  	v32 =	vor.u32 v11, v31;
	v3 =	vand.u32 $0x3800, v5  }
0x637: {  	v5 =	vld.idx.msk [tilespmem:v59+s23+$0x0], $0xffff;
	v3 =	vor.u32 v3, v32  }
0x638: {  	v44 =	vld.idx.msk [tilespmem:v44+s23+$0x0], $0xffff;
	_ =	sdelay $0x3  }
0x639: {  	[tilespmem:v3+s30+$0x0] =	vst.idx.msk $0xffff, v5  }
0x63a: {  	[tilespmem:v18+s30+$0x0] =	vst.idx.msk $0xffff, v44  }
0x63b: {  	v3 =	vor.u32 s9, v19;
	v19 =	vld [tilespmem:$0x1FE30]  }
0x63c: {  	v48 =	vor.u32 v62, v27;
	v62 =	vor.u32 s12, v38  }
0x63d: {  	v63 =	vor.u32 v62, v35  }
0x63e: {  	v53 =	vor.u32 v43, v27;
	v43 =	vor.u32 s9, v12;
	v51 =	vor.u32 v55, v32;
	v54 =	vld.idx.msk [tilespmem:v61+s23+$0x0], $0xffff  }
0x63f: {  	v60 =	vor.u32 v43, v27  }
0x640: {  	v49 =	vshll.u32 v43, $0x8;
	v43 =	vshll.u32 v62, $0x8;
	v46 =	vor.u32 s9, v21  }
0x641: {  	v62 =	vand.u32 $0x3800, v43;
	v61 =	vshll.u32 v46, $0x8  }
0x642: {  	v43 =	vand.u32 $0x2800, v61;
	v61 =	vld.idx.msk [tilespmem:v63+s23+$0x0], $0xffff;
	v44 =	vor.u32 v62, v33  }
0x643: {  	[tilespmem:v51+s30+$0x0] =	vst.idx.msk $0xffff, v54;
	v63 =	vld.idx.msk [tilespmem:v19+s23+$0x0], $0xffff  }
0x644: {  	v19 =	vld [tilespmem:$0x1FFD0]  }
0x645: {  	v52 =	vor.u32 s8, v8  }
0x646: {  	v55 =	vor.u32 v52, v27  }
0x647: {  	v20 =	vmov v17;
	v17 =	vmov v38;
	v38 =	vor.u32 s9, v15;
	[tilespmem:v44+s30+$0x0] =	vst.idx.msk $0xffff, v61  }
0x648: {  	v56 =	vand.u32 $0x2800, v49;
	v49 =	vor.u32 v38, v27;
	[tilespmem:v39+s30+$0x0] =	vst.idx.msk $0xffff, v63  }
0x649: {  	v38 =	vshll.u32 v38, $0x8;
	v5 =	vshll.u32 v52, $0x8;
	v33 =	vor.u32 v19, v31;
	v19 =	vld [tilespmem:$0x1FE40]  }
0x64a: {  	v50 =	vand.u32 $0x2800, v38;
	v38 =	vor.u32 s12, v40;
	v5 =	vand.u32 $0x3800, v5  }
0x64b: {  	v62 =	vor.u32 v38, v35;
	v51 =	vld.idx.msk [tilespmem:v55+s23+$0x0], $0xffff;
	v5 =	vor.u32 v5, v33  }
0x64c: {  	v53 =	vld.idx.msk [tilespmem:v53+s23+$0x0], $0xffff;
	v52 =	vor.u32 v57, v33;
	_ =	sdelay $0x2  }
0x64d: {  	v47 =	vor.u32 v46, v27;
	v45 =	vor.u32 v58, v27;
	v58 =	vshll.u32 v58, $0x8  }
0x64e: {  	v46 =	vor.u32 v43, v28;
	v43 =	vand.u32 $0x2800, v58;
	v58 =	vld.idx.msk [tilespmem:v62+s23+$0x0], $0xffff;
	[tilespmem:v5+s30+$0x0] =	vst.idx.msk $0xffff, v51  }
0x64f: {  	[tilespmem:v52+s30+$0x0] =	vst.idx.msk $0xffff, v53;
	v62 =	vld.idx.msk [tilespmem:v19+s23+$0x0], $0xffff  }
0x650: {  	v54 =	vor.u32 s8, v10;
	v19 =	vld [tilespmem:$0x1FFE0]  }
0x651: {  	v55 =	vor.u32 v54, v27  }
0x652: {  	v38 =	vshll.u32 v38, $0x8  }
0x653: {  	v57 =	vand.u32 $0x3800, v38  }
0x654: {  	v59 =	vor.u32 s12, v22;
	v57 =	vor.u32 v57, v34;
	v5 =	vshll.u32 v54, $0x8  }
0x655: {  	v44 =	vor.u32 v3, v27;
	v5 =	vand.u32 $0x3800, v5;
	v34 =	vor.u32 v19, v31  }
0x656: {  	v3 =	vshll.u32 v3, $0x8;
	v61 =	vor.u32 v59, v35;
	v51 =	vld.idx.msk [tilespmem:v55+s23+$0x0], $0xffff;
	v5 =	vor.u32 v5, v34  }
0x657: {  	v24 =	vand.u32 $0x2800, v24;
	v3 =	vand.u32 $0x2800, v3;
	v48 =	vld.idx.msk [tilespmem:v48+s23+$0x0], $0xffff;
	v1 =	vor.u32 v1, v34  }
0x658: {  	v59 =	vshll.u32 v59, $0x8;
	v39 =	vor.u32 v3, v30;
	v3 =	vor.u32 s9, v20  }
0x659: {  	v18 =	vmovc v40;
	v63 =	vand.u32 $0x3800, v59;
	v40 =	vor.u32 v3, v27;
	v3 =	vshll.u32 v3, $0x8;
	[tilespmem:v57+s30+$0x0] =	vst.idx.msk $0xffff, v58  }
0x65a: {  	v24 =	vor.u32 v24, v26;
	v59 =	vor.u32 v63, v36;
	v3 =	vand.u32 $0x2800, v3;
	[tilespmem:v41+s30+$0x0] =	vst.idx.msk $0xffff, v62  }
0x65b: {  	v38 =	vor.u32 v3, v32;
	v52 =	vor.u32 s8, v12;
	v57 =	vld.idx.msk [tilespmem:v61+s23+$0x0], $0xffff;
	[tilespmem:v5+s30+$0x0] =	vst.idx.msk $0xffff, v51  }
0x65c: {  	v3 =	vor.u32 s9, v17;
	v53 =	vor.u32 v52, v27;
	v61 =	vor.u32 s12, v23;
	v62 =	vld.idx.msk [tilespmem:v42+s23+$0x0], $0xffff;
	[tilespmem:v1+s30+$0x0] =	vst.idx.msk $0xffff, v48  }
0x65d: {  	v63 =	vor.u32 v61, v35;
	v41 =	vor.u32 v3, v27;
	v3 =	vshll.u32 v3, $0x8;
	v1 =	vld [tilespmem:$0x1FFF0]  }
0x65e: {  	v43 =	vor.u32 v43, v29;
	v58 =	vor.u32 s9, v18;
	v3 =	vand.u32 $0x2800, v3  }
0x65f: {  	v36 =	vor.u32 v58, v27;
	v42 =	vor.u32 v3, v33;
	v3 =	vshll.u32 v61, $0x8  }
0x660: {  	v5 =	vshll.u32 v58, $0x8;
	v58 =	vshll.u32 v52, $0x8;
	[tilespmem:v59+s30+$0x0] =	vst.idx.msk $0xffff, v57;
	v59 =	vor.u32 s8, v15  }
0x661: {  	v48 =	vand.u32 $0x3800, v3;
	v55 =	vld.idx.msk [tilespmem:v53+s23+$0x0], $0xffff;
	v53 =	vor.u32 s9, v22;
	v57 =	vor.u32 v59, v27  }
0x662: {  	[tilespmem:v37+s30+$0x0] =	vst.idx.msk $0xffff, v62;
	v52 =	vld.idx.msk [tilespmem:v63+s23+$0x0], $0xffff;
	v35 =	vor.u32 v1, v31;
	v1 =	vand.u32 $0x2800, v5;
	v5 =	vand.u32 $0x3800, v58  }
0x663: {  	s14 =	simm.s32 $0x10;
	s12 =	simm.s32 $0x2;
	v54 =	vor.u32 v56, v35;
	v58 =	vor.u32 v5, v35;
	v56 =	vld.idx.msk [tilespmem:v60+s23+$0x0], $0xffff;
	v37 =	vor.u32 v1, v34  }
.LBB2_14:
0x664: {  	v17 =	vld [tilespmem:$0x1FF30];
	_ =	sdelay $0x2  }
0x665: {  	s4 =	sand.u32 $0xF0, s14;
	v3 =	vld.idx.msk [tilespmem:v25+s23+$0x0], $0xffff;
	v5 =	vor.u32 v48, v26  }
0x666: {  	v51 =	vor.u32 v53, v27;
	v1 =	vshll.u32 v53, $0x8;
	v53 =	vld [tilespmem:s4+$0x100]  }
0x667: {  	v1 =	vand.u32 $0x2800, v1;
	v26 =	vor.u32 v17, v31;
	v17 =	vld [tilespmem:$0x1FF20]  }
0x668: {  	v60 =	vor.u32 s9, v23;
	v48 =	vor.u32 v1, v35;
	v1 =	vshll.u32 v59, $0x8;
	[tilespmem:v58+s30+$0x0] =	vst.idx.msk $0xffff, v55  }
0x669: {  	v25 =	vor.u32 v60, v27;
	v1 =	vand.u32 $0x3800, v1;
	[tilespmem:v54+s30+$0x0] =	vst.idx.msk $0xffff, v56;
	v54 =	vld.idx.msk [tilespmem:v57+s23+$0x0], $0xffff;
	v31 =	vshll.u32 v60, $0x8  }
0x66a: {  	[tilespmem:v5+s30+$0x0] =	vst.idx.msk $0xffff, v52;
	v5 =	vor.u32 s4, v0;
	v50 =	vor.u32 v50, v26;
	v1 =	vor.u32 v1, v26  }
0x66b: {  	s11 =	sadd.s32 $0x20, s11;
	v49 =	vld.idx.msk [tilespmem:v49+s23+$0x0], $0xffff;
	v31 =	vand.u32 $0x2800, v31;
	v59 =	vshll.u32 v53, $0x6;
	v60 =	vshll.u32 v5, $0x7  }
0x66c: {  	s9 =	sand.u32 $0x20, s11;
	[tilespmem:v24+s30+$0x0] =	vst.idx.msk $0xffff, v3;
	v24 =	vor.u32 v31, v26;
	v3 =	vand.u32 $0x40, v59;
	v62 =	vor.u32 s8, v17  }
0x66d: {  	v18 =	vld [tilespmem:$0x1FF40];
	s7 =	sor.u32 $0x10, s9;
	v31 =	vor.u32 s9, v0;
	v52 =	vor.u32 v60, v3;
	v63 =	vor.u32 v62, v27  }
0x66e: {  	v19 =	vld [tilespmem:$0x1FF90];
	v53 =	vor.u32 s7, v0;
	v3 =	vshll.u32 v31, $0x8;
	v57 =	vor.u32 v31, v52  }
0x66f: {  	v61 =	vor.u32 v53, v52;
	v31 =	vmov s4;
	[tilespmem:v1+s30+$0x0] =	vst.idx.msk $0xffff, v54;
	v1 =	vshll.u32 v62, $0x8  }
0x670: {  	v31 =	vshll.u32 v31, $0x3;
	[tilespmem:v50+s30+$0x0] =	vst.idx.msk $0xffff, v49;
	v1 =	vand.u32 $0x3800, v1  }
0x671: {  	v5 =	vand.u32 $0x7F, v5;
	v47 =	vld.idx.msk [tilespmem:v47+s23+$0x0], $0xffff;
	v1 =	vor.u32 v1, v28;
	v28 =	vand.u32 $0x400, v31  }
0x672: {  	v58 =	vor.u32 s7, v2;
	v3 =	vand.u32 $0x2800, v3;
	v31 =	vor.u32 v28, v5;
	v62 =	vld.idx.msk [tilespmem:v63+s23+$0x0], $0xffff  }
0x673: {  	v53 =	vshll.u32 v53, $0x8;
	v28 =	vor.u32 v19, v31;
	v19 =	vld [tilespmem:$0x1FF50];
	v63 =	vor.u32 s8, v18  }
0x674: {  	v59 =	vor.u32 v58, v52;
	v53 =	vand.u32 $0x3800, v53;
	v56 =	vld.idx.msk [tilespmem:v61+s23+$0x0], $0xffff;
	v60 =	vor.u32 v63, v27  }
0x675: {  	v49 =	vor.u32 s9, v6;
	v5 =	vor.u32 s9, v2;
	v57 =	vld.idx.msk [tilespmem:v57+s23+$0x0], $0xffff;
	v3 =	vor.u32 v3, v28  }
0x676: {  	v55 =	vor.u32 v5, v52;
	v5 =	vshll.u32 v5, $0x8;
	v53 =	vor.u32 v53, v28;
	[tilespmem:v46+s30+$0x0] =	vst.idx.msk $0xffff, v47  }
0x677: {  	v61 =	vor.u32 s9, v4;
	v5 =	vand.u32 $0x2800, v5;
	[tilespmem:v1+s30+$0x0] =	vst.idx.msk $0xffff, v62;
	v1 =	vshll.u32 v63, $0x8  }
0x678: {  	v47 =	vor.u32 v61, v52;
	v45 =	vld.idx.msk [tilespmem:v45+s23+$0x0], $0xffff;
	v50 =	vor.u32 s8, v19;
	v1 =	vand.u32 $0x3800, v1  }
0x679: {  	v54 =	vor.u32 v50, v27;
	v62 =	vshll.u32 v58, $0x8;
	v46 =	vld.idx.msk [tilespmem:v60+s23+$0x0], $0xffff;
	v1 =	vor.u32 v1, v29  }
0x67a: {  	v20 =	vld [tilespmem:$0x1FF60];
	[tilespmem:v3+s30+$0x0] =	vst.idx.msk $0xffff, v57;
	v3 =	vshll.u32 v49, $0x8;
	v63 =	vor.u32 s9, v8;
	v29 =	vshll.u32 v61, $0x8  }
0x67b: {  	[tilespmem:v53+s30+$0x0] =	vst.idx.msk $0xffff, v56;
	v53 =	vand.u32 $0x3800, v62;
	v60 =	vand.u32 $0x2800, v29;
	v29 =	vor.u32 v7, v31  }
0x67c: {  	v56 =	vor.u32 s7, v4;
	v61 =	vor.u32 v49, v52;
	v49 =	vld.idx.msk [tilespmem:v59+s23+$0x0], $0xffff;
	v53 =	vor.u32 v53, v29  }
0x67d: {  	v55 =	vld.idx.msk [tilespmem:v55+s23+$0x0], $0xffff;
	v57 =	vor.u32 v56, v52;
	[tilespmem:v43+s30+$0x0] =	vst.idx.msk $0xffff, v45;
	v5 =	vor.u32 v5, v29  }
0x67e: {  	v3 =	vand.u32 $0x2800, v3;
	v58 =	vor.u32 v63, v52;
	[tilespmem:v1+s30+$0x0] =	vst.idx.msk $0xffff, v46;
	v1 =	vshll.u32 v50, $0x8  }
0x67f: {  	v45 =	vor.u32 s8, v20;
	v44 =	vld.idx.msk [tilespmem:v44+s23+$0x0], $0xffff;
	v50 =	vor.u32 s9, v10;
	v1 =	vand.u32 $0x3800, v1  }
0x680: {  	v46 =	vor.u32 v45, v27;
	v43 =	vld.idx.msk [tilespmem:v54+s23+$0x0], $0xffff;
	v59 =	vor.u32 v50, v52;
	v1 =	vor.u32 v1, v30  }
0x681: {  	v21 =	vld [tilespmem:$0x1FF70];
	v50 =	vshll.u32 v50, $0x8;
	v30 =	vshll.u32 v63, $0x8;
	[tilespmem:v53+s30+$0x0] =	vst.idx.msk $0xffff, v49;
	v53 =	vshll.u32 v56, $0x8  }
0x682: {  	[tilespmem:v5+s30+$0x0] =	vst.idx.msk $0xffff, v55;
	v5 =	vand.u32 $0x2800, v50;
	v63 =	vor.u32 s9, v15;
	v62 =	vand.u32 $0x2800, v30;
	v50 =	vld.idx.msk [tilespmem:v57+s23+$0x0], $0xffff  }
0x683: {  	v30 =	vor.u32 v9, v31;
	v49 =	vand.u32 $0x3800, v53;
	v47 =	vld.idx.msk [tilespmem:v47+s23+$0x0], $0xffff;
	v57 =	vor.u32 s7, v6  }
0x684: {  	[tilespmem:v39+s30+$0x0] =	vst.idx.msk $0xffff, v44;
	v44 =	vor.u32 s9, v17;
	v55 =	vor.u32 v60, v30;
	v56 =	vor.u32 v49, v30  }
0x685: {  	v49 =	vor.u32 s9, v12;
	v60 =	vor.u32 v57, v52;
	[tilespmem:v1+s30+$0x0] =	vst.idx.msk $0xffff, v43;
	v1 =	vshll.u32 v45, $0x8  }
0x686: {  	v40 =	vld.idx.msk [tilespmem:v40+s23+$0x0], $0xffff;
	v53 =	vor.u32 v49, v52;
	v54 =	vshll.u32 v49, $0x8;
	v1 =	vand.u32 $0x3800, v1  }
0x687: {  	v49 =	vor.u32 v63, v52;
	v54 =	vand.u32 $0x2800, v54;
	v39 =	vld.idx.msk [tilespmem:v46+s23+$0x0], $0xffff;
	v1 =	vor.u32 v1, v32  }
0x688: {  	v43 =	vor.u32 s8, v21;
	v46 =	vshll.u32 v63, $0x8;
	v63 =	vshll.u32 v57, $0x8  }
0x689: {  	v17 =	vld [tilespmem:$0x1FF80];
	v45 =	vor.u32 v43, v27;
	[tilespmem:v56+s30+$0x0] =	vst.idx.msk $0xffff, v50;
	v32 =	vor.u32 v11, v31;
	v63 =	vand.u32 $0x3800, v63  }
0x68a: {  	[tilespmem:v55+s30+$0x0] =	vst.idx.msk $0xffff, v47;
	v50 =	vand.u32 $0x2800, v46;
	v55 =	vld.idx.msk [tilespmem:v60+s23+$0x0], $0xffff;
	v57 =	vor.u32 v63, v32;
	v60 =	vor.u32 s7, v8  }
0x68b: {  	v56 =	vld.idx.msk [tilespmem:v61+s23+$0x0], $0xffff;
	v3 =	vor.u32 v3, v32;
	[tilespmem:v38+s30+$0x0] =	vst.idx.msk $0xffff, v40;
	v61 =	vor.u32 v60, v52  }
0x68c: {  	v47 =	vor.u32 v44, v52;
	v46 =	vshll.u32 v44, $0x8;
	[tilespmem:v1+s30+$0x0] =	vst.idx.msk $0xffff, v39;
	v1 =	vshll.u32 v43, $0x8  }
0x68d: {  	v63 =	vor.u32 s9, v18;
	v40 =	vld.idx.msk [tilespmem:v41+s23+$0x0], $0xffff;
	v39 =	vand.u32 $0x2800, v46;
	v1 =	vand.u32 $0x3800, v1  }
0x68e: {  	v41 =	vor.u32 s8, v17;
	v38 =	vld.idx.msk [tilespmem:v45+s23+$0x0], $0xffff;
	v46 =	vor.u32 v39, v28;
	v1 =	vor.u32 v1, v33  }
0x68f: {  	v60 =	vshll.u32 v60, $0x8;
	v45 =	vor.u32 v63, v52;
	v39 =	vor.u32 v41, v27;
	[tilespmem:v57+s30+$0x0] =	vst.idx.msk $0xffff, v55  }
0x690: {  	v43 =	vshll.u32 v63, $0x8;
	[tilespmem:v3+s30+$0x0] =	vst.idx.msk $0xffff, v56;
	v33 =	vor.u32 v13, v31;
	v55 =	vld.idx.msk [tilespmem:v61+s23+$0x0], $0xffff;
	v61 =	vand.u32 $0x3800, v60  }
0x691: {  	v63 =	vor.u32 s9, v19;
	v3 =	vand.u32 $0x2800, v43;
	v56 =	vld.idx.msk [tilespmem:v58+s23+$0x0], $0xffff;
	v58 =	vor.u32 v61, v33  }
0x692: {  	v60 =	vor.u32 s7, v10;
	v43 =	vor.u32 v3, v29;
	[tilespmem:v42+s30+$0x0] =	vst.idx.msk $0xffff, v40;
	v57 =	vor.u32 v62, v33  }
0x693: {  	v44 =	vor.u32 v63, v52;
	v3 =	vor.u32 v60, v52;
	[tilespmem:v1+s30+$0x0] =	vst.idx.msk $0xffff, v38;
	v1 =	vshll.u32 v41, $0x8  }
0x694: {  	v63 =	vshll.u32 v63, $0x8;
	v42 =	vor.u32 s8, v22;
	v36 =	vld.idx.msk [tilespmem:v36+s23+$0x0], $0xffff;
	v1 =	vand.u32 $0x3800, v1  }
0x695: {  	v61 =	vor.u32 v42, v27;
	v38 =	vand.u32 $0x2800, v63;
	v41 =	vld.idx.msk [tilespmem:v39+s23+$0x0], $0xffff;
	v1 =	vor.u32 v1, v34  }
0x696: {  	v63 =	vshll.u32 v60, $0x8;
	v60 =	vor.u32 s8, v23;
	v39 =	vor.u32 v38, v30;
	[tilespmem:v58+s30+$0x0] =	vst.idx.msk $0xffff, v55  }
0x697: {  	v38 =	vor.u32 s9, v20;
	[tilespmem:v57+s30+$0x0] =	vst.idx.msk $0xffff, v56;
	v55 =	vand.u32 $0x3800, v63;
	v57 =	vor.u32 s7, v12  }
0x698: {  	v40 =	vor.u32 v38, v52;
	v62 =	vshll.u32 v38, $0x8;
	v34 =	vor.u32 v16, v31;
	v3 =	vld.idx.msk [tilespmem:v3+s23+$0x0], $0xffff  }
0x699: {  	v56 =	vld.idx.msk [tilespmem:v59+s23+$0x0], $0xffff;
	v58 =	vor.u32 v57, v52;
	[tilespmem:v37+s30+$0x0] =	vst.idx.msk $0xffff, v36;
	v55 =	vor.u32 v55, v34  }
0x69a: {  	v59 =	vor.u32 s9, v17;
	v5 =	vor.u32 v5, v34;
	[tilespmem:v1+s30+$0x0] =	vst.idx.msk $0xffff, v41;
	v1 =	vshll.u32 v42, $0x8  }
0x69b: {  	s8 =	smov.u32 s7;
	v38 =	vand.u32 $0x2800, v62;
	v51 =	vld.idx.msk [tilespmem:v51+s23+$0x0], $0xffff;
	v36 =	vor.u32 v59, v52;
	v1 =	vand.u32 $0x3800, v1  }
0x69c: {  	s12 =	sadd.s32 $0x2, s12;
	v63 =	vshll.u32 v59, $0x8;
	v59 =	vor.u32 s8, v15;
	v37 =	vld.idx.msk [tilespmem:v61+s23+$0x0], $0xffff;
	v1 =	vor.u32 v1, v35  }
0x69d: {  	p0 =	slt.u32 s12, $0x3E;
	v38 =	vor.u32 v38, v32;
	v42 =	vor.u32 s9, v21;
	v61 =	vor.u32 v60, v27  }
.Ltmp6:
0x69e: {  	v41 =	vor.u32 v42, v52;
	v42 =	vshll.u32 v42, $0x8;
	v27 =	vmovc v52;
	[tilespmem:v55+s30+$0x0] =	vst.idx.msk $0xffff, v3;
	v3 =	vshll.u32 v57, $0x8;
	(pc) =	sbr.rel @p0 .LBB2_14-.Ltmp6, $4  }
0x69f: {  	[tilespmem:v5+s30+$0x0] =	vst.idx.msk $0xffff, v56;
	v5 =	vand.u32 $0x2800, v63;
	v42 =	vand.u32 $0x2800, v42;
	v35 =	vor.u32 v14, v31;
	v55 =	vld.idx.msk [tilespmem:v58+s23+$0x0], $0xffff  }
0x6a0: {  	v3 =	vand.u32 $0x3800, v3;
	v56 =	vld.idx.msk [tilespmem:v53+s23+$0x0], $0xffff;
	v57 =	vor.u32 v59, v27;
	v53 =	vor.u32 s9, v22;
	[tilespmem:v48+s30+$0x0] =	vst.idx.msk $0xffff, v51  }
0x6a1: {  	v54 =	vor.u32 v54, v35;
	v58 =	vor.u32 v3, v35;
	[tilespmem:v1+s30+$0x0] =	vst.idx.msk $0xffff, v37;
	v1 =	vshll.u32 v60, $0x8  }
0x6a2: {  	s14 =	sadd.s32 $0x8, s14;
	v42 =	vor.u32 v42, v33;
	v37 =	vor.u32 v5, v34;
	v52 =	vld.idx.msk [tilespmem:v61+s23+$0x0], $0xffff;
	v48 =	vand.u32 $0x3800, v1  }
0x6a3: {  	_ =	sdelay $0x3  }
0x6a4: {  	[tilespmem:v58+s30+$0x0] =	vst.idx.msk $0xffff, v55  }
0x6a5: {  	v3 =	vld [tilespmem:$0x1FF30];
	_ =	sdelay $0x2  }
0x6a6: {  	[tilespmem:v54+s30+$0x0] =	vst.idx.msk $0xffff, v56  }
0x6a7: {  	v1 =	vshll.u32 v59, $0x8;
	v17 =	vld [tilespmem:$0x1FF20]  }
0x6a8: {  	v1 =	vand.u32 $0x3800, v1;
	v3 =	vor.u32 v3, v31  }
0x6a9: {  	v5 =	vld.idx.msk [tilespmem:v57+s23+$0x0], $0xffff;
	v1 =	vor.u32 v1, v3  }
0x6aa: {  	v49 =	vld.idx.msk [tilespmem:v49+s23+$0x0], $0xffff;
	v50 =	vor.u32 v50, v3;
	_ =	sdelay $0x1  }
0x6ab: {  	v57 =	vor.u32 s8, v17  }
0x6ac: {  	v51 =	vor.u32 v57, v27  }
0x6ad: {  	[tilespmem:v1+s30+$0x0] =	vst.idx.msk $0xffff, v5  }
0x6ae: {  	[tilespmem:v50+s30+$0x0] =	vst.idx.msk $0xffff, v49  }
0x6af: {  	v31 =	vshll.u32 v57, $0x8;
	v17 =	vld [tilespmem:$0x1FF40]  }
0x6b0: {  	v1 =	vand.u32 $0x3800, v31  }
0x6b1: {  	v5 =	vld.idx.msk [tilespmem:v51+s23+$0x0], $0xffff;
	v1 =	vor.u32 v1, v28  }
0x6b2: {  	v59 =	vld.idx.msk [tilespmem:v47+s23+$0x0], $0xffff;
	_ =	sdelay $0x1  }
0x6b3: {  	v58 =	vor.u32 s8, v17  }
0x6b4: {  	v60 =	vor.u32 v58, v27  }
0x6b5: {  	[tilespmem:v1+s30+$0x0] =	vst.idx.msk $0xffff, v5  }
0x6b6: {  	[tilespmem:v46+s30+$0x0] =	vst.idx.msk $0xffff, v59  }
0x6b7: {  	v28 =	vshll.u32 v58, $0x8;
	v17 =	vld [tilespmem:$0x1FF50]  }
0x6b8: {  	v62 =	vld.idx.msk [tilespmem:v45+s23+$0x0], $0xffff;
	v1 =	vand.u32 $0x3800, v28  }
0x6b9: {  	v1 =	vor.u32 v1, v29;
	v5 =	vld.idx.msk [tilespmem:v60+s23+$0x0], $0xffff;
	_ =	sdelay $0x3  }
0x6ba: {  	v61 =	vor.u32 s8, v17;
	[tilespmem:v43+s30+$0x0] =	vst.idx.msk $0xffff, v62  }
0x6bb: {  	v63 =	vor.u32 v61, v27;
	[tilespmem:v1+s30+$0x0] =	vst.idx.msk $0xffff, v5  }
0x6bc: {  	v17 =	vld [tilespmem:$0x1FF60];
	_ =	sdelay $0x1  }
0x6bd: {  	v28 =	vshll.u32 v61, $0x8  }
0x6be: {  	v29 =	vld.idx.msk [tilespmem:v44+s23+$0x0], $0xffff;
	v1 =	vand.u32 $0x3800, v28  }
0x6bf: {  	v5 =	vld.idx.msk [tilespmem:v63+s23+$0x0], $0xffff;
	v1 =	vor.u32 v1, v30  }
0x6c0: {  	v45 =	vor.u32 s8, v17  }
0x6c1: {  	v46 =	vor.u32 v45, v27;
	_ =	sdelay $0x1  }
0x6c2: {  	[tilespmem:v39+s30+$0x0] =	vst.idx.msk $0xffff, v29  }
0x6c3: {  	v29 =	vld.idx.msk [tilespmem:v40+s23+$0x0], $0xffff;
	[tilespmem:v1+s30+$0x0] =	vst.idx.msk $0xffff, v5;
	v28 =	vshll.u32 v45, $0x8  }
0x6c4: {  	v17 =	vld [tilespmem:$0x1FF70];
	v1 =	vand.u32 $0x3800, v28  }
0x6c5: {  	v1 =	vor.u32 v1, v32;
	v5 =	vld.idx.msk [tilespmem:v46+s23+$0x0], $0xffff;
	_ =	sdelay $0x3  }
0x6c6: {  	[tilespmem:v38+s30+$0x0] =	vst.idx.msk $0xffff, v29  }
0x6c7: {  	v47 =	vor.u32 s8, v17;
	[tilespmem:v1+s30+$0x0] =	vst.idx.msk $0xffff, v5  }
0x6c8: {  	v49 =	vor.u32 v47, v27;
	v17 =	vld [tilespmem:$0x1FF80];
	_ =	sdelay $0x2  }
0x6c9: {  	v28 =	vshll.u32 v47, $0x8  }
0x6ca: {  	v1 =	vand.u32 $0x3800, v28  }
0x6cb: {  	v5 =	vld.idx.msk [tilespmem:v49+s23+$0x0], $0xffff;
	v1 =	vor.u32 v1, v33;
	v50 =	vor.u32 s8, v17  }
0x6cc: {  	v29 =	vld.idx.msk [tilespmem:v41+s23+$0x0], $0xffff;
	v51 =	vor.u32 v50, v27;
	_ =	sdelay $0x2  }
0x6cd: {  	v28 =	vshll.u32 v50, $0x8  }
0x6ce: {  	[tilespmem:v1+s30+$0x0] =	vst.idx.msk $0xffff, v5;
	v1 =	vand.u32 $0x3800, v28  }
0x6cf: {  	v54 =	vor.u32 s8, v22;
	[tilespmem:v42+s30+$0x0] =	vst.idx.msk $0xffff, v29;
	v1 =	vor.u32 v1, v34;
	v5 =	vld.idx.msk [tilespmem:v51+s23+$0x0], $0xffff  }
0x6d0: {  	v55 =	vor.u32 v54, v27;
	v29 =	vld.idx.msk [tilespmem:v36+s23+$0x0], $0xffff  }
0x6d1: {  	v56 =	vor.u32 v53, v27;
	_ =	sdelay $0x1  }
0x6d2: {  	v28 =	vshll.u32 v54, $0x8  }
0x6d3: {  	v57 =	vshll.u32 v53, $0x8;
	[tilespmem:v1+s30+$0x0] =	vst.idx.msk $0xffff, v5;
	v1 =	vand.u32 $0x3800, v28  }
0x6d4: {  	v59 =	vor.u32 s8, v23;
	[tilespmem:v37+s30+$0x0] =	vst.idx.msk $0xffff, v29;
	v5 =	vand.u32 $0x2800, v57;
	v58 =	vld.idx.msk [tilespmem:v55+s23+$0x0], $0xffff;
	v1 =	vor.u32 v1, v35  }
0x6d5: {  	v60 =	vor.u32 s9, v23;
	v61 =	vor.u32 v59, v27;
	v31 =	vld.idx.msk [tilespmem:v56+s23+$0x0], $0xffff;
	v5 =	vor.u32 v5, v35  }
0x6d6: {  	v62 =	vor.u32 v60, v27;
	_ =	sdelay $0x1  }
0x6d7: {  	v26 =	vor.u32 v48, v26;
	v29 =	vshll.u32 v59, $0x8  }
0x6d8: {  	v25 =	vld.idx.msk [tilespmem:v25+s23+$0x0], $0xffff;
	v30 =	vshll.u32 v60, $0x8;
	[tilespmem:v1+s30+$0x0] =	vst.idx.msk $0xffff, v58;
	v1 =	vand.u32 $0x3800, v29  }
0x6d9: {  	v63 =	vand.u32 $0x2800, v30;
	[tilespmem:v5+s30+$0x0] =	vst.idx.msk $0xffff, v31;
	v5 =	vld.idx.msk [tilespmem:v61+s23+$0x0], $0xffff;
	v1 =	vor.u32 v1, v3  }
0x6da: {  	v3 =	vor.u32 v63, v3;
	v27 =	vld.idx.msk [tilespmem:v62+s23+$0x0], $0xffff;
	_ =	sdelay $0x1  }
0x6db: {  	[tilespmem:v26+s30+$0x0] =	vst.idx.msk $0xffff, v52  }
0x6dc: {  	[tilespmem:v24+s30+$0x0] =	vst.idx.msk $0xffff, v25  }
0x6dd: {  	[tilespmem:v1+s30+$0x0] =	vst.idx.msk $0xffff, v5  }
0x6de: {  	[tilespmem:v3+s30+$0x0] =	vst.idx.msk $0xffff, v27  }
0x6df: {  	s4 =	rddreg [dreg:$0xb]  }
0x6e0: {  	[hbm4b:s4+s26] =	stream.strided.scatter [tilespmem:s30], [sflag:$0x4], $0x4000, s28, s26, $0x38;
	[tilespmem:$0x18400] =	vst v63  }
0x6e1: {  	_ =	swait.ge [sflag:s31], $0x4000  }
0x6e2: {  	[sflag:s31] =	ssyncset.done $0x0  }
0x6e3: {  	[sflag:s31] =	ssyncadd.s32 $0xFFFFC000  }
0x6e4: {  	_ =	swait.ge [sflag:s2], $0x4000  }
0x6e5: {  	s1 =	sadd.s32 $0x1, s1;
	s17 =	rddreg [dreg:$0xc]  }
0x6e6: {  	p0 =	sne.s32 s1, s17  }
.Ltmp7:
0x6e7: {  	_ = 	snop;
	(pc) =	sbr.rel @p0 .LBB2_1-.Ltmp7, $3  }
0x6e8: {  	_ =	sdelay $0x1  }
0x6e9: {  	[sflag:s2] =	ssyncset.done $0x0  }
0x6ea: {  	v1 =	vld [tilespmem:$0x1FF90];
	[sflag:s2] =	ssyncadd.s32 $0xFFFFC000  }
0x6eb: {  	_ =	sfence.sel $0x180000  }
0x6ec: {  	[bflag:$0x0] =	sbarrier.arrive $0xFFFF  }
0x6ed: {  	_ =	strace $0x90000047  }
0x6ee: {  	s0 =	stileid.u32;
	[bflag:$0x2] =	sbarrier.arrive $0xFFFF  }
0x6ef: {  	p0 =	sne.s32 s0, $0x0;
	s0 =	rddreg [dreg:$0x3]  }
0x6f0: {  	s0 =	sadd.s32 @!p0 $0x100000, s0  }
0x6f1: {  	[sflag:s0] =	ssyncadd.tile.s32 @!p0 $0x1;
	_ =	shalt  }
.Lfunc_end2:
_tile_overlayer_lowered:
.L_overlay_start_2:
0x6f2: {  	(tag) =	ssettag $0x2  }
0x6f3: {  	s0 =	rddreg [dreg:$0x0];
	s2 =	stileid.u32  }
0x6f4: {  	s1 =	rddreg [dreg:$0x1];
	p0 =	sne.s32 s2, $0x0  }
0x6f5: {  	s3 =	rddreg [dreg:$0x2];
	[bflag:$0x3] =	sbarrier.arrive $0xFFFF;
	s2 =	simm.s32 @!p0 $0x1C05  }
0x6f6: {  	[timem:s3], [sflag:s2] =	dma.local @!p0 [hbm:s0], s1  }
0x6f7: {  	s0 =	simm.s32 @!p0 $0x5  }
0x6f8: {  	_ =	swait.ge @!p0 [sflag:s0], s1  }
0x6f9: {  	s1 =	ssub.s32 @!p0 $0x0, s1;
	[sflag:s0] =	ssyncset.done @!p0 $0x0  }
0x6fa: {  	[sflag:s0] =	ssyncadd.s32 @!p0 s1  }
0x6fb: {  	[bflag:$0x3] =	sbarrier.arrive $0xFFFF  }
0x6fc: {  	_ =	shalt  }

</sc_bundles>
